<compile_context>
chip_gen: v7x
topology: tpu7x:2x2x1
jax: 0.10.2.dev20260603
libtpu: 0.0.44.dev20260713+nightly
codegen_flags: <defaults>
</compile_context>

<pallas_src>
import functools

import jax
import jax.numpy as jnp
from jax import lax
from jax.experimental import pallas as pl
from jax.experimental.pallas import tpu as pltpu
from jax.experimental.pallas import tpu_sc as plsc

N = 10000
E = 320000
D_IN = 128
D_HID = 16
D_OUT = 7

NC = 2
NS = 16
NW = NC * NS
EB = 128
NBATCH = E // EB
BPT = -(-NBATCH // NW)
NP = 10240
RPS = NP // NS


def _sc_mesh():
    return plsc.VectorSubcoreMesh(
        core_axis_name="c", subcore_axis_name="s",
        num_cores=NC, num_subcores=NS)


def _deg_scatter(edge, ones_rows, zeros_rows):

    @functools.partial(
        pl.kernel,
        out_type=jax.ShapeDtypeStruct((NC * NP, 16), jnp.float32),
        mesh=_sc_mesh(),
        scratch_types=[
            pltpu.VMEM((4, EB), jnp.int32),
            pltpu.VMEM((EB, 16), jnp.float32),
            pltpu.VMEM_SHARED((NP, 16), jnp.float32),
            pltpu.SemaphoreType.DMA((4,)),
            pltpu.SemaphoreType.DMA((4,)),
        ],
        compiler_params=pltpu.CompilerParams(use_tc_tiling_on_sc=False),
    )
    def k(edge_h, ones_h, zeros_h, out_h, didx, ones_v, acc, sem_i, sem_sc):
        cid = lax.axis_index("c")
        sid = lax.axis_index("s")
        wid = sid * NC + cid
        pltpu.sync_copy(ones_h, ones_v)
        pltpu.sync_copy(zeros_h, acc.at[pl.ds(sid * RPS, RPS)])
        plsc.subcore_barrier()

        def valid(t):
            return jnp.logical_and(t >= 0, (wid + t * NW) < NBATCH)

        def boff(t):
            return (wid + t * NW) * EB

        def idx_copy(t, s):
            return pltpu.make_async_copy(
                edge_h.at[1, pl.ds(boff(t), EB)], didx.at[s], sem_i.at[s])

        def sc_desc(s):
            return pltpu.make_async_copy(
                ones_v, acc.at[didx.at[s]], sem_sc.at[s])

        def issue_idx(t, s):
            @pl.when(valid(t))
            def _():
                idx_copy(t, s).start()

        def wait_sc(t, s):
            @pl.when(valid(t))
            def _():
                sc_desc(s).wait()

        def scatter(t, s):
            @pl.when(valid(t))
            def _():
                idx_copy(t, s).wait()
                pltpu.async_copy(ones_v, acc.at[didx.at[s]], sem_sc.at[s],
                                 add=True)

        issue_idx(0, 0)
        issue_idx(1, 1)

        def body(T4, carry):
            T = T4 * 4
            for s in range(4):
                t = T + s
                wait_sc(t - 2, (s + 2) % 4)
                issue_idx(t + 2, (s + 2) % 4)
                scatter(t, s)
            return carry

        lax.fori_loop(0, BPT // 4 + 1, body, 0)
        wait_sc(BPT - 1, (BPT - 1) % 4)
        wait_sc(BPT, BPT % 4)
        plsc.subcore_barrier()
        pltpu.sync_copy(acc.at[pl.ds(sid * RPS, RPS)],
                        out_h.at[pl.ds(cid * NP + sid * RPS, RPS)])

    return k(edge, ones_rows, zeros_rows)


def _edge_scatter(table, edge, zeros_rows):

    @functools.partial(
        pl.kernel,
        out_type=jax.ShapeDtypeStruct((NC * NP, 16), jnp.float32),
        mesh=_sc_mesh(),
        scratch_types=[
            pltpu.VMEM((4, EB), jnp.int32),
            pltpu.VMEM((4, EB), jnp.int32),
            pltpu.VMEM((4, EB, 16), jnp.float32),
            pltpu.VMEM_SHARED((NP, 16), jnp.float32),
            pltpu.VMEM_SHARED((N, 16), jnp.float32),
            pltpu.SemaphoreType.DMA((4,)),
            pltpu.SemaphoreType.DMA((4,)),
            pltpu.SemaphoreType.DMA((4,)),
        ],
        compiler_params=pltpu.CompilerParams(use_tc_tiling_on_sc=False),
    )
    def k(table_h, edge_h, zeros_h, out_h,
          sidx, didx, rows, acc, tbl, sem_i, sem_g, sem_sc):
        cid = lax.axis_index("c")
        sid = lax.axis_index("s")
        wid = sid * NC + cid
        pltpu.sync_copy(zeros_h, acc.at[pl.ds(sid * RPS, RPS)])
        @pl.when(sid < 15)
        def _():
            pltpu.sync_copy(table_h.at[pl.ds(sid * 624, 624)],
                            tbl.at[pl.ds(sid * 624, 624)])

        @pl.when(sid == 15)
        def _():
            pltpu.sync_copy(table_h.at[pl.ds(9360, 640)],
                            tbl.at[pl.ds(9360, 640)])

        plsc.subcore_barrier()

        def valid(t):
            return jnp.logical_and(t >= 0, (wid + t * NW) < NBATCH)

        def boff(t):
            return (wid + t * NW) * EB

        def sidx_copy(t, s):
            return pltpu.make_async_copy(
                edge_h.at[0, pl.ds(boff(t), EB)], sidx.at[s], sem_i.at[s])

        def didx_copy(t, s):
            return pltpu.make_async_copy(
                edge_h.at[1, pl.ds(boff(t), EB)], didx.at[s], sem_i.at[s])

        def gather_copy(s):
            return pltpu.make_async_copy(
                tbl.at[sidx.at[s]], rows.at[s], sem_g.at[s])

        def sc_desc(s):
            return pltpu.make_async_copy(
                rows.at[s], acc.at[didx.at[s]], sem_sc.at[s])

        def issue_idx(t, s):
            @pl.when(valid(t))
            def _():
                sidx_copy(t, s).start()
                didx_copy(t, s).start()

        def wait_sc(t, s):
            @pl.when(valid(t))
            def _():
                sc_desc(s).wait()

        def start_gather(t, s):
            @pl.when(valid(t))
            def _():
                sidx_copy(t, s).wait()
                didx_copy(t, s).wait()
                gather_copy(s).start()

        def scatter(t, s):
            @pl.when(valid(t))
            def _():
                gather_copy(s).wait()
                pltpu.async_copy(rows.at[s], acc.at[didx.at[s]],
                                 sem_sc.at[s], add=True)

        issue_idx(0, 0)
        issue_idx(1, 1)

        def body(T4, carry):
            T = T4 * 4
            for s in range(4):
                t = T + s
                wait_sc(t - 2, (s + 2) % 4)
                issue_idx(t + 2, (s + 2) % 4)
                start_gather(t, s)
                scatter(t - 1, (s + 3) % 4)
            return carry

        lax.fori_loop(0, BPT // 4 + 1, body, 0)
        wait_sc(BPT - 1, (BPT - 1) % 4)
        plsc.subcore_barrier()
        pltpu.sync_copy(acc.at[pl.ds(sid * RPS, RPS)],
                        out_h.at[pl.ds(cid * NP + sid * RPS, RPS)])

    return k(table, edge, zeros_rows)


NPK = N // 8
NPPK = NP // 8


def _tc_xw1(x, w1):

    def body(x_ref, w_ref, o_ref):
        o_ref[...] = jnp.dot(x_ref[...], w_ref[...],
                             preferred_element_type=jnp.float32)

    return pl.pallas_call(
        body,
        out_shape=jax.ShapeDtypeStruct((N, 16), jnp.float32),
    )(x, w1)


def _tc_scale(degp, xw1):

    def body(degp_ref, xw_ref, g_ref, dinv_ref):
        deg = degp_ref[pl.ds(0, NPK)] + degp_ref[pl.ds(NPPK, NPK)] + 1.0
        dinv = lax.rsqrt(deg)
        g_ref[...] = xw_ref[...] * dinv
        dinv_ref[...] = dinv

    return pl.pallas_call(
        body,
        out_shape=(jax.ShapeDtypeStruct((NPK, 128), jnp.float32),
                   jax.ShapeDtypeStruct((NPK, 128), jnp.float32)),
    )(degp, xw1)


def _tc_mid(accp, g1, dinv, w2bd, b1p):

    def body(accp_ref, g_ref, dinv_ref, w_ref, b_ref, g2_ref):
        z = dinv_ref[...] * (
            accp_ref[pl.ds(0, NPK)] + accp_ref[pl.ds(NPPK, NPK)] + g_ref[...])
        z = z + b_ref[...]
        h = jnp.maximum(z, 0.0)
        h2 = jnp.dot(h, w_ref[...], preferred_element_type=jnp.float32)
        g2_ref[...] = h2 * dinv_ref[...]

    return pl.pallas_call(
        body,
        out_shape=jax.ShapeDtypeStruct((NPK, 128), jnp.float32),
    )(accp, g1, dinv, w2bd, b1p)


def _tc_zfinal(accp, g2, dinv, b2p):

    def body(accp_ref, g_ref, dinv_ref, b_ref, o_ref):
        zp = dinv_ref[...] * (
            accp_ref[pl.ds(0, NPK)] + accp_ref[pl.ds(NPPK, NPK)] + g_ref[...])
        o_ref[...] = zp + b_ref[...]

    return pl.pallas_call(
        body,
        out_shape=jax.ShapeDtypeStruct((NPK, 128), jnp.float32),
    )(accp, g2, dinv, b2p)


def _tc_softmax(z):

    def body(z_ref, o_ref):
        z = z_ref[...]
        col = lax.broadcasted_iota(jnp.int32, (N, 16), 1)
        zm = jnp.where(col < D_OUT, z, -jnp.inf)
        m = jnp.max(zm, axis=1, keepdims=True)
        e = jnp.exp(zm - m)
        lse = jnp.log(jnp.sum(e, axis=1, keepdims=True)) + m
        o_ref[...] = (z - lse)[:, :D_OUT]

    return pl.pallas_call(
        body,
        out_shape=jax.ShapeDtypeStruct((N, D_OUT), jnp.float32),
    )(z)


@jax.jit
def kernel(x, edge_index, W1, b1, W2, b2):
    edge = edge_index.astype(jnp.int32)
    zeros_rows = jnp.zeros((RPS, 16), jnp.float32)
    ones_rows = jnp.ones((EB, 16), jnp.float32)

    xw1 = _tc_xw1(x, W1).reshape(NPK, 128)
    degp = _deg_scatter(edge, ones_rows, zeros_rows)
    g1, dinv = _tc_scale(degp.reshape(2 * NPPK, 128), xw1)

    acc1 = _edge_scatter(g1.reshape(N, 16), edge, zeros_rows)

    w2p = jnp.pad(W2, ((0, 0), (0, 16 - D_OUT)))
    w2bd = jnp.kron(jnp.eye(8, dtype=jnp.float32), w2p)
    b1p = jnp.tile(b1, 8).reshape(1, 128)
    b2p = jnp.tile(jnp.pad(b2, (0, 16 - D_OUT)), 8).reshape(1, 128)

    g2 = _tc_mid(acc1.reshape(2 * NPPK, 128), g1, dinv, w2bd, b1p)
    acc2 = _edge_scatter(g2.reshape(N, 16), edge, zeros_rows)
    z2 = _tc_zfinal(acc2.reshape(2 * NPPK, 128), g2, dinv, b2p)
    return _tc_softmax(z2.reshape(N, 16))

# --- scband reference (transcript-rebuilt; emitter-appended) ---
"""Pipeline reference for scband-gcn-88794153877997 (READ-ONLY COPY).

The authoritative reference and input builder live on the scoring server;
editing this copy changes nothing except your own understanding.
"""

import jax, jax.numpy as jnp
import numpy as np

N = 10000
E = 320000
D_IN = 128
D_HID = 16
D_OUT = 7


def gcn_conv(x, edge_index, W, b):
    n = x.shape[0]
    loop = jnp.arange(n, dtype=edge_index.dtype)
    src = jnp.concatenate([edge_index[0], loop])
    dst = jnp.concatenate([edge_index[1], loop])
    deg = jnp.zeros((n,), x.dtype).at[dst].add(1.0)
    dinv = jnp.where(deg > 0, jax.lax.rsqrt(jnp.maximum(deg, 1e-12)), 0.0)
    norm = dinv[src] * dinv[dst]
    h = x @ W
    msg = h[src] * norm[:, None]
    out = jax.ops.segment_sum(msg, dst, num_segments=n)
    return out + b


def setup_inputs(seed: int = 0) -> dict:
    key = jax.random.key(seed)
    ks = jax.random.split(key, 6)
    x = jax.random.normal(ks[0], (N, D_IN), dtype=jnp.float32)
    edge_index = jax.random.randint(ks[1], (2, E), 0, N)
    W1 = jax.random.normal(ks[2], (D_IN, D_HID), dtype=jnp.float32) * (1.0 / np.sqrt(D_IN))
    b1 = jnp.zeros((D_HID,), dtype=jnp.float32)
    W2 = jax.random.normal(ks[3], (D_HID, D_OUT), dtype=jnp.float32) * (1.0 / np.sqrt(D_HID))
    b2 = jnp.zeros((D_OUT,), dtype=jnp.float32)
    return {"x": x, "edge_index": edge_index, "W1": W1, "b1": b1, "W2": W2, "b2": b2}


def reference(x, edge_index, W1, b1, W2, b2):
    h = gcn_conv(x, edge_index, W1, b1)
    h = jax.nn.relu(h)
    # F.dropout with training=False is identity (module run in eval mode)
    h = gcn_conv(h, edge_index, W2, b2)
    return jax.nn.log_softmax(h, axis=1)

if __name__ == "__main__":
    import jax
    _d = setup_inputs()
    print(jax.jit(kernel)(*tuple(_d.values())))

</pallas_src>

<mosaic_0001>
#map = affine_map<(d0, d1) -> (0, 0)>
module attributes {stable_mosaic.version = 14 : i64} {
  func.func @k(%arg0: i32, %arg1: i32, %arg2: memref<10000x16xf32, #tpu.memory_space<hbm>>, %arg3: memref<2x320000xi32, #tpu.memory_space<hbm>>, %arg4: memref<640x16xf32, #tpu.memory_space<hbm>>, %arg5: memref<20480x16xf32, #tpu.memory_space<hbm>>, %arg6: memref<4x128xi32, #tpu.memory_space<vmem>>, %arg7: memref<4x128xi32, #tpu.memory_space<vmem>>, %arg8: memref<4x128x16xf32, #tpu.memory_space<vmem>>, %arg9: memref<10240x16xf32, #tpu.memory_space<vmem_shared>>, %arg10: memref<10000x16xf32, #tpu.memory_space<vmem_shared>>, %arg11: memref<4x!tpu.dma_semaphore, #tpu.memory_space<semaphore_mem>>, %arg12: memref<4x!tpu.dma_semaphore, #tpu.memory_space<semaphore_mem>>, %arg13: memref<4x!tpu.dma_semaphore, #tpu.memory_space<semaphore_mem>>) attributes {dimension_semantics = [#tpu.dimension_semantics<core_parallel>, #tpu.dimension_semantics<subcore_parallel>], iteration_bounds = array<i64: 2, 16>, scalar_prefetch = 0 : i64, scratch_operands = 8 : i64, tpu.core_type = #tpu.core_type<sc_vector_subcore>, window_params = [{transform_indices = #map}, {transform_indices = #map}, {transform_indices = #map}, {transform_indices = #map}]} {
    %mul3A = arith.constant 2 : i32
    %mul3A_0 = arith.muli %arg1, %mul3A : i32
    %add3A = arith.addi %mul3A_0, %arg0 : i32
    %mul3A_1 = arith.constant 640 : i32
    %mul3A_2 = arith.muli %arg1, %mul3A_1 : i32
    "tpu.region"() ({
      %run_scoped3A = tpu.sem_alloc : memref<!tpu.dma_semaphore, #tpu.memory_space<semaphore_mem>>
      %dma_start3A = arith.constant 0 : i32
      %dma_start3A_48 = tpu.memref_slice %arg9[%mul3A_2, %dma_start3A] : memref<10240x16xf32, #tpu.memory_space<vmem_shared>> -> memref<640x16xf32, #tpu.memory_space<vmem_shared>>
      tpu.enqueue_dma source(%arg4 : memref<640x16xf32, #tpu.memory_space<hbm>>) target(%dma_start3A_48 : memref<640x16xf32, #tpu.memory_space<vmem_shared>>) target_semaphore(%run_scoped3A : memref<!tpu.dma_semaphore, #tpu.memory_space<semaphore_mem>>)
      %dma_wait3A = arith.constant 0 : i32
      %dma_wait3A_49 = tpu.memref_slice %arg9[%mul3A_2, %dma_wait3A] : memref<10240x16xf32, #tpu.memory_space<vmem_shared>> -> memref<640x16xf32, #tpu.memory_space<vmem_shared>>
      tpu.wait_dma2 semaphore(%run_scoped3A : memref<!tpu.dma_semaphore, #tpu.memory_space<semaphore_mem>>) src(%arg4 : memref<640x16xf32, #tpu.memory_space<hbm>>) dst(%dma_wait3A_49 : memref<640x16xf32, #tpu.memory_space<vmem_shared>>)
      tpu.yield
    }) : () -> ()
    %lt3A = arith.constant 15 : i32
    %lt3A_3 = arith.cmpi slt, %arg1, %lt3A : i32
    %convert_element_type3A = arith.extui %lt3A_3 : i1 to i32
    %cond3A = arith.constant 0 : i32
    %cond3A_4 = arith.cmpi ne, %convert_element_type3A, %cond3A : i32
    scf.if %cond3A_4 {
      %mul3A_48 = arith.constant 624 : i32
      %mul3A_49 = arith.muli %arg1, %mul3A_48 : i32
      %mul3A_50 = arith.constant 624 : i32
      %mul3A_51 = arith.muli %arg1, %mul3A_50 : i32
      "tpu.region"() ({
        %run_scoped3A = tpu.sem_alloc : memref<!tpu.dma_semaphore, #tpu.memory_space<semaphore_mem>>
        %dma_start3A = arith.constant 0 : i32
        %dma_start3A_52 = tpu.memref_slice %arg10[%mul3A_51, %dma_start3A] : memref<10000x16xf32, #tpu.memory_space<vmem_shared>> -> memref<624x16xf32, #tpu.memory_space<vmem_shared>>
        %dma_start3A_53 = arith.constant 0 : i32
        %dma_start3A_54 = tpu.memref_slice %arg2[%mul3A_49, %dma_start3A_53] : memref<10000x16xf32, #tpu.memory_space<hbm>> -> memref<624x16xf32, #tpu.memory_space<hbm>>
        tpu.enqueue_dma source(%dma_start3A_54 : memref<624x16xf32, #tpu.memory_space<hbm>>) target(%dma_start3A_52 : memref<624x16xf32, #tpu.memory_space<vmem_shared>>) target_semaphore(%run_scoped3A : memref<!tpu.dma_semaphore, #tpu.memory_space<semaphore_mem>>)
        %dma_wait3A = arith.constant 0 : i32
        %dma_wait3A_55 = tpu.memref_slice %arg10[%mul3A_51, %dma_wait3A] : memref<10000x16xf32, #tpu.memory_space<vmem_shared>> -> memref<624x16xf32, #tpu.memory_space<vmem_shared>>
        %dma_wait3A_56 = arith.constant 0 : i32
        %dma_wait3A_57 = tpu.memref_slice %arg2[%mul3A_49, %dma_wait3A_56] : memref<10000x16xf32, #tpu.memory_space<hbm>> -> memref<624x16xf32, #tpu.memory_space<hbm>>
        tpu.wait_dma2 semaphore(%run_scoped3A : memref<!tpu.dma_semaphore, #tpu.memory_space<semaphore_mem>>) src(%dma_wait3A_57 : memref<624x16xf32, #tpu.memory_space<hbm>>) dst(%dma_wait3A_55 : memref<624x16xf32, #tpu.memory_space<vmem_shared>>)
        tpu.yield
      }) : () -> ()
    } else {
    }
    %eq3A = arith.constant 15 : i32
    %eq3A_5 = arith.cmpi eq, %arg1, %eq3A : i32
    %convert_element_type3A_6 = arith.extui %eq3A_5 : i1 to i32
    %cond3A_7 = arith.constant 0 : i32
    %cond3A_8 = arith.cmpi ne, %convert_element_type3A_6, %cond3A_7 : i32
    scf.if %cond3A_8 {
      "tpu.region"() ({
        %run_scoped3A = tpu.sem_alloc : memref<!tpu.dma_semaphore, #tpu.memory_space<semaphore_mem>>
        %dma_start3A = arith.constant 9360 : i32
        %dma_start3A_48 = arith.constant 0 : i32
        %dma_start3A_49 = tpu.memref_slice %arg10[%dma_start3A, %dma_start3A_48] : memref<10000x16xf32, #tpu.memory_space<vmem_shared>> -> memref<640x16xf32, #tpu.memory_space<vmem_shared>>
        %dma_start3A_50 = arith.constant 9360 : i32
        %dma_start3A_51 = arith.constant 0 : i32
        %dma_start3A_52 = tpu.memref_slice %arg2[%dma_start3A_50, %dma_start3A_51] : memref<10000x16xf32, #tpu.memory_space<hbm>> -> memref<640x16xf32, #tpu.memory_space<hbm>>
        tpu.enqueue_dma source(%dma_start3A_52 : memref<640x16xf32, #tpu.memory_space<hbm>>) target(%dma_start3A_49 : memref<640x16xf32, #tpu.memory_space<vmem_shared>>) target_semaphore(%run_scoped3A : memref<!tpu.dma_semaphore, #tpu.memory_space<semaphore_mem>>)
        %dma_wait3A = arith.constant 9360 : i32
        %dma_wait3A_53 = arith.constant 0 : i32
        %dma_wait3A_54 = tpu.memref_slice %arg10[%dma_wait3A, %dma_wait3A_53] : memref<10000x16xf32, #tpu.memory_space<vmem_shared>> -> memref<640x16xf32, #tpu.memory_space<vmem_shared>>
        %dma_wait3A_55 = arith.constant 9360 : i32
        %dma_wait3A_56 = arith.constant 0 : i32
        %dma_wait3A_57 = tpu.memref_slice %arg2[%dma_wait3A_55, %dma_wait3A_56] : memref<10000x16xf32, #tpu.memory_space<hbm>> -> memref<640x16xf32, #tpu.memory_space<hbm>>
        tpu.wait_dma2 semaphore(%run_scoped3A : memref<!tpu.dma_semaphore, #tpu.memory_space<semaphore_mem>>) src(%dma_wait3A_57 : memref<640x16xf32, #tpu.memory_space<hbm>>) dst(%dma_wait3A_54 : memref<640x16xf32, #tpu.memory_space<vmem_shared>>)
        tpu.yield
      }) : () -> ()
    } else {
    }
    %barrier3A = arith.constant 0 : index
    tpu.barrier barrier_id(%barrier3A)
    %add3A_9 = arith.constant 0 : i32
    %add3A_10 = arith.addi %add3A, %add3A_9 : i32
    %lt3A_11 = arith.constant 2500 : i32
    %lt3A_12 = arith.cmpi slt, %add3A_10, %lt3A_11 : i32
    %and3A = arith.constant true
    %and3A_13 = arith.andi %and3A, %lt3A_12 : i1
    %convert_element_type3A_14 = arith.extui %and3A_13 : i1 to i32
    %cond3A_15 = arith.constant 0 : i32
    %cond3A_16 = arith.cmpi ne, %convert_element_type3A_14, %cond3A_15 : i32
    scf.if %cond3A_16 {
      %add3A_48 = arith.constant 0 : i32
      %add3A_49 = arith.addi %add3A, %add3A_48 : i32
      %mul3A_50 = arith.constant 128 : i32
      %mul3A_51 = arith.muli %add3A_49, %mul3A_50 : i32
      %dma_start3A = arith.constant 0 : i32
      %dma_start3A_52 = arith.constant 0 : i32
      %dma_start3A_53 = arith.constant 0 : i32
      %dma_start3A_54 = arith.constant 0 : i32
      %dma_start3A_55 = tpu.memref_slice %arg6[%dma_start3A_52, %dma_start3A_54] : memref<4x128xi32, #tpu.memory_space<vmem>> -> memref<1x128xi32, #tpu.memory_space<vmem>>
      %dma_start3A_56 = tpu.memref_squeeze %dma_start3A_55 : memref<1x128xi32, #tpu.memory_space<vmem>> -> memref<128xi32, #tpu.memory_space<vmem>>
      %dma_start3A_57 = tpu.memref_slice %arg3[%dma_start3A, %mul3A_51] : memref<2x320000xi32, #tpu.memory_space<hbm>> -> memref<1x128xi32, #tpu.memory_space<hbm>>
      %dma_start3A_58 = tpu.memref_squeeze %dma_start3A_57 : memref<1x128xi32, #tpu.memory_space<hbm>> -> memref<128xi32, #tpu.memory_space<hbm>>
      %dma_start3A_59 = tpu.memref_slice %arg11[%dma_start3A_53] : memref<4x!tpu.dma_semaphore, #tpu.memory_space<semaphore_mem>> -> memref<1x!tpu.dma_semaphore, #tpu.memory_space<semaphore_mem>>
      %dma_start3A_60 = tpu.memref_squeeze %dma_start3A_59 : memref<1x!tpu.dma_semaphore, #tpu.memory_space<semaphore_mem>> -> memref<!tpu.dma_semaphore, #tpu.memory_space<semaphore_mem>>
      %dma_start3A_61 = arith.constant 0 : i32
      %dma_start3A_62 = tpu.memref_slice %arg6[%dma_start3A_52, %dma_start3A_61] : memref<4x128xi32, #tpu.memory_space<vmem>> -> memref<1x128xi32, #tpu.memory_space<vmem>>
      %dma_start3A_63 = tpu.memref_squeeze %dma_start3A_62 : memref<1x128xi32, #tpu.memory_space<vmem>> -> memref<128xi32, #tpu.memory_space<vmem>>
      %dma_start3A_64 = tpu.memref_slice %arg3[%dma_start3A, %mul3A_51] : memref<2x320000xi32, #tpu.memory_space<hbm>> -> memref<1x128xi32, #tpu.memory_space<hbm>>
      %dma_start3A_65 = tpu.memref_squeeze %dma_start3A_64 : memref<1x128xi32, #tpu.memory_space<hbm>> -> memref<128xi32, #tpu.memory_space<hbm>>
      tpu.enqueue_dma source(%dma_start3A_65 : memref<128xi32, #tpu.memory_space<hbm>>) target(%dma_start3A_63 : memref<128xi32, #tpu.memory_space<vmem>>) target_semaphore(%dma_start3A_60 : memref<!tpu.dma_semaphore, #tpu.memory_space<semaphore_mem>>)
      %add3A_66 = arith.constant 0 : i32
      %add3A_67 = arith.addi %add3A, %add3A_66 : i32
      %mul3A_68 = arith.constant 128 : i32
      %mul3A_69 = arith.muli %add3A_67, %mul3A_68 : i32
      %dma_start3A_70 = arith.constant 1 : i32
      %dma_start3A_71 = arith.constant 0 : i32
      %dma_start3A_72 = arith.constant 0 : i32
      %dma_start3A_73 = arith.constant 0 : i32
      %dma_start3A_74 = tpu.memref_slice %arg7[%dma_start3A_71, %dma_start3A_73] : memref<4x128xi32, #tpu.memory_space<vmem>> -> memref<1x128xi32, #tpu.memory_space<vmem>>
      %dma_start3A_75 = tpu.memref_squeeze %dma_start3A_74 : memref<1x128xi32, #tpu.memory_space<vmem>> -> memref<128xi32, #tpu.memory_space<vmem>>
      %dma_start3A_76 = tpu.memref_slice %arg3[%dma_start3A_70, %mul3A_69] : memref<2x320000xi32, #tpu.memory_space<hbm>> -> memref<1x128xi32, #tpu.memory_space<hbm>>
      %dma_start3A_77 = tpu.memref_squeeze %dma_start3A_76 : memref<1x128xi32, #tpu.memory_space<hbm>> -> memref<128xi32, #tpu.memory_space<hbm>>
      %dma_start3A_78 = tpu.memref_slice %arg11[%dma_start3A_72] : memref<4x!tpu.dma_semaphore, #tpu.memory_space<semaphore_mem>> -> memref<1x!tpu.dma_semaphore, #tpu.memory_space<semaphore_mem>>
      %dma_start3A_79 = tpu.memref_squeeze %dma_start3A_78 : memref<1x!tpu.dma_semaphore, #tpu.memory_space<semaphore_mem>> -> memref<!tpu.dma_semaphore, #tpu.memory_space<semaphore_mem>>
      %dma_start3A_80 = arith.constant 0 : i32
      %dma_start3A_81 = tpu.memref_slice %arg7[%dma_start3A_71, %dma_start3A_80] : memref<4x128xi32, #tpu.memory_space<vmem>> -> memref<1x128xi32, #tpu.memory_space<vmem>>
      %dma_start3A_82 = tpu.memref_squeeze %dma_start3A_81 : memref<1x128xi32, #tpu.memory_space<vmem>> -> memref<128xi32, #tpu.memory_space<vmem>>
      %dma_start3A_83 = tpu.memref_slice %arg3[%dma_start3A_70, %mul3A_69] : memref<2x320000xi32, #tpu.memory_space<hbm>> -> memref<1x128xi32, #tpu.memory_space<hbm>>
      %dma_start3A_84 = tpu.memref_squeeze %dma_start3A_83 : memref<1x128xi32, #tpu.memory_space<hbm>> -> memref<128xi32, #tpu.memory_space<hbm>>
      tpu.enqueue_dma source(%dma_start3A_84 : memref<128xi32, #tpu.memory_space<hbm>>) target(%dma_start3A_82 : memref<128xi32, #tpu.memory_space<vmem>>) target_semaphore(%dma_start3A_79 : memref<!tpu.dma_semaphore, #tpu.memory_space<semaphore_mem>>)
    } else {
    }
    %add3A_17 = arith.constant 32 : i32
    %add3A_18 = arith.addi %add3A, %add3A_17 : i32
    %lt3A_19 = arith.constant 2500 : i32
    %lt3A_20 = arith.cmpi slt, %add3A_18, %lt3A_19 : i32
    %and3A_21 = arith.constant true
    %and3A_22 = arith.andi %and3A_21, %lt3A_20 : i1
    %convert_element_type3A_23 = arith.extui %and3A_22 : i1 to i32
    %cond3A_24 = arith.constant 0 : i32
    %cond3A_25 = arith.cmpi ne, %convert_element_type3A_23, %cond3A_24 : i32
    scf.if %cond3A_25 {
      %add3A_48 = arith.constant 32 : i32
      %add3A_49 = arith.addi %add3A, %add3A_48 : i32
      %mul3A_50 = arith.constant 128 : i32
      %mul3A_51 = arith.muli %add3A_49, %mul3A_50 : i32
      %dma_start3A = arith.constant 0 : i32
      %dma_start3A_52 = arith.constant 1 : i32
      %dma_start3A_53 = arith.constant 1 : i32
      %dma_start3A_54 = arith.constant 0 : i32
      %dma_start3A_55 = tpu.memref_slice %arg6[%dma_start3A_52, %dma_start3A_54] : memref<4x128xi32, #tpu.memory_space<vmem>> -> memref<1x128xi32, #tpu.memory_space<vmem>>
      %dma_start3A_56 = tpu.memref_squeeze %dma_start3A_55 : memref<1x128xi32, #tpu.memory_space<vmem>> -> memref<128xi32, #tpu.memory_space<vmem>>
      %dma_start3A_57 = tpu.memref_slice %arg3[%dma_start3A, %mul3A_51] : memref<2x320000xi32, #tpu.memory_space<hbm>> -> memref<1x128xi32, #tpu.memory_space<hbm>>
      %dma_start3A_58 = tpu.memref_squeeze %dma_start3A_57 : memref<1x128xi32, #tpu.memory_space<hbm>> -> memref<128xi32, #tpu.memory_space<hbm>>
      %dma_start3A_59 = tpu.memref_slice %arg11[%dma_start3A_53] : memref<4x!tpu.dma_semaphore, #tpu.memory_space<semaphore_mem>> -> memref<1x!tpu.dma_semaphore, #tpu.memory_space<semaphore_mem>>
      %dma_start3A_60 = tpu.memref_squeeze %dma_start3A_59 : memref<1x!tpu.dma_semaphore, #tpu.memory_space<semaphore_mem>> -> memref<!tpu.dma_semaphore, #tpu.memory_space<semaphore_mem>>
      %dma_start3A_61 = arith.constant 0 : i32
      %dma_start3A_62 = tpu.memref_slice %arg6[%dma_start3A_52, %dma_start3A_61] : memref<4x128xi32, #tpu.memory_space<vmem>> -> memref<1x128xi32, #tpu.memory_space<vmem>>
      %dma_start3A_63 = tpu.memref_squeeze %dma_start3A_62 : memref<1x128xi32, #tpu.memory_space<vmem>> -> memref<128xi32, #tpu.memory_space<vmem>>
      %dma_start3A_64 = tpu.memref_slice %arg3[%dma_start3A, %mul3A_51] : memref<2x320000xi32, #tpu.memory_space<hbm>> -> memref<1x128xi32, #tpu.memory_space<hbm>>
      %dma_start3A_65 = tpu.memref_squeeze %dma_start3A_64 : memref<1x128xi32, #tpu.memory_space<hbm>> -> memref<128xi32, #tpu.memory_space<hbm>>
      tpu.enqueue_dma source(%dma_start3A_65 : memref<128xi32, #tpu.memory_space<hbm>>) target(%dma_start3A_63 : memref<128xi32, #tpu.memory_space<vmem>>) target_semaphore(%dma_start3A_60 : memref<!tpu.dma_semaphore, #tpu.memory_space<semaphore_mem>>)
      %add3A_66 = arith.constant 32 : i32
      %add3A_67 = arith.addi %add3A, %add3A_66 : i32
      %mul3A_68 = arith.constant 128 : i32
      %mul3A_69 = arith.muli %add3A_67, %mul3A_68 : i32
      %dma_start3A_70 = arith.constant 1 : i32
      %dma_start3A_71 = arith.constant 1 : i32
      %dma_start3A_72 = arith.constant 1 : i32
      %dma_start3A_73 = arith.constant 0 : i32
      %dma_start3A_74 = tpu.memref_slice %arg7[%dma_start3A_71, %dma_start3A_73] : memref<4x128xi32, #tpu.memory_space<vmem>> -> memref<1x128xi32, #tpu.memory_space<vmem>>
      %dma_start3A_75 = tpu.memref_squeeze %dma_start3A_74 : memref<1x128xi32, #tpu.memory_space<vmem>> -> memref<128xi32, #tpu.memory_space<vmem>>
      %dma_start3A_76 = tpu.memref_slice %arg3[%dma_start3A_70, %mul3A_69] : memref<2x320000xi32, #tpu.memory_space<hbm>> -> memref<1x128xi32, #tpu.memory_space<hbm>>
      %dma_start3A_77 = tpu.memref_squeeze %dma_start3A_76 : memref<1x128xi32, #tpu.memory_space<hbm>> -> memref<128xi32, #tpu.memory_space<hbm>>
      %dma_start3A_78 = tpu.memref_slice %arg11[%dma_start3A_72] : memref<4x!tpu.dma_semaphore, #tpu.memory_space<semaphore_mem>> -> memref<1x!tpu.dma_semaphore, #tpu.memory_space<semaphore_mem>>
      %dma_start3A_79 = tpu.memref_squeeze %dma_start3A_78 : memref<1x!tpu.dma_semaphore, #tpu.memory_space<semaphore_mem>> -> memref<!tpu.dma_semaphore, #tpu.memory_space<semaphore_mem>>
      %dma_start3A_80 = arith.constant 0 : i32
      %dma_start3A_81 = tpu.memref_slice %arg7[%dma_start3A_71, %dma_start3A_80] : memref<4x128xi32, #tpu.memory_space<vmem>> -> memref<1x128xi32, #tpu.memory_space<vmem>>
      %dma_start3A_82 = tpu.memref_squeeze %dma_start3A_81 : memref<1x128xi32, #tpu.memory_space<vmem>> -> memref<128xi32, #tpu.memory_space<vmem>>
      %dma_start3A_83 = tpu.memref_slice %arg3[%dma_start3A_70, %mul3A_69] : memref<2x320000xi32, #tpu.memory_space<hbm>> -> memref<1x128xi32, #tpu.memory_space<hbm>>
      %dma_start3A_84 = tpu.memref_squeeze %dma_start3A_83 : memref<1x128xi32, #tpu.memory_space<hbm>> -> memref<128xi32, #tpu.memory_space<hbm>>
      tpu.enqueue_dma source(%dma_start3A_84 : memref<128xi32, #tpu.memory_space<hbm>>) target(%dma_start3A_82 : memref<128xi32, #tpu.memory_space<vmem>>) target_semaphore(%dma_start3A_79 : memref<!tpu.dma_semaphore, #tpu.memory_space<semaphore_mem>>)
    } else {
    }
    %scan3A = arith.constant 0 : i32
    %scan3A_26 = arith.constant 0 : i32
    %scan3A_27 = arith.constant 20 : i32
    %scan3A_28 = arith.addi %scan3A_26, %scan3A_27 : i32
    %scan3A_29 = arith.constant 1 : i32
    scf.for %scan3A_48 = %scan3A_26 to %scan3A_28 step %scan3A_29  : i32 {
      %mul3A_49 = arith.constant 4 : i32
      %mul3A_50 = arith.muli %scan3A_48, %mul3A_49 : i32
      %add3A_51 = arith.constant 0 : i32
      %add3A_52 = arith.addi %mul3A_50, %add3A_51 : i32
      %sub3A = arith.constant 2 : i32
      %sub3A_53 = arith.subi %add3A_52, %sub3A : i32
      %ge3A = arith.constant 0 : i32
      %ge3A_54 = arith.cmpi sge, %sub3A_53, %ge3A : i32
      %mul3A_55 = arith.constant 32 : i32
      %mul3A_56 = arith.muli %sub3A_53, %mul3A_55 : i32
      %add3A_57 = arith.addi %add3A, %mul3A_56 : i32
      %lt3A_58 = arith.constant 2500 : i32
      %lt3A_59 = arith.cmpi slt, %add3A_57, %lt3A_58 : i32
      %and3A_60 = arith.andi %ge3A_54, %lt3A_59 : i1
      %convert_element_type3A_61 = arith.extui %and3A_60 : i1 to i32
      %cond3A_62 = arith.constant 0 : i32
      %cond3A_63 = arith.cmpi ne, %convert_element_type3A_61, %cond3A_62 : i32
      scf.if %cond3A_63 {
        %dma_wait3A = arith.constant 2 : i32
        %dma_wait3A_257 = arith.constant 2 : i32
        %dma_wait3A_258 = arith.constant 2 : i32
        %dma_wait3A_259 = arith.constant 0 : i32
        %dma_wait3A_260 = arith.constant 0 : i32
        %dma_wait3A_261 = tpu.memref_slice %arg8[%dma_wait3A, %dma_wait3A_259, %dma_wait3A_260] : memref<4x128x16xf32, #tpu.memory_space<vmem>> -> memref<1x128x16xf32, #tpu.memory_space<vmem>>
        %dma_wait3A_262 = tpu.memref_squeeze %dma_wait3A_261 : memref<1x128x16xf32, #tpu.memory_space<vmem>> -> memref<128x16xf32, #tpu.memory_space<vmem>>
        %dma_wait3A_263 = arith.constant 0 : i32
        %dma_wait3A_264 = tpu.memref_slice %arg7[%dma_wait3A_257, %dma_wait3A_263] : memref<4x128xi32, #tpu.memory_space<vmem>> -> memref<1x128xi32, #tpu.memory_space<vmem>>
        %dma_wait3A_265 = tpu.memref_squeeze %dma_wait3A_264 : memref<1x128xi32, #tpu.memory_space<vmem>> -> memref<128xi32, #tpu.memory_space<vmem>>
        %dma_wait3A_266 = arith.constant 0 : i32
        %dma_wait3A_267 = arith.constant 0 : i32
        %dma_wait3A_268 = tpu.memref_slice %arg9[%dma_wait3A_266, %dma_wait3A_267] : memref<10240x16xf32, #tpu.memory_space<vmem_shared>> -> memref<10240x16xf32, #tpu.memory_space<vmem_shared>>
        %dma_wait3A_269 = tpu.memref_slice %arg13[%dma_wait3A_258] : memref<4x!tpu.dma_semaphore, #tpu.memory_space<semaphore_mem>> -> memref<1x!tpu.dma_semaphore, #tpu.memory_space<semaphore_mem>>
        %dma_wait3A_270 = tpu.memref_squeeze %dma_wait3A_269 : memref<1x!tpu.dma_semaphore, #tpu.memory_space<semaphore_mem>> -> memref<!tpu.dma_semaphore, #tpu.memory_space<semaphore_mem>>
        tpu.wait_indirect_dma semaphore(%dma_wait3A_270 : memref<!tpu.dma_semaphore, #tpu.memory_space<semaphore_mem>>) src(%dma_wait3A_262 : memref<128x16xf32, #tpu.memory_space<vmem>>) dst(%dma_wait3A_268 : memref<10240x16xf32, #tpu.memory_space<vmem_shared>>)
      } else {
      }
      %add3A_64 = arith.constant 2 : i32
      %add3A_65 = arith.addi %add3A_52, %add3A_64 : i32
      %ge3A_66 = arith.constant 0 : i32
      %ge3A_67 = arith.cmpi sge, %add3A_65, %ge3A_66 : i32
      %mul3A_68 = arith.constant 32 : i32
      %mul3A_69 = arith.muli %add3A_65, %mul3A_68 : i32
      %add3A_70 = arith.addi %add3A, %mul3A_69 : i32
      %lt3A_71 = arith.constant 2500 : i32
      %lt3A_72 = arith.cmpi slt, %add3A_70, %lt3A_71 : i32
      %and3A_73 = arith.andi %ge3A_67, %lt3A_72 : i1
      %convert_element_type3A_74 = arith.extui %and3A_73 : i1 to i32
      %cond3A_75 = arith.constant 0 : i32
      %cond3A_76 = arith.cmpi ne, %convert_element_type3A_74, %cond3A_75 : i32
      scf.if %cond3A_76 {
        %mul3A_257 = arith.constant 32 : i32
        %mul3A_258 = arith.muli %add3A_65, %mul3A_257 : i32
        %add3A_259 = arith.addi %add3A, %mul3A_258 : i32
        %mul3A_260 = arith.constant 128 : i32
        %mul3A_261 = arith.muli %add3A_259, %mul3A_260 : i32
        %dma_start3A = arith.constant 0 : i32
        %dma_start3A_262 = arith.constant 2 : i32
        %dma_start3A_263 = arith.constant 2 : i32
        %dma_start3A_264 = arith.constant 0 : i32
        %dma_start3A_265 = tpu.memref_slice %arg6[%dma_start3A_262, %dma_start3A_264] : memref<4x128xi32, #tpu.memory_space<vmem>> -> memref<1x128xi32, #tpu.memory_space<vmem>>
        %dma_start3A_266 = tpu.memref_squeeze %dma_start3A_265 : memref<1x128xi32, #tpu.memory_space<vmem>> -> memref<128xi32, #tpu.memory_space<vmem>>
        %dma_start3A_267 = tpu.memref_slice %arg3[%dma_start3A, %mul3A_261] : memref<2x320000xi32, #tpu.memory_space<hbm>> -> memref<1x128xi32, #tpu.memory_space<hbm>>
        %dma_start3A_268 = tpu.memref_squeeze %dma_start3A_267 : memref<1x128xi32, #tpu.memory_space<hbm>> -> memref<128xi32, #tpu.memory_space<hbm>>
        %dma_start3A_269 = tpu.memref_slice %arg11[%dma_start3A_263] : memref<4x!tpu.dma_semaphore, #tpu.memory_space<semaphore_mem>> -> memref<1x!tpu.dma_semaphore, #tpu.memory_space<semaphore_mem>>
        %dma_start3A_270 = tpu.memref_squeeze %dma_start3A_269 : memref<1x!tpu.dma_semaphore, #tpu.memory_space<semaphore_mem>> -> memref<!tpu.dma_semaphore, #tpu.memory_space<semaphore_mem>>
        %dma_start3A_271 = arith.constant 0 : i32
        %dma_start3A_272 = tpu.memref_slice %arg6[%dma_start3A_262, %dma_start3A_271] : memref<4x128xi32, #tpu.memory_space<vmem>> -> memref<1x128xi32, #tpu.memory_space<vmem>>
        %dma_start3A_273 = tpu.memref_squeeze %dma_start3A_272 : memref<1x128xi32, #tpu.memory_space<vmem>> -> memref<128xi32, #tpu.memory_space<vmem>>
        %dma_start3A_274 = tpu.memref_slice %arg3[%dma_start3A, %mul3A_261] : memref<2x320000xi32, #tpu.memory_space<hbm>> -> memref<1x128xi32, #tpu.memory_space<hbm>>
        %dma_start3A_275 = tpu.memref_squeeze %dma_start3A_274 : memref<1x128xi32, #tpu.memory_space<hbm>> -> memref<128xi32, #tpu.memory_space<hbm>>
        tpu.enqueue_dma source(%dma_start3A_275 : memref<128xi32, #tpu.memory_space<hbm>>) target(%dma_start3A_273 : memref<128xi32, #tpu.memory_space<vmem>>) target_semaphore(%dma_start3A_270 : memref<!tpu.dma_semaphore, #tpu.memory_space<semaphore_mem>>)
        %mul3A_276 = arith.constant 32 : i32
        %mul3A_277 = arith.muli %add3A_65, %mul3A_276 : i32
        %add3A_278 = arith.addi %add3A, %mul3A_277 : i32
        %mul3A_279 = arith.constant 128 : i32
        %mul3A_280 = arith.muli %add3A_278, %mul3A_279 : i32
        %dma_start3A_281 = arith.constant 1 : i32
        %dma_start3A_282 = arith.constant 2 : i32
        %dma_start3A_283 = arith.constant 2 : i32
        %dma_start3A_284 = arith.constant 0 : i32
        %dma_start3A_285 = tpu.memref_slice %arg7[%dma_start3A_282, %dma_start3A_284] : memref<4x128xi32, #tpu.memory_space<vmem>> -> memref<1x128xi32, #tpu.memory_space<vmem>>
        %dma_start3A_286 = tpu.memref_squeeze %dma_start3A_285 : memref<1x128xi32, #tpu.memory_space<vmem>> -> memref<128xi32, #tpu.memory_space<vmem>>
        %dma_start3A_287 = tpu.memref_slice %arg3[%dma_start3A_281, %mul3A_280] : memref<2x320000xi32, #tpu.memory_space<hbm>> -> memref<1x128xi32, #tpu.memory_space<hbm>>
        %dma_start3A_288 = tpu.memref_squeeze %dma_start3A_287 : memref<1x128xi32, #tpu.memory_space<hbm>> -> memref<128xi32, #tpu.memory_space<hbm>>
        %dma_start3A_289 = tpu.memref_slice %arg11[%dma_start3A_283] : memref<4x!tpu.dma_semaphore, #tpu.memory_space<semaphore_mem>> -> memref<1x!tpu.dma_semaphore, #tpu.memory_space<semaphore_mem>>
        %dma_start3A_290 = tpu.memref_squeeze %dma_start3A_289 : memref<1x!tpu.dma_semaphore, #tpu.memory_space<semaphore_mem>> -> memref<!tpu.dma_semaphore, #tpu.memory_space<semaphore_mem>>
        %dma_start3A_291 = arith.constant 0 : i32
        %dma_start3A_292 = tpu.memref_slice %arg7[%dma_start3A_282, %dma_start3A_291] : memref<4x128xi32, #tpu.memory_space<vmem>> -> memref<1x128xi32, #tpu.memory_space<vmem>>
        %dma_start3A_293 = tpu.memref_squeeze %dma_start3A_292 : memref<1x128xi32, #tpu.memory_space<vmem>> -> memref<128xi32, #tpu.memory_space<vmem>>
        %dma_start3A_294 = tpu.memref_slice %arg3[%dma_start3A_281, %mul3A_280] : memref<2x320000xi32, #tpu.memory_space<hbm>> -> memref<1x128xi32, #tpu.memory_space<hbm>>
        %dma_start3A_295 = tpu.memref_squeeze %dma_start3A_294 : memref<1x128xi32, #tpu.memory_space<hbm>> -> memref<128xi32, #tpu.memory_space<hbm>>
        tpu.enqueue_dma source(%dma_start3A_295 : memref<128xi32, #tpu.memory_space<hbm>>) target(%dma_start3A_293 : memref<128xi32, #tpu.memory_space<vmem>>) target_semaphore(%dma_start3A_290 : memref<!tpu.dma_semaphore, #tpu.memory_space<semaphore_mem>>)
      } else {
      }
      %ge3A_77 = arith.constant 0 : i32
      %ge3A_78 = arith.cmpi sge, %add3A_52, %ge3A_77 : i32
      %mul3A_79 = arith.constant 32 : i32
      %mul3A_80 = arith.muli %add3A_52, %mul3A_79 : i32
      %add3A_81 = arith.addi %add3A, %mul3A_80 : i32
      %lt3A_82 = arith.constant 2500 : i32
      %lt3A_83 = arith.cmpi slt, %add3A_81, %lt3A_82 : i32
      %and3A_84 = arith.andi %ge3A_78, %lt3A_83 : i1
      %convert_element_type3A_85 = arith.extui %and3A_84 : i1 to i32
      %cond3A_86 = arith.constant 0 : i32
      %cond3A_87 = arith.cmpi ne, %convert_element_type3A_85, %cond3A_86 : i32
      scf.if %cond3A_87 {
        %mul3A_257 = arith.constant 32 : i32
        %mul3A_258 = arith.muli %add3A_52, %mul3A_257 : i32
        %add3A_259 = arith.addi %add3A, %mul3A_258 : i32
        %mul3A_260 = arith.constant 128 : i32
        %mul3A_261 = arith.muli %add3A_259, %mul3A_260 : i32
        %dma_wait3A = arith.constant 0 : i32
        %dma_wait3A_262 = arith.constant 0 : i32
        %dma_wait3A_263 = arith.constant 0 : i32
        %dma_wait3A_264 = arith.constant 0 : i32
        %dma_wait3A_265 = tpu.memref_slice %arg6[%dma_wait3A_262, %dma_wait3A_264] : memref<4x128xi32, #tpu.memory_space<vmem>> -> memref<1x128xi32, #tpu.memory_space<vmem>>
        %dma_wait3A_266 = tpu.memref_squeeze %dma_wait3A_265 : memref<1x128xi32, #tpu.memory_space<vmem>> -> memref<128xi32, #tpu.memory_space<vmem>>
        %dma_wait3A_267 = tpu.memref_slice %arg3[%dma_wait3A, %mul3A_261] : memref<2x320000xi32, #tpu.memory_space<hbm>> -> memref<1x128xi32, #tpu.memory_space<hbm>>
        %dma_wait3A_268 = tpu.memref_squeeze %dma_wait3A_267 : memref<1x128xi32, #tpu.memory_space<hbm>> -> memref<128xi32, #tpu.memory_space<hbm>>
        %dma_wait3A_269 = tpu.memref_slice %arg11[%dma_wait3A_263] : memref<4x!tpu.dma_semaphore, #tpu.memory_space<semaphore_mem>> -> memref<1x!tpu.dma_semaphore, #tpu.memory_space<semaphore_mem>>
        %dma_wait3A_270 = tpu.memref_squeeze %dma_wait3A_269 : memref<1x!tpu.dma_semaphore, #tpu.memory_space<semaphore_mem>> -> memref<!tpu.dma_semaphore, #tpu.memory_space<semaphore_mem>>
        %dma_wait3A_271 = arith.constant 0 : i32
        %dma_wait3A_272 = tpu.memref_slice %arg6[%dma_wait3A_262, %dma_wait3A_271] : memref<4x128xi32, #tpu.memory_space<vmem>> -> memref<1x128xi32, #tpu.memory_space<vmem>>
        %dma_wait3A_273 = tpu.memref_squeeze %dma_wait3A_272 : memref<1x128xi32, #tpu.memory_space<vmem>> -> memref<128xi32, #tpu.memory_space<vmem>>
        %dma_wait3A_274 = tpu.memref_slice %arg3[%dma_wait3A, %mul3A_261] : memref<2x320000xi32, #tpu.memory_space<hbm>> -> memref<1x128xi32, #tpu.memory_space<hbm>>
        %dma_wait3A_275 = tpu.memref_squeeze %dma_wait3A_274 : memref<1x128xi32, #tpu.memory_space<hbm>> -> memref<128xi32, #tpu.memory_space<hbm>>
        tpu.wait_dma2 semaphore(%dma_wait3A_270 : memref<!tpu.dma_semaphore, #tpu.memory_space<semaphore_mem>>) src(%dma_wait3A_275 : memref<128xi32, #tpu.memory_space<hbm>>) dst(%dma_wait3A_273 : memref<128xi32, #tpu.memory_space<vmem>>)
        %mul3A_276 = arith.constant 32 : i32
        %mul3A_277 = arith.muli %add3A_52, %mul3A_276 : i32
        %add3A_278 = arith.addi %add3A, %mul3A_277 : i32
        %mul3A_279 = arith.constant 128 : i32
        %mul3A_280 = arith.muli %add3A_278, %mul3A_279 : i32
        %dma_wait3A_281 = arith.constant 1 : i32
        %dma_wait3A_282 = arith.constant 0 : i32
        %dma_wait3A_283 = arith.constant 0 : i32
        %dma_wait3A_284 = arith.constant 0 : i32
        %dma_wait3A_285 = tpu.memref_slice %arg7[%dma_wait3A_282, %dma_wait3A_284] : memref<4x128xi32, #tpu.memory_space<vmem>> -> memref<1x128xi32, #tpu.memory_space<vmem>>
        %dma_wait3A_286 = tpu.memref_squeeze %dma_wait3A_285 : memref<1x128xi32, #tpu.memory_space<vmem>> -> memref<128xi32, #tpu.memory_space<vmem>>
        %dma_wait3A_287 = tpu.memref_slice %arg3[%dma_wait3A_281, %mul3A_280] : memref<2x320000xi32, #tpu.memory_space<hbm>> -> memref<1x128xi32, #tpu.memory_space<hbm>>
        %dma_wait3A_288 = tpu.memref_squeeze %dma_wait3A_287 : memref<1x128xi32, #tpu.memory_space<hbm>> -> memref<128xi32, #tpu.memory_space<hbm>>
        %dma_wait3A_289 = tpu.memref_slice %arg11[%dma_wait3A_283] : memref<4x!tpu.dma_semaphore, #tpu.memory_space<semaphore_mem>> -> memref<1x!tpu.dma_semaphore, #tpu.memory_space<semaphore_mem>>
        %dma_wait3A_290 = tpu.memref_squeeze %dma_wait3A_289 : memref<1x!tpu.dma_semaphore, #tpu.memory_space<semaphore_mem>> -> memref<!tpu.dma_semaphore, #tpu.memory_space<semaphore_mem>>
        %dma_wait3A_291 = arith.constant 0 : i32
        %dma_wait3A_292 = tpu.memref_slice %arg7[%dma_wait3A_282, %dma_wait3A_291] : memref<4x128xi32, #tpu.memory_space<vmem>> -> memref<1x128xi32, #tpu.memory_space<vmem>>
        %dma_wait3A_293 = tpu.memref_squeeze %dma_wait3A_292 : memref<1x128xi32, #tpu.memory_space<vmem>> -> memref<128xi32, #tpu.memory_space<vmem>>
        %dma_wait3A_294 = tpu.memref_slice %arg3[%dma_wait3A_281, %mul3A_280] : memref<2x320000xi32, #tpu.memory_space<hbm>> -> memref<1x128xi32, #tpu.memory_space<hbm>>
        %dma_wait3A_295 = tpu.memref_squeeze %dma_wait3A_294 : memref<1x128xi32, #tpu.memory_space<hbm>> -> memref<128xi32, #tpu.memory_space<hbm>>
        tpu.wait_dma2 semaphore(%dma_wait3A_290 : memref<!tpu.dma_semaphore, #tpu.memory_space<semaphore_mem>>) src(%dma_wait3A_295 : memref<128xi32, #tpu.memory_space<hbm>>) dst(%dma_wait3A_293 : memref<128xi32, #tpu.memory_space<vmem>>)
        %dma_start3A = arith.constant 0 : i32
        %dma_start3A_296 = arith.constant 0 : i32
        %dma_start3A_297 = arith.constant 0 : i32
        %dma_start3A_298 = arith.constant 0 : i32
        %dma_start3A_299 = arith.constant 0 : i32
        %dma_start3A_300 = tpu.memref_slice %arg8[%dma_start3A_296, %dma_start3A_298, %dma_start3A_299] : memref<4x128x16xf32, #tpu.memory_space<vmem>> -> memref<1x128x16xf32, #tpu.memory_space<vmem>>
        %dma_start3A_301 = tpu.memref_squeeze %dma_start3A_300 : memref<1x128x16xf32, #tpu.memory_space<vmem>> -> memref<128x16xf32, #tpu.memory_space<vmem>>
        %dma_start3A_302 = arith.constant 0 : i32
        %dma_start3A_303 = tpu.memref_slice %arg6[%dma_start3A, %dma_start3A_302] : memref<4x128xi32, #tpu.memory_space<vmem>> -> memref<1x128xi32, #tpu.memory_space<vmem>>
        %dma_start3A_304 = tpu.memref_squeeze %dma_start3A_303 : memref<1x128xi32, #tpu.memory_space<vmem>> -> memref<128xi32, #tpu.memory_space<vmem>>
        %dma_start3A_305 = arith.constant 0 : i32
        %dma_start3A_306 = arith.constant 0 : i32
        %dma_start3A_307 = tpu.memref_slice %arg10[%dma_start3A_305, %dma_start3A_306] : memref<10000x16xf32, #tpu.memory_space<vmem_shared>> -> memref<10000x16xf32, #tpu.memory_space<vmem_shared>>
        %dma_start3A_308 = tpu.memref_slice %arg12[%dma_start3A_297] : memref<4x!tpu.dma_semaphore, #tpu.memory_space<semaphore_mem>> -> memref<1x!tpu.dma_semaphore, #tpu.memory_space<semaphore_mem>>
        %dma_start3A_309 = tpu.memref_squeeze %dma_start3A_308 : memref<1x!tpu.dma_semaphore, #tpu.memory_space<semaphore_mem>> -> memref<!tpu.dma_semaphore, #tpu.memory_space<semaphore_mem>>
        tpu.enqueue_indirect_dma source(%dma_start3A_307 : memref<10000x16xf32, #tpu.memory_space<vmem_shared>>) target(%dma_start3A_301 : memref<128x16xf32, #tpu.memory_space<vmem>>) offsets(%dma_start3A_304 : memref<128xi32, #tpu.memory_space<vmem>>) semaphore(%dma_start3A_309 : memref<!tpu.dma_semaphore, #tpu.memory_space<semaphore_mem>>)
      } else {
      }
      %sub3A_88 = arith.constant 1 : i32
      %sub3A_89 = arith.subi %add3A_52, %sub3A_88 : i32
      %ge3A_90 = arith.constant 0 : i32
      %ge3A_91 = arith.cmpi sge, %sub3A_89, %ge3A_90 : i32
      %mul3A_92 = arith.constant 32 : i32
      %mul3A_93 = arith.muli %sub3A_89, %mul3A_92 : i32
      %add3A_94 = arith.addi %add3A, %mul3A_93 : i32
      %lt3A_95 = arith.constant 2500 : i32
      %lt3A_96 = arith.cmpi slt, %add3A_94, %lt3A_95 : i32
      %and3A_97 = arith.andi %ge3A_91, %lt3A_96 : i1
      %convert_element_type3A_98 = arith.extui %and3A_97 : i1 to i32
      %cond3A_99 = arith.constant 0 : i32
      %cond3A_100 = arith.cmpi ne, %convert_element_type3A_98, %cond3A_99 : i32
      scf.if %cond3A_100 {
        %dma_wait3A = arith.constant 3 : i32
        %dma_wait3A_257 = arith.constant 3 : i32
        %dma_wait3A_258 = arith.constant 3 : i32
        %dma_wait3A_259 = arith.constant 0 : i32
        %dma_wait3A_260 = arith.constant 0 : i32
        %dma_wait3A_261 = tpu.memref_slice %arg8[%dma_wait3A_257, %dma_wait3A_259, %dma_wait3A_260] : memref<4x128x16xf32, #tpu.memory_space<vmem>> -> memref<1x128x16xf32, #tpu.memory_space<vmem>>
        %dma_wait3A_262 = tpu.memref_squeeze %dma_wait3A_261 : memref<1x128x16xf32, #tpu.memory_space<vmem>> -> memref<128x16xf32, #tpu.memory_space<vmem>>
        %dma_wait3A_263 = arith.constant 0 : i32
        %dma_wait3A_264 = tpu.memref_slice %arg6[%dma_wait3A, %dma_wait3A_263] : memref<4x128xi32, #tpu.memory_space<vmem>> -> memref<1x128xi32, #tpu.memory_space<vmem>>
        %dma_wait3A_265 = tpu.memref_squeeze %dma_wait3A_264 : memref<1x128xi32, #tpu.memory_space<vmem>> -> memref<128xi32, #tpu.memory_space<vmem>>
        %dma_wait3A_266 = arith.constant 0 : i32
        %dma_wait3A_267 = arith.constant 0 : i32
        %dma_wait3A_268 = tpu.memref_slice %arg10[%dma_wait3A_266, %dma_wait3A_267] : memref<10000x16xf32, #tpu.memory_space<vmem_shared>> -> memref<10000x16xf32, #tpu.memory_space<vmem_shared>>
        %dma_wait3A_269 = tpu.memref_slice %arg12[%dma_wait3A_258] : memref<4x!tpu.dma_semaphore, #tpu.memory_space<semaphore_mem>> -> memref<1x!tpu.dma_semaphore, #tpu.memory_space<semaphore_mem>>
        %dma_wait3A_270 = tpu.memref_squeeze %dma_wait3A_269 : memref<1x!tpu.dma_semaphore, #tpu.memory_space<semaphore_mem>> -> memref<!tpu.dma_semaphore, #tpu.memory_space<semaphore_mem>>
        tpu.wait_indirect_dma semaphore(%dma_wait3A_270 : memref<!tpu.dma_semaphore, #tpu.memory_space<semaphore_mem>>) src(%dma_wait3A_268 : memref<10000x16xf32, #tpu.memory_space<vmem_shared>>) dst(%dma_wait3A_262 : memref<128x16xf32, #tpu.memory_space<vmem>>)
        %dma_start3A = arith.constant 3 : i32
        %dma_start3A_271 = arith.constant 3 : i32
        %dma_start3A_272 = arith.constant 3 : i32
        %dma_start3A_273 = arith.constant 0 : i32
        %dma_start3A_274 = arith.constant 0 : i32
        %dma_start3A_275 = tpu.memref_slice %arg8[%dma_start3A, %dma_start3A_273, %dma_start3A_274] : memref<4x128x16xf32, #tpu.memory_space<vmem>> -> memref<1x128x16xf32, #tpu.memory_space<vmem>>
        %dma_start3A_276 = tpu.memref_squeeze %dma_start3A_275 : memref<1x128x16xf32, #tpu.memory_space<vmem>> -> memref<128x16xf32, #tpu.memory_space<vmem>>
        %dma_start3A_277 = arith.constant 0 : i32
        %dma_start3A_278 = tpu.memref_slice %arg7[%dma_start3A_271, %dma_start3A_277] : memref<4x128xi32, #tpu.memory_space<vmem>> -> memref<1x128xi32, #tpu.memory_space<vmem>>
        %dma_start3A_279 = tpu.memref_squeeze %dma_start3A_278 : memref<1x128xi32, #tpu.memory_space<vmem>> -> memref<128xi32, #tpu.memory_space<vmem>>
        %dma_start3A_280 = arith.constant 0 : i32
        %dma_start3A_281 = arith.constant 0 : i32
        %dma_start3A_282 = tpu.memref_slice %arg9[%dma_start3A_280, %dma_start3A_281] : memref<10240x16xf32, #tpu.memory_space<vmem_shared>> -> memref<10240x16xf32, #tpu.memory_space<vmem_shared>>
        %dma_start3A_283 = tpu.memref_slice %arg13[%dma_start3A_272] : memref<4x!tpu.dma_semaphore, #tpu.memory_space<semaphore_mem>> -> memref<1x!tpu.dma_semaphore, #tpu.memory_space<semaphore_mem>>
        %dma_start3A_284 = tpu.memref_squeeze %dma_start3A_283 : memref<1x!tpu.dma_semaphore, #tpu.memory_space<semaphore_mem>> -> memref<!tpu.dma_semaphore, #tpu.memory_space<semaphore_mem>>
        tpu.enqueue_indirect_dma source(%dma_start3A_276 : memref<128x16xf32, #tpu.memory_space<vmem>>) target(%dma_start3A_282 : memref<10240x16xf32, #tpu.memory_space<vmem_shared>>) offsets(%dma_start3A_279 : memref<128xi32, #tpu.memory_space<vmem>>) semaphore(%dma_start3A_284 : memref<!tpu.dma_semaphore, #tpu.memory_space<semaphore_mem>>) {add = true}
      } else {
      }
      %add3A_101 = arith.constant 1 : i32
      %add3A_102 = arith.addi %mul3A_50, %add3A_101 : i32
      %sub3A_103 = arith.constant 2 : i32
      %sub3A_104 = arith.subi %add3A_102, %sub3A_103 : i32
      %ge3A_105 = arith.constant 0 : i32
      %ge3A_106 = arith.cmpi sge, %sub3A_104, %ge3A_105 : i32
      %mul3A_107 = arith.constant 32 : i32
      %mul3A_108 = arith.muli %sub3A_104, %mul3A_107 : i32
      %add3A_109 = arith.addi %add3A, %mul3A_108 : i32
      %lt3A_110 = arith.constant 2500 : i32
      %lt3A_111 = arith.cmpi slt, %add3A_109, %lt3A_110 : i32
      %and3A_112 = arith.andi %ge3A_106, %lt3A_111 : i1
      %convert_element_type3A_113 = arith.extui %and3A_112 : i1 to i32
      %cond3A_114 = arith.constant 0 : i32
      %cond3A_115 = arith.cmpi ne, %convert_element_type3A_113, %cond3A_114 : i32
      scf.if %cond3A_115 {
        %dma_wait3A = arith.constant 3 : i32
        %dma_wait3A_257 = arith.constant 3 : i32
        %dma_wait3A_258 = arith.constant 3 : i32
        %dma_wait3A_259 = arith.constant 0 : i32
        %dma_wait3A_260 = arith.constant 0 : i32
        %dma_wait3A_261 = tpu.memref_slice %arg8[%dma_wait3A, %dma_wait3A_259, %dma_wait3A_260] : memref<4x128x16xf32, #tpu.memory_space<vmem>> -> memref<1x128x16xf32, #tpu.memory_space<vmem>>
        %dma_wait3A_262 = tpu.memref_squeeze %dma_wait3A_261 : memref<1x128x16xf32, #tpu.memory_space<vmem>> -> memref<128x16xf32, #tpu.memory_space<vmem>>
        %dma_wait3A_263 = arith.constant 0 : i32
        %dma_wait3A_264 = tpu.memref_slice %arg7[%dma_wait3A_257, %dma_wait3A_263] : memref<4x128xi32, #tpu.memory_space<vmem>> -> memref<1x128xi32, #tpu.memory_space<vmem>>
        %dma_wait3A_265 = tpu.memref_squeeze %dma_wait3A_264 : memref<1x128xi32, #tpu.memory_space<vmem>> -> memref<128xi32, #tpu.memory_space<vmem>>
        %dma_wait3A_266 = arith.constant 0 : i32
        %dma_wait3A_267 = arith.constant 0 : i32
        %dma_wait3A_268 = tpu.memref_slice %arg9[%dma_wait3A_266, %dma_wait3A_267] : memref<10240x16xf32, #tpu.memory_space<vmem_shared>> -> memref<10240x16xf32, #tpu.memory_space<vmem_shared>>
        %dma_wait3A_269 = tpu.memref_slice %arg13[%dma_wait3A_258] : memref<4x!tpu.dma_semaphore, #tpu.memory_space<semaphore_mem>> -> memref<1x!tpu.dma_semaphore, #tpu.memory_space<semaphore_mem>>
        %dma_wait3A_270 = tpu.memref_squeeze %dma_wait3A_269 : memref<1x!tpu.dma_semaphore, #tpu.memory_space<semaphore_mem>> -> memref<!tpu.dma_semaphore, #tpu.memory_space<semaphore_mem>>
        tpu.wait_indirect_dma semaphore(%dma_wait3A_270 : memref<!tpu.dma_semaphore, #tpu.memory_space<semaphore_mem>>) src(%dma_wait3A_262 : memref<128x16xf32, #tpu.memory_space<vmem>>) dst(%dma_wait3A_268 : memref<10240x16xf32, #tpu.memory_space<vmem_shared>>)
      } else {
      }
      %add3A_116 = arith.constant 2 : i32
      %add3A_117 = arith.addi %add3A_102, %add3A_116 : i32
      %ge3A_118 = arith.constant 0 : i32
      %ge3A_119 = arith.cmpi sge, %add3A_117, %ge3A_118 : i32
      %mul3A_120 = arith.constant 32 : i32
      %mul3A_121 = arith.muli %add3A_117, %mul3A_120 : i32
      %add3A_122 = arith.addi %add3A, %mul3A_121 : i32
      %lt3A_123 = arith.constant 2500 : i32
      %lt3A_124 = arith.cmpi slt, %add3A_122, %lt3A_123 : i32
      %and3A_125 = arith.andi %ge3A_119, %lt3A_124 : i1
      %convert_element_type3A_126 = arith.extui %and3A_125 : i1 to i32
      %cond3A_127 = arith.constant 0 : i32
      %cond3A_128 = arith.cmpi ne, %convert_element_type3A_126, %cond3A_127 : i32
      scf.if %cond3A_128 {
        %mul3A_257 = arith.constant 32 : i32
        %mul3A_258 = arith.muli %add3A_117, %mul3A_257 : i32
        %add3A_259 = arith.addi %add3A, %mul3A_258 : i32
        %mul3A_260 = arith.constant 128 : i32
        %mul3A_261 = arith.muli %add3A_259, %mul3A_260 : i32
        %dma_start3A = arith.constant 0 : i32
        %dma_start3A_262 = arith.constant 3 : i32
        %dma_start3A_263 = arith.constant 3 : i32
        %dma_start3A_264 = arith.constant 0 : i32
        %dma_start3A_265 = tpu.memref_slice %arg6[%dma_start3A_262, %dma_start3A_264] : memref<4x128xi32, #tpu.memory_space<vmem>> -> memref<1x128xi32, #tpu.memory_space<vmem>>
        %dma_start3A_266 = tpu.memref_squeeze %dma_start3A_265 : memref<1x128xi32, #tpu.memory_space<vmem>> -> memref<128xi32, #tpu.memory_space<vmem>>
        %dma_start3A_267 = tpu.memref_slice %arg3[%dma_start3A, %mul3A_261] : memref<2x320000xi32, #tpu.memory_space<hbm>> -> memref<1x128xi32, #tpu.memory_space<hbm>>
        %dma_start3A_268 = tpu.memref_squeeze %dma_start3A_267 : memref<1x128xi32, #tpu.memory_space<hbm>> -> memref<128xi32, #tpu.memory_space<hbm>>
        %dma_start3A_269 = tpu.memref_slice %arg11[%dma_start3A_263] : memref<4x!tpu.dma_semaphore, #tpu.memory_space<semaphore_mem>> -> memref<1x!tpu.dma_semaphore, #tpu.memory_space<semaphore_mem>>
        %dma_start3A_270 = tpu.memref_squeeze %dma_start3A_269 : memref<1x!tpu.dma_semaphore, #tpu.memory_space<semaphore_mem>> -> memref<!tpu.dma_semaphore, #tpu.memory_space<semaphore_mem>>
        %dma_start3A_271 = arith.constant 0 : i32
        %dma_start3A_272 = tpu.memref_slice %arg6[%dma_start3A_262, %dma_start3A_271] : memref<4x128xi32, #tpu.memory_space<vmem>> -> memref<1x128xi32, #tpu.memory_space<vmem>>
        %dma_start3A_273 = tpu.memref_squeeze %dma_start3A_272 : memref<1x128xi32, #tpu.memory_space<vmem>> -> memref<128xi32, #tpu.memory_space<vmem>>
        %dma_start3A_274 = tpu.memref_slice %arg3[%dma_start3A, %mul3A_261] : memref<2x320000xi32, #tpu.memory_space<hbm>> -> memref<1x128xi32, #tpu.memory_space<hbm>>
        %dma_start3A_275 = tpu.memref_squeeze %dma_start3A_274 : memref<1x128xi32, #tpu.memory_space<hbm>> -> memref<128xi32, #tpu.memory_space<hbm>>
        tpu.enqueue_dma source(%dma_start3A_275 : memref<128xi32, #tpu.memory_space<hbm>>) target(%dma_start3A_273 : memref<128xi32, #tpu.memory_space<vmem>>) target_semaphore(%dma_start3A_270 : memref<!tpu.dma_semaphore, #tpu.memory_space<semaphore_mem>>)
        %mul3A_276 = arith.constant 32 : i32
        %mul3A_277 = arith.muli %add3A_117, %mul3A_276 : i32
        %add3A_278 = arith.addi %add3A, %mul3A_277 : i32
        %mul3A_279 = arith.constant 128 : i32
        %mul3A_280 = arith.muli %add3A_278, %mul3A_279 : i32
        %dma_start3A_281 = arith.constant 1 : i32
        %dma_start3A_282 = arith.constant 3 : i32
        %dma_start3A_283 = arith.constant 3 : i32
        %dma_start3A_284 = arith.constant 0 : i32
        %dma_start3A_285 = tpu.memref_slice %arg7[%dma_start3A_282, %dma_start3A_284] : memref<4x128xi32, #tpu.memory_space<vmem>> -> memref<1x128xi32, #tpu.memory_space<vmem>>
        %dma_start3A_286 = tpu.memref_squeeze %dma_start3A_285 : memref<1x128xi32, #tpu.memory_space<vmem>> -> memref<128xi32, #tpu.memory_space<vmem>>
        %dma_start3A_287 = tpu.memref_slice %arg3[%dma_start3A_281, %mul3A_280] : memref<2x320000xi32, #tpu.memory_space<hbm>> -> memref<1x128xi32, #tpu.memory_space<hbm>>
        %dma_start3A_288 = tpu.memref_squeeze %dma_start3A_287 : memref<1x128xi32, #tpu.memory_space<hbm>> -> memref<128xi32, #tpu.memory_space<hbm>>
        %dma_start3A_289 = tpu.memref_slice %arg11[%dma_start3A_283] : memref<4x!tpu.dma_semaphore, #tpu.memory_space<semaphore_mem>> -> memref<1x!tpu.dma_semaphore, #tpu.memory_space<semaphore_mem>>
        %dma_start3A_290 = tpu.memref_squeeze %dma_start3A_289 : memref<1x!tpu.dma_semaphore, #tpu.memory_space<semaphore_mem>> -> memref<!tpu.dma_semaphore, #tpu.memory_space<semaphore_mem>>
        %dma_start3A_291 = arith.constant 0 : i32
        %dma_start3A_292 = tpu.memref_slice %arg7[%dma_start3A_282, %dma_start3A_291] : memref<4x128xi32, #tpu.memory_space<vmem>> -> memref<1x128xi32, #tpu.memory_space<vmem>>
        %dma_start3A_293 = tpu.memref_squeeze %dma_start3A_292 : memref<1x128xi32, #tpu.memory_space<vmem>> -> memref<128xi32, #tpu.memory_space<vmem>>
        %dma_start3A_294 = tpu.memref_slice %arg3[%dma_start3A_281, %mul3A_280] : memref<2x320000xi32, #tpu.memory_space<hbm>> -> memref<1x128xi32, #tpu.memory_space<hbm>>
        %dma_start3A_295 = tpu.memref_squeeze %dma_start3A_294 : memref<1x128xi32, #tpu.memory_space<hbm>> -> memref<128xi32, #tpu.memory_space<hbm>>
        tpu.enqueue_dma source(%dma_start3A_295 : memref<128xi32, #tpu.memory_space<hbm>>) target(%dma_start3A_293 : memref<128xi32, #tpu.memory_space<vmem>>) target_semaphore(%dma_start3A_290 : memref<!tpu.dma_semaphore, #tpu.memory_space<semaphore_mem>>)
      } else {
      }
      %ge3A_129 = arith.constant 0 : i32
      %ge3A_130 = arith.cmpi sge, %add3A_102, %ge3A_129 : i32
      %mul3A_131 = arith.constant 32 : i32
      %mul3A_132 = arith.muli %add3A_102, %mul3A_131 : i32
      %add3A_133 = arith.addi %add3A, %mul3A_132 : i32
      %lt3A_134 = arith.constant 2500 : i32
      %lt3A_135 = arith.cmpi slt, %add3A_133, %lt3A_134 : i32
      %and3A_136 = arith.andi %ge3A_130, %lt3A_135 : i1
      %convert_element_type3A_137 = arith.extui %and3A_136 : i1 to i32
      %cond3A_138 = arith.constant 0 : i32
      %cond3A_139 = arith.cmpi ne, %convert_element_type3A_137, %cond3A_138 : i32
      scf.if %cond3A_139 {
        %mul3A_257 = arith.constant 32 : i32
        %mul3A_258 = arith.muli %add3A_102, %mul3A_257 : i32
        %add3A_259 = arith.addi %add3A, %mul3A_258 : i32
        %mul3A_260 = arith.constant 128 : i32
        %mul3A_261 = arith.muli %add3A_259, %mul3A_260 : i32
        %dma_wait3A = arith.constant 0 : i32
        %dma_wait3A_262 = arith.constant 1 : i32
        %dma_wait3A_263 = arith.constant 1 : i32
        %dma_wait3A_264 = arith.constant 0 : i32
        %dma_wait3A_265 = tpu.memref_slice %arg6[%dma_wait3A_262, %dma_wait3A_264] : memref<4x128xi32, #tpu.memory_space<vmem>> -> memref<1x128xi32, #tpu.memory_space<vmem>>
        %dma_wait3A_266 = tpu.memref_squeeze %dma_wait3A_265 : memref<1x128xi32, #tpu.memory_space<vmem>> -> memref<128xi32, #tpu.memory_space<vmem>>
        %dma_wait3A_267 = tpu.memref_slice %arg3[%dma_wait3A, %mul3A_261] : memref<2x320000xi32, #tpu.memory_space<hbm>> -> memref<1x128xi32, #tpu.memory_space<hbm>>
        %dma_wait3A_268 = tpu.memref_squeeze %dma_wait3A_267 : memref<1x128xi32, #tpu.memory_space<hbm>> -> memref<128xi32, #tpu.memory_space<hbm>>
        %dma_wait3A_269 = tpu.memref_slice %arg11[%dma_wait3A_263] : memref<4x!tpu.dma_semaphore, #tpu.memory_space<semaphore_mem>> -> memref<1x!tpu.dma_semaphore, #tpu.memory_space<semaphore_mem>>
        %dma_wait3A_270 = tpu.memref_squeeze %dma_wait3A_269 : memref<1x!tpu.dma_semaphore, #tpu.memory_space<semaphore_mem>> -> memref<!tpu.dma_semaphore, #tpu.memory_space<semaphore_mem>>
        %dma_wait3A_271 = arith.constant 0 : i32
        %dma_wait3A_272 = tpu.memref_slice %arg6[%dma_wait3A_262, %dma_wait3A_271] : memref<4x128xi32, #tpu.memory_space<vmem>> -> memref<1x128xi32, #tpu.memory_space<vmem>>
        %dma_wait3A_273 = tpu.memref_squeeze %dma_wait3A_272 : memref<1x128xi32, #tpu.memory_space<vmem>> -> memref<128xi32, #tpu.memory_space<vmem>>
        %dma_wait3A_274 = tpu.memref_slice %arg3[%dma_wait3A, %mul3A_261] : memref<2x320000xi32, #tpu.memory_space<hbm>> -> memref<1x128xi32, #tpu.memory_space<hbm>>
        %dma_wait3A_275 = tpu.memref_squeeze %dma_wait3A_274 : memref<1x128xi32, #tpu.memory_space<hbm>> -> memref<128xi32, #tpu.memory_space<hbm>>
        tpu.wait_dma2 semaphore(%dma_wait3A_270 : memref<!tpu.dma_semaphore, #tpu.memory_space<semaphore_mem>>) src(%dma_wait3A_275 : memref<128xi32, #tpu.memory_space<hbm>>) dst(%dma_wait3A_273 : memref<128xi32, #tpu.memory_space<vmem>>)
        %mul3A_276 = arith.constant 32 : i32
        %mul3A_277 = arith.muli %add3A_102, %mul3A_276 : i32
        %add3A_278 = arith.addi %add3A, %mul3A_277 : i32
        %mul3A_279 = arith.constant 128 : i32
        %mul3A_280 = arith.muli %add3A_278, %mul3A_279 : i32
        %dma_wait3A_281 = arith.constant 1 : i32
        %dma_wait3A_282 = arith.constant 1 : i32
        %dma_wait3A_283 = arith.constant 1 : i32
        %dma_wait3A_284 = arith.constant 0 : i32
        %dma_wait3A_285 = tpu.memref_slice %arg7[%dma_wait3A_282, %dma_wait3A_284] : memref<4x128xi32, #tpu.memory_space<vmem>> -> memref<1x128xi32, #tpu.memory_space<vmem>>
        %dma_wait3A_286 = tpu.memref_squeeze %dma_wait3A_285 : memref<1x128xi32, #tpu.memory_space<vmem>> -> memref<128xi32, #tpu.memory_space<vmem>>
        %dma_wait3A_287 = tpu.memref_slice %arg3[%dma_wait3A_281, %mul3A_280] : memref<2x320000xi32, #tpu.memory_space<hbm>> -> memref<1x128xi32, #tpu.memory_space<hbm>>
        %dma_wait3A_288 = tpu.memref_squeeze %dma_wait3A_287 : memref<1x128xi32, #tpu.memory_space<hbm>> -> memref<128xi32, #tpu.memory_space<hbm>>
        %dma_wait3A_289 = tpu.memref_slice %arg11[%dma_wait3A_283] : memref<4x!tpu.dma_semaphore, #tpu.memory_space<semaphore_mem>> -> memref<1x!tpu.dma_semaphore, #tpu.memory_space<semaphore_mem>>
        %dma_wait3A_290 = tpu.memref_squeeze %dma_wait3A_289 : memref<1x!tpu.dma_semaphore, #tpu.memory_space<semaphore_mem>> -> memref<!tpu.dma_semaphore, #tpu.memory_space<semaphore_mem>>
        %dma_wait3A_291 = arith.constant 0 : i32
        %dma_wait3A_292 = tpu.memref_slice %arg7[%dma_wait3A_282, %dma_wait3A_291] : memref<4x128xi32, #tpu.memory_space<vmem>> -> memref<1x128xi32, #tpu.memory_space<vmem>>
        %dma_wait3A_293 = tpu.memref_squeeze %dma_wait3A_292 : memref<1x128xi32, #tpu.memory_space<vmem>> -> memref<128xi32, #tpu.memory_space<vmem>>
        %dma_wait3A_294 = tpu.memref_slice %arg3[%dma_wait3A_281, %mul3A_280] : memref<2x320000xi32, #tpu.memory_space<hbm>> -> memref<1x128xi32, #tpu.memory_space<hbm>>
        %dma_wait3A_295 = tpu.memref_squeeze %dma_wait3A_294 : memref<1x128xi32, #tpu.memory_space<hbm>> -> memref<128xi32, #tpu.memory_space<hbm>>
        tpu.wait_dma2 semaphore(%dma_wait3A_290 : memref<!tpu.dma_semaphore, #tpu.memory_space<semaphore_mem>>) src(%dma_wait3A_295 : memref<128xi32, #tpu.memory_space<hbm>>) dst(%dma_wait3A_293 : memref<128xi32, #tpu.memory_space<vmem>>)
        %dma_start3A = arith.constant 1 : i32
        %dma_start3A_296 = arith.constant 1 : i32
        %dma_start3A_297 = arith.constant 1 : i32
        %dma_start3A_298 = arith.constant 0 : i32
        %dma_start3A_299 = arith.constant 0 : i32
        %dma_start3A_300 = tpu.memref_slice %arg8[%dma_start3A_296, %dma_start3A_298, %dma_start3A_299] : memref<4x128x16xf32, #tpu.memory_space<vmem>> -> memref<1x128x16xf32, #tpu.memory_space<vmem>>
        %dma_start3A_301 = tpu.memref_squeeze %dma_start3A_300 : memref<1x128x16xf32, #tpu.memory_space<vmem>> -> memref<128x16xf32, #tpu.memory_space<vmem>>
        %dma_start3A_302 = arith.constant 0 : i32
        %dma_start3A_303 = tpu.memref_slice %arg6[%dma_start3A, %dma_start3A_302] : memref<4x128xi32, #tpu.memory_space<vmem>> -> memref<1x128xi32, #tpu.memory_space<vmem>>
        %dma_start3A_304 = tpu.memref_squeeze %dma_start3A_303 : memref<1x128xi32, #tpu.memory_space<vmem>> -> memref<128xi32, #tpu.memory_space<vmem>>
        %dma_start3A_305 = arith.constant 0 : i32
        %dma_start3A_306 = arith.constant 0 : i32
        %dma_start3A_307 = tpu.memref_slice %arg10[%dma_start3A_305, %dma_start3A_306] : memref<10000x16xf32, #tpu.memory_space<vmem_shared>> -> memref<10000x16xf32, #tpu.memory_space<vmem_shared>>
        %dma_start3A_308 = tpu.memref_slice %arg12[%dma_start3A_297] : memref<4x!tpu.dma_semaphore, #tpu.memory_space<semaphore_mem>> -> memref<1x!tpu.dma_semaphore, #tpu.memory_space<semaphore_mem>>
        %dma_start3A_309 = tpu.memref_squeeze %dma_start3A_308 : memref<1x!tpu.dma_semaphore, #tpu.memory_space<semaphore_mem>> -> memref<!tpu.dma_semaphore, #tpu.memory_space<semaphore_mem>>
        tpu.enqueue_indirect_dma source(%dma_start3A_307 : memref<10000x16xf32, #tpu.memory_space<vmem_shared>>) target(%dma_start3A_301 : memref<128x16xf32, #tpu.memory_space<vmem>>) offsets(%dma_start3A_304 : memref<128xi32, #tpu.memory_space<vmem>>) semaphore(%dma_start3A_309 : memref<!tpu.dma_semaphore, #tpu.memory_space<semaphore_mem>>)
      } else {
      }
      %sub3A_140 = arith.constant 1 : i32
      %sub3A_141 = arith.subi %add3A_102, %sub3A_140 : i32
      %ge3A_142 = arith.constant 0 : i32
      %ge3A_143 = arith.cmpi sge, %sub3A_141, %ge3A_142 : i32
      %mul3A_144 = arith.constant 32 : i32
      %mul3A_145 = arith.muli %sub3A_141, %mul3A_144 : i32
      %add3A_146 = arith.addi %add3A, %mul3A_145 : i32
      %lt3A_147 = arith.constant 2500 : i32
      %lt3A_148 = arith.cmpi slt, %add3A_146, %lt3A_147 : i32
      %and3A_149 = arith.andi %ge3A_143, %lt3A_148 : i1
      %convert_element_type3A_150 = arith.extui %and3A_149 : i1 to i32
      %cond3A_151 = arith.constant 0 : i32
      %cond3A_152 = arith.cmpi ne, %convert_element_type3A_150, %cond3A_151 : i32
      scf.if %cond3A_152 {
        %dma_wait3A = arith.constant 0 : i32
        %dma_wait3A_257 = arith.constant 0 : i32
        %dma_wait3A_258 = arith.constant 0 : i32
        %dma_wait3A_259 = arith.constant 0 : i32
        %dma_wait3A_260 = arith.constant 0 : i32
        %dma_wait3A_261 = tpu.memref_slice %arg8[%dma_wait3A_257, %dma_wait3A_259, %dma_wait3A_260] : memref<4x128x16xf32, #tpu.memory_space<vmem>> -> memref<1x128x16xf32, #tpu.memory_space<vmem>>
        %dma_wait3A_262 = tpu.memref_squeeze %dma_wait3A_261 : memref<1x128x16xf32, #tpu.memory_space<vmem>> -> memref<128x16xf32, #tpu.memory_space<vmem>>
        %dma_wait3A_263 = arith.constant 0 : i32
        %dma_wait3A_264 = tpu.memref_slice %arg6[%dma_wait3A, %dma_wait3A_263] : memref<4x128xi32, #tpu.memory_space<vmem>> -> memref<1x128xi32, #tpu.memory_space<vmem>>
        %dma_wait3A_265 = tpu.memref_squeeze %dma_wait3A_264 : memref<1x128xi32, #tpu.memory_space<vmem>> -> memref<128xi32, #tpu.memory_space<vmem>>
        %dma_wait3A_266 = arith.constant 0 : i32
        %dma_wait3A_267 = arith.constant 0 : i32
        %dma_wait3A_268 = tpu.memref_slice %arg10[%dma_wait3A_266, %dma_wait3A_267] : memref<10000x16xf32, #tpu.memory_space<vmem_shared>> -> memref<10000x16xf32, #tpu.memory_space<vmem_shared>>
        %dma_wait3A_269 = tpu.memref_slice %arg12[%dma_wait3A_258] : memref<4x!tpu.dma_semaphore, #tpu.memory_space<semaphore_mem>> -> memref<1x!tpu.dma_semaphore, #tpu.memory_space<semaphore_mem>>
        %dma_wait3A_270 = tpu.memref_squeeze %dma_wait3A_269 : memref<1x!tpu.dma_semaphore, #tpu.memory_space<semaphore_mem>> -> memref<!tpu.dma_semaphore, #tpu.memory_space<semaphore_mem>>
        tpu.wait_indirect_dma semaphore(%dma_wait3A_270 : memref<!tpu.dma_semaphore, #tpu.memory_space<semaphore_mem>>) src(%dma_wait3A_268 : memref<10000x16xf32, #tpu.memory_space<vmem_shared>>) dst(%dma_wait3A_262 : memref<128x16xf32, #tpu.memory_space<vmem>>)
        %dma_start3A = arith.constant 0 : i32
        %dma_start3A_271 = arith.constant 0 : i32
        %dma_start3A_272 = arith.constant 0 : i32
        %dma_start3A_273 = arith.constant 0 : i32
        %dma_start3A_274 = arith.constant 0 : i32
        %dma_start3A_275 = tpu.memref_slice %arg8[%dma_start3A, %dma_start3A_273, %dma_start3A_274] : memref<4x128x16xf32, #tpu.memory_space<vmem>> -> memref<1x128x16xf32, #tpu.memory_space<vmem>>
        %dma_start3A_276 = tpu.memref_squeeze %dma_start3A_275 : memref<1x128x16xf32, #tpu.memory_space<vmem>> -> memref<128x16xf32, #tpu.memory_space<vmem>>
        %dma_start3A_277 = arith.constant 0 : i32
        %dma_start3A_278 = tpu.memref_slice %arg7[%dma_start3A_271, %dma_start3A_277] : memref<4x128xi32, #tpu.memory_space<vmem>> -> memref<1x128xi32, #tpu.memory_space<vmem>>
        %dma_start3A_279 = tpu.memref_squeeze %dma_start3A_278 : memref<1x128xi32, #tpu.memory_space<vmem>> -> memref<128xi32, #tpu.memory_space<vmem>>
        %dma_start3A_280 = arith.constant 0 : i32
        %dma_start3A_281 = arith.constant 0 : i32
        %dma_start3A_282 = tpu.memref_slice %arg9[%dma_start3A_280, %dma_start3A_281] : memref<10240x16xf32, #tpu.memory_space<vmem_shared>> -> memref<10240x16xf32, #tpu.memory_space<vmem_shared>>
        %dma_start3A_283 = tpu.memref_slice %arg13[%dma_start3A_272] : memref<4x!tpu.dma_semaphore, #tpu.memory_space<semaphore_mem>> -> memref<1x!tpu.dma_semaphore, #tpu.memory_space<semaphore_mem>>
        %dma_start3A_284 = tpu.memref_squeeze %dma_start3A_283 : memref<1x!tpu.dma_semaphore, #tpu.memory_space<semaphore_mem>> -> memref<!tpu.dma_semaphore, #tpu.memory_space<semaphore_mem>>
        tpu.enqueue_indirect_dma source(%dma_start3A_276 : memref<128x16xf32, #tpu.memory_space<vmem>>) target(%dma_start3A_282 : memref<10240x16xf32, #tpu.memory_space<vmem_shared>>) offsets(%dma_start3A_279 : memref<128xi32, #tpu.memory_space<vmem>>) semaphore(%dma_start3A_284 : memref<!tpu.dma_semaphore, #tpu.memory_space<semaphore_mem>>) {add = true}
      } else {
      }
      %add3A_153 = arith.constant 2 : i32
      %add3A_154 = arith.addi %mul3A_50, %add3A_153 : i32
      %sub3A_155 = arith.constant 2 : i32
      %sub3A_156 = arith.subi %add3A_154, %sub3A_155 : i32
      %ge3A_157 = arith.constant 0 : i32
      %ge3A_158 = arith.cmpi sge, %sub3A_156, %ge3A_157 : i32
      %mul3A_159 = arith.constant 32 : i32
      %mul3A_160 = arith.muli %sub3A_156, %mul3A_159 : i32
      %add3A_161 = arith.addi %add3A, %mul3A_160 : i32
      %lt3A_162 = arith.constant 2500 : i32
      %lt3A_163 = arith.cmpi slt, %add3A_161, %lt3A_162 : i32
      %and3A_164 = arith.andi %ge3A_158, %lt3A_163 : i1
      %convert_element_type3A_165 = arith.extui %and3A_164 : i1 to i32
      %cond3A_166 = arith.constant 0 : i32
      %cond3A_167 = arith.cmpi ne, %convert_element_type3A_165, %cond3A_166 : i32
      scf.if %cond3A_167 {
        %dma_wait3A = arith.constant 0 : i32
        %dma_wait3A_257 = arith.constant 0 : i32
        %dma_wait3A_258 = arith.constant 0 : i32
        %dma_wait3A_259 = arith.constant 0 : i32
        %dma_wait3A_260 = arith.constant 0 : i32
        %dma_wait3A_261 = tpu.memref_slice %arg8[%dma_wait3A, %dma_wait3A_259, %dma_wait3A_260] : memref<4x128x16xf32, #tpu.memory_space<vmem>> -> memref<1x128x16xf32, #tpu.memory_space<vmem>>
        %dma_wait3A_262 = tpu.memref_squeeze %dma_wait3A_261 : memref<1x128x16xf32, #tpu.memory_space<vmem>> -> memref<128x16xf32, #tpu.memory_space<vmem>>
        %dma_wait3A_263 = arith.constant 0 : i32
        %dma_wait3A_264 = tpu.memref_slice %arg7[%dma_wait3A_257, %dma_wait3A_263] : memref<4x128xi32, #tpu.memory_space<vmem>> -> memref<1x128xi32, #tpu.memory_space<vmem>>
        %dma_wait3A_265 = tpu.memref_squeeze %dma_wait3A_264 : memref<1x128xi32, #tpu.memory_space<vmem>> -> memref<128xi32, #tpu.memory_space<vmem>>
        %dma_wait3A_266 = arith.constant 0 : i32
        %dma_wait3A_267 = arith.constant 0 : i32
        %dma_wait3A_268 = tpu.memref_slice %arg9[%dma_wait3A_266, %dma_wait3A_267] : memref<10240x16xf32, #tpu.memory_space<vmem_shared>> -> memref<10240x16xf32, #tpu.memory_space<vmem_shared>>
        %dma_wait3A_269 = tpu.memref_slice %arg13[%dma_wait3A_258] : memref<4x!tpu.dma_semaphore, #tpu.memory_space<semaphore_mem>> -> memref<1x!tpu.dma_semaphore, #tpu.memory_space<semaphore_mem>>
        %dma_wait3A_270 = tpu.memref_squeeze %dma_wait3A_269 : memref<1x!tpu.dma_semaphore, #tpu.memory_space<semaphore_mem>> -> memref<!tpu.dma_semaphore, #tpu.memory_space<semaphore_mem>>
        tpu.wait_indirect_dma semaphore(%dma_wait3A_270 : memref<!tpu.dma_semaphore, #tpu.memory_space<semaphore_mem>>) src(%dma_wait3A_262 : memref<128x16xf32, #tpu.memory_space<vmem>>) dst(%dma_wait3A_268 : memref<10240x16xf32, #tpu.memory_space<vmem_shared>>)
      } else {
      }
      %add3A_168 = arith.constant 2 : i32
      %add3A_169 = arith.addi %add3A_154, %add3A_168 : i32
      %ge3A_170 = arith.constant 0 : i32
      %ge3A_171 = arith.cmpi sge, %add3A_169, %ge3A_170 : i32
      %mul3A_172 = arith.constant 32 : i32
      %mul3A_173 = arith.muli %add3A_169, %mul3A_172 : i32
      %add3A_174 = arith.addi %add3A, %mul3A_173 : i32
      %lt3A_175 = arith.constant 2500 : i32
      %lt3A_176 = arith.cmpi slt, %add3A_174, %lt3A_175 : i32
      %and3A_177 = arith.andi %ge3A_171, %lt3A_176 : i1
      %convert_element_type3A_178 = arith.extui %and3A_177 : i1 to i32
      %cond3A_179 = arith.constant 0 : i32
      %cond3A_180 = arith.cmpi ne, %convert_element_type3A_178, %cond3A_179 : i32
      scf.if %cond3A_180 {
        %mul3A_257 = arith.constant 32 : i32
        %mul3A_258 = arith.muli %add3A_169, %mul3A_257 : i32
        %add3A_259 = arith.addi %add3A, %mul3A_258 : i32
        %mul3A_260 = arith.constant 128 : i32
        %mul3A_261 = arith.muli %add3A_259, %mul3A_260 : i32
        %dma_start3A = arith.constant 0 : i32
        %dma_start3A_262 = arith.constant 0 : i32
        %dma_start3A_263 = arith.constant 0 : i32
        %dma_start3A_264 = arith.constant 0 : i32
        %dma_start3A_265 = tpu.memref_slice %arg6[%dma_start3A_262, %dma_start3A_264] : memref<4x128xi32, #tpu.memory_space<vmem>> -> memref<1x128xi32, #tpu.memory_space<vmem>>
        %dma_start3A_266 = tpu.memref_squeeze %dma_start3A_265 : memref<1x128xi32, #tpu.memory_space<vmem>> -> memref<128xi32, #tpu.memory_space<vmem>>
        %dma_start3A_267 = tpu.memref_slice %arg3[%dma_start3A, %mul3A_261] : memref<2x320000xi32, #tpu.memory_space<hbm>> -> memref<1x128xi32, #tpu.memory_space<hbm>>
        %dma_start3A_268 = tpu.memref_squeeze %dma_start3A_267 : memref<1x128xi32, #tpu.memory_space<hbm>> -> memref<128xi32, #tpu.memory_space<hbm>>
        %dma_start3A_269 = tpu.memref_slice %arg11[%dma_start3A_263] : memref<4x!tpu.dma_semaphore, #tpu.memory_space<semaphore_mem>> -> memref<1x!tpu.dma_semaphore, #tpu.memory_space<semaphore_mem>>
        %dma_start3A_270 = tpu.memref_squeeze %dma_start3A_269 : memref<1x!tpu.dma_semaphore, #tpu.memory_space<semaphore_mem>> -> memref<!tpu.dma_semaphore, #tpu.memory_space<semaphore_mem>>
        %dma_start3A_271 = arith.constant 0 : i32
        %dma_start3A_272 = tpu.memref_slice %arg6[%dma_start3A_262, %dma_start3A_271] : memref<4x128xi32, #tpu.memory_space<vmem>> -> memref<1x128xi32, #tpu.memory_space<vmem>>
        %dma_start3A_273 = tpu.memref_squeeze %dma_start3A_272 : memref<1x128xi32, #tpu.memory_space<vmem>> -> memref<128xi32, #tpu.memory_space<vmem>>
        %dma_start3A_274 = tpu.memref_slice %arg3[%dma_start3A, %mul3A_261] : memref<2x320000xi32, #tpu.memory_space<hbm>> -> memref<1x128xi32, #tpu.memory_space<hbm>>
        %dma_start3A_275 = tpu.memref_squeeze %dma_start3A_274 : memref<1x128xi32, #tpu.memory_space<hbm>> -> memref<128xi32, #tpu.memory_space<hbm>>
        tpu.enqueue_dma source(%dma_start3A_275 : memref<128xi32, #tpu.memory_space<hbm>>) target(%dma_start3A_273 : memref<128xi32, #tpu.memory_space<vmem>>) target_semaphore(%dma_start3A_270 : memref<!tpu.dma_semaphore, #tpu.memory_space<semaphore_mem>>)
        %mul3A_276 = arith.constant 32 : i32
        %mul3A_277 = arith.muli %add3A_169, %mul3A_276 : i32
        %add3A_278 = arith.addi %add3A, %mul3A_277 : i32
        %mul3A_279 = arith.constant 128 : i32
        %mul3A_280 = arith.muli %add3A_278, %mul3A_279 : i32
        %dma_start3A_281 = arith.constant 1 : i32
        %dma_start3A_282 = arith.constant 0 : i32
        %dma_start3A_283 = arith.constant 0 : i32
        %dma_start3A_284 = arith.constant 0 : i32
        %dma_start3A_285 = tpu.memref_slice %arg7[%dma_start3A_282, %dma_start3A_284] : memref<4x128xi32, #tpu.memory_space<vmem>> -> memref<1x128xi32, #tpu.memory_space<vmem>>
        %dma_start3A_286 = tpu.memref_squeeze %dma_start3A_285 : memref<1x128xi32, #tpu.memory_space<vmem>> -> memref<128xi32, #tpu.memory_space<vmem>>
        %dma_start3A_287 = tpu.memref_slice %arg3[%dma_start3A_281, %mul3A_280] : memref<2x320000xi32, #tpu.memory_space<hbm>> -> memref<1x128xi32, #tpu.memory_space<hbm>>
        %dma_start3A_288 = tpu.memref_squeeze %dma_start3A_287 : memref<1x128xi32, #tpu.memory_space<hbm>> -> memref<128xi32, #tpu.memory_space<hbm>>
        %dma_start3A_289 = tpu.memref_slice %arg11[%dma_start3A_283] : memref<4x!tpu.dma_semaphore, #tpu.memory_space<semaphore_mem>> -> memref<1x!tpu.dma_semaphore, #tpu.memory_space<semaphore_mem>>
        %dma_start3A_290 = tpu.memref_squeeze %dma_start3A_289 : memref<1x!tpu.dma_semaphore, #tpu.memory_space<semaphore_mem>> -> memref<!tpu.dma_semaphore, #tpu.memory_space<semaphore_mem>>
        %dma_start3A_291 = arith.constant 0 : i32
        %dma_start3A_292 = tpu.memref_slice %arg7[%dma_start3A_282, %dma_start3A_291] : memref<4x128xi32, #tpu.memory_space<vmem>> -> memref<1x128xi32, #tpu.memory_space<vmem>>
        %dma_start3A_293 = tpu.memref_squeeze %dma_start3A_292 : memref<1x128xi32, #tpu.memory_space<vmem>> -> memref<128xi32, #tpu.memory_space<vmem>>
        %dma_start3A_294 = tpu.memref_slice %arg3[%dma_start3A_281, %mul3A_280] : memref<2x320000xi32, #tpu.memory_space<hbm>> -> memref<1x128xi32, #tpu.memory_space<hbm>>
        %dma_start3A_295 = tpu.memref_squeeze %dma_start3A_294 : memref<1x128xi32, #tpu.memory_space<hbm>> -> memref<128xi32, #tpu.memory_space<hbm>>
        tpu.enqueue_dma source(%dma_start3A_295 : memref<128xi32, #tpu.memory_space<hbm>>) target(%dma_start3A_293 : memref<128xi32, #tpu.memory_space<vmem>>) target_semaphore(%dma_start3A_290 : memref<!tpu.dma_semaphore, #tpu.memory_space<semaphore_mem>>)
      } else {
      }
      %ge3A_181 = arith.constant 0 : i32
      %ge3A_182 = arith.cmpi sge, %add3A_154, %ge3A_181 : i32
      %mul3A_183 = arith.constant 32 : i32
      %mul3A_184 = arith.muli %add3A_154, %mul3A_183 : i32
      %add3A_185 = arith.addi %add3A, %mul3A_184 : i32
      %lt3A_186 = arith.constant 2500 : i32
      %lt3A_187 = arith.cmpi slt, %add3A_185, %lt3A_186 : i32
      %and3A_188 = arith.andi %ge3A_182, %lt3A_187 : i1
      %convert_element_type3A_189 = arith.extui %and3A_188 : i1 to i32
      %cond3A_190 = arith.constant 0 : i32
      %cond3A_191 = arith.cmpi ne, %convert_element_type3A_189, %cond3A_190 : i32
      scf.if %cond3A_191 {
        %mul3A_257 = arith.constant 32 : i32
        %mul3A_258 = arith.muli %add3A_154, %mul3A_257 : i32
        %add3A_259 = arith.addi %add3A, %mul3A_258 : i32
        %mul3A_260 = arith.constant 128 : i32
        %mul3A_261 = arith.muli %add3A_259, %mul3A_260 : i32
        %dma_wait3A = arith.constant 0 : i32
        %dma_wait3A_262 = arith.constant 2 : i32
        %dma_wait3A_263 = arith.constant 2 : i32
        %dma_wait3A_264 = arith.constant 0 : i32
        %dma_wait3A_265 = tpu.memref_slice %arg6[%dma_wait3A_262, %dma_wait3A_264] : memref<4x128xi32, #tpu.memory_space<vmem>> -> memref<1x128xi32, #tpu.memory_space<vmem>>
        %dma_wait3A_266 = tpu.memref_squeeze %dma_wait3A_265 : memref<1x128xi32, #tpu.memory_space<vmem>> -> memref<128xi32, #tpu.memory_space<vmem>>
        %dma_wait3A_267 = tpu.memref_slice %arg3[%dma_wait3A, %mul3A_261] : memref<2x320000xi32, #tpu.memory_space<hbm>> -> memref<1x128xi32, #tpu.memory_space<hbm>>
        %dma_wait3A_268 = tpu.memref_squeeze %dma_wait3A_267 : memref<1x128xi32, #tpu.memory_space<hbm>> -> memref<128xi32, #tpu.memory_space<hbm>>
        %dma_wait3A_269 = tpu.memref_slice %arg11[%dma_wait3A_263] : memref<4x!tpu.dma_semaphore, #tpu.memory_space<semaphore_mem>> -> memref<1x!tpu.dma_semaphore, #tpu.memory_space<semaphore_mem>>
        %dma_wait3A_270 = tpu.memref_squeeze %dma_wait3A_269 : memref<1x!tpu.dma_semaphore, #tpu.memory_space<semaphore_mem>> -> memref<!tpu.dma_semaphore, #tpu.memory_space<semaphore_mem>>
        %dma_wait3A_271 = arith.constant 0 : i32
        %dma_wait3A_272 = tpu.memref_slice %arg6[%dma_wait3A_262, %dma_wait3A_271] : memref<4x128xi32, #tpu.memory_space<vmem>> -> memref<1x128xi32, #tpu.memory_space<vmem>>
        %dma_wait3A_273 = tpu.memref_squeeze %dma_wait3A_272 : memref<1x128xi32, #tpu.memory_space<vmem>> -> memref<128xi32, #tpu.memory_space<vmem>>
        %dma_wait3A_274 = tpu.memref_slice %arg3[%dma_wait3A, %mul3A_261] : memref<2x320000xi32, #tpu.memory_space<hbm>> -> memref<1x128xi32, #tpu.memory_space<hbm>>
        %dma_wait3A_275 = tpu.memref_squeeze %dma_wait3A_274 : memref<1x128xi32, #tpu.memory_space<hbm>> -> memref<128xi32, #tpu.memory_space<hbm>>
        tpu.wait_dma2 semaphore(%dma_wait3A_270 : memref<!tpu.dma_semaphore, #tpu.memory_space<semaphore_mem>>) src(%dma_wait3A_275 : memref<128xi32, #tpu.memory_space<hbm>>) dst(%dma_wait3A_273 : memref<128xi32, #tpu.memory_space<vmem>>)
        %mul3A_276 = arith.constant 32 : i32
        %mul3A_277 = arith.muli %add3A_154, %mul3A_276 : i32
        %add3A_278 = arith.addi %add3A, %mul3A_277 : i32
        %mul3A_279 = arith.constant 128 : i32
        %mul3A_280 = arith.muli %add3A_278, %mul3A_279 : i32
        %dma_wait3A_281 = arith.constant 1 : i32
        %dma_wait3A_282 = arith.constant 2 : i32
        %dma_wait3A_283 = arith.constant 2 : i32
        %dma_wait3A_284 = arith.constant 0 : i32
        %dma_wait3A_285 = tpu.memref_slice %arg7[%dma_wait3A_282, %dma_wait3A_284] : memref<4x128xi32, #tpu.memory_space<vmem>> -> memref<1x128xi32, #tpu.memory_space<vmem>>
        %dma_wait3A_286 = tpu.memref_squeeze %dma_wait3A_285 : memref<1x128xi32, #tpu.memory_space<vmem>> -> memref<128xi32, #tpu.memory_space<vmem>>
        %dma_wait3A_287 = tpu.memref_slice %arg3[%dma_wait3A_281, %mul3A_280] : memref<2x320000xi32, #tpu.memory_space<hbm>> -> memref<1x128xi32, #tpu.memory_space<hbm>>
        %dma_wait3A_288 = tpu.memref_squeeze %dma_wait3A_287 : memref<1x128xi32, #tpu.memory_space<hbm>> -> memref<128xi32, #tpu.memory_space<hbm>>
        %dma_wait3A_289 = tpu.memref_slice %arg11[%dma_wait3A_283] : memref<4x!tpu.dma_semaphore, #tpu.memory_space<semaphore_mem>> -> memref<1x!tpu.dma_semaphore, #tpu.memory_space<semaphore_mem>>
        %dma_wait3A_290 = tpu.memref_squeeze %dma_wait3A_289 : memref<1x!tpu.dma_semaphore, #tpu.memory_space<semaphore_mem>> -> memref<!tpu.dma_semaphore, #tpu.memory_space<semaphore_mem>>
        %dma_wait3A_291 = arith.constant 0 : i32
        %dma_wait3A_292 = tpu.memref_slice %arg7[%dma_wait3A_282, %dma_wait3A_291] : memref<4x128xi32, #tpu.memory_space<vmem>> -> memref<1x128xi32, #tpu.memory_space<vmem>>
        %dma_wait3A_293 = tpu.memref_squeeze %dma_wait3A_292 : memref<1x128xi32, #tpu.memory_space<vmem>> -> memref<128xi32, #tpu.memory_space<vmem>>
        %dma_wait3A_294 = tpu.memref_slice %arg3[%dma_wait3A_281, %mul3A_280] : memref<2x320000xi32, #tpu.memory_space<hbm>> -> memref<1x128xi32, #tpu.memory_space<hbm>>
        %dma_wait3A_295 = tpu.memref_squeeze %dma_wait3A_294 : memref<1x128xi32, #tpu.memory_space<hbm>> -> memref<128xi32, #tpu.memory_space<hbm>>
        tpu.wait_dma2 semaphore(%dma_wait3A_290 : memref<!tpu.dma_semaphore, #tpu.memory_space<semaphore_mem>>) src(%dma_wait3A_295 : memref<128xi32, #tpu.memory_space<hbm>>) dst(%dma_wait3A_293 : memref<128xi32, #tpu.memory_space<vmem>>)
        %dma_start3A = arith.constant 2 : i32
        %dma_start3A_296 = arith.constant 2 : i32
        %dma_start3A_297 = arith.constant 2 : i32
        %dma_start3A_298 = arith.constant 0 : i32
        %dma_start3A_299 = arith.constant 0 : i32
        %dma_start3A_300 = tpu.memref_slice %arg8[%dma_start3A_296, %dma_start3A_298, %dma_start3A_299] : memref<4x128x16xf32, #tpu.memory_space<vmem>> -> memref<1x128x16xf32, #tpu.memory_space<vmem>>
        %dma_start3A_301 = tpu.memref_squeeze %dma_start3A_300 : memref<1x128x16xf32, #tpu.memory_space<vmem>> -> memref<128x16xf32, #tpu.memory_space<vmem>>
        %dma_start3A_302 = arith.constant 0 : i32
        %dma_start3A_303 = tpu.memref_slice %arg6[%dma_start3A, %dma_start3A_302] : memref<4x128xi32, #tpu.memory_space<vmem>> -> memref<1x128xi32, #tpu.memory_space<vmem>>
        %dma_start3A_304 = tpu.memref_squeeze %dma_start3A_303 : memref<1x128xi32, #tpu.memory_space<vmem>> -> memref<128xi32, #tpu.memory_space<vmem>>
        %dma_start3A_305 = arith.constant 0 : i32
        %dma_start3A_306 = arith.constant 0 : i32
        %dma_start3A_307 = tpu.memref_slice %arg10[%dma_start3A_305, %dma_start3A_306] : memref<10000x16xf32, #tpu.memory_space<vmem_shared>> -> memref<10000x16xf32, #tpu.memory_space<vmem_shared>>
        %dma_start3A_308 = tpu.memref_slice %arg12[%dma_start3A_297] : memref<4x!tpu.dma_semaphore, #tpu.memory_space<semaphore_mem>> -> memref<1x!tpu.dma_semaphore, #tpu.memory_space<semaphore_mem>>
        %dma_start3A_309 = tpu.memref_squeeze %dma_start3A_308 : memref<1x!tpu.dma_semaphore, #tpu.memory_space<semaphore_mem>> -> memref<!tpu.dma_semaphore, #tpu.memory_space<semaphore_mem>>
        tpu.enqueue_indirect_dma source(%dma_start3A_307 : memref<10000x16xf32, #tpu.memory_space<vmem_shared>>) target(%dma_start3A_301 : memref<128x16xf32, #tpu.memory_space<vmem>>) offsets(%dma_start3A_304 : memref<128xi32, #tpu.memory_space<vmem>>) semaphore(%dma_start3A_309 : memref<!tpu.dma_semaphore, #tpu.memory_space<semaphore_mem>>)
      } else {
      }
      %sub3A_192 = arith.constant 1 : i32
      %sub3A_193 = arith.subi %add3A_154, %sub3A_192 : i32
      %ge3A_194 = arith.constant 0 : i32
      %ge3A_195 = arith.cmpi sge, %sub3A_193, %ge3A_194 : i32
      %mul3A_196 = arith.constant 32 : i32
      %mul3A_197 = arith.muli %sub3A_193, %mul3A_196 : i32
      %add3A_198 = arith.addi %add3A, %mul3A_197 : i32
      %lt3A_199 = arith.constant 2500 : i32
      %lt3A_200 = arith.cmpi slt, %add3A_198, %lt3A_199 : i32
      %and3A_201 = arith.andi %ge3A_195, %lt3A_200 : i1
      %convert_element_type3A_202 = arith.extui %and3A_201 : i1 to i32
      %cond3A_203 = arith.constant 0 : i32
      %cond3A_204 = arith.cmpi ne, %convert_element_type3A_202, %cond3A_203 : i32
      scf.if %cond3A_204 {
        %dma_wait3A = arith.constant 1 : i32
        %dma_wait3A_257 = arith.constant 1 : i32
        %dma_wait3A_258 = arith.constant 1 : i32
        %dma_wait3A_259 = arith.constant 0 : i32
        %dma_wait3A_260 = arith.constant 0 : i32
        %dma_wait3A_261 = tpu.memref_slice %arg8[%dma_wait3A_257, %dma_wait3A_259, %dma_wait3A_260] : memref<4x128x16xf32, #tpu.memory_space<vmem>> -> memref<1x128x16xf32, #tpu.memory_space<vmem>>
        %dma_wait3A_262 = tpu.memref_squeeze %dma_wait3A_261 : memref<1x128x16xf32, #tpu.memory_space<vmem>> -> memref<128x16xf32, #tpu.memory_space<vmem>>
        %dma_wait3A_263 = arith.constant 0 : i32
        %dma_wait3A_264 = tpu.memref_slice %arg6[%dma_wait3A, %dma_wait3A_263] : memref<4x128xi32, #tpu.memory_space<vmem>> -> memref<1x128xi32, #tpu.memory_space<vmem>>
        %dma_wait3A_265 = tpu.memref_squeeze %dma_wait3A_264 : memref<1x128xi32, #tpu.memory_space<vmem>> -> memref<128xi32, #tpu.memory_space<vmem>>
        %dma_wait3A_266 = arith.constant 0 : i32
        %dma_wait3A_267 = arith.constant 0 : i32
        %dma_wait3A_268 = tpu.memref_slice %arg10[%dma_wait3A_266, %dma_wait3A_267] : memref<10000x16xf32, #tpu.memory_space<vmem_shared>> -> memref<10000x16xf32, #tpu.memory_space<vmem_shared>>
        %dma_wait3A_269 = tpu.memref_slice %arg12[%dma_wait3A_258] : memref<4x!tpu.dma_semaphore, #tpu.memory_space<semaphore_mem>> -> memref<1x!tpu.dma_semaphore, #tpu.memory_space<semaphore_mem>>
        %dma_wait3A_270 = tpu.memref_squeeze %dma_wait3A_269 : memref<1x!tpu.dma_semaphore, #tpu.memory_space<semaphore_mem>> -> memref<!tpu.dma_semaphore, #tpu.memory_space<semaphore_mem>>
        tpu.wait_indirect_dma semaphore(%dma_wait3A_270 : memref<!tpu.dma_semaphore, #tpu.memory_space<semaphore_mem>>) src(%dma_wait3A_268 : memref<10000x16xf32, #tpu.memory_space<vmem_shared>>) dst(%dma_wait3A_262 : memref<128x16xf32, #tpu.memory_space<vmem>>)
        %dma_start3A = arith.constant 1 : i32
        %dma_start3A_271 = arith.constant 1 : i32
        %dma_start3A_272 = arith.constant 1 : i32
        %dma_start3A_273 = arith.constant 0 : i32
        %dma_start3A_274 = arith.constant 0 : i32
        %dma_start3A_275 = tpu.memref_slice %arg8[%dma_start3A, %dma_start3A_273, %dma_start3A_274] : memref<4x128x16xf32, #tpu.memory_space<vmem>> -> memref<1x128x16xf32, #tpu.memory_space<vmem>>
        %dma_start3A_276 = tpu.memref_squeeze %dma_start3A_275 : memref<1x128x16xf32, #tpu.memory_space<vmem>> -> memref<128x16xf32, #tpu.memory_space<vmem>>
        %dma_start3A_277 = arith.constant 0 : i32
        %dma_start3A_278 = tpu.memref_slice %arg7[%dma_start3A_271, %dma_start3A_277] : memref<4x128xi32, #tpu.memory_space<vmem>> -> memref<1x128xi32, #tpu.memory_space<vmem>>
        %dma_start3A_279 = tpu.memref_squeeze %dma_start3A_278 : memref<1x128xi32, #tpu.memory_space<vmem>> -> memref<128xi32, #tpu.memory_space<vmem>>
        %dma_start3A_280 = arith.constant 0 : i32
        %dma_start3A_281 = arith.constant 0 : i32
        %dma_start3A_282 = tpu.memref_slice %arg9[%dma_start3A_280, %dma_start3A_281] : memref<10240x16xf32, #tpu.memory_space<vmem_shared>> -> memref<10240x16xf32, #tpu.memory_space<vmem_shared>>
        %dma_start3A_283 = tpu.memref_slice %arg13[%dma_start3A_272] : memref<4x!tpu.dma_semaphore, #tpu.memory_space<semaphore_mem>> -> memref<1x!tpu.dma_semaphore, #tpu.memory_space<semaphore_mem>>
        %dma_start3A_284 = tpu.memref_squeeze %dma_start3A_283 : memref<1x!tpu.dma_semaphore, #tpu.memory_space<semaphore_mem>> -> memref<!tpu.dma_semaphore, #tpu.memory_space<semaphore_mem>>
        tpu.enqueue_indirect_dma source(%dma_start3A_276 : memref<128x16xf32, #tpu.memory_space<vmem>>) target(%dma_start3A_282 : memref<10240x16xf32, #tpu.memory_space<vmem_shared>>) offsets(%dma_start3A_279 : memref<128xi32, #tpu.memory_space<vmem>>) semaphore(%dma_start3A_284 : memref<!tpu.dma_semaphore, #tpu.memory_space<semaphore_mem>>) {add = true}
      } else {
      }
      %add3A_205 = arith.constant 3 : i32
      %add3A_206 = arith.addi %mul3A_50, %add3A_205 : i32
      %sub3A_207 = arith.constant 2 : i32
      %sub3A_208 = arith.subi %add3A_206, %sub3A_207 : i32
      %ge3A_209 = arith.constant 0 : i32
      %ge3A_210 = arith.cmpi sge, %sub3A_208, %ge3A_209 : i32
      %mul3A_211 = arith.constant 32 : i32
      %mul3A_212 = arith.muli %sub3A_208, %mul3A_211 : i32
      %add3A_213 = arith.addi %add3A, %mul3A_212 : i32
      %lt3A_214 = arith.constant 2500 : i32
      %lt3A_215 = arith.cmpi slt, %add3A_213, %lt3A_214 : i32
      %and3A_216 = arith.andi %ge3A_210, %lt3A_215 : i1
      %convert_element_type3A_217 = arith.extui %and3A_216 : i1 to i32
      %cond3A_218 = arith.constant 0 : i32
      %cond3A_219 = arith.cmpi ne, %convert_element_type3A_217, %cond3A_218 : i32
      scf.if %cond3A_219 {
        %dma_wait3A = arith.constant 1 : i32
        %dma_wait3A_257 = arith.constant 1 : i32
        %dma_wait3A_258 = arith.constant 1 : i32
        %dma_wait3A_259 = arith.constant 0 : i32
        %dma_wait3A_260 = arith.constant 0 : i32
        %dma_wait3A_261 = tpu.memref_slice %arg8[%dma_wait3A, %dma_wait3A_259, %dma_wait3A_260] : memref<4x128x16xf32, #tpu.memory_space<vmem>> -> memref<1x128x16xf32, #tpu.memory_space<vmem>>
        %dma_wait3A_262 = tpu.memref_squeeze %dma_wait3A_261 : memref<1x128x16xf32, #tpu.memory_space<vmem>> -> memref<128x16xf32, #tpu.memory_space<vmem>>
        %dma_wait3A_263 = arith.constant 0 : i32
        %dma_wait3A_264 = tpu.memref_slice %arg7[%dma_wait3A_257, %dma_wait3A_263] : memref<4x128xi32, #tpu.memory_space<vmem>> -> memref<1x128xi32, #tpu.memory_space<vmem>>
        %dma_wait3A_265 = tpu.memref_squeeze %dma_wait3A_264 : memref<1x128xi32, #tpu.memory_space<vmem>> -> memref<128xi32, #tpu.memory_space<vmem>>
        %dma_wait3A_266 = arith.constant 0 : i32
        %dma_wait3A_267 = arith.constant 0 : i32
        %dma_wait3A_268 = tpu.memref_slice %arg9[%dma_wait3A_266, %dma_wait3A_267] : memref<10240x16xf32, #tpu.memory_space<vmem_shared>> -> memref<10240x16xf32, #tpu.memory_space<vmem_shared>>
        %dma_wait3A_269 = tpu.memref_slice %arg13[%dma_wait3A_258] : memref<4x!tpu.dma_semaphore, #tpu.memory_space<semaphore_mem>> -> memref<1x!tpu.dma_semaphore, #tpu.memory_space<semaphore_mem>>
        %dma_wait3A_270 = tpu.memref_squeeze %dma_wait3A_269 : memref<1x!tpu.dma_semaphore, #tpu.memory_space<semaphore_mem>> -> memref<!tpu.dma_semaphore, #tpu.memory_space<semaphore_mem>>
        tpu.wait_indirect_dma semaphore(%dma_wait3A_270 : memref<!tpu.dma_semaphore, #tpu.memory_space<semaphore_mem>>) src(%dma_wait3A_262 : memref<128x16xf32, #tpu.memory_space<vmem>>) dst(%dma_wait3A_268 : memref<10240x16xf32, #tpu.memory_space<vmem_shared>>)
      } else {
      }
      %add3A_220 = arith.constant 2 : i32
      %add3A_221 = arith.addi %add3A_206, %add3A_220 : i32
      %ge3A_222 = arith.constant 0 : i32
      %ge3A_223 = arith.cmpi sge, %add3A_221, %ge3A_222 : i32
      %mul3A_224 = arith.constant 32 : i32
      %mul3A_225 = arith.muli %add3A_221, %mul3A_224 : i32
      %add3A_226 = arith.addi %add3A, %mul3A_225 : i32
      %lt3A_227 = arith.constant 2500 : i32
      %lt3A_228 = arith.cmpi slt, %add3A_226, %lt3A_227 : i32
      %and3A_229 = arith.andi %ge3A_223, %lt3A_228 : i1
      %convert_element_type3A_230 = arith.extui %and3A_229 : i1 to i32
      %cond3A_231 = arith.constant 0 : i32
      %cond3A_232 = arith.cmpi ne, %convert_element_type3A_230, %cond3A_231 : i32
      scf.if %cond3A_232 {
        %mul3A_257 = arith.constant 32 : i32
        %mul3A_258 = arith.muli %add3A_221, %mul3A_257 : i32
        %add3A_259 = arith.addi %add3A, %mul3A_258 : i32
        %mul3A_260 = arith.constant 128 : i32
        %mul3A_261 = arith.muli %add3A_259, %mul3A_260 : i32
        %dma_start3A = arith.constant 0 : i32
        %dma_start3A_262 = arith.constant 1 : i32
        %dma_start3A_263 = arith.constant 1 : i32
        %dma_start3A_264 = arith.constant 0 : i32
        %dma_start3A_265 = tpu.memref_slice %arg6[%dma_start3A_262, %dma_start3A_264] : memref<4x128xi32, #tpu.memory_space<vmem>> -> memref<1x128xi32, #tpu.memory_space<vmem>>
        %dma_start3A_266 = tpu.memref_squeeze %dma_start3A_265 : memref<1x128xi32, #tpu.memory_space<vmem>> -> memref<128xi32, #tpu.memory_space<vmem>>
        %dma_start3A_267 = tpu.memref_slice %arg3[%dma_start3A, %mul3A_261] : memref<2x320000xi32, #tpu.memory_space<hbm>> -> memref<1x128xi32, #tpu.memory_space<hbm>>
        %dma_start3A_268 = tpu.memref_squeeze %dma_start3A_267 : memref<1x128xi32, #tpu.memory_space<hbm>> -> memref<128xi32, #tpu.memory_space<hbm>>
        %dma_start3A_269 = tpu.memref_slice %arg11[%dma_start3A_263] : memref<4x!tpu.dma_semaphore, #tpu.memory_space<semaphore_mem>> -> memref<1x!tpu.dma_semaphore, #tpu.memory_space<semaphore_mem>>
        %dma_start3A_270 = tpu.memref_squeeze %dma_start3A_269 : memref<1x!tpu.dma_semaphore, #tpu.memory_space<semaphore_mem>> -> memref<!tpu.dma_semaphore, #tpu.memory_space<semaphore_mem>>
        %dma_start3A_271 = arith.constant 0 : i32
        %dma_start3A_272 = tpu.memref_slice %arg6[%dma_start3A_262, %dma_start3A_271] : memref<4x128xi32, #tpu.memory_space<vmem>> -> memref<1x128xi32, #tpu.memory_space<vmem>>
        %dma_start3A_273 = tpu.memref_squeeze %dma_start3A_272 : memref<1x128xi32, #tpu.memory_space<vmem>> -> memref<128xi32, #tpu.memory_space<vmem>>
        %dma_start3A_274 = tpu.memref_slice %arg3[%dma_start3A, %mul3A_261] : memref<2x320000xi32, #tpu.memory_space<hbm>> -> memref<1x128xi32, #tpu.memory_space<hbm>>
        %dma_start3A_275 = tpu.memref_squeeze %dma_start3A_274 : memref<1x128xi32, #tpu.memory_space<hbm>> -> memref<128xi32, #tpu.memory_space<hbm>>
        tpu.enqueue_dma source(%dma_start3A_275 : memref<128xi32, #tpu.memory_space<hbm>>) target(%dma_start3A_273 : memref<128xi32, #tpu.memory_space<vmem>>) target_semaphore(%dma_start3A_270 : memref<!tpu.dma_semaphore, #tpu.memory_space<semaphore_mem>>)
        %mul3A_276 = arith.constant 32 : i32
        %mul3A_277 = arith.muli %add3A_221, %mul3A_276 : i32
        %add3A_278 = arith.addi %add3A, %mul3A_277 : i32
        %mul3A_279 = arith.constant 128 : i32
        %mul3A_280 = arith.muli %add3A_278, %mul3A_279 : i32
        %dma_start3A_281 = arith.constant 1 : i32
        %dma_start3A_282 = arith.constant 1 : i32
        %dma_start3A_283 = arith.constant 1 : i32
        %dma_start3A_284 = arith.constant 0 : i32
        %dma_start3A_285 = tpu.memref_slice %arg7[%dma_start3A_282, %dma_start3A_284] : memref<4x128xi32, #tpu.memory_space<vmem>> -> memref<1x128xi32, #tpu.memory_space<vmem>>
        %dma_start3A_286 = tpu.memref_squeeze %dma_start3A_285 : memref<1x128xi32, #tpu.memory_space<vmem>> -> memref<128xi32, #tpu.memory_space<vmem>>
        %dma_start3A_287 = tpu.memref_slice %arg3[%dma_start3A_281, %mul3A_280] : memref<2x320000xi32, #tpu.memory_space<hbm>> -> memref<1x128xi32, #tpu.memory_space<hbm>>
        %dma_start3A_288 = tpu.memref_squeeze %dma_start3A_287 : memref<1x128xi32, #tpu.memory_space<hbm>> -> memref<128xi32, #tpu.memory_space<hbm>>
        %dma_start3A_289 = tpu.memref_slice %arg11[%dma_start3A_283] : memref<4x!tpu.dma_semaphore, #tpu.memory_space<semaphore_mem>> -> memref<1x!tpu.dma_semaphore, #tpu.memory_space<semaphore_mem>>
        %dma_start3A_290 = tpu.memref_squeeze %dma_start3A_289 : memref<1x!tpu.dma_semaphore, #tpu.memory_space<semaphore_mem>> -> memref<!tpu.dma_semaphore, #tpu.memory_space<semaphore_mem>>
        %dma_start3A_291 = arith.constant 0 : i32
        %dma_start3A_292 = tpu.memref_slice %arg7[%dma_start3A_282, %dma_start3A_291] : memref<4x128xi32, #tpu.memory_space<vmem>> -> memref<1x128xi32, #tpu.memory_space<vmem>>
        %dma_start3A_293 = tpu.memref_squeeze %dma_start3A_292 : memref<1x128xi32, #tpu.memory_space<vmem>> -> memref<128xi32, #tpu.memory_space<vmem>>
        %dma_start3A_294 = tpu.memref_slice %arg3[%dma_start3A_281, %mul3A_280] : memref<2x320000xi32, #tpu.memory_space<hbm>> -> memref<1x128xi32, #tpu.memory_space<hbm>>
        %dma_start3A_295 = tpu.memref_squeeze %dma_start3A_294 : memref<1x128xi32, #tpu.memory_space<hbm>> -> memref<128xi32, #tpu.memory_space<hbm>>
        tpu.enqueue_dma source(%dma_start3A_295 : memref<128xi32, #tpu.memory_space<hbm>>) target(%dma_start3A_293 : memref<128xi32, #tpu.memory_space<vmem>>) target_semaphore(%dma_start3A_290 : memref<!tpu.dma_semaphore, #tpu.memory_space<semaphore_mem>>)
      } else {
      }
      %ge3A_233 = arith.constant 0 : i32
      %ge3A_234 = arith.cmpi sge, %add3A_206, %ge3A_233 : i32
      %mul3A_235 = arith.constant 32 : i32
      %mul3A_236 = arith.muli %add3A_206, %mul3A_235 : i32
      %add3A_237 = arith.addi %add3A, %mul3A_236 : i32
      %lt3A_238 = arith.constant 2500 : i32
      %lt3A_239 = arith.cmpi slt, %add3A_237, %lt3A_238 : i32
      %and3A_240 = arith.andi %ge3A_234, %lt3A_239 : i1
      %convert_element_type3A_241 = arith.extui %and3A_240 : i1 to i32
      %cond3A_242 = arith.constant 0 : i32
      %cond3A_243 = arith.cmpi ne, %convert_element_type3A_241, %cond3A_242 : i32
      scf.if %cond3A_243 {
        %mul3A_257 = arith.constant 32 : i32
        %mul3A_258 = arith.muli %add3A_206, %mul3A_257 : i32
        %add3A_259 = arith.addi %add3A, %mul3A_258 : i32
        %mul3A_260 = arith.constant 128 : i32
        %mul3A_261 = arith.muli %add3A_259, %mul3A_260 : i32
        %dma_wait3A = arith.constant 0 : i32
        %dma_wait3A_262 = arith.constant 3 : i32
        %dma_wait3A_263 = arith.constant 3 : i32
        %dma_wait3A_264 = arith.constant 0 : i32
        %dma_wait3A_265 = tpu.memref_slice %arg6[%dma_wait3A_262, %dma_wait3A_264] : memref<4x128xi32, #tpu.memory_space<vmem>> -> memref<1x128xi32, #tpu.memory_space<vmem>>
        %dma_wait3A_266 = tpu.memref_squeeze %dma_wait3A_265 : memref<1x128xi32, #tpu.memory_space<vmem>> -> memref<128xi32, #tpu.memory_space<vmem>>
        %dma_wait3A_267 = tpu.memref_slice %arg3[%dma_wait3A, %mul3A_261] : memref<2x320000xi32, #tpu.memory_space<hbm>> -> memref<1x128xi32, #tpu.memory_space<hbm>>
        %dma_wait3A_268 = tpu.memref_squeeze %dma_wait3A_267 : memref<1x128xi32, #tpu.memory_space<hbm>> -> memref<128xi32, #tpu.memory_space<hbm>>
        %dma_wait3A_269 = tpu.memref_slice %arg11[%dma_wait3A_263] : memref<4x!tpu.dma_semaphore, #tpu.memory_space<semaphore_mem>> -> memref<1x!tpu.dma_semaphore, #tpu.memory_space<semaphore_mem>>
        %dma_wait3A_270 = tpu.memref_squeeze %dma_wait3A_269 : memref<1x!tpu.dma_semaphore, #tpu.memory_space<semaphore_mem>> -> memref<!tpu.dma_semaphore, #tpu.memory_space<semaphore_mem>>
        %dma_wait3A_271 = arith.constant 0 : i32
        %dma_wait3A_272 = tpu.memref_slice %arg6[%dma_wait3A_262, %dma_wait3A_271] : memref<4x128xi32, #tpu.memory_space<vmem>> -> memref<1x128xi32, #tpu.memory_space<vmem>>
        %dma_wait3A_273 = tpu.memref_squeeze %dma_wait3A_272 : memref<1x128xi32, #tpu.memory_space<vmem>> -> memref<128xi32, #tpu.memory_space<vmem>>
        %dma_wait3A_274 = tpu.memref_slice %arg3[%dma_wait3A, %mul3A_261] : memref<2x320000xi32, #tpu.memory_space<hbm>> -> memref<1x128xi32, #tpu.memory_space<hbm>>
        %dma_wait3A_275 = tpu.memref_squeeze %dma_wait3A_274 : memref<1x128xi32, #tpu.memory_space<hbm>> -> memref<128xi32, #tpu.memory_space<hbm>>
        tpu.wait_dma2 semaphore(%dma_wait3A_270 : memref<!tpu.dma_semaphore, #tpu.memory_space<semaphore_mem>>) src(%dma_wait3A_275 : memref<128xi32, #tpu.memory_space<hbm>>) dst(%dma_wait3A_273 : memref<128xi32, #tpu.memory_space<vmem>>)
        %mul3A_276 = arith.constant 32 : i32
        %mul3A_277 = arith.muli %add3A_206, %mul3A_276 : i32
        %add3A_278 = arith.addi %add3A, %mul3A_277 : i32
        %mul3A_279 = arith.constant 128 : i32
        %mul3A_280 = arith.muli %add3A_278, %mul3A_279 : i32
        %dma_wait3A_281 = arith.constant 1 : i32
        %dma_wait3A_282 = arith.constant 3 : i32
        %dma_wait3A_283 = arith.constant 3 : i32
        %dma_wait3A_284 = arith.constant 0 : i32
        %dma_wait3A_285 = tpu.memref_slice %arg7[%dma_wait3A_282, %dma_wait3A_284] : memref<4x128xi32, #tpu.memory_space<vmem>> -> memref<1x128xi32, #tpu.memory_space<vmem>>
        %dma_wait3A_286 = tpu.memref_squeeze %dma_wait3A_285 : memref<1x128xi32, #tpu.memory_space<vmem>> -> memref<128xi32, #tpu.memory_space<vmem>>
        %dma_wait3A_287 = tpu.memref_slice %arg3[%dma_wait3A_281, %mul3A_280] : memref<2x320000xi32, #tpu.memory_space<hbm>> -> memref<1x128xi32, #tpu.memory_space<hbm>>
        %dma_wait3A_288 = tpu.memref_squeeze %dma_wait3A_287 : memref<1x128xi32, #tpu.memory_space<hbm>> -> memref<128xi32, #tpu.memory_space<hbm>>
        %dma_wait3A_289 = tpu.memref_slice %arg11[%dma_wait3A_283] : memref<4x!tpu.dma_semaphore, #tpu.memory_space<semaphore_mem>> -> memref<1x!tpu.dma_semaphore, #tpu.memory_space<semaphore_mem>>
        %dma_wait3A_290 = tpu.memref_squeeze %dma_wait3A_289 : memref<1x!tpu.dma_semaphore, #tpu.memory_space<semaphore_mem>> -> memref<!tpu.dma_semaphore, #tpu.memory_space<semaphore_mem>>
        %dma_wait3A_291 = arith.constant 0 : i32
        %dma_wait3A_292 = tpu.memref_slice %arg7[%dma_wait3A_282, %dma_wait3A_291] : memref<4x128xi32, #tpu.memory_space<vmem>> -> memref<1x128xi32, #tpu.memory_space<vmem>>
        %dma_wait3A_293 = tpu.memref_squeeze %dma_wait3A_292 : memref<1x128xi32, #tpu.memory_space<vmem>> -> memref<128xi32, #tpu.memory_space<vmem>>
        %dma_wait3A_294 = tpu.memref_slice %arg3[%dma_wait3A_281, %mul3A_280] : memref<2x320000xi32, #tpu.memory_space<hbm>> -> memref<1x128xi32, #tpu.memory_space<hbm>>
        %dma_wait3A_295 = tpu.memref_squeeze %dma_wait3A_294 : memref<1x128xi32, #tpu.memory_space<hbm>> -> memref<128xi32, #tpu.memory_space<hbm>>
        tpu.wait_dma2 semaphore(%dma_wait3A_290 : memref<!tpu.dma_semaphore, #tpu.memory_space<semaphore_mem>>) src(%dma_wait3A_295 : memref<128xi32, #tpu.memory_space<hbm>>) dst(%dma_wait3A_293 : memref<128xi32, #tpu.memory_space<vmem>>)
        %dma_start3A = arith.constant 3 : i32
        %dma_start3A_296 = arith.constant 3 : i32
        %dma_start3A_297 = arith.constant 3 : i32
        %dma_start3A_298 = arith.constant 0 : i32
        %dma_start3A_299 = arith.constant 0 : i32
        %dma_start3A_300 = tpu.memref_slice %arg8[%dma_start3A_296, %dma_start3A_298, %dma_start3A_299] : memref<4x128x16xf32, #tpu.memory_space<vmem>> -> memref<1x128x16xf32, #tpu.memory_space<vmem>>
        %dma_start3A_301 = tpu.memref_squeeze %dma_start3A_300 : memref<1x128x16xf32, #tpu.memory_space<vmem>> -> memref<128x16xf32, #tpu.memory_space<vmem>>
        %dma_start3A_302 = arith.constant 0 : i32
        %dma_start3A_303 = tpu.memref_slice %arg6[%dma_start3A, %dma_start3A_302] : memref<4x128xi32, #tpu.memory_space<vmem>> -> memref<1x128xi32, #tpu.memory_space<vmem>>
        %dma_start3A_304 = tpu.memref_squeeze %dma_start3A_303 : memref<1x128xi32, #tpu.memory_space<vmem>> -> memref<128xi32, #tpu.memory_space<vmem>>
        %dma_start3A_305 = arith.constant 0 : i32
        %dma_start3A_306 = arith.constant 0 : i32
        %dma_start3A_307 = tpu.memref_slice %arg10[%dma_start3A_305, %dma_start3A_306] : memref<10000x16xf32, #tpu.memory_space<vmem_shared>> -> memref<10000x16xf32, #tpu.memory_space<vmem_shared>>
        %dma_start3A_308 = tpu.memref_slice %arg12[%dma_start3A_297] : memref<4x!tpu.dma_semaphore, #tpu.memory_space<semaphore_mem>> -> memref<1x!tpu.dma_semaphore, #tpu.memory_space<semaphore_mem>>
        %dma_start3A_309 = tpu.memref_squeeze %dma_start3A_308 : memref<1x!tpu.dma_semaphore, #tpu.memory_space<semaphore_mem>> -> memref<!tpu.dma_semaphore, #tpu.memory_space<semaphore_mem>>
        tpu.enqueue_indirect_dma source(%dma_start3A_307 : memref<10000x16xf32, #tpu.memory_space<vmem_shared>>) target(%dma_start3A_301 : memref<128x16xf32, #tpu.memory_space<vmem>>) offsets(%dma_start3A_304 : memref<128xi32, #tpu.memory_space<vmem>>) semaphore(%dma_start3A_309 : memref<!tpu.dma_semaphore, #tpu.memory_space<semaphore_mem>>)
      } else {
      }
      %sub3A_244 = arith.constant 1 : i32
      %sub3A_245 = arith.subi %add3A_206, %sub3A_244 : i32
      %ge3A_246 = arith.constant 0 : i32
      %ge3A_247 = arith.cmpi sge, %sub3A_245, %ge3A_246 : i32
      %mul3A_248 = arith.constant 32 : i32
      %mul3A_249 = arith.muli %sub3A_245, %mul3A_248 : i32
      %add3A_250 = arith.addi %add3A, %mul3A_249 : i32
      %lt3A_251 = arith.constant 2500 : i32
      %lt3A_252 = arith.cmpi slt, %add3A_250, %lt3A_251 : i32
      %and3A_253 = arith.andi %ge3A_247, %lt3A_252 : i1
      %convert_element_type3A_254 = arith.extui %and3A_253 : i1 to i32
      %cond3A_255 = arith.constant 0 : i32
      %cond3A_256 = arith.cmpi ne, %convert_element_type3A_254, %cond3A_255 : i32
      scf.if %cond3A_256 {
        %dma_wait3A = arith.constant 2 : i32
        %dma_wait3A_257 = arith.constant 2 : i32
        %dma_wait3A_258 = arith.constant 2 : i32
        %dma_wait3A_259 = arith.constant 0 : i32
        %dma_wait3A_260 = arith.constant 0 : i32
        %dma_wait3A_261 = tpu.memref_slice %arg8[%dma_wait3A_257, %dma_wait3A_259, %dma_wait3A_260] : memref<4x128x16xf32, #tpu.memory_space<vmem>> -> memref<1x128x16xf32, #tpu.memory_space<vmem>>
        %dma_wait3A_262 = tpu.memref_squeeze %dma_wait3A_261 : memref<1x128x16xf32, #tpu.memory_space<vmem>> -> memref<128x16xf32, #tpu.memory_space<vmem>>
        %dma_wait3A_263 = arith.constant 0 : i32
        %dma_wait3A_264 = tpu.memref_slice %arg6[%dma_wait3A, %dma_wait3A_263] : memref<4x128xi32, #tpu.memory_space<vmem>> -> memref<1x128xi32, #tpu.memory_space<vmem>>
        %dma_wait3A_265 = tpu.memref_squeeze %dma_wait3A_264 : memref<1x128xi32, #tpu.memory_space<vmem>> -> memref<128xi32, #tpu.memory_space<vmem>>
        %dma_wait3A_266 = arith.constant 0 : i32
        %dma_wait3A_267 = arith.constant 0 : i32
        %dma_wait3A_268 = tpu.memref_slice %arg10[%dma_wait3A_266, %dma_wait3A_267] : memref<10000x16xf32, #tpu.memory_space<vmem_shared>> -> memref<10000x16xf32, #tpu.memory_space<vmem_shared>>
        %dma_wait3A_269 = tpu.memref_slice %arg12[%dma_wait3A_258] : memref<4x!tpu.dma_semaphore, #tpu.memory_space<semaphore_mem>> -> memref<1x!tpu.dma_semaphore, #tpu.memory_space<semaphore_mem>>
        %dma_wait3A_270 = tpu.memref_squeeze %dma_wait3A_269 : memref<1x!tpu.dma_semaphore, #tpu.memory_space<semaphore_mem>> -> memref<!tpu.dma_semaphore, #tpu.memory_space<semaphore_mem>>
        tpu.wait_indirect_dma semaphore(%dma_wait3A_270 : memref<!tpu.dma_semaphore, #tpu.memory_space<semaphore_mem>>) src(%dma_wait3A_268 : memref<10000x16xf32, #tpu.memory_space<vmem_shared>>) dst(%dma_wait3A_262 : memref<128x16xf32, #tpu.memory_space<vmem>>)
        %dma_start3A = arith.constant 2 : i32
        %dma_start3A_271 = arith.constant 2 : i32
        %dma_start3A_272 = arith.constant 2 : i32
        %dma_start3A_273 = arith.constant 0 : i32
        %dma_start3A_274 = arith.constant 0 : i32
        %dma_start3A_275 = tpu.memref_slice %arg8[%dma_start3A, %dma_start3A_273, %dma_start3A_274] : memref<4x128x16xf32, #tpu.memory_space<vmem>> -> memref<1x128x16xf32, #tpu.memory_space<vmem>>
        %dma_start3A_276 = tpu.memref_squeeze %dma_start3A_275 : memref<1x128x16xf32, #tpu.memory_space<vmem>> -> memref<128x16xf32, #tpu.memory_space<vmem>>
        %dma_start3A_277 = arith.constant 0 : i32
        %dma_start3A_278 = tpu.memref_slice %arg7[%dma_start3A_271, %dma_start3A_277] : memref<4x128xi32, #tpu.memory_space<vmem>> -> memref<1x128xi32, #tpu.memory_space<vmem>>
        %dma_start3A_279 = tpu.memref_squeeze %dma_start3A_278 : memref<1x128xi32, #tpu.memory_space<vmem>> -> memref<128xi32, #tpu.memory_space<vmem>>
        %dma_start3A_280 = arith.constant 0 : i32
        %dma_start3A_281 = arith.constant 0 : i32
        %dma_start3A_282 = tpu.memref_slice %arg9[%dma_start3A_280, %dma_start3A_281] : memref<10240x16xf32, #tpu.memory_space<vmem_shared>> -> memref<10240x16xf32, #tpu.memory_space<vmem_shared>>
        %dma_start3A_283 = tpu.memref_slice %arg13[%dma_start3A_272] : memref<4x!tpu.dma_semaphore, #tpu.memory_space<semaphore_mem>> -> memref<1x!tpu.dma_semaphore, #tpu.memory_space<semaphore_mem>>
        %dma_start3A_284 = tpu.memref_squeeze %dma_start3A_283 : memref<1x!tpu.dma_semaphore, #tpu.memory_space<semaphore_mem>> -> memref<!tpu.dma_semaphore, #tpu.memory_space<semaphore_mem>>
        tpu.enqueue_indirect_dma source(%dma_start3A_276 : memref<128x16xf32, #tpu.memory_space<vmem>>) target(%dma_start3A_282 : memref<10240x16xf32, #tpu.memory_space<vmem_shared>>) offsets(%dma_start3A_279 : memref<128xi32, #tpu.memory_space<vmem>>) semaphore(%dma_start3A_284 : memref<!tpu.dma_semaphore, #tpu.memory_space<semaphore_mem>>) {add = true}
      } else {
      }
    }
    %scan3A_30 = arith.constant 20 : i32
    %add3A_31 = arith.constant 2496 : i32
    %add3A_32 = arith.addi %add3A, %add3A_31 : i32
    %lt3A_33 = arith.constant 2500 : i32
    %lt3A_34 = arith.cmpi slt, %add3A_32, %lt3A_33 : i32
    %and3A_35 = arith.constant true
    %and3A_36 = arith.andi %and3A_35, %lt3A_34 : i1
    %convert_element_type3A_37 = arith.extui %and3A_36 : i1 to i32
    %cond3A_38 = arith.constant 0 : i32
    %cond3A_39 = arith.cmpi ne, %convert_element_type3A_37, %cond3A_38 : i32
    scf.if %cond3A_39 {
      %dma_wait3A = arith.constant 2 : i32
      %dma_wait3A_48 = arith.constant 2 : i32
      %dma_wait3A_49 = arith.constant 2 : i32
      %dma_wait3A_50 = arith.constant 0 : i32
      %dma_wait3A_51 = arith.constant 0 : i32
      %dma_wait3A_52 = tpu.memref_slice %arg8[%dma_wait3A, %dma_wait3A_50, %dma_wait3A_51] : memref<4x128x16xf32, #tpu.memory_space<vmem>> -> memref<1x128x16xf32, #tpu.memory_space<vmem>>
      %dma_wait3A_53 = tpu.memref_squeeze %dma_wait3A_52 : memref<1x128x16xf32, #tpu.memory_space<vmem>> -> memref<128x16xf32, #tpu.memory_space<vmem>>
      %dma_wait3A_54 = arith.constant 0 : i32
      %dma_wait3A_55 = tpu.memref_slice %arg7[%dma_wait3A_48, %dma_wait3A_54] : memref<4x128xi32, #tpu.memory_space<vmem>> -> memref<1x128xi32, #tpu.memory_space<vmem>>
      %dma_wait3A_56 = tpu.memref_squeeze %dma_wait3A_55 : memref<1x128xi32, #tpu.memory_space<vmem>> -> memref<128xi32, #tpu.memory_space<vmem>>
      %dma_wait3A_57 = arith.constant 0 : i32
      %dma_wait3A_58 = arith.constant 0 : i32
      %dma_wait3A_59 = tpu.memref_slice %arg9[%dma_wait3A_57, %dma_wait3A_58] : memref<10240x16xf32, #tpu.memory_space<vmem_shared>> -> memref<10240x16xf32, #tpu.memory_space<vmem_shared>>
      %dma_wait3A_60 = tpu.memref_slice %arg13[%dma_wait3A_49] : memref<4x!tpu.dma_semaphore, #tpu.memory_space<semaphore_mem>> -> memref<1x!tpu.dma_semaphore, #tpu.memory_space<semaphore_mem>>
      %dma_wait3A_61 = tpu.memref_squeeze %dma_wait3A_60 : memref<1x!tpu.dma_semaphore, #tpu.memory_space<semaphore_mem>> -> memref<!tpu.dma_semaphore, #tpu.memory_space<semaphore_mem>>
      tpu.wait_indirect_dma semaphore(%dma_wait3A_61 : memref<!tpu.dma_semaphore, #tpu.memory_space<semaphore_mem>>) src(%dma_wait3A_53 : memref<128x16xf32, #tpu.memory_space<vmem>>) dst(%dma_wait3A_59 : memref<10240x16xf32, #tpu.memory_space<vmem_shared>>)
    } else {
    }
    %barrier3A_40 = arith.constant 0 : index
    tpu.barrier barrier_id(%barrier3A_40)
    %mul3A_41 = arith.constant 640 : i32
    %mul3A_42 = arith.muli %arg1, %mul3A_41 : i32
    %mul3A_43 = arith.constant 10240 : i32
    %mul3A_44 = arith.muli %arg0, %mul3A_43 : i32
    %mul3A_45 = arith.constant 640 : i32
    %mul3A_46 = arith.muli %arg1, %mul3A_45 : i32
    %add3A_47 = arith.addi %mul3A_44, %mul3A_46 : i32
    "tpu.region"() ({
      %run_scoped3A = tpu.sem_alloc : memref<!tpu.dma_semaphore, #tpu.memory_space<semaphore_mem>>
      %dma_start3A = arith.constant 0 : i32
      %dma_start3A_48 = tpu.memref_slice %arg5[%add3A_47, %dma_start3A] : memref<20480x16xf32, #tpu.memory_space<hbm>> -> memref<640x16xf32, #tpu.memory_space<hbm>>
      %dma_start3A_49 = arith.constant 0 : i32
      %dma_start3A_50 = tpu.memref_slice %arg9[%mul3A_42, %dma_start3A_49] : memref<10240x16xf32, #tpu.memory_space<vmem_shared>> -> memref<640x16xf32, #tpu.memory_space<vmem_shared>>
      tpu.enqueue_dma source(%dma_start3A_50 : memref<640x16xf32, #tpu.memory_space<vmem_shared>>) target(%dma_start3A_48 : memref<640x16xf32, #tpu.memory_space<hbm>>) target_semaphore(%run_scoped3A : memref<!tpu.dma_semaphore, #tpu.memory_space<semaphore_mem>>)
      %dma_wait3A = arith.constant 0 : i32
      %dma_wait3A_51 = tpu.memref_slice %arg5[%add3A_47, %dma_wait3A] : memref<20480x16xf32, #tpu.memory_space<hbm>> -> memref<640x16xf32, #tpu.memory_space<hbm>>
      %dma_wait3A_52 = arith.constant 0 : i32
      %dma_wait3A_53 = tpu.memref_slice %arg9[%mul3A_42, %dma_wait3A_52] : memref<10240x16xf32, #tpu.memory_space<vmem_shared>> -> memref<640x16xf32, #tpu.memory_space<vmem_shared>>
      tpu.wait_dma2 semaphore(%run_scoped3A : memref<!tpu.dma_semaphore, #tpu.memory_space<semaphore_mem>>) src(%dma_wait3A_53 : memref<640x16xf32, #tpu.memory_space<vmem_shared>>) dst(%dma_wait3A_51 : memref<640x16xf32, #tpu.memory_space<hbm>>)
      tpu.yield
    }) : () -> ()
    return
  }
}

#map = affine_map<(d0, d1) -> (0, 0)>
module attributes {stable_mosaic.version = 14 : i64} {
  func.func @k(%arg0: i32, %arg1: i32, %arg2: memref<2x320000xi32, #tpu.memory_space<hbm>>, %arg3: memref<128x16xf32, #tpu.memory_space<hbm>>, %arg4: memref<640x16xf32, #tpu.memory_space<hbm>>, %arg5: memref<20480x16xf32, #tpu.memory_space<hbm>>, %arg6: memref<4x128xi32, #tpu.memory_space<vmem>>, %arg7: memref<128x16xf32, #tpu.memory_space<vmem>>, %arg8: memref<10240x16xf32, #tpu.memory_space<vmem_shared>>, %arg9: memref<4x!tpu.dma_semaphore, #tpu.memory_space<semaphore_mem>>, %arg10: memref<4x!tpu.dma_semaphore, #tpu.memory_space<semaphore_mem>>) attributes {dimension_semantics = [#tpu.dimension_semantics<core_parallel>, #tpu.dimension_semantics<subcore_parallel>], iteration_bounds = array<i64: 2, 16>, scalar_prefetch = 0 : i64, scratch_operands = 5 : i64, tpu.core_type = #tpu.core_type<sc_vector_subcore>, window_params = [{transform_indices = #map}, {transform_indices = #map}, {transform_indices = #map}, {transform_indices = #map}]} {
    %mul3A = arith.constant 2 : i32
    %mul3A_0 = arith.muli %arg1, %mul3A : i32
    %add3A = arith.addi %mul3A_0, %arg0 : i32
    "tpu.region"() ({
      %run_scoped3A = tpu.sem_alloc : memref<!tpu.dma_semaphore, #tpu.memory_space<semaphore_mem>>
      tpu.enqueue_dma source(%arg3 : memref<128x16xf32, #tpu.memory_space<hbm>>) target(%arg7 : memref<128x16xf32, #tpu.memory_space<vmem>>) target_semaphore(%run_scoped3A : memref<!tpu.dma_semaphore, #tpu.memory_space<semaphore_mem>>)
      tpu.wait_dma2 semaphore(%run_scoped3A : memref<!tpu.dma_semaphore, #tpu.memory_space<semaphore_mem>>) src(%arg3 : memref<128x16xf32, #tpu.memory_space<hbm>>) dst(%arg7 : memref<128x16xf32, #tpu.memory_space<vmem>>)
      tpu.yield
    }) : () -> ()
    %mul3A_1 = arith.constant 640 : i32
    %mul3A_2 = arith.muli %arg1, %mul3A_1 : i32
    "tpu.region"() ({
      %run_scoped3A = tpu.sem_alloc : memref<!tpu.dma_semaphore, #tpu.memory_space<semaphore_mem>>
      %dma_start3A = arith.constant 0 : i32
      %dma_start3A_48 = tpu.memref_slice %arg8[%mul3A_2, %dma_start3A] : memref<10240x16xf32, #tpu.memory_space<vmem_shared>> -> memref<640x16xf32, #tpu.memory_space<vmem_shared>>
      tpu.enqueue_dma source(%arg4 : memref<640x16xf32, #tpu.memory_space<hbm>>) target(%dma_start3A_48 : memref<640x16xf32, #tpu.memory_space<vmem_shared>>) target_semaphore(%run_scoped3A : memref<!tpu.dma_semaphore, #tpu.memory_space<semaphore_mem>>)
      %dma_wait3A = arith.constant 0 : i32
      %dma_wait3A_49 = tpu.memref_slice %arg8[%mul3A_2, %dma_wait3A] : memref<10240x16xf32, #tpu.memory_space<vmem_shared>> -> memref<640x16xf32, #tpu.memory_space<vmem_shared>>
      tpu.wait_dma2 semaphore(%run_scoped3A : memref<!tpu.dma_semaphore, #tpu.memory_space<semaphore_mem>>) src(%arg4 : memref<640x16xf32, #tpu.memory_space<hbm>>) dst(%dma_wait3A_49 : memref<640x16xf32, #tpu.memory_space<vmem_shared>>)
      tpu.yield
    }) : () -> ()
    %barrier3A = arith.constant 0 : index
    tpu.barrier barrier_id(%barrier3A)
    %add3A_3 = arith.constant 0 : i32
    %add3A_4 = arith.addi %add3A, %add3A_3 : i32
    %lt3A = arith.constant 2500 : i32
    %lt3A_5 = arith.cmpi slt, %add3A_4, %lt3A : i32
    %and3A = arith.constant true
    %and3A_6 = arith.andi %and3A, %lt3A_5 : i1
    %convert_element_type3A = arith.extui %and3A_6 : i1 to i32
    %cond3A = arith.constant 0 : i32
    %cond3A_7 = arith.cmpi ne, %convert_element_type3A, %cond3A : i32
    scf.if %cond3A_7 {
      %add3A_48 = arith.constant 0 : i32
      %add3A_49 = arith.addi %add3A, %add3A_48 : i32
      %mul3A_50 = arith.constant 128 : i32
      %mul3A_51 = arith.muli %add3A_49, %mul3A_50 : i32
      %dma_start3A = arith.constant 1 : i32
      %dma_start3A_52 = arith.constant 0 : i32
      %dma_start3A_53 = arith.constant 0 : i32
      %dma_start3A_54 = arith.constant 0 : i32
      %dma_start3A_55 = tpu.memref_slice %arg6[%dma_start3A_52, %dma_start3A_54] : memref<4x128xi32, #tpu.memory_space<vmem>> -> memref<1x128xi32, #tpu.memory_space<vmem>>
      %dma_start3A_56 = tpu.memref_squeeze %dma_start3A_55 : memref<1x128xi32, #tpu.memory_space<vmem>> -> memref<128xi32, #tpu.memory_space<vmem>>
      %dma_start3A_57 = tpu.memref_slice %arg2[%dma_start3A, %mul3A_51] : memref<2x320000xi32, #tpu.memory_space<hbm>> -> memref<1x128xi32, #tpu.memory_space<hbm>>
      %dma_start3A_58 = tpu.memref_squeeze %dma_start3A_57 : memref<1x128xi32, #tpu.memory_space<hbm>> -> memref<128xi32, #tpu.memory_space<hbm>>
      %dma_start3A_59 = tpu.memref_slice %arg9[%dma_start3A_53] : memref<4x!tpu.dma_semaphore, #tpu.memory_space<semaphore_mem>> -> memref<1x!tpu.dma_semaphore, #tpu.memory_space<semaphore_mem>>
      %dma_start3A_60 = tpu.memref_squeeze %dma_start3A_59 : memref<1x!tpu.dma_semaphore, #tpu.memory_space<semaphore_mem>> -> memref<!tpu.dma_semaphore, #tpu.memory_space<semaphore_mem>>
      %dma_start3A_61 = arith.constant 0 : i32
      %dma_start3A_62 = tpu.memref_slice %arg6[%dma_start3A_52, %dma_start3A_61] : memref<4x128xi32, #tpu.memory_space<vmem>> -> memref<1x128xi32, #tpu.memory_space<vmem>>
      %dma_start3A_63 = tpu.memref_squeeze %dma_start3A_62 : memref<1x128xi32, #tpu.memory_space<vmem>> -> memref<128xi32, #tpu.memory_space<vmem>>
      %dma_start3A_64 = tpu.memref_slice %arg2[%dma_start3A, %mul3A_51] : memref<2x320000xi32, #tpu.memory_space<hbm>> -> memref<1x128xi32, #tpu.memory_space<hbm>>
      %dma_start3A_65 = tpu.memref_squeeze %dma_start3A_64 : memref<1x128xi32, #tpu.memory_space<hbm>> -> memref<128xi32, #tpu.memory_space<hbm>>
      tpu.enqueue_dma source(%dma_start3A_65 : memref<128xi32, #tpu.memory_space<hbm>>) target(%dma_start3A_63 : memref<128xi32, #tpu.memory_space<vmem>>) target_semaphore(%dma_start3A_60 : memref<!tpu.dma_semaphore, #tpu.memory_space<semaphore_mem>>)
    } else {
    }
    %add3A_8 = arith.constant 32 : i32
    %add3A_9 = arith.addi %add3A, %add3A_8 : i32
    %lt3A_10 = arith.constant 2500 : i32
    %lt3A_11 = arith.cmpi slt, %add3A_9, %lt3A_10 : i32
    %and3A_12 = arith.constant true
    %and3A_13 = arith.andi %and3A_12, %lt3A_11 : i1
    %convert_element_type3A_14 = arith.extui %and3A_13 : i1 to i32
    %cond3A_15 = arith.constant 0 : i32
    %cond3A_16 = arith.cmpi ne, %convert_element_type3A_14, %cond3A_15 : i32
    scf.if %cond3A_16 {
      %add3A_48 = arith.constant 32 : i32
      %add3A_49 = arith.addi %add3A, %add3A_48 : i32
      %mul3A_50 = arith.constant 128 : i32
      %mul3A_51 = arith.muli %add3A_49, %mul3A_50 : i32
      %dma_start3A = arith.constant 1 : i32
      %dma_start3A_52 = arith.constant 1 : i32
      %dma_start3A_53 = arith.constant 1 : i32
      %dma_start3A_54 = arith.constant 0 : i32
      %dma_start3A_55 = tpu.memref_slice %arg6[%dma_start3A_52, %dma_start3A_54] : memref<4x128xi32, #tpu.memory_space<vmem>> -> memref<1x128xi32, #tpu.memory_space<vmem>>
      %dma_start3A_56 = tpu.memref_squeeze %dma_start3A_55 : memref<1x128xi32, #tpu.memory_space<vmem>> -> memref<128xi32, #tpu.memory_space<vmem>>
      %dma_start3A_57 = tpu.memref_slice %arg2[%dma_start3A, %mul3A_51] : memref<2x320000xi32, #tpu.memory_space<hbm>> -> memref<1x128xi32, #tpu.memory_space<hbm>>
      %dma_start3A_58 = tpu.memref_squeeze %dma_start3A_57 : memref<1x128xi32, #tpu.memory_space<hbm>> -> memref<128xi32, #tpu.memory_space<hbm>>
      %dma_start3A_59 = tpu.memref_slice %arg9[%dma_start3A_53] : memref<4x!tpu.dma_semaphore, #tpu.memory_space<semaphore_mem>> -> memref<1x!tpu.dma_semaphore, #tpu.memory_space<semaphore_mem>>
      %dma_start3A_60 = tpu.memref_squeeze %dma_start3A_59 : memref<1x!tpu.dma_semaphore, #tpu.memory_space<semaphore_mem>> -> memref<!tpu.dma_semaphore, #tpu.memory_space<semaphore_mem>>
      %dma_start3A_61 = arith.constant 0 : i32
      %dma_start3A_62 = tpu.memref_slice %arg6[%dma_start3A_52, %dma_start3A_61] : memref<4x128xi32, #tpu.memory_space<vmem>> -> memref<1x128xi32, #tpu.memory_space<vmem>>
      %dma_start3A_63 = tpu.memref_squeeze %dma_start3A_62 : memref<1x128xi32, #tpu.memory_space<vmem>> -> memref<128xi32, #tpu.memory_space<vmem>>
      %dma_start3A_64 = tpu.memref_slice %arg2[%dma_start3A, %mul3A_51] : memref<2x320000xi32, #tpu.memory_space<hbm>> -> memref<1x128xi32, #tpu.memory_space<hbm>>
      %dma_start3A_65 = tpu.memref_squeeze %dma_start3A_64 : memref<1x128xi32, #tpu.memory_space<hbm>> -> memref<128xi32, #tpu.memory_space<hbm>>
      tpu.enqueue_dma source(%dma_start3A_65 : memref<128xi32, #tpu.memory_space<hbm>>) target(%dma_start3A_63 : memref<128xi32, #tpu.memory_space<vmem>>) target_semaphore(%dma_start3A_60 : memref<!tpu.dma_semaphore, #tpu.memory_space<semaphore_mem>>)
    } else {
    }
    %scan3A = arith.constant 0 : i32
    %scan3A_17 = arith.constant 0 : i32
    %scan3A_18 = arith.constant 20 : i32
    %scan3A_19 = arith.addi %scan3A_17, %scan3A_18 : i32
    %scan3A_20 = arith.constant 1 : i32
    scf.for %scan3A_48 = %scan3A_17 to %scan3A_19 step %scan3A_20  : i32 {
      %mul3A_49 = arith.constant 4 : i32
      %mul3A_50 = arith.muli %scan3A_48, %mul3A_49 : i32
      %add3A_51 = arith.constant 0 : i32
      %add3A_52 = arith.addi %mul3A_50, %add3A_51 : i32
      %sub3A = arith.constant 2 : i32
      %sub3A_53 = arith.subi %add3A_52, %sub3A : i32
      %ge3A = arith.constant 0 : i32
      %ge3A_54 = arith.cmpi sge, %sub3A_53, %ge3A : i32
      %mul3A_55 = arith.constant 32 : i32
      %mul3A_56 = arith.muli %sub3A_53, %mul3A_55 : i32
      %add3A_57 = arith.addi %add3A, %mul3A_56 : i32
      %lt3A_58 = arith.constant 2500 : i32
      %lt3A_59 = arith.cmpi slt, %add3A_57, %lt3A_58 : i32
      %and3A_60 = arith.andi %ge3A_54, %lt3A_59 : i1
      %convert_element_type3A_61 = arith.extui %and3A_60 : i1 to i32
      %cond3A_62 = arith.constant 0 : i32
      %cond3A_63 = arith.cmpi ne, %convert_element_type3A_61, %cond3A_62 : i32
      scf.if %cond3A_63 {
        %dma_wait3A = arith.constant 2 : i32
        %dma_wait3A_205 = arith.constant 2 : i32
        %dma_wait3A_206 = arith.constant 0 : i32
        %dma_wait3A_207 = tpu.memref_slice %arg6[%dma_wait3A, %dma_wait3A_206] : memref<4x128xi32, #tpu.memory_space<vmem>> -> memref<1x128xi32, #tpu.memory_space<vmem>>
        %dma_wait3A_208 = tpu.memref_squeeze %dma_wait3A_207 : memref<1x128xi32, #tpu.memory_space<vmem>> -> memref<128xi32, #tpu.memory_space<vmem>>
        %dma_wait3A_209 = arith.constant 0 : i32
        %dma_wait3A_210 = arith.constant 0 : i32
        %dma_wait3A_211 = tpu.memref_slice %arg8[%dma_wait3A_209, %dma_wait3A_210] : memref<10240x16xf32, #tpu.memory_space<vmem_shared>> -> memref<10240x16xf32, #tpu.memory_space<vmem_shared>>
        %dma_wait3A_212 = tpu.memref_slice %arg10[%dma_wait3A_205] : memref<4x!tpu.dma_semaphore, #tpu.memory_space<semaphore_mem>> -> memref<1x!tpu.dma_semaphore, #tpu.memory_space<semaphore_mem>>
        %dma_wait3A_213 = tpu.memref_squeeze %dma_wait3A_212 : memref<1x!tpu.dma_semaphore, #tpu.memory_space<semaphore_mem>> -> memref<!tpu.dma_semaphore, #tpu.memory_space<semaphore_mem>>
        tpu.wait_indirect_dma semaphore(%dma_wait3A_213 : memref<!tpu.dma_semaphore, #tpu.memory_space<semaphore_mem>>) src(%arg7 : memref<128x16xf32, #tpu.memory_space<vmem>>) dst(%dma_wait3A_211 : memref<10240x16xf32, #tpu.memory_space<vmem_shared>>)
      } else {
      }
      %add3A_64 = arith.constant 2 : i32
      %add3A_65 = arith.addi %add3A_52, %add3A_64 : i32
      %ge3A_66 = arith.constant 0 : i32
      %ge3A_67 = arith.cmpi sge, %add3A_65, %ge3A_66 : i32
      %mul3A_68 = arith.constant 32 : i32
      %mul3A_69 = arith.muli %add3A_65, %mul3A_68 : i32
      %add3A_70 = arith.addi %add3A, %mul3A_69 : i32
      %lt3A_71 = arith.constant 2500 : i32
      %lt3A_72 = arith.cmpi slt, %add3A_70, %lt3A_71 : i32
      %and3A_73 = arith.andi %ge3A_67, %lt3A_72 : i1
      %convert_element_type3A_74 = arith.extui %and3A_73 : i1 to i32
      %cond3A_75 = arith.constant 0 : i32
      %cond3A_76 = arith.cmpi ne, %convert_element_type3A_74, %cond3A_75 : i32
      scf.if %cond3A_76 {
        %mul3A_205 = arith.constant 32 : i32
        %mul3A_206 = arith.muli %add3A_65, %mul3A_205 : i32
        %add3A_207 = arith.addi %add3A, %mul3A_206 : i32
        %mul3A_208 = arith.constant 128 : i32
        %mul3A_209 = arith.muli %add3A_207, %mul3A_208 : i32
        %dma_start3A = arith.constant 1 : i32
        %dma_start3A_210 = arith.constant 2 : i32
        %dma_start3A_211 = arith.constant 2 : i32
        %dma_start3A_212 = arith.constant 0 : i32
        %dma_start3A_213 = tpu.memref_slice %arg6[%dma_start3A_210, %dma_start3A_212] : memref<4x128xi32, #tpu.memory_space<vmem>> -> memref<1x128xi32, #tpu.memory_space<vmem>>
        %dma_start3A_214 = tpu.memref_squeeze %dma_start3A_213 : memref<1x128xi32, #tpu.memory_space<vmem>> -> memref<128xi32, #tpu.memory_space<vmem>>
        %dma_start3A_215 = tpu.memref_slice %arg2[%dma_start3A, %mul3A_209] : memref<2x320000xi32, #tpu.memory_space<hbm>> -> memref<1x128xi32, #tpu.memory_space<hbm>>
        %dma_start3A_216 = tpu.memref_squeeze %dma_start3A_215 : memref<1x128xi32, #tpu.memory_space<hbm>> -> memref<128xi32, #tpu.memory_space<hbm>>
        %dma_start3A_217 = tpu.memref_slice %arg9[%dma_start3A_211] : memref<4x!tpu.dma_semaphore, #tpu.memory_space<semaphore_mem>> -> memref<1x!tpu.dma_semaphore, #tpu.memory_space<semaphore_mem>>
        %dma_start3A_218 = tpu.memref_squeeze %dma_start3A_217 : memref<1x!tpu.dma_semaphore, #tpu.memory_space<semaphore_mem>> -> memref<!tpu.dma_semaphore, #tpu.memory_space<semaphore_mem>>
        %dma_start3A_219 = arith.constant 0 : i32
        %dma_start3A_220 = tpu.memref_slice %arg6[%dma_start3A_210, %dma_start3A_219] : memref<4x128xi32, #tpu.memory_space<vmem>> -> memref<1x128xi32, #tpu.memory_space<vmem>>
        %dma_start3A_221 = tpu.memref_squeeze %dma_start3A_220 : memref<1x128xi32, #tpu.memory_space<vmem>> -> memref<128xi32, #tpu.memory_space<vmem>>
        %dma_start3A_222 = tpu.memref_slice %arg2[%dma_start3A, %mul3A_209] : memref<2x320000xi32, #tpu.memory_space<hbm>> -> memref<1x128xi32, #tpu.memory_space<hbm>>
        %dma_start3A_223 = tpu.memref_squeeze %dma_start3A_222 : memref<1x128xi32, #tpu.memory_space<hbm>> -> memref<128xi32, #tpu.memory_space<hbm>>
        tpu.enqueue_dma source(%dma_start3A_223 : memref<128xi32, #tpu.memory_space<hbm>>) target(%dma_start3A_221 : memref<128xi32, #tpu.memory_space<vmem>>) target_semaphore(%dma_start3A_218 : memref<!tpu.dma_semaphore, #tpu.memory_space<semaphore_mem>>)
      } else {
      }
      %ge3A_77 = arith.constant 0 : i32
      %ge3A_78 = arith.cmpi sge, %add3A_52, %ge3A_77 : i32
      %mul3A_79 = arith.constant 32 : i32
      %mul3A_80 = arith.muli %add3A_52, %mul3A_79 : i32
      %add3A_81 = arith.addi %add3A, %mul3A_80 : i32
      %lt3A_82 = arith.constant 2500 : i32
      %lt3A_83 = arith.cmpi slt, %add3A_81, %lt3A_82 : i32
      %and3A_84 = arith.andi %ge3A_78, %lt3A_83 : i1
      %convert_element_type3A_85 = arith.extui %and3A_84 : i1 to i32
      %cond3A_86 = arith.constant 0 : i32
      %cond3A_87 = arith.cmpi ne, %convert_element_type3A_85, %cond3A_86 : i32
      scf.if %cond3A_87 {
        %mul3A_205 = arith.constant 32 : i32
        %mul3A_206 = arith.muli %add3A_52, %mul3A_205 : i32
        %add3A_207 = arith.addi %add3A, %mul3A_206 : i32
        %mul3A_208 = arith.constant 128 : i32
        %mul3A_209 = arith.muli %add3A_207, %mul3A_208 : i32
        %dma_wait3A = arith.constant 1 : i32
        %dma_wait3A_210 = arith.constant 0 : i32
        %dma_wait3A_211 = arith.constant 0 : i32
        %dma_wait3A_212 = arith.constant 0 : i32
        %dma_wait3A_213 = tpu.memref_slice %arg6[%dma_wait3A_210, %dma_wait3A_212] : memref<4x128xi32, #tpu.memory_space<vmem>> -> memref<1x128xi32, #tpu.memory_space<vmem>>
        %dma_wait3A_214 = tpu.memref_squeeze %dma_wait3A_213 : memref<1x128xi32, #tpu.memory_space<vmem>> -> memref<128xi32, #tpu.memory_space<vmem>>
        %dma_wait3A_215 = tpu.memref_slice %arg2[%dma_wait3A, %mul3A_209] : memref<2x320000xi32, #tpu.memory_space<hbm>> -> memref<1x128xi32, #tpu.memory_space<hbm>>
        %dma_wait3A_216 = tpu.memref_squeeze %dma_wait3A_215 : memref<1x128xi32, #tpu.memory_space<hbm>> -> memref<128xi32, #tpu.memory_space<hbm>>
        %dma_wait3A_217 = tpu.memref_slice %arg9[%dma_wait3A_211] : memref<4x!tpu.dma_semaphore, #tpu.memory_space<semaphore_mem>> -> memref<1x!tpu.dma_semaphore, #tpu.memory_space<semaphore_mem>>
        %dma_wait3A_218 = tpu.memref_squeeze %dma_wait3A_217 : memref<1x!tpu.dma_semaphore, #tpu.memory_space<semaphore_mem>> -> memref<!tpu.dma_semaphore, #tpu.memory_space<semaphore_mem>>
        %dma_wait3A_219 = arith.constant 0 : i32
        %dma_wait3A_220 = tpu.memref_slice %arg6[%dma_wait3A_210, %dma_wait3A_219] : memref<4x128xi32, #tpu.memory_space<vmem>> -> memref<1x128xi32, #tpu.memory_space<vmem>>
        %dma_wait3A_221 = tpu.memref_squeeze %dma_wait3A_220 : memref<1x128xi32, #tpu.memory_space<vmem>> -> memref<128xi32, #tpu.memory_space<vmem>>
        %dma_wait3A_222 = tpu.memref_slice %arg2[%dma_wait3A, %mul3A_209] : memref<2x320000xi32, #tpu.memory_space<hbm>> -> memref<1x128xi32, #tpu.memory_space<hbm>>
        %dma_wait3A_223 = tpu.memref_squeeze %dma_wait3A_222 : memref<1x128xi32, #tpu.memory_space<hbm>> -> memref<128xi32, #tpu.memory_space<hbm>>
        tpu.wait_dma2 semaphore(%dma_wait3A_218 : memref<!tpu.dma_semaphore, #tpu.memory_space<semaphore_mem>>) src(%dma_wait3A_223 : memref<128xi32, #tpu.memory_space<hbm>>) dst(%dma_wait3A_221 : memref<128xi32, #tpu.memory_space<vmem>>)
        %dma_start3A = arith.constant 0 : i32
        %dma_start3A_224 = arith.constant 0 : i32
        %dma_start3A_225 = arith.constant 0 : i32
        %dma_start3A_226 = tpu.memref_slice %arg6[%dma_start3A, %dma_start3A_225] : memref<4x128xi32, #tpu.memory_space<vmem>> -> memref<1x128xi32, #tpu.memory_space<vmem>>
        %dma_start3A_227 = tpu.memref_squeeze %dma_start3A_226 : memref<1x128xi32, #tpu.memory_space<vmem>> -> memref<128xi32, #tpu.memory_space<vmem>>
        %dma_start3A_228 = arith.constant 0 : i32
        %dma_start3A_229 = arith.constant 0 : i32
        %dma_start3A_230 = tpu.memref_slice %arg8[%dma_start3A_228, %dma_start3A_229] : memref<10240x16xf32, #tpu.memory_space<vmem_shared>> -> memref<10240x16xf32, #tpu.memory_space<vmem_shared>>
        %dma_start3A_231 = tpu.memref_slice %arg10[%dma_start3A_224] : memref<4x!tpu.dma_semaphore, #tpu.memory_space<semaphore_mem>> -> memref<1x!tpu.dma_semaphore, #tpu.memory_space<semaphore_mem>>
        %dma_start3A_232 = tpu.memref_squeeze %dma_start3A_231 : memref<1x!tpu.dma_semaphore, #tpu.memory_space<semaphore_mem>> -> memref<!tpu.dma_semaphore, #tpu.memory_space<semaphore_mem>>
        tpu.enqueue_indirect_dma source(%arg7 : memref<128x16xf32, #tpu.memory_space<vmem>>) target(%dma_start3A_230 : memref<10240x16xf32, #tpu.memory_space<vmem_shared>>) offsets(%dma_start3A_227 : memref<128xi32, #tpu.memory_space<vmem>>) semaphore(%dma_start3A_232 : memref<!tpu.dma_semaphore, #tpu.memory_space<semaphore_mem>>) {add = true}
      } else {
      }
      %add3A_88 = arith.constant 1 : i32
      %add3A_89 = arith.addi %mul3A_50, %add3A_88 : i32
      %sub3A_90 = arith.constant 2 : i32
      %sub3A_91 = arith.subi %add3A_89, %sub3A_90 : i32
      %ge3A_92 = arith.constant 0 : i32
      %ge3A_93 = arith.cmpi sge, %sub3A_91, %ge3A_92 : i32
      %mul3A_94 = arith.constant 32 : i32
      %mul3A_95 = arith.muli %sub3A_91, %mul3A_94 : i32
      %add3A_96 = arith.addi %add3A, %mul3A_95 : i32
      %lt3A_97 = arith.constant 2500 : i32
      %lt3A_98 = arith.cmpi slt, %add3A_96, %lt3A_97 : i32
      %and3A_99 = arith.andi %ge3A_93, %lt3A_98 : i1
      %convert_element_type3A_100 = arith.extui %and3A_99 : i1 to i32
      %cond3A_101 = arith.constant 0 : i32
      %cond3A_102 = arith.cmpi ne, %convert_element_type3A_100, %cond3A_101 : i32
      scf.if %cond3A_102 {
        %dma_wait3A = arith.constant 3 : i32
        %dma_wait3A_205 = arith.constant 3 : i32
        %dma_wait3A_206 = arith.constant 0 : i32
        %dma_wait3A_207 = tpu.memref_slice %arg6[%dma_wait3A, %dma_wait3A_206] : memref<4x128xi32, #tpu.memory_space<vmem>> -> memref<1x128xi32, #tpu.memory_space<vmem>>
        %dma_wait3A_208 = tpu.memref_squeeze %dma_wait3A_207 : memref<1x128xi32, #tpu.memory_space<vmem>> -> memref<128xi32, #tpu.memory_space<vmem>>
        %dma_wait3A_209 = arith.constant 0 : i32
        %dma_wait3A_210 = arith.constant 0 : i32
        %dma_wait3A_211 = tpu.memref_slice %arg8[%dma_wait3A_209, %dma_wait3A_210] : memref<10240x16xf32, #tpu.memory_space<vmem_shared>> -> memref<10240x16xf32, #tpu.memory_space<vmem_shared>>
        %dma_wait3A_212 = tpu.memref_slice %arg10[%dma_wait3A_205] : memref<4x!tpu.dma_semaphore, #tpu.memory_space<semaphore_mem>> -> memref<1x!tpu.dma_semaphore, #tpu.memory_space<semaphore_mem>>
        %dma_wait3A_213 = tpu.memref_squeeze %dma_wait3A_212 : memref<1x!tpu.dma_semaphore, #tpu.memory_space<semaphore_mem>> -> memref<!tpu.dma_semaphore, #tpu.memory_space<semaphore_mem>>
        tpu.wait_indirect_dma semaphore(%dma_wait3A_213 : memref<!tpu.dma_semaphore, #tpu.memory_space<semaphore_mem>>) src(%arg7 : memref<128x16xf32, #tpu.memory_space<vmem>>) dst(%dma_wait3A_211 : memref<10240x16xf32, #tpu.memory_space<vmem_shared>>)
      } else {
      }
      %add3A_103 = arith.constant 2 : i32
      %add3A_104 = arith.addi %add3A_89, %add3A_103 : i32
      %ge3A_105 = arith.constant 0 : i32
      %ge3A_106 = arith.cmpi sge, %add3A_104, %ge3A_105 : i32
      %mul3A_107 = arith.constant 32 : i32
      %mul3A_108 = arith.muli %add3A_104, %mul3A_107 : i32
      %add3A_109 = arith.addi %add3A, %mul3A_108 : i32
      %lt3A_110 = arith.constant 2500 : i32
      %lt3A_111 = arith.cmpi slt, %add3A_109, %lt3A_110 : i32
      %and3A_112 = arith.andi %ge3A_106, %lt3A_111 : i1
      %convert_element_type3A_113 = arith.extui %and3A_112 : i1 to i32
      %cond3A_114 = arith.constant 0 : i32
      %cond3A_115 = arith.cmpi ne, %convert_element_type3A_113, %cond3A_114 : i32
      scf.if %cond3A_115 {
        %mul3A_205 = arith.constant 32 : i32
        %mul3A_206 = arith.muli %add3A_104, %mul3A_205 : i32
        %add3A_207 = arith.addi %add3A, %mul3A_206 : i32
        %mul3A_208 = arith.constant 128 : i32
        %mul3A_209 = arith.muli %add3A_207, %mul3A_208 : i32
        %dma_start3A = arith.constant 1 : i32
        %dma_start3A_210 = arith.constant 3 : i32
        %dma_start3A_211 = arith.constant 3 : i32
        %dma_start3A_212 = arith.constant 0 : i32
        %dma_start3A_213 = tpu.memref_slice %arg6[%dma_start3A_210, %dma_start3A_212] : memref<4x128xi32, #tpu.memory_space<vmem>> -> memref<1x128xi32, #tpu.memory_space<vmem>>
        %dma_start3A_214 = tpu.memref_squeeze %dma_start3A_213 : memref<1x128xi32, #tpu.memory_space<vmem>> -> memref<128xi32, #tpu.memory_space<vmem>>
        %dma_start3A_215 = tpu.memref_slice %arg2[%dma_start3A, %mul3A_209] : memref<2x320000xi32, #tpu.memory_space<hbm>> -> memref<1x128xi32, #tpu.memory_space<hbm>>
        %dma_start3A_216 = tpu.memref_squeeze %dma_start3A_215 : memref<1x128xi32, #tpu.memory_space<hbm>> -> memref<128xi32, #tpu.memory_space<hbm>>
        %dma_start3A_217 = tpu.memref_slice %arg9[%dma_start3A_211] : memref<4x!tpu.dma_semaphore, #tpu.memory_space<semaphore_mem>> -> memref<1x!tpu.dma_semaphore, #tpu.memory_space<semaphore_mem>>
        %dma_start3A_218 = tpu.memref_squeeze %dma_start3A_217 : memref<1x!tpu.dma_semaphore, #tpu.memory_space<semaphore_mem>> -> memref<!tpu.dma_semaphore, #tpu.memory_space<semaphore_mem>>
        %dma_start3A_219 = arith.constant 0 : i32
        %dma_start3A_220 = tpu.memref_slice %arg6[%dma_start3A_210, %dma_start3A_219] : memref<4x128xi32, #tpu.memory_space<vmem>> -> memref<1x128xi32, #tpu.memory_space<vmem>>
        %dma_start3A_221 = tpu.memref_squeeze %dma_start3A_220 : memref<1x128xi32, #tpu.memory_space<vmem>> -> memref<128xi32, #tpu.memory_space<vmem>>
        %dma_start3A_222 = tpu.memref_slice %arg2[%dma_start3A, %mul3A_209] : memref<2x320000xi32, #tpu.memory_space<hbm>> -> memref<1x128xi32, #tpu.memory_space<hbm>>
        %dma_start3A_223 = tpu.memref_squeeze %dma_start3A_222 : memref<1x128xi32, #tpu.memory_space<hbm>> -> memref<128xi32, #tpu.memory_space<hbm>>
        tpu.enqueue_dma source(%dma_start3A_223 : memref<128xi32, #tpu.memory_space<hbm>>) target(%dma_start3A_221 : memref<128xi32, #tpu.memory_space<vmem>>) target_semaphore(%dma_start3A_218 : memref<!tpu.dma_semaphore, #tpu.memory_space<semaphore_mem>>)
      } else {
      }
      %ge3A_116 = arith.constant 0 : i32
      %ge3A_117 = arith.cmpi sge, %add3A_89, %ge3A_116 : i32
      %mul3A_118 = arith.constant 32 : i32
      %mul3A_119 = arith.muli %add3A_89, %mul3A_118 : i32
      %add3A_120 = arith.addi %add3A, %mul3A_119 : i32
      %lt3A_121 = arith.constant 2500 : i32
      %lt3A_122 = arith.cmpi slt, %add3A_120, %lt3A_121 : i32
      %and3A_123 = arith.andi %ge3A_117, %lt3A_122 : i1
      %convert_element_type3A_124 = arith.extui %and3A_123 : i1 to i32
      %cond3A_125 = arith.constant 0 : i32
      %cond3A_126 = arith.cmpi ne, %convert_element_type3A_124, %cond3A_125 : i32
      scf.if %cond3A_126 {
        %mul3A_205 = arith.constant 32 : i32
        %mul3A_206 = arith.muli %add3A_89, %mul3A_205 : i32
        %add3A_207 = arith.addi %add3A, %mul3A_206 : i32
        %mul3A_208 = arith.constant 128 : i32
        %mul3A_209 = arith.muli %add3A_207, %mul3A_208 : i32
        %dma_wait3A = arith.constant 1 : i32
        %dma_wait3A_210 = arith.constant 1 : i32
        %dma_wait3A_211 = arith.constant 1 : i32
        %dma_wait3A_212 = arith.constant 0 : i32
        %dma_wait3A_213 = tpu.memref_slice %arg6[%dma_wait3A_210, %dma_wait3A_212] : memref<4x128xi32, #tpu.memory_space<vmem>> -> memref<1x128xi32, #tpu.memory_space<vmem>>
        %dma_wait3A_214 = tpu.memref_squeeze %dma_wait3A_213 : memref<1x128xi32, #tpu.memory_space<vmem>> -> memref<128xi32, #tpu.memory_space<vmem>>
        %dma_wait3A_215 = tpu.memref_slice %arg2[%dma_wait3A, %mul3A_209] : memref<2x320000xi32, #tpu.memory_space<hbm>> -> memref<1x128xi32, #tpu.memory_space<hbm>>
        %dma_wait3A_216 = tpu.memref_squeeze %dma_wait3A_215 : memref<1x128xi32, #tpu.memory_space<hbm>> -> memref<128xi32, #tpu.memory_space<hbm>>
        %dma_wait3A_217 = tpu.memref_slice %arg9[%dma_wait3A_211] : memref<4x!tpu.dma_semaphore, #tpu.memory_space<semaphore_mem>> -> memref<1x!tpu.dma_semaphore, #tpu.memory_space<semaphore_mem>>
        %dma_wait3A_218 = tpu.memref_squeeze %dma_wait3A_217 : memref<1x!tpu.dma_semaphore, #tpu.memory_space<semaphore_mem>> -> memref<!tpu.dma_semaphore, #tpu.memory_space<semaphore_mem>>
        %dma_wait3A_219 = arith.constant 0 : i32
        %dma_wait3A_220 = tpu.memref_slice %arg6[%dma_wait3A_210, %dma_wait3A_219] : memref<4x128xi32, #tpu.memory_space<vmem>> -> memref<1x128xi32, #tpu.memory_space<vmem>>
        %dma_wait3A_221 = tpu.memref_squeeze %dma_wait3A_220 : memref<1x128xi32, #tpu.memory_space<vmem>> -> memref<128xi32, #tpu.memory_space<vmem>>
        %dma_wait3A_222 = tpu.memref_slice %arg2[%dma_wait3A, %mul3A_209] : memref<2x320000xi32, #tpu.memory_space<hbm>> -> memref<1x128xi32, #tpu.memory_space<hbm>>
        %dma_wait3A_223 = tpu.memref_squeeze %dma_wait3A_222 : memref<1x128xi32, #tpu.memory_space<hbm>> -> memref<128xi32, #tpu.memory_space<hbm>>
        tpu.wait_dma2 semaphore(%dma_wait3A_218 : memref<!tpu.dma_semaphore, #tpu.memory_space<semaphore_mem>>) src(%dma_wait3A_223 : memref<128xi32, #tpu.memory_space<hbm>>) dst(%dma_wait3A_221 : memref<128xi32, #tpu.memory_space<vmem>>)
        %dma_start3A = arith.constant 1 : i32
        %dma_start3A_224 = arith.constant 1 : i32
        %dma_start3A_225 = arith.constant 0 : i32
        %dma_start3A_226 = tpu.memref_slice %arg6[%dma_start3A, %dma_start3A_225] : memref<4x128xi32, #tpu.memory_space<vmem>> -> memref<1x128xi32, #tpu.memory_space<vmem>>
        %dma_start3A_227 = tpu.memref_squeeze %dma_start3A_226 : memref<1x128xi32, #tpu.memory_space<vmem>> -> memref<128xi32, #tpu.memory_space<vmem>>
        %dma_start3A_228 = arith.constant 0 : i32
        %dma_start3A_229 = arith.constant 0 : i32
        %dma_start3A_230 = tpu.memref_slice %arg8[%dma_start3A_228, %dma_start3A_229] : memref<10240x16xf32, #tpu.memory_space<vmem_shared>> -> memref<10240x16xf32, #tpu.memory_space<vmem_shared>>
        %dma_start3A_231 = tpu.memref_slice %arg10[%dma_start3A_224] : memref<4x!tpu.dma_semaphore, #tpu.memory_space<semaphore_mem>> -> memref<1x!tpu.dma_semaphore, #tpu.memory_space<semaphore_mem>>
        %dma_start3A_232 = tpu.memref_squeeze %dma_start3A_231 : memref<1x!tpu.dma_semaphore, #tpu.memory_space<semaphore_mem>> -> memref<!tpu.dma_semaphore, #tpu.memory_space<semaphore_mem>>
        tpu.enqueue_indirect_dma source(%arg7 : memref<128x16xf32, #tpu.memory_space<vmem>>) target(%dma_start3A_230 : memref<10240x16xf32, #tpu.memory_space<vmem_shared>>) offsets(%dma_start3A_227 : memref<128xi32, #tpu.memory_space<vmem>>) semaphore(%dma_start3A_232 : memref<!tpu.dma_semaphore, #tpu.memory_space<semaphore_mem>>) {add = true}
      } else {
      }
      %add3A_127 = arith.constant 2 : i32
      %add3A_128 = arith.addi %mul3A_50, %add3A_127 : i32
      %sub3A_129 = arith.constant 2 : i32
      %sub3A_130 = arith.subi %add3A_128, %sub3A_129 : i32
      %ge3A_131 = arith.constant 0 : i32
      %ge3A_132 = arith.cmpi sge, %sub3A_130, %ge3A_131 : i32
      %mul3A_133 = arith.constant 32 : i32
      %mul3A_134 = arith.muli %sub3A_130, %mul3A_133 : i32
      %add3A_135 = arith.addi %add3A, %mul3A_134 : i32
      %lt3A_136 = arith.constant 2500 : i32
      %lt3A_137 = arith.cmpi slt, %add3A_135, %lt3A_136 : i32
      %and3A_138 = arith.andi %ge3A_132, %lt3A_137 : i1
      %convert_element_type3A_139 = arith.extui %and3A_138 : i1 to i32
      %cond3A_140 = arith.constant 0 : i32
      %cond3A_141 = arith.cmpi ne, %convert_element_type3A_139, %cond3A_140 : i32
      scf.if %cond3A_141 {
        %dma_wait3A = arith.constant 0 : i32
        %dma_wait3A_205 = arith.constant 0 : i32
        %dma_wait3A_206 = arith.constant 0 : i32
        %dma_wait3A_207 = tpu.memref_slice %arg6[%dma_wait3A, %dma_wait3A_206] : memref<4x128xi32, #tpu.memory_space<vmem>> -> memref<1x128xi32, #tpu.memory_space<vmem>>
        %dma_wait3A_208 = tpu.memref_squeeze %dma_wait3A_207 : memref<1x128xi32, #tpu.memory_space<vmem>> -> memref<128xi32, #tpu.memory_space<vmem>>
        %dma_wait3A_209 = arith.constant 0 : i32
        %dma_wait3A_210 = arith.constant 0 : i32
        %dma_wait3A_211 = tpu.memref_slice %arg8[%dma_wait3A_209, %dma_wait3A_210] : memref<10240x16xf32, #tpu.memory_space<vmem_shared>> -> memref<10240x16xf32, #tpu.memory_space<vmem_shared>>
        %dma_wait3A_212 = tpu.memref_slice %arg10[%dma_wait3A_205] : memref<4x!tpu.dma_semaphore, #tpu.memory_space<semaphore_mem>> -> memref<1x!tpu.dma_semaphore, #tpu.memory_space<semaphore_mem>>
        %dma_wait3A_213 = tpu.memref_squeeze %dma_wait3A_212 : memref<1x!tpu.dma_semaphore, #tpu.memory_space<semaphore_mem>> -> memref<!tpu.dma_semaphore, #tpu.memory_space<semaphore_mem>>
        tpu.wait_indirect_dma semaphore(%dma_wait3A_213 : memref<!tpu.dma_semaphore, #tpu.memory_space<semaphore_mem>>) src(%arg7 : memref<128x16xf32, #tpu.memory_space<vmem>>) dst(%dma_wait3A_211 : memref<10240x16xf32, #tpu.memory_space<vmem_shared>>)
      } else {
      }
      %add3A_142 = arith.constant 2 : i32
      %add3A_143 = arith.addi %add3A_128, %add3A_142 : i32
      %ge3A_144 = arith.constant 0 : i32
      %ge3A_145 = arith.cmpi sge, %add3A_143, %ge3A_144 : i32
      %mul3A_146 = arith.constant 32 : i32
      %mul3A_147 = arith.muli %add3A_143, %mul3A_146 : i32
      %add3A_148 = arith.addi %add3A, %mul3A_147 : i32
      %lt3A_149 = arith.constant 2500 : i32
      %lt3A_150 = arith.cmpi slt, %add3A_148, %lt3A_149 : i32
      %and3A_151 = arith.andi %ge3A_145, %lt3A_150 : i1
      %convert_element_type3A_152 = arith.extui %and3A_151 : i1 to i32
      %cond3A_153 = arith.constant 0 : i32
      %cond3A_154 = arith.cmpi ne, %convert_element_type3A_152, %cond3A_153 : i32
      scf.if %cond3A_154 {
        %mul3A_205 = arith.constant 32 : i32
        %mul3A_206 = arith.muli %add3A_143, %mul3A_205 : i32
        %add3A_207 = arith.addi %add3A, %mul3A_206 : i32
        %mul3A_208 = arith.constant 128 : i32
        %mul3A_209 = arith.muli %add3A_207, %mul3A_208 : i32
        %dma_start3A = arith.constant 1 : i32
        %dma_start3A_210 = arith.constant 0 : i32
        %dma_start3A_211 = arith.constant 0 : i32
        %dma_start3A_212 = arith.constant 0 : i32
        %dma_start3A_213 = tpu.memref_slice %arg6[%dma_start3A_210, %dma_start3A_212] : memref<4x128xi32, #tpu.memory_space<vmem>> -> memref<1x128xi32, #tpu.memory_space<vmem>>
        %dma_start3A_214 = tpu.memref_squeeze %dma_start3A_213 : memref<1x128xi32, #tpu.memory_space<vmem>> -> memref<128xi32, #tpu.memory_space<vmem>>
        %dma_start3A_215 = tpu.memref_slice %arg2[%dma_start3A, %mul3A_209] : memref<2x320000xi32, #tpu.memory_space<hbm>> -> memref<1x128xi32, #tpu.memory_space<hbm>>
        %dma_start3A_216 = tpu.memref_squeeze %dma_start3A_215 : memref<1x128xi32, #tpu.memory_space<hbm>> -> memref<128xi32, #tpu.memory_space<hbm>>
        %dma_start3A_217 = tpu.memref_slice %arg9[%dma_start3A_211] : memref<4x!tpu.dma_semaphore, #tpu.memory_space<semaphore_mem>> -> memref<1x!tpu.dma_semaphore, #tpu.memory_space<semaphore_mem>>
        %dma_start3A_218 = tpu.memref_squeeze %dma_start3A_217 : memref<1x!tpu.dma_semaphore, #tpu.memory_space<semaphore_mem>> -> memref<!tpu.dma_semaphore, #tpu.memory_space<semaphore_mem>>
        %dma_start3A_219 = arith.constant 0 : i32
        %dma_start3A_220 = tpu.memref_slice %arg6[%dma_start3A_210, %dma_start3A_219] : memref<4x128xi32, #tpu.memory_space<vmem>> -> memref<1x128xi32, #tpu.memory_space<vmem>>
        %dma_start3A_221 = tpu.memref_squeeze %dma_start3A_220 : memref<1x128xi32, #tpu.memory_space<vmem>> -> memref<128xi32, #tpu.memory_space<vmem>>
        %dma_start3A_222 = tpu.memref_slice %arg2[%dma_start3A, %mul3A_209] : memref<2x320000xi32, #tpu.memory_space<hbm>> -> memref<1x128xi32, #tpu.memory_space<hbm>>
        %dma_start3A_223 = tpu.memref_squeeze %dma_start3A_222 : memref<1x128xi32, #tpu.memory_space<hbm>> -> memref<128xi32, #tpu.memory_space<hbm>>
        tpu.enqueue_dma source(%dma_start3A_223 : memref<128xi32, #tpu.memory_space<hbm>>) target(%dma_start3A_221 : memref<128xi32, #tpu.memory_space<vmem>>) target_semaphore(%dma_start3A_218 : memref<!tpu.dma_semaphore, #tpu.memory_space<semaphore_mem>>)
      } else {
      }
      %ge3A_155 = arith.constant 0 : i32
      %ge3A_156 = arith.cmpi sge, %add3A_128, %ge3A_155 : i32
      %mul3A_157 = arith.constant 32 : i32
      %mul3A_158 = arith.muli %add3A_128, %mul3A_157 : i32
      %add3A_159 = arith.addi %add3A, %mul3A_158 : i32
      %lt3A_160 = arith.constant 2500 : i32
      %lt3A_161 = arith.cmpi slt, %add3A_159, %lt3A_160 : i32
      %and3A_162 = arith.andi %ge3A_156, %lt3A_161 : i1
      %convert_element_type3A_163 = arith.extui %and3A_162 : i1 to i32
      %cond3A_164 = arith.constant 0 : i32
      %cond3A_165 = arith.cmpi ne, %convert_element_type3A_163, %cond3A_164 : i32
      scf.if %cond3A_165 {
        %mul3A_205 = arith.constant 32 : i32
        %mul3A_206 = arith.muli %add3A_128, %mul3A_205 : i32
        %add3A_207 = arith.addi %add3A, %mul3A_206 : i32
        %mul3A_208 = arith.constant 128 : i32
        %mul3A_209 = arith.muli %add3A_207, %mul3A_208 : i32
        %dma_wait3A = arith.constant 1 : i32
        %dma_wait3A_210 = arith.constant 2 : i32
        %dma_wait3A_211 = arith.constant 2 : i32
        %dma_wait3A_212 = arith.constant 0 : i32
        %dma_wait3A_213 = tpu.memref_slice %arg6[%dma_wait3A_210, %dma_wait3A_212] : memref<4x128xi32, #tpu.memory_space<vmem>> -> memref<1x128xi32, #tpu.memory_space<vmem>>
        %dma_wait3A_214 = tpu.memref_squeeze %dma_wait3A_213 : memref<1x128xi32, #tpu.memory_space<vmem>> -> memref<128xi32, #tpu.memory_space<vmem>>
        %dma_wait3A_215 = tpu.memref_slice %arg2[%dma_wait3A, %mul3A_209] : memref<2x320000xi32, #tpu.memory_space<hbm>> -> memref<1x128xi32, #tpu.memory_space<hbm>>
        %dma_wait3A_216 = tpu.memref_squeeze %dma_wait3A_215 : memref<1x128xi32, #tpu.memory_space<hbm>> -> memref<128xi32, #tpu.memory_space<hbm>>
        %dma_wait3A_217 = tpu.memref_slice %arg9[%dma_wait3A_211] : memref<4x!tpu.dma_semaphore, #tpu.memory_space<semaphore_mem>> -> memref<1x!tpu.dma_semaphore, #tpu.memory_space<semaphore_mem>>
        %dma_wait3A_218 = tpu.memref_squeeze %dma_wait3A_217 : memref<1x!tpu.dma_semaphore, #tpu.memory_space<semaphore_mem>> -> memref<!tpu.dma_semaphore, #tpu.memory_space<semaphore_mem>>
        %dma_wait3A_219 = arith.constant 0 : i32
        %dma_wait3A_220 = tpu.memref_slice %arg6[%dma_wait3A_210, %dma_wait3A_219] : memref<4x128xi32, #tpu.memory_space<vmem>> -> memref<1x128xi32, #tpu.memory_space<vmem>>
        %dma_wait3A_221 = tpu.memref_squeeze %dma_wait3A_220 : memref<1x128xi32, #tpu.memory_space<vmem>> -> memref<128xi32, #tpu.memory_space<vmem>>
        %dma_wait3A_222 = tpu.memref_slice %arg2[%dma_wait3A, %mul3A_209] : memref<2x320000xi32, #tpu.memory_space<hbm>> -> memref<1x128xi32, #tpu.memory_space<hbm>>
        %dma_wait3A_223 = tpu.memref_squeeze %dma_wait3A_222 : memref<1x128xi32, #tpu.memory_space<hbm>> -> memref<128xi32, #tpu.memory_space<hbm>>
        tpu.wait_dma2 semaphore(%dma_wait3A_218 : memref<!tpu.dma_semaphore, #tpu.memory_space<semaphore_mem>>) src(%dma_wait3A_223 : memref<128xi32, #tpu.memory_space<hbm>>) dst(%dma_wait3A_221 : memref<128xi32, #tpu.memory_space<vmem>>)
        %dma_start3A = arith.constant 2 : i32
        %dma_start3A_224 = arith.constant 2 : i32
        %dma_start3A_225 = arith.constant 0 : i32
        %dma_start3A_226 = tpu.memref_slice %arg6[%dma_start3A, %dma_start3A_225] : memref<4x128xi32, #tpu.memory_space<vmem>> -> memref<1x128xi32, #tpu.memory_space<vmem>>
        %dma_start3A_227 = tpu.memref_squeeze %dma_start3A_226 : memref<1x128xi32, #tpu.memory_space<vmem>> -> memref<128xi32, #tpu.memory_space<vmem>>
        %dma_start3A_228 = arith.constant 0 : i32
        %dma_start3A_229 = arith.constant 0 : i32
        %dma_start3A_230 = tpu.memref_slice %arg8[%dma_start3A_228, %dma_start3A_229] : memref<10240x16xf32, #tpu.memory_space<vmem_shared>> -> memref<10240x16xf32, #tpu.memory_space<vmem_shared>>
        %dma_start3A_231 = tpu.memref_slice %arg10[%dma_start3A_224] : memref<4x!tpu.dma_semaphore, #tpu.memory_space<semaphore_mem>> -> memref<1x!tpu.dma_semaphore, #tpu.memory_space<semaphore_mem>>
        %dma_start3A_232 = tpu.memref_squeeze %dma_start3A_231 : memref<1x!tpu.dma_semaphore, #tpu.memory_space<semaphore_mem>> -> memref<!tpu.dma_semaphore, #tpu.memory_space<semaphore_mem>>
        tpu.enqueue_indirect_dma source(%arg7 : memref<128x16xf32, #tpu.memory_space<vmem>>) target(%dma_start3A_230 : memref<10240x16xf32, #tpu.memory_space<vmem_shared>>) offsets(%dma_start3A_227 : memref<128xi32, #tpu.memory_space<vmem>>) semaphore(%dma_start3A_232 : memref<!tpu.dma_semaphore, #tpu.memory_space<semaphore_mem>>) {add = true}
      } else {
      }
      %add3A_166 = arith.constant 3 : i32
      %add3A_167 = arith.addi %mul3A_50, %add3A_166 : i32
      %sub3A_168 = arith.constant 2 : i32
      %sub3A_169 = arith.subi %add3A_167, %sub3A_168 : i32
      %ge3A_170 = arith.constant 0 : i32
      %ge3A_171 = arith.cmpi sge, %sub3A_169, %ge3A_170 : i32
      %mul3A_172 = arith.constant 32 : i32
      %mul3A_173 = arith.muli %sub3A_169, %mul3A_172 : i32
      %add3A_174 = arith.addi %add3A, %mul3A_173 : i32
      %lt3A_175 = arith.constant 2500 : i32
      %lt3A_176 = arith.cmpi slt, %add3A_174, %lt3A_175 : i32
      %and3A_177 = arith.andi %ge3A_171, %lt3A_176 : i1
      %convert_element_type3A_178 = arith.extui %and3A_177 : i1 to i32
      %cond3A_179 = arith.constant 0 : i32
      %cond3A_180 = arith.cmpi ne, %convert_element_type3A_178, %cond3A_179 : i32
      scf.if %cond3A_180 {
        %dma_wait3A = arith.constant 1 : i32
        %dma_wait3A_205 = arith.constant 1 : i32
        %dma_wait3A_206 = arith.constant 0 : i32
        %dma_wait3A_207 = tpu.memref_slice %arg6[%dma_wait3A, %dma_wait3A_206] : memref<4x128xi32, #tpu.memory_space<vmem>> -> memref<1x128xi32, #tpu.memory_space<vmem>>
        %dma_wait3A_208 = tpu.memref_squeeze %dma_wait3A_207 : memref<1x128xi32, #tpu.memory_space<vmem>> -> memref<128xi32, #tpu.memory_space<vmem>>
        %dma_wait3A_209 = arith.constant 0 : i32
        %dma_wait3A_210 = arith.constant 0 : i32
        %dma_wait3A_211 = tpu.memref_slice %arg8[%dma_wait3A_209, %dma_wait3A_210] : memref<10240x16xf32, #tpu.memory_space<vmem_shared>> -> memref<10240x16xf32, #tpu.memory_space<vmem_shared>>
        %dma_wait3A_212 = tpu.memref_slice %arg10[%dma_wait3A_205] : memref<4x!tpu.dma_semaphore, #tpu.memory_space<semaphore_mem>> -> memref<1x!tpu.dma_semaphore, #tpu.memory_space<semaphore_mem>>
        %dma_wait3A_213 = tpu.memref_squeeze %dma_wait3A_212 : memref<1x!tpu.dma_semaphore, #tpu.memory_space<semaphore_mem>> -> memref<!tpu.dma_semaphore, #tpu.memory_space<semaphore_mem>>
        tpu.wait_indirect_dma semaphore(%dma_wait3A_213 : memref<!tpu.dma_semaphore, #tpu.memory_space<semaphore_mem>>) src(%arg7 : memref<128x16xf32, #tpu.memory_space<vmem>>) dst(%dma_wait3A_211 : memref<10240x16xf32, #tpu.memory_space<vmem_shared>>)
      } else {
      }
      %add3A_181 = arith.constant 2 : i32
      %add3A_182 = arith.addi %add3A_167, %add3A_181 : i32
      %ge3A_183 = arith.constant 0 : i32
      %ge3A_184 = arith.cmpi sge, %add3A_182, %ge3A_183 : i32
      %mul3A_185 = arith.constant 32 : i32
      %mul3A_186 = arith.muli %add3A_182, %mul3A_185 : i32
      %add3A_187 = arith.addi %add3A, %mul3A_186 : i32
      %lt3A_188 = arith.constant 2500 : i32
      %lt3A_189 = arith.cmpi slt, %add3A_187, %lt3A_188 : i32
      %and3A_190 = arith.andi %ge3A_184, %lt3A_189 : i1
      %convert_element_type3A_191 = arith.extui %and3A_190 : i1 to i32
      %cond3A_192 = arith.constant 0 : i32
      %cond3A_193 = arith.cmpi ne, %convert_element_type3A_191, %cond3A_192 : i32
      scf.if %cond3A_193 {
        %mul3A_205 = arith.constant 32 : i32
        %mul3A_206 = arith.muli %add3A_182, %mul3A_205 : i32
        %add3A_207 = arith.addi %add3A, %mul3A_206 : i32
        %mul3A_208 = arith.constant 128 : i32
        %mul3A_209 = arith.muli %add3A_207, %mul3A_208 : i32
        %dma_start3A = arith.constant 1 : i32
        %dma_start3A_210 = arith.constant 1 : i32
        %dma_start3A_211 = arith.constant 1 : i32
        %dma_start3A_212 = arith.constant 0 : i32
        %dma_start3A_213 = tpu.memref_slice %arg6[%dma_start3A_210, %dma_start3A_212] : memref<4x128xi32, #tpu.memory_space<vmem>> -> memref<1x128xi32, #tpu.memory_space<vmem>>
        %dma_start3A_214 = tpu.memref_squeeze %dma_start3A_213 : memref<1x128xi32, #tpu.memory_space<vmem>> -> memref<128xi32, #tpu.memory_space<vmem>>
        %dma_start3A_215 = tpu.memref_slice %arg2[%dma_start3A, %mul3A_209] : memref<2x320000xi32, #tpu.memory_space<hbm>> -> memref<1x128xi32, #tpu.memory_space<hbm>>
        %dma_start3A_216 = tpu.memref_squeeze %dma_start3A_215 : memref<1x128xi32, #tpu.memory_space<hbm>> -> memref<128xi32, #tpu.memory_space<hbm>>
        %dma_start3A_217 = tpu.memref_slice %arg9[%dma_start3A_211] : memref<4x!tpu.dma_semaphore, #tpu.memory_space<semaphore_mem>> -> memref<1x!tpu.dma_semaphore, #tpu.memory_space<semaphore_mem>>
        %dma_start3A_218 = tpu.memref_squeeze %dma_start3A_217 : memref<1x!tpu.dma_semaphore, #tpu.memory_space<semaphore_mem>> -> memref<!tpu.dma_semaphore, #tpu.memory_space<semaphore_mem>>
        %dma_start3A_219 = arith.constant 0 : i32
        %dma_start3A_220 = tpu.memref_slice %arg6[%dma_start3A_210, %dma_start3A_219] : memref<4x128xi32, #tpu.memory_space<vmem>> -> memref<1x128xi32, #tpu.memory_space<vmem>>
        %dma_start3A_221 = tpu.memref_squeeze %dma_start3A_220 : memref<1x128xi32, #tpu.memory_space<vmem>> -> memref<128xi32, #tpu.memory_space<vmem>>
        %dma_start3A_222 = tpu.memref_slice %arg2[%dma_start3A, %mul3A_209] : memref<2x320000xi32, #tpu.memory_space<hbm>> -> memref<1x128xi32, #tpu.memory_space<hbm>>
        %dma_start3A_223 = tpu.memref_squeeze %dma_start3A_222 : memref<1x128xi32, #tpu.memory_space<hbm>> -> memref<128xi32, #tpu.memory_space<hbm>>
        tpu.enqueue_dma source(%dma_start3A_223 : memref<128xi32, #tpu.memory_space<hbm>>) target(%dma_start3A_221 : memref<128xi32, #tpu.memory_space<vmem>>) target_semaphore(%dma_start3A_218 : memref<!tpu.dma_semaphore, #tpu.memory_space<semaphore_mem>>)
      } else {
      }
      %ge3A_194 = arith.constant 0 : i32
      %ge3A_195 = arith.cmpi sge, %add3A_167, %ge3A_194 : i32
      %mul3A_196 = arith.constant 32 : i32
      %mul3A_197 = arith.muli %add3A_167, %mul3A_196 : i32
      %add3A_198 = arith.addi %add3A, %mul3A_197 : i32
      %lt3A_199 = arith.constant 2500 : i32
      %lt3A_200 = arith.cmpi slt, %add3A_198, %lt3A_199 : i32
      %and3A_201 = arith.andi %ge3A_195, %lt3A_200 : i1
      %convert_element_type3A_202 = arith.extui %and3A_201 : i1 to i32
      %cond3A_203 = arith.constant 0 : i32
      %cond3A_204 = arith.cmpi ne, %convert_element_type3A_202, %cond3A_203 : i32
      scf.if %cond3A_204 {
        %mul3A_205 = arith.constant 32 : i32
        %mul3A_206 = arith.muli %add3A_167, %mul3A_205 : i32
        %add3A_207 = arith.addi %add3A, %mul3A_206 : i32
        %mul3A_208 = arith.constant 128 : i32
        %mul3A_209 = arith.muli %add3A_207, %mul3A_208 : i32
        %dma_wait3A = arith.constant 1 : i32
        %dma_wait3A_210 = arith.constant 3 : i32
        %dma_wait3A_211 = arith.constant 3 : i32
        %dma_wait3A_212 = arith.constant 0 : i32
        %dma_wait3A_213 = tpu.memref_slice %arg6[%dma_wait3A_210, %dma_wait3A_212] : memref<4x128xi32, #tpu.memory_space<vmem>> -> memref<1x128xi32, #tpu.memory_space<vmem>>
        %dma_wait3A_214 = tpu.memref_squeeze %dma_wait3A_213 : memref<1x128xi32, #tpu.memory_space<vmem>> -> memref<128xi32, #tpu.memory_space<vmem>>
        %dma_wait3A_215 = tpu.memref_slice %arg2[%dma_wait3A, %mul3A_209] : memref<2x320000xi32, #tpu.memory_space<hbm>> -> memref<1x128xi32, #tpu.memory_space<hbm>>
        %dma_wait3A_216 = tpu.memref_squeeze %dma_wait3A_215 : memref<1x128xi32, #tpu.memory_space<hbm>> -> memref<128xi32, #tpu.memory_space<hbm>>
        %dma_wait3A_217 = tpu.memref_slice %arg9[%dma_wait3A_211] : memref<4x!tpu.dma_semaphore, #tpu.memory_space<semaphore_mem>> -> memref<1x!tpu.dma_semaphore, #tpu.memory_space<semaphore_mem>>
        %dma_wait3A_218 = tpu.memref_squeeze %dma_wait3A_217 : memref<1x!tpu.dma_semaphore, #tpu.memory_space<semaphore_mem>> -> memref<!tpu.dma_semaphore, #tpu.memory_space<semaphore_mem>>
        %dma_wait3A_219 = arith.constant 0 : i32
        %dma_wait3A_220 = tpu.memref_slice %arg6[%dma_wait3A_210, %dma_wait3A_219] : memref<4x128xi32, #tpu.memory_space<vmem>> -> memref<1x128xi32, #tpu.memory_space<vmem>>
        %dma_wait3A_221 = tpu.memref_squeeze %dma_wait3A_220 : memref<1x128xi32, #tpu.memory_space<vmem>> -> memref<128xi32, #tpu.memory_space<vmem>>
        %dma_wait3A_222 = tpu.memref_slice %arg2[%dma_wait3A, %mul3A_209] : memref<2x320000xi32, #tpu.memory_space<hbm>> -> memref<1x128xi32, #tpu.memory_space<hbm>>
        %dma_wait3A_223 = tpu.memref_squeeze %dma_wait3A_222 : memref<1x128xi32, #tpu.memory_space<hbm>> -> memref<128xi32, #tpu.memory_space<hbm>>
        tpu.wait_dma2 semaphore(%dma_wait3A_218 : memref<!tpu.dma_semaphore, #tpu.memory_space<semaphore_mem>>) src(%dma_wait3A_223 : memref<128xi32, #tpu.memory_space<hbm>>) dst(%dma_wait3A_221 : memref<128xi32, #tpu.memory_space<vmem>>)
        %dma_start3A = arith.constant 3 : i32
        %dma_start3A_224 = arith.constant 3 : i32
        %dma_start3A_225 = arith.constant 0 : i32
        %dma_start3A_226 = tpu.memref_slice %arg6[%dma_start3A, %dma_start3A_225] : memref<4x128xi32, #tpu.memory_space<vmem>> -> memref<1x128xi32, #tpu.memory_space<vmem>>
        %dma_start3A_227 = tpu.memref_squeeze %dma_start3A_226 : memref<1x128xi32, #tpu.memory_space<vmem>> -> memref<128xi32, #tpu.memory_space<vmem>>
        %dma_start3A_228 = arith.constant 0 : i32
        %dma_start3A_229 = arith.constant 0 : i32
        %dma_start3A_230 = tpu.memref_slice %arg8[%dma_start3A_228, %dma_start3A_229] : memref<10240x16xf32, #tpu.memory_space<vmem_shared>> -> memref<10240x16xf32, #tpu.memory_space<vmem_shared>>
        %dma_start3A_231 = tpu.memref_slice %arg10[%dma_start3A_224] : memref<4x!tpu.dma_semaphore, #tpu.memory_space<semaphore_mem>> -> memref<1x!tpu.dma_semaphore, #tpu.memory_space<semaphore_mem>>
        %dma_start3A_232 = tpu.memref_squeeze %dma_start3A_231 : memref<1x!tpu.dma_semaphore, #tpu.memory_space<semaphore_mem>> -> memref<!tpu.dma_semaphore, #tpu.memory_space<semaphore_mem>>
        tpu.enqueue_indirect_dma source(%arg7 : memref<128x16xf32, #tpu.memory_space<vmem>>) target(%dma_start3A_230 : memref<10240x16xf32, #tpu.memory_space<vmem_shared>>) offsets(%dma_start3A_227 : memref<128xi32, #tpu.memory_space<vmem>>) semaphore(%dma_start3A_232 : memref<!tpu.dma_semaphore, #tpu.memory_space<semaphore_mem>>) {add = true}
      } else {
      }
    }
    %scan3A_21 = arith.constant 20 : i32
    %add3A_22 = arith.constant 2496 : i32
    %add3A_23 = arith.addi %add3A, %add3A_22 : i32
    %lt3A_24 = arith.constant 2500 : i32
    %lt3A_25 = arith.cmpi slt, %add3A_23, %lt3A_24 : i32
    %and3A_26 = arith.constant true
    %and3A_27 = arith.andi %and3A_26, %lt3A_25 : i1
    %convert_element_type3A_28 = arith.extui %and3A_27 : i1 to i32
    %cond3A_29 = arith.constant 0 : i32
    %cond3A_30 = arith.cmpi ne, %convert_element_type3A_28, %cond3A_29 : i32
    scf.if %cond3A_30 {
      %dma_wait3A = arith.constant 2 : i32
      %dma_wait3A_48 = arith.constant 2 : i32
      %dma_wait3A_49 = arith.constant 0 : i32
      %dma_wait3A_50 = tpu.memref_slice %arg6[%dma_wait3A, %dma_wait3A_49] : memref<4x128xi32, #tpu.memory_space<vmem>> -> memref<1x128xi32, #tpu.memory_space<vmem>>
      %dma_wait3A_51 = tpu.memref_squeeze %dma_wait3A_50 : memref<1x128xi32, #tpu.memory_space<vmem>> -> memref<128xi32, #tpu.memory_space<vmem>>
      %dma_wait3A_52 = arith.constant 0 : i32
      %dma_wait3A_53 = arith.constant 0 : i32
      %dma_wait3A_54 = tpu.memref_slice %arg8[%dma_wait3A_52, %dma_wait3A_53] : memref<10240x16xf32, #tpu.memory_space<vmem_shared>> -> memref<10240x16xf32, #tpu.memory_space<vmem_shared>>
      %dma_wait3A_55 = tpu.memref_slice %arg10[%dma_wait3A_48] : memref<4x!tpu.dma_semaphore, #tpu.memory_space<semaphore_mem>> -> memref<1x!tpu.dma_semaphore, #tpu.memory_space<semaphore_mem>>
      %dma_wait3A_56 = tpu.memref_squeeze %dma_wait3A_55 : memref<1x!tpu.dma_semaphore, #tpu.memory_space<semaphore_mem>> -> memref<!tpu.dma_semaphore, #tpu.memory_space<semaphore_mem>>
      tpu.wait_indirect_dma semaphore(%dma_wait3A_56 : memref<!tpu.dma_semaphore, #tpu.memory_space<semaphore_mem>>) src(%arg7 : memref<128x16xf32, #tpu.memory_space<vmem>>) dst(%dma_wait3A_54 : memref<10240x16xf32, #tpu.memory_space<vmem_shared>>)
    } else {
    }
    %add3A_31 = arith.constant 2528 : i32
    %add3A_32 = arith.addi %add3A, %add3A_31 : i32
    %lt3A_33 = arith.constant 2500 : i32
    %lt3A_34 = arith.cmpi slt, %add3A_32, %lt3A_33 : i32
    %and3A_35 = arith.constant true
    %and3A_36 = arith.andi %and3A_35, %lt3A_34 : i1
    %convert_element_type3A_37 = arith.extui %and3A_36 : i1 to i32
    %cond3A_38 = arith.constant 0 : i32
    %cond3A_39 = arith.cmpi ne, %convert_element_type3A_37, %cond3A_38 : i32
    scf.if %cond3A_39 {
      %dma_wait3A = arith.constant 3 : i32
      %dma_wait3A_48 = arith.constant 3 : i32
      %dma_wait3A_49 = arith.constant 0 : i32
      %dma_wait3A_50 = tpu.memref_slice %arg6[%dma_wait3A, %dma_wait3A_49] : memref<4x128xi32, #tpu.memory_space<vmem>> -> memref<1x128xi32, #tpu.memory_space<vmem>>
      %dma_wait3A_51 = tpu.memref_squeeze %dma_wait3A_50 : memref<1x128xi32, #tpu.memory_space<vmem>> -> memref<128xi32, #tpu.memory_space<vmem>>
      %dma_wait3A_52 = arith.constant 0 : i32
      %dma_wait3A_53 = arith.constant 0 : i32
      %dma_wait3A_54 = tpu.memref_slice %arg8[%dma_wait3A_52, %dma_wait3A_53] : memref<10240x16xf32, #tpu.memory_space<vmem_shared>> -> memref<10240x16xf32, #tpu.memory_space<vmem_shared>>
      %dma_wait3A_55 = tpu.memref_slice %arg10[%dma_wait3A_48] : memref<4x!tpu.dma_semaphore, #tpu.memory_space<semaphore_mem>> -> memref<1x!tpu.dma_semaphore, #tpu.memory_space<semaphore_mem>>
      %dma_wait3A_56 = tpu.memref_squeeze %dma_wait3A_55 : memref<1x!tpu.dma_semaphore, #tpu.memory_space<semaphore_mem>> -> memref<!tpu.dma_semaphore, #tpu.memory_space<semaphore_mem>>
      tpu.wait_indirect_dma semaphore(%dma_wait3A_56 : memref<!tpu.dma_semaphore, #tpu.memory_space<semaphore_mem>>) src(%arg7 : memref<128x16xf32, #tpu.memory_space<vmem>>) dst(%dma_wait3A_54 : memref<10240x16xf32, #tpu.memory_space<vmem_shared>>)
    } else {
    }
    %barrier3A_40 = arith.constant 0 : index
    tpu.barrier barrier_id(%barrier3A_40)
    %mul3A_41 = arith.constant 640 : i32
    %mul3A_42 = arith.muli %arg1, %mul3A_41 : i32
    %mul3A_43 = arith.constant 10240 : i32
    %mul3A_44 = arith.muli %arg0, %mul3A_43 : i32
    %mul3A_45 = arith.constant 640 : i32
    %mul3A_46 = arith.muli %arg1, %mul3A_45 : i32
    %add3A_47 = arith.addi %mul3A_44, %mul3A_46 : i32
    "tpu.region"() ({
      %run_scoped3A = tpu.sem_alloc : memref<!tpu.dma_semaphore, #tpu.memory_space<semaphore_mem>>
      %dma_start3A = arith.constant 0 : i32
      %dma_start3A_48 = tpu.memref_slice %arg5[%add3A_47, %dma_start3A] : memref<20480x16xf32, #tpu.memory_space<hbm>> -> memref<640x16xf32, #tpu.memory_space<hbm>>
      %dma_start3A_49 = arith.constant 0 : i32
      %dma_start3A_50 = tpu.memref_slice %arg8[%mul3A_42, %dma_start3A_49] : memref<10240x16xf32, #tpu.memory_space<vmem_shared>> -> memref<640x16xf32, #tpu.memory_space<vmem_shared>>
      tpu.enqueue_dma source(%dma_start3A_50 : memref<640x16xf32, #tpu.memory_space<vmem_shared>>) target(%dma_start3A_48 : memref<640x16xf32, #tpu.memory_space<hbm>>) target_semaphore(%run_scoped3A : memref<!tpu.dma_semaphore, #tpu.memory_space<semaphore_mem>>)
      %dma_wait3A = arith.constant 0 : i32
      %dma_wait3A_51 = tpu.memref_slice %arg5[%add3A_47, %dma_wait3A] : memref<20480x16xf32, #tpu.memory_space<hbm>> -> memref<640x16xf32, #tpu.memory_space<hbm>>
      %dma_wait3A_52 = arith.constant 0 : i32
      %dma_wait3A_53 = tpu.memref_slice %arg8[%mul3A_42, %dma_wait3A_52] : memref<10240x16xf32, #tpu.memory_space<vmem_shared>> -> memref<640x16xf32, #tpu.memory_space<vmem_shared>>
      tpu.wait_dma2 semaphore(%run_scoped3A : memref<!tpu.dma_semaphore, #tpu.memory_space<semaphore_mem>>) src(%dma_wait3A_53 : memref<640x16xf32, #tpu.memory_space<vmem_shared>>) dst(%dma_wait3A_51 : memref<640x16xf32, #tpu.memory_space<hbm>>)
      tpu.yield
    }) : () -> ()
    return
  }
}

#map = affine_map<(d0, d1) -> (0, 0)>
module attributes {stable_mosaic.version = 14 : i64} {
  func.func @k(%arg0: i32, %arg1: i32, %arg2: memref<10000x16xf32, #tpu.memory_space<hbm>>, %arg3: memref<2x320000xi32, #tpu.memory_space<hbm>>, %arg4: memref<640x16xf32, #tpu.memory_space<hbm>>, %arg5: memref<20480x16xf32, #tpu.memory_space<hbm>>, %arg6: memref<4x128xi32, #tpu.memory_space<vmem>>, %arg7: memref<4x128xi32, #tpu.memory_space<vmem>>, %arg8: memref<4x128x16xf32, #tpu.memory_space<vmem>>, %arg9: memref<10240x16xf32, #tpu.memory_space<vmem_shared>>, %arg10: memref<10000x16xf32, #tpu.memory_space<vmem_shared>>, %arg11: memref<4x!tpu.dma_semaphore, #tpu.memory_space<semaphore_mem>>, %arg12: memref<4x!tpu.dma_semaphore, #tpu.memory_space<semaphore_mem>>, %arg13: memref<4x!tpu.dma_semaphore, #tpu.memory_space<semaphore_mem>>) attributes {dimension_semantics = [#tpu.dimension_semantics<core_parallel>, #tpu.dimension_semantics<subcore_parallel>], iteration_bounds = array<i64: 2, 16>, scalar_prefetch = 0 : i64, scratch_operands = 8 : i64, tpu.core_type = #tpu.core_type<sc_vector_subcore>, window_params = [{transform_indices = #map}, {transform_indices = #map}, {transform_indices = #map}, {transform_indices = #map}]} {
    %mul3A = arith.constant 2 : i32
    %mul3A_0 = arith.muli %arg1, %mul3A : i32
    %add3A = arith.addi %mul3A_0, %arg0 : i32
    %mul3A_1 = arith.constant 640 : i32
    %mul3A_2 = arith.muli %arg1, %mul3A_1 : i32
    "tpu.region"() ({
      %run_scoped3A = tpu.sem_alloc : memref<!tpu.dma_semaphore, #tpu.memory_space<semaphore_mem>>
      %dma_start3A = arith.constant 0 : i32
      %dma_start3A_48 = tpu.memref_slice %arg9[%mul3A_2, %dma_start3A] : memref<10240x16xf32, #tpu.memory_space<vmem_shared>> -> memref<640x16xf32, #tpu.memory_space<vmem_shared>>
      tpu.enqueue_dma source(%arg4 : memref<640x16xf32, #tpu.memory_space<hbm>>) target(%dma_start3A_48 : memref<640x16xf32, #tpu.memory_space<vmem_shared>>) target_semaphore(%run_scoped3A : memref<!tpu.dma_semaphore, #tpu.memory_space<semaphore_mem>>)
      %dma_wait3A = arith.constant 0 : i32
      %dma_wait3A_49 = tpu.memref_slice %arg9[%mul3A_2, %dma_wait3A] : memref<10240x16xf32, #tpu.memory_space<vmem_shared>> -> memref<640x16xf32, #tpu.memory_space<vmem_shared>>
      tpu.wait_dma2 semaphore(%run_scoped3A : memref<!tpu.dma_semaphore, #tpu.memory_space<semaphore_mem>>) src(%arg4 : memref<640x16xf32, #tpu.memory_space<hbm>>) dst(%dma_wait3A_49 : memref<640x16xf32, #tpu.memory_space<vmem_shared>>)
      tpu.yield
    }) : () -> ()
    %lt3A = arith.constant 15 : i32
    %lt3A_3 = arith.cmpi slt, %arg1, %lt3A : i32
    %convert_element_type3A = arith.extui %lt3A_3 : i1 to i32
    %cond3A = arith.constant 0 : i32
    %cond3A_4 = arith.cmpi ne, %convert_element_type3A, %cond3A : i32
    scf.if %cond3A_4 {
      %mul3A_48 = arith.constant 624 : i32
      %mul3A_49 = arith.muli %arg1, %mul3A_48 : i32
      %mul3A_50 = arith.constant 624 : i32
      %mul3A_51 = arith.muli %arg1, %mul3A_50 : i32
      "tpu.region"() ({
        %run_scoped3A = tpu.sem_alloc : memref<!tpu.dma_semaphore, #tpu.memory_space<semaphore_mem>>
        %dma_start3A = arith.constant 0 : i32
        %dma_start3A_52 = tpu.memref_slice %arg10[%mul3A_51, %dma_start3A] : memref<10000x16xf32, #tpu.memory_space<vmem_shared>> -> memref<624x16xf32, #tpu.memory_space<vmem_shared>>
        %dma_start3A_53 = arith.constant 0 : i32
        %dma_start3A_54 = tpu.memref_slice %arg2[%mul3A_49, %dma_start3A_53] : memref<10000x16xf32, #tpu.memory_space<hbm>> -> memref<624x16xf32, #tpu.memory_space<hbm>>
        tpu.enqueue_dma source(%dma_start3A_54 : memref<624x16xf32, #tpu.memory_space<hbm>>) target(%dma_start3A_52 : memref<624x16xf32, #tpu.memory_space<vmem_shared>>) target_semaphore(%run_scoped3A : memref<!tpu.dma_semaphore, #tpu.memory_space<semaphore_mem>>)
        %dma_wait3A = arith.constant 0 : i32
        %dma_wait3A_55 = tpu.memref_slice %arg10[%mul3A_51, %dma_wait3A] : memref<10000x16xf32, #tpu.memory_space<vmem_shared>> -> memref<624x16xf32, #tpu.memory_space<vmem_shared>>
        %dma_wait3A_56 = arith.constant 0 : i32
        %dma_wait3A_57 = tpu.memref_slice %arg2[%mul3A_49, %dma_wait3A_56] : memref<10000x16xf32, #tpu.memory_space<hbm>> -> memref<624x16xf32, #tpu.memory_space<hbm>>
        tpu.wait_dma2 semaphore(%run_scoped3A : memref<!tpu.dma_semaphore, #tpu.memory_space<semaphore_mem>>) src(%dma_wait3A_57 : memref<624x16xf32, #tpu.memory_space<hbm>>) dst(%dma_wait3A_55 : memref<624x16xf32, #tpu.memory_space<vmem_shared>>)
        tpu.yield
      }) : () -> ()
    } else {
    }
    %eq3A = arith.constant 15 : i32
    %eq3A_5 = arith.cmpi eq, %arg1, %eq3A : i32
    %convert_element_type3A_6 = arith.extui %eq3A_5 : i1 to i32
    %cond3A_7 = arith.constant 0 : i32
    %cond3A_8 = arith.cmpi ne, %convert_element_type3A_6, %cond3A_7 : i32
    scf.if %cond3A_8 {
      "tpu.region"() ({
        %run_scoped3A = tpu.sem_alloc : memref<!tpu.dma_semaphore, #tpu.memory_space<semaphore_mem>>
        %dma_start3A = arith.constant 9360 : i32
        %dma_start3A_48 = arith.constant 0 : i32
        %dma_start3A_49 = tpu.memref_slice %arg10[%dma_start3A, %dma_start3A_48] : memref<10000x16xf32, #tpu.memory_space<vmem_shared>> -> memref<640x16xf32, #tpu.memory_space<vmem_shared>>
        %dma_start3A_50 = arith.constant 9360 : i32
        %dma_start3A_51 = arith.constant 0 : i32
        %dma_start3A_52 = tpu.memref_slice %arg2[%dma_start3A_50, %dma_start3A_51] : memref<10000x16xf32, #tpu.memory_space<hbm>> -> memref<640x16xf32, #tpu.memory_space<hbm>>
        tpu.enqueue_dma source(%dma_start3A_52 : memref<640x16xf32, #tpu.memory_space<hbm>>) target(%dma_start3A_49 : memref<640x16xf32, #tpu.memory_space<vmem_shared>>) target_semaphore(%run_scoped3A : memref<!tpu.dma_semaphore, #tpu.memory_space<semaphore_mem>>)
        %dma_wait3A = arith.constant 9360 : i32
        %dma_wait3A_53 = arith.constant 0 : i32
        %dma_wait3A_54 = tpu.memref_slice %arg10[%dma_wait3A, %dma_wait3A_53] : memref<10000x16xf32, #tpu.memory_space<vmem_shared>> -> memref<640x16xf32, #tpu.memory_space<vmem_shared>>
        %dma_wait3A_55 = arith.constant 9360 : i32
        %dma_wait3A_56 = arith.constant 0 : i32
        %dma_wait3A_57 = tpu.memref_slice %arg2[%dma_wait3A_55, %dma_wait3A_56] : memref<10000x16xf32, #tpu.memory_space<hbm>> -> memref<640x16xf32, #tpu.memory_space<hbm>>
        tpu.wait_dma2 semaphore(%run_scoped3A : memref<!tpu.dma_semaphore, #tpu.memory_space<semaphore_mem>>) src(%dma_wait3A_57 : memref<640x16xf32, #tpu.memory_space<hbm>>) dst(%dma_wait3A_54 : memref<640x16xf32, #tpu.memory_space<vmem_shared>>)
        tpu.yield
      }) : () -> ()
    } else {
    }
    %barrier3A = arith.constant 0 : index
    tpu.barrier barrier_id(%barrier3A)
    %add3A_9 = arith.constant 0 : i32
    %add3A_10 = arith.addi %add3A, %add3A_9 : i32
    %lt3A_11 = arith.constant 2500 : i32
    %lt3A_12 = arith.cmpi slt, %add3A_10, %lt3A_11 : i32
    %and3A = arith.constant true
    %and3A_13 = arith.andi %and3A, %lt3A_12 : i1
    %convert_element_type3A_14 = arith.extui %and3A_13 : i1 to i32
    %cond3A_15 = arith.constant 0 : i32
    %cond3A_16 = arith.cmpi ne, %convert_element_type3A_14, %cond3A_15 : i32
    scf.if %cond3A_16 {
      %add3A_48 = arith.constant 0 : i32
      %add3A_49 = arith.addi %add3A, %add3A_48 : i32
      %mul3A_50 = arith.constant 128 : i32
      %mul3A_51 = arith.muli %add3A_49, %mul3A_50 : i32
      %dma_start3A = arith.constant 0 : i32
      %dma_start3A_52 = arith.constant 0 : i32
      %dma_start3A_53 = arith.constant 0 : i32
      %dma_start3A_54 = arith.constant 0 : i32
      %dma_start3A_55 = tpu.memref_slice %arg6[%dma_start3A_52, %dma_start3A_54] : memref<4x128xi32, #tpu.memory_space<vmem>> -> memref<1x128xi32, #tpu.memory_space<vmem>>
      %dma_start3A_56 = tpu.memref_squeeze %dma_start3A_55 : memref<1x128xi32, #tpu.memory_space<vmem>> -> memref<128xi32, #tpu.memory_space<vmem>>
      %dma_start3A_57 = tpu.memref_slice %arg3[%dma_start3A, %mul3A_51] : memref<2x320000xi32, #tpu.memory_space<hbm>> -> memref<1x128xi32, #tpu.memory_space<hbm>>
      %dma_start3A_58 = tpu.memref_squeeze %dma_start3A_57 : memref<1x128xi32, #tpu.memory_space<hbm>> -> memref<128xi32, #tpu.memory_space<hbm>>
      %dma_start3A_59 = tpu.memref_slice %arg11[%dma_start3A_53] : memref<4x!tpu.dma_semaphore, #tpu.memory_space<semaphore_mem>> -> memref<1x!tpu.dma_semaphore, #tpu.memory_space<semaphore_mem>>
      %dma_start3A_60 = tpu.memref_squeeze %dma_start3A_59 : memref<1x!tpu.dma_semaphore, #tpu.memory_space<semaphore_mem>> -> memref<!tpu.dma_semaphore, #tpu.memory_space<semaphore_mem>>
      %dma_start3A_61 = arith.constant 0 : i32
      %dma_start3A_62 = tpu.memref_slice %arg6[%dma_start3A_52, %dma_start3A_61] : memref<4x128xi32, #tpu.memory_space<vmem>> -> memref<1x128xi32, #tpu.memory_space<vmem>>
      %dma_start3A_63 = tpu.memref_squeeze %dma_start3A_62 : memref<1x128xi32, #tpu.memory_space<vmem>> -> memref<128xi32, #tpu.memory_space<vmem>>
      %dma_start3A_64 = tpu.memref_slice %arg3[%dma_start3A, %mul3A_51] : memref<2x320000xi32, #tpu.memory_space<hbm>> -> memref<1x128xi32, #tpu.memory_space<hbm>>
      %dma_start3A_65 = tpu.memref_squeeze %dma_start3A_64 : memref<1x128xi32, #tpu.memory_space<hbm>> -> memref<128xi32, #tpu.memory_space<hbm>>
      tpu.enqueue_dma source(%dma_start3A_65 : memref<128xi32, #tpu.memory_space<hbm>>) target(%dma_start3A_63 : memref<128xi32, #tpu.memory_space<vmem>>) target_semaphore(%dma_start3A_60 : memref<!tpu.dma_semaphore, #tpu.memory_space<semaphore_mem>>)
      %add3A_66 = arith.constant 0 : i32
      %add3A_67 = arith.addi %add3A, %add3A_66 : i32
      %mul3A_68 = arith.constant 128 : i32
      %mul3A_69 = arith.muli %add3A_67, %mul3A_68 : i32
      %dma_start3A_70 = arith.constant 1 : i32
      %dma_start3A_71 = arith.constant 0 : i32
      %dma_start3A_72 = arith.constant 0 : i32
      %dma_start3A_73 = arith.constant 0 : i32
      %dma_start3A_74 = tpu.memref_slice %arg7[%dma_start3A_71, %dma_start3A_73] : memref<4x128xi32, #tpu.memory_space<vmem>> -> memref<1x128xi32, #tpu.memory_space<vmem>>
      %dma_start3A_75 = tpu.memref_squeeze %dma_start3A_74 : memref<1x128xi32, #tpu.memory_space<vmem>> -> memref<128xi32, #tpu.memory_space<vmem>>
      %dma_start3A_76 = tpu.memref_slice %arg3[%dma_start3A_70, %mul3A_69] : memref<2x320000xi32, #tpu.memory_space<hbm>> -> memref<1x128xi32, #tpu.memory_space<hbm>>
      %dma_start3A_77 = tpu.memref_squeeze %dma_start3A_76 : memref<1x128xi32, #tpu.memory_space<hbm>> -> memref<128xi32, #tpu.memory_space<hbm>>
      %dma_start3A_78 = tpu.memref_slice %arg11[%dma_start3A_72] : memref<4x!tpu.dma_semaphore, #tpu.memory_space<semaphore_mem>> -> memref<1x!tpu.dma_semaphore, #tpu.memory_space<semaphore_mem>>
      %dma_start3A_79 = tpu.memref_squeeze %dma_start3A_78 : memref<1x!tpu.dma_semaphore, #tpu.memory_space<semaphore_mem>> -> memref<!tpu.dma_semaphore, #tpu.memory_space<semaphore_mem>>
      %dma_start3A_80 = arith.constant 0 : i32
      %dma_start3A_81 = tpu.memref_slice %arg7[%dma_start3A_71, %dma_start3A_80] : memref<4x128xi32, #tpu.memory_space<vmem>> -> memref<1x128xi32, #tpu.memory_space<vmem>>
      %dma_start3A_82 = tpu.memref_squeeze %dma_start3A_81 : memref<1x128xi32, #tpu.memory_space<vmem>> -> memref<128xi32, #tpu.memory_space<vmem>>
      %dma_start3A_83 = tpu.memref_slice %arg3[%dma_start3A_70, %mul3A_69] : memref<2x320000xi32, #tpu.memory_space<hbm>> -> memref<1x128xi32, #tpu.memory_space<hbm>>
      %dma_start3A_84 = tpu.memref_squeeze %dma_start3A_83 : memref<1x128xi32, #tpu.memory_space<hbm>> -> memref<128xi32, #tpu.memory_space<hbm>>
      tpu.enqueue_dma source(%dma_start3A_84 : memref<128xi32, #tpu.memory_space<hbm>>) target(%dma_start3A_82 : memref<128xi32, #tpu.memory_space<vmem>>) target_semaphore(%dma_start3A_79 : memref<!tpu.dma_semaphore, #tpu.memory_space<semaphore_mem>>)
    } else {
    }
    %add3A_17 = arith.constant 32 : i32
    %add3A_18 = arith.addi %add3A, %add3A_17 : i32
    %lt3A_19 = arith.constant 2500 : i32
    %lt3A_20 = arith.cmpi slt, %add3A_18, %lt3A_19 : i32
    %and3A_21 = arith.constant true
    %and3A_22 = arith.andi %and3A_21, %lt3A_20 : i1
    %convert_element_type3A_23 = arith.extui %and3A_22 : i1 to i32
    %cond3A_24 = arith.constant 0 : i32
    %cond3A_25 = arith.cmpi ne, %convert_element_type3A_23, %cond3A_24 : i32
    scf.if %cond3A_25 {
      %add3A_48 = arith.constant 32 : i32
      %add3A_49 = arith.addi %add3A, %add3A_48 : i32
      %mul3A_50 = arith.constant 128 : i32
      %mul3A_51 = arith.muli %add3A_49, %mul3A_50 : i32
      %dma_start3A = arith.constant 0 : i32
      %dma_start3A_52 = arith.constant 1 : i32
      %dma_start3A_53 = arith.constant 1 : i32
      %dma_start3A_54 = arith.constant 0 : i32
      %dma_start3A_55 = tpu.memref_slice %arg6[%dma_start3A_52, %dma_start3A_54] : memref<4x128xi32, #tpu.memory_space<vmem>> -> memref<1x128xi32, #tpu.memory_space<vmem>>
      %dma_start3A_56 = tpu.memref_squeeze %dma_start3A_55 : memref<1x128xi32, #tpu.memory_space<vmem>> -> memref<128xi32, #tpu.memory_space<vmem>>
      %dma_start3A_57 = tpu.memref_slice %arg3[%dma_start3A, %mul3A_51] : memref<2x320000xi32, #tpu.memory_space<hbm>> -> memref<1x128xi32, #tpu.memory_space<hbm>>
      %dma_start3A_58 = tpu.memref_squeeze %dma_start3A_57 : memref<1x128xi32, #tpu.memory_space<hbm>> -> memref<128xi32, #tpu.memory_space<hbm>>
      %dma_start3A_59 = tpu.memref_slice %arg11[%dma_start3A_53] : memref<4x!tpu.dma_semaphore, #tpu.memory_space<semaphore_mem>> -> memref<1x!tpu.dma_semaphore, #tpu.memory_space<semaphore_mem>>
      %dma_start3A_60 = tpu.memref_squeeze %dma_start3A_59 : memref<1x!tpu.dma_semaphore, #tpu.memory_space<semaphore_mem>> -> memref<!tpu.dma_semaphore, #tpu.memory_space<semaphore_mem>>
      %dma_start3A_61 = arith.constant 0 : i32
      %dma_start3A_62 = tpu.memref_slice %arg6[%dma_start3A_52, %dma_start3A_61] : memref<4x128xi32, #tpu.memory_space<vmem>> -> memref<1x128xi32, #tpu.memory_space<vmem>>
      %dma_start3A_63 = tpu.memref_squeeze %dma_start3A_62 : memref<1x128xi32, #tpu.memory_space<vmem>> -> memref<128xi32, #tpu.memory_space<vmem>>
      %dma_start3A_64 = tpu.memref_slice %arg3[%dma_start3A, %mul3A_51] : memref<2x320000xi32, #tpu.memory_space<hbm>> -> memref<1x128xi32, #tpu.memory_space<hbm>>
      %dma_start3A_65 = tpu.memref_squeeze %dma_start3A_64 : memref<1x128xi32, #tpu.memory_space<hbm>> -> memref<128xi32, #tpu.memory_space<hbm>>
      tpu.enqueue_dma source(%dma_start3A_65 : memref<128xi32, #tpu.memory_space<hbm>>) target(%dma_start3A_63 : memref<128xi32, #tpu.memory_space<vmem>>) target_semaphore(%dma_start3A_60 : memref<!tpu.dma_semaphore, #tpu.memory_space<semaphore_mem>>)
      %add3A_66 = arith.constant 32 : i32
      %add3A_67 = arith.addi %add3A, %add3A_66 : i32
      %mul3A_68 = arith.constant 128 : i32
      %mul3A_69 = arith.muli %add3A_67, %mul3A_68 : i32
      %dma_start3A_70 = arith.constant 1 : i32
      %dma_start3A_71 = arith.constant 1 : i32
      %dma_start3A_72 = arith.constant 1 : i32
      %dma_start3A_73 = arith.constant 0 : i32
      %dma_start3A_74 = tpu.memref_slice %arg7[%dma_start3A_71, %dma_start3A_73] : memref<4x128xi32, #tpu.memory_space<vmem>> -> memref<1x128xi32, #tpu.memory_space<vmem>>
      %dma_start3A_75 = tpu.memref_squeeze %dma_start3A_74 : memref<1x128xi32, #tpu.memory_space<vmem>> -> memref<128xi32, #tpu.memory_space<vmem>>
      %dma_start3A_76 = tpu.memref_slice %arg3[%dma_start3A_70, %mul3A_69] : memref<2x320000xi32, #tpu.memory_space<hbm>> -> memref<1x128xi32, #tpu.memory_space<hbm>>
      %dma_start3A_77 = tpu.memref_squeeze %dma_start3A_76 : memref<1x128xi32, #tpu.memory_space<hbm>> -> memref<128xi32, #tpu.memory_space<hbm>>
      %dma_start3A_78 = tpu.memref_slice %arg11[%dma_start3A_72] : memref<4x!tpu.dma_semaphore, #tpu.memory_space<semaphore_mem>> -> memref<1x!tpu.dma_semaphore, #tpu.memory_space<semaphore_mem>>
      %dma_start3A_79 = tpu.memref_squeeze %dma_start3A_78 : memref<1x!tpu.dma_semaphore, #tpu.memory_space<semaphore_mem>> -> memref<!tpu.dma_semaphore, #tpu.memory_space<semaphore_mem>>
      %dma_start3A_80 = arith.constant 0 : i32
      %dma_start3A_81 = tpu.memref_slice %arg7[%dma_start3A_71, %dma_start3A_80] : memref<4x128xi32, #tpu.memory_space<vmem>> -> memref<1x128xi32, #tpu.memory_space<vmem>>
      %dma_start3A_82 = tpu.memref_squeeze %dma_start3A_81 : memref<1x128xi32, #tpu.memory_space<vmem>> -> memref<128xi32, #tpu.memory_space<vmem>>
      %dma_start3A_83 = tpu.memref_slice %arg3[%dma_start3A_70, %mul3A_69] : memref<2x320000xi32, #tpu.memory_space<hbm>> -> memref<1x128xi32, #tpu.memory_space<hbm>>
      %dma_start3A_84 = tpu.memref_squeeze %dma_start3A_83 : memref<1x128xi32, #tpu.memory_space<hbm>> -> memref<128xi32, #tpu.memory_space<hbm>>
      tpu.enqueue_dma source(%dma_start3A_84 : memref<128xi32, #tpu.memory_space<hbm>>) target(%dma_start3A_82 : memref<128xi32, #tpu.memory_space<vmem>>) target_semaphore(%dma_start3A_79 : memref<!tpu.dma_semaphore, #tpu.memory_space<semaphore_mem>>)
    } else {
    }
    %scan3A = arith.constant 0 : i32
    %scan3A_26 = arith.constant 0 : i32
    %scan3A_27 = arith.constant 20 : i32
    %scan3A_28 = arith.addi %scan3A_26, %scan3A_27 : i32
    %scan3A_29 = arith.constant 1 : i32
    scf.for %scan3A_48 = %scan3A_26 to %scan3A_28 step %scan3A_29  : i32 {
      %mul3A_49 = arith.constant 4 : i32
      %mul3A_50 = arith.muli %scan3A_48, %mul3A_49 : i32
      %add3A_51 = arith.constant 0 : i32
      %add3A_52 = arith.addi %mul3A_50, %add3A_51 : i32
      %sub3A = arith.constant 2 : i32
      %sub3A_53 = arith.subi %add3A_52, %sub3A : i32
      %ge3A = arith.constant 0 : i32
      %ge3A_54 = arith.cmpi sge, %sub3A_53, %ge3A : i32
      %mul3A_55 = arith.constant 32 : i32
      %mul3A_56 = arith.muli %sub3A_53, %mul3A_55 : i32
      %add3A_57 = arith.addi %add3A, %mul3A_56 : i32
      %lt3A_58 = arith.constant 2500 : i32
      %lt3A_59 = arith.cmpi slt, %add3A_57, %lt3A_58 : i32
      %and3A_60 = arith.andi %ge3A_54, %lt3A_59 : i1
      %convert_element_type3A_61 = arith.extui %and3A_60 : i1 to i32
      %cond3A_62 = arith.constant 0 : i32
      %cond3A_63 = arith.cmpi ne, %convert_element_type3A_61, %cond3A_62 : i32
      scf.if %cond3A_63 {
        %dma_wait3A = arith.constant 2 : i32
        %dma_wait3A_257 = arith.constant 2 : i32
        %dma_wait3A_258 = arith.constant 2 : i32
        %dma_wait3A_259 = arith.constant 0 : i32
        %dma_wait3A_260 = arith.constant 0 : i32
        %dma_wait3A_261 = tpu.memref_slice %arg8[%dma_wait3A, %dma_wait3A_259, %dma_wait3A_260] : memref<4x128x16xf32, #tpu.memory_space<vmem>> -> memref<1x128x16xf32, #tpu.memory_space<vmem>>
        %dma_wait3A_262 = tpu.memref_squeeze %dma_wait3A_261 : memref<1x128x16xf32, #tpu.memory_space<vmem>> -> memref<128x16xf32, #tpu.memory_space<vmem>>
        %dma_wait3A_263 = arith.constant 0 : i32
        %dma_wait3A_264 = tpu.memref_slice %arg7[%dma_wait3A_257, %dma_wait3A_263] : memref<4x128xi32, #tpu.memory_space<vmem>> -> memref<1x128xi32, #tpu.memory_space<vmem>>
        %dma_wait3A_265 = tpu.memref_squeeze %dma_wait3A_264 : memref<1x128xi32, #tpu.memory_space<vmem>> -> memref<128xi32, #tpu.memory_space<vmem>>
        %dma_wait3A_266 = arith.constant 0 : i32
        %dma_wait3A_267 = arith.constant 0 : i32
        %dma_wait3A_268 = tpu.memref_slice %arg9[%dma_wait3A_266, %dma_wait3A_267] : memref<10240x16xf32, #tpu.memory_space<vmem_shared>> -> memref<10240x16xf32, #tpu.memory_space<vmem_shared>>
        %dma_wait3A_269 = tpu.memref_slice %arg13[%dma_wait3A_258] : memref<4x!tpu.dma_semaphore, #tpu.memory_space<semaphore_mem>> -> memref<1x!tpu.dma_semaphore, #tpu.memory_space<semaphore_mem>>
        %dma_wait3A_270 = tpu.memref_squeeze %dma_wait3A_269 : memref<1x!tpu.dma_semaphore, #tpu.memory_space<semaphore_mem>> -> memref<!tpu.dma_semaphore, #tpu.memory_space<semaphore_mem>>
        tpu.wait_indirect_dma semaphore(%dma_wait3A_270 : memref<!tpu.dma_semaphore, #tpu.memory_space<semaphore_mem>>) src(%dma_wait3A_262 : memref<128x16xf32, #tpu.memory_space<vmem>>) dst(%dma_wait3A_268 : memref<10240x16xf32, #tpu.memory_space<vmem_shared>>)
      } else {
      }
      %add3A_64 = arith.constant 2 : i32
      %add3A_65 = arith.addi %add3A_52, %add3A_64 : i32
      %ge3A_66 = arith.constant 0 : i32
      %ge3A_67 = arith.cmpi sge, %add3A_65, %ge3A_66 : i32
      %mul3A_68 = arith.constant 32 : i32
      %mul3A_69 = arith.muli %add3A_65, %mul3A_68 : i32
      %add3A_70 = arith.addi %add3A, %mul3A_69 : i32
      %lt3A_71 = arith.constant 2500 : i32
      %lt3A_72 = arith.cmpi slt, %add3A_70, %lt3A_71 : i32
      %and3A_73 = arith.andi %ge3A_67, %lt3A_72 : i1
      %convert_element_type3A_74 = arith.extui %and3A_73 : i1 to i32
      %cond3A_75 = arith.constant 0 : i32
      %cond3A_76 = arith.cmpi ne, %convert_element_type3A_74, %cond3A_75 : i32
      scf.if %cond3A_76 {
        %mul3A_257 = arith.constant 32 : i32
        %mul3A_258 = arith.muli %add3A_65, %mul3A_257 : i32
        %add3A_259 = arith.addi %add3A, %mul3A_258 : i32
        %mul3A_260 = arith.constant 128 : i32
        %mul3A_261 = arith.muli %add3A_259, %mul3A_260 : i32
        %dma_start3A = arith.constant 0 : i32
        %dma_start3A_262 = arith.constant 2 : i32
        %dma_start3A_263 = arith.constant 2 : i32
        %dma_start3A_264 = arith.constant 0 : i32
        %dma_start3A_265 = tpu.memref_slice %arg6[%dma_start3A_262, %dma_start3A_264] : memref<4x128xi32, #tpu.memory_space<vmem>> -> memref<1x128xi32, #tpu.memory_space<vmem>>
        %dma_start3A_266 = tpu.memref_squeeze %dma_start3A_265 : memref<1x128xi32, #tpu.memory_space<vmem>> -> memref<128xi32, #tpu.memory_space<vmem>>
        %dma_start3A_267 = tpu.memref_slice %arg3[%dma_start3A, %mul3A_261] : memref<2x320000xi32, #tpu.memory_space<hbm>> -> memref<1x128xi32, #tpu.memory_space<hbm>>
        %dma_start3A_268 = tpu.memref_squeeze %dma_start3A_267 : memref<1x128xi32, #tpu.memory_space<hbm>> -> memref<128xi32, #tpu.memory_space<hbm>>
        %dma_start3A_269 = tpu.memref_slice %arg11[%dma_start3A_263] : memref<4x!tpu.dma_semaphore, #tpu.memory_space<semaphore_mem>> -> memref<1x!tpu.dma_semaphore, #tpu.memory_space<semaphore_mem>>
        %dma_start3A_270 = tpu.memref_squeeze %dma_start3A_269 : memref<1x!tpu.dma_semaphore, #tpu.memory_space<semaphore_mem>> -> memref<!tpu.dma_semaphore, #tpu.memory_space<semaphore_mem>>
        %dma_start3A_271 = arith.constant 0 : i32
        %dma_start3A_272 = tpu.memref_slice %arg6[%dma_start3A_262, %dma_start3A_271] : memref<4x128xi32, #tpu.memory_space<vmem>> -> memref<1x128xi32, #tpu.memory_space<vmem>>
        %dma_start3A_273 = tpu.memref_squeeze %dma_start3A_272 : memref<1x128xi32, #tpu.memory_space<vmem>> -> memref<128xi32, #tpu.memory_space<vmem>>
        %dma_start3A_274 = tpu.memref_slice %arg3[%dma_start3A, %mul3A_261] : memref<2x320000xi32, #tpu.memory_space<hbm>> -> memref<1x128xi32, #tpu.memory_space<hbm>>
        %dma_start3A_275 = tpu.memref_squeeze %dma_start3A_274 : memref<1x128xi32, #tpu.memory_space<hbm>> -> memref<128xi32, #tpu.memory_space<hbm>>
        tpu.enqueue_dma source(%dma_start3A_275 : memref<128xi32, #tpu.memory_space<hbm>>) target(%dma_start3A_273 : memref<128xi32, #tpu.memory_space<vmem>>) target_semaphore(%dma_start3A_270 : memref<!tpu.dma_semaphore, #tpu.memory_space<semaphore_mem>>)
        %mul3A_276 = arith.constant 32 : i32
        %mul3A_277 = arith.muli %add3A_65, %mul3A_276 : i32
        %add3A_278 = arith.addi %add3A, %mul3A_277 : i32
        %mul3A_279 = arith.constant 128 : i32
        %mul3A_280 = arith.muli %add3A_278, %mul3A_279 : i32
        %dma_start3A_281 = arith.constant 1 : i32
        %dma_start3A_282 = arith.constant 2 : i32
        %dma_start3A_283 = arith.constant 2 : i32
        %dma_start3A_284 = arith.constant 0 : i32
        %dma_start3A_285 = tpu.memref_slice %arg7[%dma_start3A_282, %dma_start3A_284] : memref<4x128xi32, #tpu.memory_space<vmem>> -> memref<1x128xi32, #tpu.memory_space<vmem>>
        %dma_start3A_286 = tpu.memref_squeeze %dma_start3A_285 : memref<1x128xi32, #tpu.memory_space<vmem>> -> memref<128xi32, #tpu.memory_space<vmem>>
        %dma_start3A_287 = tpu.memref_slice %arg3[%dma_start3A_281, %mul3A_280] : memref<2x320000xi32, #tpu.memory_space<hbm>> -> memref<1x128xi32, #tpu.memory_space<hbm>>
        %dma_start3A_288 = tpu.memref_squeeze %dma_start3A_287 : memref<1x128xi32, #tpu.memory_space<hbm>> -> memref<128xi32, #tpu.memory_space<hbm>>
        %dma_start3A_289 = tpu.memref_slice %arg11[%dma_start3A_283] : memref<4x!tpu.dma_semaphore, #tpu.memory_space<semaphore_mem>> -> memref<1x!tpu.dma_semaphore, #tpu.memory_space<semaphore_mem>>
        %dma_start3A_290 = tpu.memref_squeeze %dma_start3A_289 : memref<1x!tpu.dma_semaphore, #tpu.memory_space<semaphore_mem>> -> memref<!tpu.dma_semaphore, #tpu.memory_space<semaphore_mem>>
        %dma_start3A_291 = arith.constant 0 : i32
        %dma_start3A_292 = tpu.memref_slice %arg7[%dma_start3A_282, %dma_start3A_291] : memref<4x128xi32, #tpu.memory_space<vmem>> -> memref<1x128xi32, #tpu.memory_space<vmem>>
        %dma_start3A_293 = tpu.memref_squeeze %dma_start3A_292 : memref<1x128xi32, #tpu.memory_space<vmem>> -> memref<128xi32, #tpu.memory_space<vmem>>
        %dma_start3A_294 = tpu.memref_slice %arg3[%dma_start3A_281, %mul3A_280] : memref<2x320000xi32, #tpu.memory_space<hbm>> -> memref<1x128xi32, #tpu.memory_space<hbm>>
        %dma_start3A_295 = tpu.memref_squeeze %dma_start3A_294 : memref<1x128xi32, #tpu.memory_space<hbm>> -> memref<128xi32, #tpu.memory_space<hbm>>
        tpu.enqueue_dma source(%dma_start3A_295 : memref<128xi32, #tpu.memory_space<hbm>>) target(%dma_start3A_293 : memref<128xi32, #tpu.memory_space<vmem>>) target_semaphore(%dma_start3A_290 : memref<!tpu.dma_semaphore, #tpu.memory_space<semaphore_mem>>)
      } else {
      }
      %ge3A_77 = arith.constant 0 : i32
      %ge3A_78 = arith.cmpi sge, %add3A_52, %ge3A_77 : i32
      %mul3A_79 = arith.constant 32 : i32
      %mul3A_80 = arith.muli %add3A_52, %mul3A_79 : i32
      %add3A_81 = arith.addi %add3A, %mul3A_80 : i32
      %lt3A_82 = arith.constant 2500 : i32
      %lt3A_83 = arith.cmpi slt, %add3A_81, %lt3A_82 : i32
      %and3A_84 = arith.andi %ge3A_78, %lt3A_83 : i1
      %convert_element_type3A_85 = arith.extui %and3A_84 : i1 to i32
      %cond3A_86 = arith.constant 0 : i32
      %cond3A_87 = arith.cmpi ne, %convert_element_type3A_85, %cond3A_86 : i32
      scf.if %cond3A_87 {
        %mul3A_257 = arith.constant 32 : i32
        %mul3A_258 = arith.muli %add3A_52, %mul3A_257 : i32
        %add3A_259 = arith.addi %add3A, %mul3A_258 : i32
        %mul3A_260 = arith.constant 128 : i32
        %mul3A_261 = arith.muli %add3A_259, %mul3A_260 : i32
        %dma_wait3A = arith.constant 0 : i32
        %dma_wait3A_262 = arith.constant 0 : i32
        %dma_wait3A_263 = arith.constant 0 : i32
        %dma_wait3A_264 = arith.constant 0 : i32
        %dma_wait3A_265 = tpu.memref_slice %arg6[%dma_wait3A_262, %dma_wait3A_264] : memref<4x128xi32, #tpu.memory_space<vmem>> -> memref<1x128xi32, #tpu.memory_space<vmem>>
        %dma_wait3A_266 = tpu.memref_squeeze %dma_wait3A_265 : memref<1x128xi32, #tpu.memory_space<vmem>> -> memref<128xi32, #tpu.memory_space<vmem>>
        %dma_wait3A_267 = tpu.memref_slice %arg3[%dma_wait3A, %mul3A_261] : memref<2x320000xi32, #tpu.memory_space<hbm>> -> memref<1x128xi32, #tpu.memory_space<hbm>>
        %dma_wait3A_268 = tpu.memref_squeeze %dma_wait3A_267 : memref<1x128xi32, #tpu.memory_space<hbm>> -> memref<128xi32, #tpu.memory_space<hbm>>
        %dma_wait3A_269 = tpu.memref_slice %arg11[%dma_wait3A_263] : memref<4x!tpu.dma_semaphore, #tpu.memory_space<semaphore_mem>> -> memref<1x!tpu.dma_semaphore, #tpu.memory_space<semaphore_mem>>
        %dma_wait3A_270 = tpu.memref_squeeze %dma_wait3A_269 : memref<1x!tpu.dma_semaphore, #tpu.memory_space<semaphore_mem>> -> memref<!tpu.dma_semaphore, #tpu.memory_space<semaphore_mem>>
        %dma_wait3A_271 = arith.constant 0 : i32
        %dma_wait3A_272 = tpu.memref_slice %arg6[%dma_wait3A_262, %dma_wait3A_271] : memref<4x128xi32, #tpu.memory_space<vmem>> -> memref<1x128xi32, #tpu.memory_space<vmem>>
        %dma_wait3A_273 = tpu.memref_squeeze %dma_wait3A_272 : memref<1x128xi32, #tpu.memory_space<vmem>> -> memref<128xi32, #tpu.memory_space<vmem>>
        %dma_wait3A_274 = tpu.memref_slice %arg3[%dma_wait3A, %mul3A_261] : memref<2x320000xi32, #tpu.memory_space<hbm>> -> memref<1x128xi32, #tpu.memory_space<hbm>>
        %dma_wait3A_275 = tpu.memref_squeeze %dma_wait3A_274 : memref<1x128xi32, #tpu.memory_space<hbm>> -> memref<128xi32, #tpu.memory_space<hbm>>
        tpu.wait_dma2 semaphore(%dma_wait3A_270 : memref<!tpu.dma_semaphore, #tpu.memory_space<semaphore_mem>>) src(%dma_wait3A_275 : memref<128xi32, #tpu.memory_space<hbm>>) dst(%dma_wait3A_273 : memref<128xi32, #tpu.memory_space<vmem>>)
        %mul3A_276 = arith.constant 32 : i32
        %mul3A_277 = arith.muli %add3A_52, %mul3A_276 : i32
        %add3A_278 = arith.addi %add3A, %mul3A_277 : i32
        %mul3A_279 = arith.constant 128 : i32
        %mul3A_280 = arith.muli %add3A_278, %mul3A_279 : i32
        %dma_wait3A_281 = arith.constant 1 : i32
        %dma_wait3A_282 = arith.constant 0 : i32
        %dma_wait3A_283 = arith.constant 0 : i32
        %dma_wait3A_284 = arith.constant 0 : i32
        %dma_wait3A_285 = tpu.memref_slice %arg7[%dma_wait3A_282, %dma_wait3A_284] : memref<4x128xi32, #tpu.memory_space<vmem>> -> memref<1x128xi32, #tpu.memory_space<vmem>>
        %dma_wait3A_286 = tpu.memref_squeeze %dma_wait3A_285 : memref<1x128xi32, #tpu.memory_space<vmem>> -> memref<128xi32, #tpu.memory_space<vmem>>
        %dma_wait3A_287 = tpu.memref_slice %arg3[%dma_wait3A_281, %mul3A_280] : memref<2x320000xi32, #tpu.memory_space<hbm>> -> memref<1x128xi32, #tpu.memory_space<hbm>>
        %dma_wait3A_288 = tpu.memref_squeeze %dma_wait3A_287 : memref<1x128xi32, #tpu.memory_space<hbm>> -> memref<128xi32, #tpu.memory_space<hbm>>
        %dma_wait3A_289 = tpu.memref_slice %arg11[%dma_wait3A_283] : memref<4x!tpu.dma_semaphore, #tpu.memory_space<semaphore_mem>> -> memref<1x!tpu.dma_semaphore, #tpu.memory_space<semaphore_mem>>
        %dma_wait3A_290 = tpu.memref_squeeze %dma_wait3A_289 : memref<1x!tpu.dma_semaphore, #tpu.memory_space<semaphore_mem>> -> memref<!tpu.dma_semaphore, #tpu.memory_space<semaphore_mem>>
        %dma_wait3A_291 = arith.constant 0 : i32
        %dma_wait3A_292 = tpu.memref_slice %arg7[%dma_wait3A_282, %dma_wait3A_291] : memref<4x128xi32, #tpu.memory_space<vmem>> -> memref<1x128xi32, #tpu.memory_space<vmem>>
        %dma_wait3A_293 = tpu.memref_squeeze %dma_wait3A_292 : memref<1x128xi32, #tpu.memory_space<vmem>> -> memref<128xi32, #tpu.memory_space<vmem>>
        %dma_wait3A_294 = tpu.memref_slice %arg3[%dma_wait3A_281, %mul3A_280] : memref<2x320000xi32, #tpu.memory_space<hbm>> -> memref<1x128xi32, #tpu.memory_space<hbm>>
        %dma_wait3A_295 = tpu.memref_squeeze %dma_wait3A_294 : memref<1x128xi32, #tpu.memory_space<hbm>> -> memref<128xi32, #tpu.memory_space<hbm>>
        tpu.wait_dma2 semaphore(%dma_wait3A_290 : memref<!tpu.dma_semaphore, #tpu.memory_space<semaphore_mem>>) src(%dma_wait3A_295 : memref<128xi32, #tpu.memory_space<hbm>>) dst(%dma_wait3A_293 : memref<128xi32, #tpu.memory_space<vmem>>)
        %dma_start3A = arith.constant 0 : i32
        %dma_start3A_296 = arith.constant 0 : i32
        %dma_start3A_297 = arith.constant 0 : i32
        %dma_start3A_298 = arith.constant 0 : i32
        %dma_start3A_299 = arith.constant 0 : i32
        %dma_start3A_300 = tpu.memref_slice %arg8[%dma_start3A_296, %dma_start3A_298, %dma_start3A_299] : memref<4x128x16xf32, #tpu.memory_space<vmem>> -> memref<1x128x16xf32, #tpu.memory_space<vmem>>
        %dma_start3A_301 = tpu.memref_squeeze %dma_start3A_300 : memref<1x128x16xf32, #tpu.memory_space<vmem>> -> memref<128x16xf32, #tpu.memory_space<vmem>>
        %dma_start3A_302 = arith.constant 0 : i32
        %dma_start3A_303 = tpu.memref_slice %arg6[%dma_start3A, %dma_start3A_302] : memref<4x128xi32, #tpu.memory_space<vmem>> -> memref<1x128xi32, #tpu.memory_space<vmem>>
        %dma_start3A_304 = tpu.memref_squeeze %dma_start3A_303 : memref<1x128xi32, #tpu.memory_space<vmem>> -> memref<128xi32, #tpu.memory_space<vmem>>
        %dma_start3A_305 = arith.constant 0 : i32
        %dma_start3A_306 = arith.constant 0 : i32
        %dma_start3A_307 = tpu.memref_slice %arg10[%dma_start3A_305, %dma_start3A_306] : memref<10000x16xf32, #tpu.memory_space<vmem_shared>> -> memref<10000x16xf32, #tpu.memory_space<vmem_shared>>
        %dma_start3A_308 = tpu.memref_slice %arg12[%dma_start3A_297] : memref<4x!tpu.dma_semaphore, #tpu.memory_space<semaphore_mem>> -> memref<1x!tpu.dma_semaphore, #tpu.memory_space<semaphore_mem>>
        %dma_start3A_309 = tpu.memref_squeeze %dma_start3A_308 : memref<1x!tpu.dma_semaphore, #tpu.memory_space<semaphore_mem>> -> memref<!tpu.dma_semaphore, #tpu.memory_space<semaphore_mem>>
        tpu.enqueue_indirect_dma source(%dma_start3A_307 : memref<10000x16xf32, #tpu.memory_space<vmem_shared>>) target(%dma_start3A_301 : memref<128x16xf32, #tpu.memory_space<vmem>>) offsets(%dma_start3A_304 : memref<128xi32, #tpu.memory_space<vmem>>) semaphore(%dma_start3A_309 : memref<!tpu.dma_semaphore, #tpu.memory_space<semaphore_mem>>)
      } else {
      }
      %sub3A_88 = arith.constant 1 : i32
      %sub3A_89 = arith.subi %add3A_52, %sub3A_88 : i32
      %ge3A_90 = arith.constant 0 : i32
      %ge3A_91 = arith.cmpi sge, %sub3A_89, %ge3A_90 : i32
      %mul3A_92 = arith.constant 32 : i32
      %mul3A_93 = arith.muli %sub3A_89, %mul3A_92 : i32
      %add3A_94 = arith.addi %add3A, %mul3A_93 : i32
      %lt3A_95 = arith.constant 2500 : i32
      %lt3A_96 = arith.cmpi slt, %add3A_94, %lt3A_95 : i32
      %and3A_97 = arith.andi %ge3A_91, %lt3A_96 : i1
      %convert_element_type3A_98 = arith.extui %and3A_97 : i1 to i32
      %cond3A_99 = arith.constant 0 : i32
      %cond3A_100 = arith.cmpi ne, %convert_element_type3A_98, %cond3A_99 : i32
      scf.if %cond3A_100 {
        %dma_wait3A = arith.constant 3 : i32
        %dma_wait3A_257 = arith.constant 3 : i32
        %dma_wait3A_258 = arith.constant 3 : i32
        %dma_wait3A_259 = arith.constant 0 : i32
        %dma_wait3A_260 = arith.constant 0 : i32
        %dma_wait3A_261 = tpu.memref_slice %arg8[%dma_wait3A_257, %dma_wait3A_259, %dma_wait3A_260] : memref<4x128x16xf32, #tpu.memory_space<vmem>> -> memref<1x128x16xf32, #tpu.memory_space<vmem>>
        %dma_wait3A_262 = tpu.memref_squeeze %dma_wait3A_261 : memref<1x128x16xf32, #tpu.memory_space<vmem>> -> memref<128x16xf32, #tpu.memory_space<vmem>>
        %dma_wait3A_263 = arith.constant 0 : i32
        %dma_wait3A_264 = tpu.memref_slice %arg6[%dma_wait3A, %dma_wait3A_263] : memref<4x128xi32, #tpu.memory_space<vmem>> -> memref<1x128xi32, #tpu.memory_space<vmem>>
        %dma_wait3A_265 = tpu.memref_squeeze %dma_wait3A_264 : memref<1x128xi32, #tpu.memory_space<vmem>> -> memref<128xi32, #tpu.memory_space<vmem>>
        %dma_wait3A_266 = arith.constant 0 : i32
        %dma_wait3A_267 = arith.constant 0 : i32
        %dma_wait3A_268 = tpu.memref_slice %arg10[%dma_wait3A_266, %dma_wait3A_267] : memref<10000x16xf32, #tpu.memory_space<vmem_shared>> -> memref<10000x16xf32, #tpu.memory_space<vmem_shared>>
        %dma_wait3A_269 = tpu.memref_slice %arg12[%dma_wait3A_258] : memref<4x!tpu.dma_semaphore, #tpu.memory_space<semaphore_mem>> -> memref<1x!tpu.dma_semaphore, #tpu.memory_space<semaphore_mem>>
        %dma_wait3A_270 = tpu.memref_squeeze %dma_wait3A_269 : memref<1x!tpu.dma_semaphore, #tpu.memory_space<semaphore_mem>> -> memref<!tpu.dma_semaphore, #tpu.memory_space<semaphore_mem>>
        tpu.wait_indirect_dma semaphore(%dma_wait3A_270 : memref<!tpu.dma_semaphore, #tpu.memory_space<semaphore_mem>>) src(%dma_wait3A_268 : memref<10000x16xf32, #tpu.memory_space<vmem_shared>>) dst(%dma_wait3A_262 : memref<128x16xf32, #tpu.memory_space<vmem>>)
        %dma_start3A = arith.constant 3 : i32
        %dma_start3A_271 = arith.constant 3 : i32
        %dma_start3A_272 = arith.constant 3 : i32
        %dma_start3A_273 = arith.constant 0 : i32
        %dma_start3A_274 = arith.constant 0 : i32
        %dma_start3A_275 = tpu.memref_slice %arg8[%dma_start3A, %dma_start3A_273, %dma_start3A_274] : memref<4x128x16xf32, #tpu.memory_space<vmem>> -> memref<1x128x16xf32, #tpu.memory_space<vmem>>
        %dma_start3A_276 = tpu.memref_squeeze %dma_start3A_275 : memref<1x128x16xf32, #tpu.memory_space<vmem>> -> memref<128x16xf32, #tpu.memory_space<vmem>>
        %dma_start3A_277 = arith.constant 0 : i32
        %dma_start3A_278 = tpu.memref_slice %arg7[%dma_start3A_271, %dma_start3A_277] : memref<4x128xi32, #tpu.memory_space<vmem>> -> memref<1x128xi32, #tpu.memory_space<vmem>>
        %dma_start3A_279 = tpu.memref_squeeze %dma_start3A_278 : memref<1x128xi32, #tpu.memory_space<vmem>> -> memref<128xi32, #tpu.memory_space<vmem>>
        %dma_start3A_280 = arith.constant 0 : i32
        %dma_start3A_281 = arith.constant 0 : i32
        %dma_start3A_282 = tpu.memref_slice %arg9[%dma_start3A_280, %dma_start3A_281] : memref<10240x16xf32, #tpu.memory_space<vmem_shared>> -> memref<10240x16xf32, #tpu.memory_space<vmem_shared>>
        %dma_start3A_283 = tpu.memref_slice %arg13[%dma_start3A_272] : memref<4x!tpu.dma_semaphore, #tpu.memory_space<semaphore_mem>> -> memref<1x!tpu.dma_semaphore, #tpu.memory_space<semaphore_mem>>
        %dma_start3A_284 = tpu.memref_squeeze %dma_start3A_283 : memref<1x!tpu.dma_semaphore, #tpu.memory_space<semaphore_mem>> -> memref<!tpu.dma_semaphore, #tpu.memory_space<semaphore_mem>>
        tpu.enqueue_indirect_dma source(%dma_start3A_276 : memref<128x16xf32, #tpu.memory_space<vmem>>) target(%dma_start3A_282 : memref<10240x16xf32, #tpu.memory_space<vmem_shared>>) offsets(%dma_start3A_279 : memref<128xi32, #tpu.memory_space<vmem>>) semaphore(%dma_start3A_284 : memref<!tpu.dma_semaphore, #tpu.memory_space<semaphore_mem>>) {add = true}
      } else {
      }
      %add3A_101 = arith.constant 1 : i32
      %add3A_102 = arith.addi %mul3A_50, %add3A_101 : i32
      %sub3A_103 = arith.constant 2 : i32
      %sub3A_104 = arith.subi %add3A_102, %sub3A_103 : i32
      %ge3A_105 = arith.constant 0 : i32
      %ge3A_106 = arith.cmpi sge, %sub3A_104, %ge3A_105 : i32
      %mul3A_107 = arith.constant 32 : i32
      %mul3A_108 = arith.muli %sub3A_104, %mul3A_107 : i32
      %add3A_109 = arith.addi %add3A, %mul3A_108 : i32
      %lt3A_110 = arith.constant 2500 : i32
      %lt3A_111 = arith.cmpi slt, %add3A_109, %lt3A_110 : i32
      %and3A_112 = arith.andi %ge3A_106, %lt3A_111 : i1
      %convert_element_type3A_113 = arith.extui %and3A_112 : i1 to i32
      %cond3A_114 = arith.constant 0 : i32
      %cond3A_115 = arith.cmpi ne, %convert_element_type3A_113, %cond3A_114 : i32
      scf.if %cond3A_115 {
        %dma_wait3A = arith.constant 3 : i32
        %dma_wait3A_257 = arith.constant 3 : i32
        %dma_wait3A_258 = arith.constant 3 : i32
        %dma_wait3A_259 = arith.constant 0 : i32
        %dma_wait3A_260 = arith.constant 0 : i32
        %dma_wait3A_261 = tpu.memref_slice %arg8[%dma_wait3A, %dma_wait3A_259, %dma_wait3A_260] : memref<4x128x16xf32, #tpu.memory_space<vmem>> -> memref<1x128x16xf32, #tpu.memory_space<vmem>>
        %dma_wait3A_262 = tpu.memref_squeeze %dma_wait3A_261 : memref<1x128x16xf32, #tpu.memory_space<vmem>> -> memref<128x16xf32, #tpu.memory_space<vmem>>
        %dma_wait3A_263 = arith.constant 0 : i32
        %dma_wait3A_264 = tpu.memref_slice %arg7[%dma_wait3A_257, %dma_wait3A_263] : memref<4x128xi32, #tpu.memory_space<vmem>> -> memref<1x128xi32, #tpu.memory_space<vmem>>
        %dma_wait3A_265 = tpu.memref_squeeze %dma_wait3A_264 : memref<1x128xi32, #tpu.memory_space<vmem>> -> memref<128xi32, #tpu.memory_space<vmem>>
        %dma_wait3A_266 = arith.constant 0 : i32
        %dma_wait3A_267 = arith.constant 0 : i32
        %dma_wait3A_268 = tpu.memref_slice %arg9[%dma_wait3A_266, %dma_wait3A_267] : memref<10240x16xf32, #tpu.memory_space<vmem_shared>> -> memref<10240x16xf32, #tpu.memory_space<vmem_shared>>
        %dma_wait3A_269 = tpu.memref_slice %arg13[%dma_wait3A_258] : memref<4x!tpu.dma_semaphore, #tpu.memory_space<semaphore_mem>> -> memref<1x!tpu.dma_semaphore, #tpu.memory_space<semaphore_mem>>
        %dma_wait3A_270 = tpu.memref_squeeze %dma_wait3A_269 : memref<1x!tpu.dma_semaphore, #tpu.memory_space<semaphore_mem>> -> memref<!tpu.dma_semaphore, #tpu.memory_space<semaphore_mem>>
        tpu.wait_indirect_dma semaphore(%dma_wait3A_270 : memref<!tpu.dma_semaphore, #tpu.memory_space<semaphore_mem>>) src(%dma_wait3A_262 : memref<128x16xf32, #tpu.memory_space<vmem>>) dst(%dma_wait3A_268 : memref<10240x16xf32, #tpu.memory_space<vmem_shared>>)
      } else {
      }
      %add3A_116 = arith.constant 2 : i32
      %add3A_117 = arith.addi %add3A_102, %add3A_116 : i32
      %ge3A_118 = arith.constant 0 : i32
      %ge3A_119 = arith.cmpi sge, %add3A_117, %ge3A_118 : i32
      %mul3A_120 = arith.constant 32 : i32
      %mul3A_121 = arith.muli %add3A_117, %mul3A_120 : i32
      %add3A_122 = arith.addi %add3A, %mul3A_121 : i32
      %lt3A_123 = arith.constant 2500 : i32
      %lt3A_124 = arith.cmpi slt, %add3A_122, %lt3A_123 : i32
      %and3A_125 = arith.andi %ge3A_119, %lt3A_124 : i1
      %convert_element_type3A_126 = arith.extui %and3A_125 : i1 to i32
      %cond3A_127 = arith.constant 0 : i32
      %cond3A_128 = arith.cmpi ne, %convert_element_type3A_126, %cond3A_127 : i32
      scf.if %cond3A_128 {
        %mul3A_257 = arith.constant 32 : i32
        %mul3A_258 = arith.muli %add3A_117, %mul3A_257 : i32
        %add3A_259 = arith.addi %add3A, %mul3A_258 : i32
        %mul3A_260 = arith.constant 128 : i32
        %mul3A_261 = arith.muli %add3A_259, %mul3A_260 : i32
        %dma_start3A = arith.constant 0 : i32
        %dma_start3A_262 = arith.constant 3 : i32
        %dma_start3A_263 = arith.constant 3 : i32
        %dma_start3A_264 = arith.constant 0 : i32
        %dma_start3A_265 = tpu.memref_slice %arg6[%dma_start3A_262, %dma_start3A_264] : memref<4x128xi32, #tpu.memory_space<vmem>> -> memref<1x128xi32, #tpu.memory_space<vmem>>
        %dma_start3A_266 = tpu.memref_squeeze %dma_start3A_265 : memref<1x128xi32, #tpu.memory_space<vmem>> -> memref<128xi32, #tpu.memory_space<vmem>>
        %dma_start3A_267 = tpu.memref_slice %arg3[%dma_start3A, %mul3A_261] : memref<2x320000xi32, #tpu.memory_space<hbm>> -> memref<1x128xi32, #tpu.memory_space<hbm>>
        %dma_start3A_268 = tpu.memref_squeeze %dma_start3A_267 : memref<1x128xi32, #tpu.memory_space<hbm>> -> memref<128xi32, #tpu.memory_space<hbm>>
        %dma_start3A_269 = tpu.memref_slice %arg11[%dma_start3A_263] : memref<4x!tpu.dma_semaphore, #tpu.memory_space<semaphore_mem>> -> memref<1x!tpu.dma_semaphore, #tpu.memory_space<semaphore_mem>>
        %dma_start3A_270 = tpu.memref_squeeze %dma_start3A_269 : memref<1x!tpu.dma_semaphore, #tpu.memory_space<semaphore_mem>> -> memref<!tpu.dma_semaphore, #tpu.memory_space<semaphore_mem>>
        %dma_start3A_271 = arith.constant 0 : i32
        %dma_start3A_272 = tpu.memref_slice %arg6[%dma_start3A_262, %dma_start3A_271] : memref<4x128xi32, #tpu.memory_space<vmem>> -> memref<1x128xi32, #tpu.memory_space<vmem>>
        %dma_start3A_273 = tpu.memref_squeeze %dma_start3A_272 : memref<1x128xi32, #tpu.memory_space<vmem>> -> memref<128xi32, #tpu.memory_space<vmem>>
        %dma_start3A_274 = tpu.memref_slice %arg3[%dma_start3A, %mul3A_261] : memref<2x320000xi32, #tpu.memory_space<hbm>> -> memref<1x128xi32, #tpu.memory_space<hbm>>
        %dma_start3A_275 = tpu.memref_squeeze %dma_start3A_274 : memref<1x128xi32, #tpu.memory_space<hbm>> -> memref<128xi32, #tpu.memory_space<hbm>>
        tpu.enqueue_dma source(%dma_start3A_275 : memref<128xi32, #tpu.memory_space<hbm>>) target(%dma_start3A_273 : memref<128xi32, #tpu.memory_space<vmem>>) target_semaphore(%dma_start3A_270 : memref<!tpu.dma_semaphore, #tpu.memory_space<semaphore_mem>>)
        %mul3A_276 = arith.constant 32 : i32
        %mul3A_277 = arith.muli %add3A_117, %mul3A_276 : i32
        %add3A_278 = arith.addi %add3A, %mul3A_277 : i32
        %mul3A_279 = arith.constant 128 : i32
        %mul3A_280 = arith.muli %add3A_278, %mul3A_279 : i32
        %dma_start3A_281 = arith.constant 1 : i32
        %dma_start3A_282 = arith.constant 3 : i32
        %dma_start3A_283 = arith.constant 3 : i32
        %dma_start3A_284 = arith.constant 0 : i32
        %dma_start3A_285 = tpu.memref_slice %arg7[%dma_start3A_282, %dma_start3A_284] : memref<4x128xi32, #tpu.memory_space<vmem>> -> memref<1x128xi32, #tpu.memory_space<vmem>>
        %dma_start3A_286 = tpu.memref_squeeze %dma_start3A_285 : memref<1x128xi32, #tpu.memory_space<vmem>> -> memref<128xi32, #tpu.memory_space<vmem>>
        %dma_start3A_287 = tpu.memref_slice %arg3[%dma_start3A_281, %mul3A_280] : memref<2x320000xi32, #tpu.memory_space<hbm>> -> memref<1x128xi32, #tpu.memory_space<hbm>>
        %dma_start3A_288 = tpu.memref_squeeze %dma_start3A_287 : memref<1x128xi32, #tpu.memory_space<hbm>> -> memref<128xi32, #tpu.memory_space<hbm>>
        %dma_start3A_289 = tpu.memref_slice %arg11[%dma_start3A_283] : memref<4x!tpu.dma_semaphore, #tpu.memory_space<semaphore_mem>> -> memref<1x!tpu.dma_semaphore, #tpu.memory_space<semaphore_mem>>
        %dma_start3A_290 = tpu.memref_squeeze %dma_start3A_289 : memref<1x!tpu.dma_semaphore, #tpu.memory_space<semaphore_mem>> -> memref<!tpu.dma_semaphore, #tpu.memory_space<semaphore_mem>>
        %dma_start3A_291 = arith.constant 0 : i32
        %dma_start3A_292 = tpu.memref_slice %arg7[%dma_start3A_282, %dma_start3A_291] : memref<4x128xi32, #tpu.memory_space<vmem>> -> memref<1x128xi32, #tpu.memory_space<vmem>>
        %dma_start3A_293 = tpu.memref_squeeze %dma_start3A_292 : memref<1x128xi32, #tpu.memory_space<vmem>> -> memref<128xi32, #tpu.memory_space<vmem>>
        %dma_start3A_294 = tpu.memref_slice %arg3[%dma_start3A_281, %mul3A_280] : memref<2x320000xi32, #tpu.memory_space<hbm>> -> memref<1x128xi32, #tpu.memory_space<hbm>>
        %dma_start3A_295 = tpu.memref_squeeze %dma_start3A_294 : memref<1x128xi32, #tpu.memory_space<hbm>> -> memref<128xi32, #tpu.memory_space<hbm>>
        tpu.enqueue_dma source(%dma_start3A_295 : memref<128xi32, #tpu.memory_space<hbm>>) target(%dma_start3A_293 : memref<128xi32, #tpu.memory_space<vmem>>) target_semaphore(%dma_start3A_290 : memref<!tpu.dma_semaphore, #tpu.memory_space<semaphore_mem>>)
      } else {
      }
      %ge3A_129 = arith.constant 0 : i32
      %ge3A_130 = arith.cmpi sge, %add3A_102, %ge3A_129 : i32
      %mul3A_131 = arith.constant 32 : i32
      %mul3A_132 = arith.muli %add3A_102, %mul3A_131 : i32
      %add3A_133 = arith.addi %add3A, %mul3A_132 : i32
      %lt3A_134 = arith.constant 2500 : i32
      %lt3A_135 = arith.cmpi slt, %add3A_133, %lt3A_134 : i32
      %and3A_136 = arith.andi %ge3A_130, %lt3A_135 : i1
      %convert_element_type3A_137 = arith.extui %and3A_136 : i1 to i32
      %cond3A_138 = arith.constant 0 : i32
      %cond3A_139 = arith.cmpi ne, %convert_element_type3A_137, %cond3A_138 : i32
      scf.if %cond3A_139 {
        %mul3A_257 = arith.constant 32 : i32
        %mul3A_258 = arith.muli %add3A_102, %mul3A_257 : i32
        %add3A_259 = arith.addi %add3A, %mul3A_258 : i32
        %mul3A_260 = arith.constant 128 : i32
        %mul3A_261 = arith.muli %add3A_259, %mul3A_260 : i32
        %dma_wait3A = arith.constant 0 : i32
        %dma_wait3A_262 = arith.constant 1 : i32
        %dma_wait3A_263 = arith.constant 1 : i32
        %dma_wait3A_264 = arith.constant 0 : i32
        %dma_wait3A_265 = tpu.memref_slice %arg6[%dma_wait3A_262, %dma_wait3A_264] : memref<4x128xi32, #tpu.memory_space<vmem>> -> memref<1x128xi32, #tpu.memory_space<vmem>>
        %dma_wait3A_266 = tpu.memref_squeeze %dma_wait3A_265 : memref<1x128xi32, #tpu.memory_space<vmem>> -> memref<128xi32, #tpu.memory_space<vmem>>
        %dma_wait3A_267 = tpu.memref_slice %arg3[%dma_wait3A, %mul3A_261] : memref<2x320000xi32, #tpu.memory_space<hbm>> -> memref<1x128xi32, #tpu.memory_space<hbm>>
        %dma_wait3A_268 = tpu.memref_squeeze %dma_wait3A_267 : memref<1x128xi32, #tpu.memory_space<hbm>> -> memref<128xi32, #tpu.memory_space<hbm>>
        %dma_wait3A_269 = tpu.memref_slice %arg11[%dma_wait3A_263] : memref<4x!tpu.dma_semaphore, #tpu.memory_space<semaphore_mem>> -> memref<1x!tpu.dma_semaphore, #tpu.memory_space<semaphore_mem>>
        %dma_wait3A_270 = tpu.memref_squeeze %dma_wait3A_269 : memref<1x!tpu.dma_semaphore, #tpu.memory_space<semaphore_mem>> -> memref<!tpu.dma_semaphore, #tpu.memory_space<semaphore_mem>>
        %dma_wait3A_271 = arith.constant 0 : i32
        %dma_wait3A_272 = tpu.memref_slice %arg6[%dma_wait3A_262, %dma_wait3A_271] : memref<4x128xi32, #tpu.memory_space<vmem>> -> memref<1x128xi32, #tpu.memory_space<vmem>>
        %dma_wait3A_273 = tpu.memref_squeeze %dma_wait3A_272 : memref<1x128xi32, #tpu.memory_space<vmem>> -> memref<128xi32, #tpu.memory_space<vmem>>
        %dma_wait3A_274 = tpu.memref_slice %arg3[%dma_wait3A, %mul3A_261] : memref<2x320000xi32, #tpu.memory_space<hbm>> -> memref<1x128xi32, #tpu.memory_space<hbm>>
        %dma_wait3A_275 = tpu.memref_squeeze %dma_wait3A_274 : memref<1x128xi32, #tpu.memory_space<hbm>> -> memref<128xi32, #tpu.memory_space<hbm>>
        tpu.wait_dma2 semaphore(%dma_wait3A_270 : memref<!tpu.dma_semaphore, #tpu.memory_space<semaphore_mem>>) src(%dma_wait3A_275 : memref<128xi32, #tpu.memory_space<hbm>>) dst(%dma_wait3A_273 : memref<128xi32, #tpu.memory_space<vmem>>)
        %mul3A_276 = arith.constant 32 : i32
        %mul3A_277 = arith.muli %add3A_102, %mul3A_276 : i32
        %add3A_278 = arith.addi %add3A, %mul3A_277 : i32
        %mul3A_279 = arith.constant 128 : i32
        %mul3A_280 = arith.muli %add3A_278, %mul3A_279 : i32
        %dma_wait3A_281 = arith.constant 1 : i32
        %dma_wait3A_282 = arith.constant 1 : i32
        %dma_wait3A_283 = arith.constant 1 : i32
        %dma_wait3A_284 = arith.constant 0 : i32
        %dma_wait3A_285 = tpu.memref_slice %arg7[%dma_wait3A_282, %dma_wait3A_284] : memref<4x128xi32, #tpu.memory_space<vmem>> -> memref<1x128xi32, #tpu.memory_space<vmem>>
        %dma_wait3A_286 = tpu.memref_squeeze %dma_wait3A_285 : memref<1x128xi32, #tpu.memory_space<vmem>> -> memref<128xi32, #tpu.memory_space<vmem>>
        %dma_wait3A_287 = tpu.memref_slice %arg3[%dma_wait3A_281, %mul3A_280] : memref<2x320000xi32, #tpu.memory_space<hbm>> -> memref<1x128xi32, #tpu.memory_space<hbm>>
        %dma_wait3A_288 = tpu.memref_squeeze %dma_wait3A_287 : memref<1x128xi32, #tpu.memory_space<hbm>> -> memref<128xi32, #tpu.memory_space<hbm>>
        %dma_wait3A_289 = tpu.memref_slice %arg11[%dma_wait3A_283] : memref<4x!tpu.dma_semaphore, #tpu.memory_space<semaphore_mem>> -> memref<1x!tpu.dma_semaphore, #tpu.memory_space<semaphore_mem>>
        %dma_wait3A_290 = tpu.memref_squeeze %dma_wait3A_289 : memref<1x!tpu.dma_semaphore, #tpu.memory_space<semaphore_mem>> -> memref<!tpu.dma_semaphore, #tpu.memory_space<semaphore_mem>>
        %dma_wait3A_291 = arith.constant 0 : i32
        %dma_wait3A_292 = tpu.memref_slice %arg7[%dma_wait3A_282, %dma_wait3A_291] : memref<4x128xi32, #tpu.memory_space<vmem>> -> memref<1x128xi32, #tpu.memory_space<vmem>>
        %dma_wait3A_293 = tpu.memref_squeeze %dma_wait3A_292 : memref<1x128xi32, #tpu.memory_space<vmem>> -> memref<128xi32, #tpu.memory_space<vmem>>
        %dma_wait3A_294 = tpu.memref_slice %arg3[%dma_wait3A_281, %mul3A_280] : memref<2x320000xi32, #tpu.memory_space<hbm>> -> memref<1x128xi32, #tpu.memory_space<hbm>>
        %dma_wait3A_295 = tpu.memref_squeeze %dma_wait3A_294 : memref<1x128xi32, #tpu.memory_space<hbm>> -> memref<128xi32, #tpu.memory_space<hbm>>
        tpu.wait_dma2 semaphore(%dma_wait3A_290 : memref<!tpu.dma_semaphore, #tpu.memory_space<semaphore_mem>>) src(%dma_wait3A_295 : memref<128xi32, #tpu.memory_space<hbm>>) dst(%dma_wait3A_293 : memref<128xi32, #tpu.memory_space<vmem>>)
        %dma_start3A = arith.constant 1 : i32
        %dma_start3A_296 = arith.constant 1 : i32
        %dma_start3A_297 = arith.constant 1 : i32
        %dma_start3A_298 = arith.constant 0 : i32
        %dma_start3A_299 = arith.constant 0 : i32
        %dma_start3A_300 = tpu.memref_slice %arg8[%dma_start3A_296, %dma_start3A_298, %dma_start3A_299] : memref<4x128x16xf32, #tpu.memory_space<vmem>> -> memref<1x128x16xf32, #tpu.memory_space<vmem>>
        %dma_start3A_301 = tpu.memref_squeeze %dma_start3A_300 : memref<1x128x16xf32, #tpu.memory_space<vmem>> -> memref<128x16xf32, #tpu.memory_space<vmem>>
        %dma_start3A_302 = arith.constant 0 : i32
        %dma_start3A_303 = tpu.memref_slice %arg6[%dma_start3A, %dma_start3A_302] : memref<4x128xi32, #tpu.memory_space<vmem>> -> memref<1x128xi32, #tpu.memory_space<vmem>>
        %dma_start3A_304 = tpu.memref_squeeze %dma_start3A_303 : memref<1x128xi32, #tpu.memory_space<vmem>> -> memref<128xi32, #tpu.memory_space<vmem>>
        %dma_start3A_305 = arith.constant 0 : i32
        %dma_start3A_306 = arith.constant 0 : i32
        %dma_start3A_307 = tpu.memref_slice %arg10[%dma_start3A_305, %dma_start3A_306] : memref<10000x16xf32, #tpu.memory_space<vmem_shared>> -> memref<10000x16xf32, #tpu.memory_space<vmem_shared>>
        %dma_start3A_308 = tpu.memref_slice %arg12[%dma_start3A_297] : memref<4x!tpu.dma_semaphore, #tpu.memory_space<semaphore_mem>> -> memref<1x!tpu.dma_semaphore, #tpu.memory_space<semaphore_mem>>
        %dma_start3A_309 = tpu.memref_squeeze %dma_start3A_308 : memref<1x!tpu.dma_semaphore, #tpu.memory_space<semaphore_mem>> -> memref<!tpu.dma_semaphore, #tpu.memory_space<semaphore_mem>>
        tpu.enqueue_indirect_dma source(%dma_start3A_307 : memref<10000x16xf32, #tpu.memory_space<vmem_shared>>) target(%dma_start3A_301 : memref<128x16xf32, #tpu.memory_space<vmem>>) offsets(%dma_start3A_304 : memref<128xi32, #tpu.memory_space<vmem>>) semaphore(%dma_start3A_309 : memref<!tpu.dma_semaphore, #tpu.memory_space<semaphore_mem>>)
      } else {
      }
      %sub3A_140 = arith.constant 1 : i32
      %sub3A_141 = arith.subi %add3A_102, %sub3A_140 : i32
      %ge3A_142 = arith.constant 0 : i32
      %ge3A_143 = arith.cmpi sge, %sub3A_141, %ge3A_142 : i32
      %mul3A_144 = arith.constant 32 : i32
      %mul3A_145 = arith.muli %sub3A_141, %mul3A_144 : i32
      %add3A_146 = arith.addi %add3A, %mul3A_145 : i32
      %lt3A_147 = arith.constant 2500 : i32
      %lt3A_148 = arith.cmpi slt, %add3A_146, %lt3A_147 : i32
      %and3A_149 = arith.andi %ge3A_143, %lt3A_148 : i1
      %convert_element_type3A_150 = arith.extui %and3A_149 : i1 to i32
      %cond3A_151 = arith.constant 0 : i32
      %cond3A_152 = arith.cmpi ne, %convert_element_type3A_150, %cond3A_151 : i32
      scf.if %cond3A_152 {
        %dma_wait3A = arith.constant 0 : i32
        %dma_wait3A_257 = arith.constant 0 : i32
        %dma_wait3A_258 = arith.constant 0 : i32
        %dma_wait3A_259 = arith.constant 0 : i32
        %dma_wait3A_260 = arith.constant 0 : i32
        %dma_wait3A_261 = tpu.memref_slice %arg8[%dma_wait3A_257, %dma_wait3A_259, %dma_wait3A_260] : memref<4x128x16xf32, #tpu.memory_space<vmem>> -> memref<1x128x16xf32, #tpu.memory_space<vmem>>
        %dma_wait3A_262 = tpu.memref_squeeze %dma_wait3A_261 : memref<1x128x16xf32, #tpu.memory_space<vmem>> -> memref<128x16xf32, #tpu.memory_space<vmem>>
        %dma_wait3A_263 = arith.constant 0 : i32
        %dma_wait3A_264 = tpu.memref_slice %arg6[%dma_wait3A, %dma_wait3A_263] : memref<4x128xi32, #tpu.memory_space<vmem>> -> memref<1x128xi32, #tpu.memory_space<vmem>>
        %dma_wait3A_265 = tpu.memref_squeeze %dma_wait3A_264 : memref<1x128xi32, #tpu.memory_space<vmem>> -> memref<128xi32, #tpu.memory_space<vmem>>
        %dma_wait3A_266 = arith.constant 0 : i32
        %dma_wait3A_267 = arith.constant 0 : i32
        %dma_wait3A_268 = tpu.memref_slice %arg10[%dma_wait3A_266, %dma_wait3A_267] : memref<10000x16xf32, #tpu.memory_space<vmem_shared>> -> memref<10000x16xf32, #tpu.memory_space<vmem_shared>>
        %dma_wait3A_269 = tpu.memref_slice %arg12[%dma_wait3A_258] : memref<4x!tpu.dma_semaphore, #tpu.memory_space<semaphore_mem>> -> memref<1x!tpu.dma_semaphore, #tpu.memory_space<semaphore_mem>>
        %dma_wait3A_270 = tpu.memref_squeeze %dma_wait3A_269 : memref<1x!tpu.dma_semaphore, #tpu.memory_space<semaphore_mem>> -> memref<!tpu.dma_semaphore, #tpu.memory_space<semaphore_mem>>
        tpu.wait_indirect_dma semaphore(%dma_wait3A_270 : memref<!tpu.dma_semaphore, #tpu.memory_space<semaphore_mem>>) src(%dma_wait3A_268 : memref<10000x16xf32, #tpu.memory_space<vmem_shared>>) dst(%dma_wait3A_262 : memref<128x16xf32, #tpu.memory_space<vmem>>)
        %dma_start3A = arith.constant 0 : i32
        %dma_start3A_271 = arith.constant 0 : i32
        %dma_start3A_272 = arith.constant 0 : i32
        %dma_start3A_273 = arith.constant 0 : i32
        %dma_start3A_274 = arith.constant 0 : i32
        %dma_start3A_275 = tpu.memref_slice %arg8[%dma_start3A, %dma_start3A_273, %dma_start3A_274] : memref<4x128x16xf32, #tpu.memory_space<vmem>> -> memref<1x128x16xf32, #tpu.memory_space<vmem>>
        %dma_start3A_276 = tpu.memref_squeeze %dma_start3A_275 : memref<1x128x16xf32, #tpu.memory_space<vmem>> -> memref<128x16xf32, #tpu.memory_space<vmem>>
        %dma_start3A_277 = arith.constant 0 : i32
        %dma_start3A_278 = tpu.memref_slice %arg7[%dma_start3A_271, %dma_start3A_277] : memref<4x128xi32, #tpu.memory_space<vmem>> -> memref<1x128xi32, #tpu.memory_space<vmem>>
        %dma_start3A_279 = tpu.memref_squeeze %dma_start3A_278 : memref<1x128xi32, #tpu.memory_space<vmem>> -> memref<128xi32, #tpu.memory_space<vmem>>
        %dma_start3A_280 = arith.constant 0 : i32
        %dma_start3A_281 = arith.constant 0 : i32
        %dma_start3A_282 = tpu.memref_slice %arg9[%dma_start3A_280, %dma_start3A_281] : memref<10240x16xf32, #tpu.memory_space<vmem_shared>> -> memref<10240x16xf32, #tpu.memory_space<vmem_shared>>
        %dma_start3A_283 = tpu.memref_slice %arg13[%dma_start3A_272] : memref<4x!tpu.dma_semaphore, #tpu.memory_space<semaphore_mem>> -> memref<1x!tpu.dma_semaphore, #tpu.memory_space<semaphore_mem>>
        %dma_start3A_284 = tpu.memref_squeeze %dma_start3A_283 : memref<1x!tpu.dma_semaphore, #tpu.memory_space<semaphore_mem>> -> memref<!tpu.dma_semaphore, #tpu.memory_space<semaphore_mem>>
        tpu.enqueue_indirect_dma source(%dma_start3A_276 : memref<128x16xf32, #tpu.memory_space<vmem>>) target(%dma_start3A_282 : memref<10240x16xf32, #tpu.memory_space<vmem_shared>>) offsets(%dma_start3A_279 : memref<128xi32, #tpu.memory_space<vmem>>) semaphore(%dma_start3A_284 : memref<!tpu.dma_semaphore, #tpu.memory_space<semaphore_mem>>) {add = true}
      } else {
      }
      %add3A_153 = arith.constant 2 : i32
      %add3A_154 = arith.addi %mul3A_50, %add3A_153 : i32
      %sub3A_155 = arith.constant 2 : i32
      %sub3A_156 = arith.subi %add3A_154, %sub3A_155 : i32
      %ge3A_157 = arith.constant 0 : i32
      %ge3A_158 = arith.cmpi sge, %sub3A_156, %ge3A_157 : i32
      %mul3A_159 = arith.constant 32 : i32
      %mul3A_160 = arith.muli %sub3A_156, %mul3A_159 : i32
      %add3A_161 = arith.addi %add3A, %mul3A_160 : i32
      %lt3A_162 = arith.constant 2500 : i32
      %lt3A_163 = arith.cmpi slt, %add3A_161, %lt3A_162 : i32
      %and3A_164 = arith.andi %ge3A_158, %lt3A_163 : i1
      %convert_element_type3A_165 = arith.extui %and3A_164 : i1 to i32
      %cond3A_166 = arith.constant 0 : i32
      %cond3A_167 = arith.cmpi ne, %convert_element_type3A_165, %cond3A_166 : i32
      scf.if %cond3A_167 {
        %dma_wait3A = arith.constant 0 : i32
        %dma_wait3A_257 = arith.constant 0 : i32
        %dma_wait3A_258 = arith.constant 0 : i32
        %dma_wait3A_259 = arith.constant 0 : i32
        %dma_wait3A_260 = arith.constant 0 : i32
        %dma_wait3A_261 = tpu.memref_slice %arg8[%dma_wait3A, %dma_wait3A_259, %dma_wait3A_260] : memref<4x128x16xf32, #tpu.memory_space<vmem>> -> memref<1x128x16xf32, #tpu.memory_space<vmem>>
        %dma_wait3A_262 = tpu.memref_squeeze %dma_wait3A_261 : memref<1x128x16xf32, #tpu.memory_space<vmem>> -> memref<128x16xf32, #tpu.memory_space<vmem>>
        %dma_wait3A_263 = arith.constant 0 : i32
        %dma_wait3A_264 = tpu.memref_slice %arg7[%dma_wait3A_257, %dma_wait3A_263] : memref<4x128xi32, #tpu.memory_space<vmem>> -> memref<1x128xi32, #tpu.memory_space<vmem>>
        %dma_wait3A_265 = tpu.memref_squeeze %dma_wait3A_264 : memref<1x128xi32, #tpu.memory_space<vmem>> -> memref<128xi32, #tpu.memory_space<vmem>>
        %dma_wait3A_266 = arith.constant 0 : i32
        %dma_wait3A_267 = arith.constant 0 : i32
        %dma_wait3A_268 = tpu.memref_slice %arg9[%dma_wait3A_266, %dma_wait3A_267] : memref<10240x16xf32, #tpu.memory_space<vmem_shared>> -> memref<10240x16xf32, #tpu.memory_space<vmem_shared>>
        %dma_wait3A_269 = tpu.memref_slice %arg13[%dma_wait3A_258] : memref<4x!tpu.dma_semaphore, #tpu.memory_space<semaphore_mem>> -> memref<1x!tpu.dma_semaphore, #tpu.memory_space<semaphore_mem>>
        %dma_wait3A_270 = tpu.memref_squeeze %dma_wait3A_269 : memref<1x!tpu.dma_semaphore, #tpu.memory_space<semaphore_mem>> -> memref<!tpu.dma_semaphore, #tpu.memory_space<semaphore_mem>>
        tpu.wait_indirect_dma semaphore(%dma_wait3A_270 : memref<!tpu.dma_semaphore, #tpu.memory_space<semaphore_mem>>) src(%dma_wait3A_262 : memref<128x16xf32, #tpu.memory_space<vmem>>) dst(%dma_wait3A_268 : memref<10240x16xf32, #tpu.memory_space<vmem_shared>>)
      } else {
      }
      %add3A_168 = arith.constant 2 : i32
      %add3A_169 = arith.addi %add3A_154, %add3A_168 : i32
      %ge3A_170 = arith.constant 0 : i32
      %ge3A_171 = arith.cmpi sge, %add3A_169, %ge3A_170 : i32
      %mul3A_172 = arith.constant 32 : i32
      %mul3A_173 = arith.muli %add3A_169, %mul3A_172 : i32
      %add3A_174 = arith.addi %add3A, %mul3A_173 : i32
      %lt3A_175 = arith.constant 2500 : i32
      %lt3A_176 = arith.cmpi slt, %add3A_174, %lt3A_175 : i32
      %and3A_177 = arith.andi %ge3A_171, %lt3A_176 : i1
      %convert_element_type3A_178 = arith.extui %and3A_177 : i1 to i32
      %cond3A_179 = arith.constant 0 : i32
      %cond3A_180 = arith.cmpi ne, %convert_element_type3A_178, %cond3A_179 : i32
      scf.if %cond3A_180 {
        %mul3A_257 = arith.constant 32 : i32
        %mul3A_258 = arith.muli %add3A_169, %mul3A_257 : i32
        %add3A_259 = arith.addi %add3A, %mul3A_258 : i32
        %mul3A_260 = arith.constant 128 : i32
        %mul3A_261 = arith.muli %add3A_259, %mul3A_260 : i32
        %dma_start3A = arith.constant 0 : i32
        %dma_start3A_262 = arith.constant 0 : i32
        %dma_start3A_263 = arith.constant 0 : i32
        %dma_start3A_264 = arith.constant 0 : i32
        %dma_start3A_265 = tpu.memref_slice %arg6[%dma_start3A_262, %dma_start3A_264] : memref<4x128xi32, #tpu.memory_space<vmem>> -> memref<1x128xi32, #tpu.memory_space<vmem>>
        %dma_start3A_266 = tpu.memref_squeeze %dma_start3A_265 : memref<1x128xi32, #tpu.memory_space<vmem>> -> memref<128xi32, #tpu.memory_space<vmem>>
        %dma_start3A_267 = tpu.memref_slice %arg3[%dma_start3A, %mul3A_261] : memref<2x320000xi32, #tpu.memory_space<hbm>> -> memref<1x128xi32, #tpu.memory_space<hbm>>
        %dma_start3A_268 = tpu.memref_squeeze %dma_start3A_267 : memref<1x128xi32, #tpu.memory_space<hbm>> -> memref<128xi32, #tpu.memory_space<hbm>>
        %dma_start3A_269 = tpu.memref_slice %arg11[%dma_start3A_263] : memref<4x!tpu.dma_semaphore, #tpu.memory_space<semaphore_mem>> -> memref<1x!tpu.dma_semaphore, #tpu.memory_space<semaphore_mem>>
        %dma_start3A_270 = tpu.memref_squeeze %dma_start3A_269 : memref<1x!tpu.dma_semaphore, #tpu.memory_space<semaphore_mem>> -> memref<!tpu.dma_semaphore, #tpu.memory_space<semaphore_mem>>
        %dma_start3A_271 = arith.constant 0 : i32
        %dma_start3A_272 = tpu.memref_slice %arg6[%dma_start3A_262, %dma_start3A_271] : memref<4x128xi32, #tpu.memory_space<vmem>> -> memref<1x128xi32, #tpu.memory_space<vmem>>
        %dma_start3A_273 = tpu.memref_squeeze %dma_start3A_272 : memref<1x128xi32, #tpu.memory_space<vmem>> -> memref<128xi32, #tpu.memory_space<vmem>>
        %dma_start3A_274 = tpu.memref_slice %arg3[%dma_start3A, %mul3A_261] : memref<2x320000xi32, #tpu.memory_space<hbm>> -> memref<1x128xi32, #tpu.memory_space<hbm>>
        %dma_start3A_275 = tpu.memref_squeeze %dma_start3A_274 : memref<1x128xi32, #tpu.memory_space<hbm>> -> memref<128xi32, #tpu.memory_space<hbm>>
        tpu.enqueue_dma source(%dma_start3A_275 : memref<128xi32, #tpu.memory_space<hbm>>) target(%dma_start3A_273 : memref<128xi32, #tpu.memory_space<vmem>>) target_semaphore(%dma_start3A_270 : memref<!tpu.dma_semaphore, #tpu.memory_space<semaphore_mem>>)
        %mul3A_276 = arith.constant 32 : i32
        %mul3A_277 = arith.muli %add3A_169, %mul3A_276 : i32
        %add3A_278 = arith.addi %add3A, %mul3A_277 : i32
        %mul3A_279 = arith.constant 128 : i32
        %mul3A_280 = arith.muli %add3A_278, %mul3A_279 : i32
        %dma_start3A_281 = arith.constant 1 : i32
        %dma_start3A_282 = arith.constant 0 : i32
        %dma_start3A_283 = arith.constant 0 : i32
        %dma_start3A_284 = arith.constant 0 : i32
        %dma_start3A_285 = tpu.memref_slice %arg7[%dma_start3A_282, %dma_start3A_284] : memref<4x128xi32, #tpu.memory_space<vmem>> -> memref<1x128xi32, #tpu.memory_space<vmem>>
        %dma_start3A_286 = tpu.memref_squeeze %dma_start3A_285 : memref<1x128xi32, #tpu.memory_space<vmem>> -> memref<128xi32, #tpu.memory_space<vmem>>
        %dma_start3A_287 = tpu.memref_slice %arg3[%dma_start3A_281, %mul3A_280] : memref<2x320000xi32, #tpu.memory_space<hbm>> -> memref<1x128xi32, #tpu.memory_space<hbm>>
        %dma_start3A_288 = tpu.memref_squeeze %dma_start3A_287 : memref<1x128xi32, #tpu.memory_space<hbm>> -> memref<128xi32, #tpu.memory_space<hbm>>
        %dma_start3A_289 = tpu.memref_slice %arg11[%dma_start3A_283] : memref<4x!tpu.dma_semaphore, #tpu.memory_space<semaphore_mem>> -> memref<1x!tpu.dma_semaphore, #tpu.memory_space<semaphore_mem>>
        %dma_start3A_290 = tpu.memref_squeeze %dma_start3A_289 : memref<1x!tpu.dma_semaphore, #tpu.memory_space<semaphore_mem>> -> memref<!tpu.dma_semaphore, #tpu.memory_space<semaphore_mem>>
        %dma_start3A_291 = arith.constant 0 : i32
        %dma_start3A_292 = tpu.memref_slice %arg7[%dma_start3A_282, %dma_start3A_291] : memref<4x128xi32, #tpu.memory_space<vmem>> -> memref<1x128xi32, #tpu.memory_space<vmem>>
        %dma_start3A_293 = tpu.memref_squeeze %dma_start3A_292 : memref<1x128xi32, #tpu.memory_space<vmem>> -> memref<128xi32, #tpu.memory_space<vmem>>
        %dma_start3A_294 = tpu.memref_slice %arg3[%dma_start3A_281, %mul3A_280] : memref<2x320000xi32, #tpu.memory_space<hbm>> -> memref<1x128xi32, #tpu.memory_space<hbm>>
        %dma_start3A_295 = tpu.memref_squeeze %dma_start3A_294 : memref<1x128xi32, #tpu.memory_space<hbm>> -> memref<128xi32, #tpu.memory_space<hbm>>
        tpu.enqueue_dma source(%dma_start3A_295 : memref<128xi32, #tpu.memory_space<hbm>>) target(%dma_start3A_293 : memref<128xi32, #tpu.memory_space<vmem>>) target_semaphore(%dma_start3A_290 : memref<!tpu.dma_semaphore, #tpu.memory_space<semaphore_mem>>)
      } else {
      }
      %ge3A_181 = arith.constant 0 : i32
      %ge3A_182 = arith.cmpi sge, %add3A_154, %ge3A_181 : i32
      %mul3A_183 = arith.constant 32 : i32
      %mul3A_184 = arith.muli %add3A_154, %mul3A_183 : i32
      %add3A_185 = arith.addi %add3A, %mul3A_184 : i32
      %lt3A_186 = arith.constant 2500 : i32
      %lt3A_187 = arith.cmpi slt, %add3A_185, %lt3A_186 : i32
      %and3A_188 = arith.andi %ge3A_182, %lt3A_187 : i1
      %convert_element_type3A_189 = arith.extui %and3A_188 : i1 to i32
      %cond3A_190 = arith.constant 0 : i32
      %cond3A_191 = arith.cmpi ne, %convert_element_type3A_189, %cond3A_190 : i32
      scf.if %cond3A_191 {
        %mul3A_257 = arith.constant 32 : i32
        %mul3A_258 = arith.muli %add3A_154, %mul3A_257 : i32
        %add3A_259 = arith.addi %add3A, %mul3A_258 : i32
        %mul3A_260 = arith.constant 128 : i32
        %mul3A_261 = arith.muli %add3A_259, %mul3A_260 : i32
        %dma_wait3A = arith.constant 0 : i32
        %dma_wait3A_262 = arith.constant 2 : i32
        %dma_wait3A_263 = arith.constant 2 : i32
        %dma_wait3A_264 = arith.constant 0 : i32
        %dma_wait3A_265 = tpu.memref_slice %arg6[%dma_wait3A_262, %dma_wait3A_264] : memref<4x128xi32, #tpu.memory_space<vmem>> -> memref<1x128xi32, #tpu.memory_space<vmem>>
        %dma_wait3A_266 = tpu.memref_squeeze %dma_wait3A_265 : memref<1x128xi32, #tpu.memory_space<vmem>> -> memref<128xi32, #tpu.memory_space<vmem>>
        %dma_wait3A_267 = tpu.memref_slice %arg3[%dma_wait3A, %mul3A_261] : memref<2x320000xi32, #tpu.memory_space<hbm>> -> memref<1x128xi32, #tpu.memory_space<hbm>>
        %dma_wait3A_268 = tpu.memref_squeeze %dma_wait3A_267 : memref<1x128xi32, #tpu.memory_space<hbm>> -> memref<128xi32, #tpu.memory_space<hbm>>
        %dma_wait3A_269 = tpu.memref_slice %arg11[%dma_wait3A_263] : memref<4x!tpu.dma_semaphore, #tpu.memory_space<semaphore_mem>> -> memref<1x!tpu.dma_semaphore, #tpu.memory_space<semaphore_mem>>
        %dma_wait3A_270 = tpu.memref_squeeze %dma_wait3A_269 : memref<1x!tpu.dma_semaphore, #tpu.memory_space<semaphore_mem>> -> memref<!tpu.dma_semaphore, #tpu.memory_space<semaphore_mem>>
        %dma_wait3A_271 = arith.constant 0 : i32
        %dma_wait3A_272 = tpu.memref_slice %arg6[%dma_wait3A_262, %dma_wait3A_271] : memref<4x128xi32, #tpu.memory_space<vmem>> -> memref<1x128xi32, #tpu.memory_space<vmem>>
        %dma_wait3A_273 = tpu.memref_squeeze %dma_wait3A_272 : memref<1x128xi32, #tpu.memory_space<vmem>> -> memref<128xi32, #tpu.memory_space<vmem>>
        %dma_wait3A_274 = tpu.memref_slice %arg3[%dma_wait3A, %mul3A_261] : memref<2x320000xi32, #tpu.memory_space<hbm>> -> memref<1x128xi32, #tpu.memory_space<hbm>>
        %dma_wait3A_275 = tpu.memref_squeeze %dma_wait3A_274 : memref<1x128xi32, #tpu.memory_space<hbm>> -> memref<128xi32, #tpu.memory_space<hbm>>
        tpu.wait_dma2 semaphore(%dma_wait3A_270 : memref<!tpu.dma_semaphore, #tpu.memory_space<semaphore_mem>>) src(%dma_wait3A_275 : memref<128xi32, #tpu.memory_space<hbm>>) dst(%dma_wait3A_273 : memref<128xi32, #tpu.memory_space<vmem>>)
        %mul3A_276 = arith.constant 32 : i32
        %mul3A_277 = arith.muli %add3A_154, %mul3A_276 : i32
        %add3A_278 = arith.addi %add3A, %mul3A_277 : i32
        %mul3A_279 = arith.constant 128 : i32
        %mul3A_280 = arith.muli %add3A_278, %mul3A_279 : i32
        %dma_wait3A_281 = arith.constant 1 : i32
        %dma_wait3A_282 = arith.constant 2 : i32
        %dma_wait3A_283 = arith.constant 2 : i32
        %dma_wait3A_284 = arith.constant 0 : i32
        %dma_wait3A_285 = tpu.memref_slice %arg7[%dma_wait3A_282, %dma_wait3A_284] : memref<4x128xi32, #tpu.memory_space<vmem>> -> memref<1x128xi32, #tpu.memory_space<vmem>>
        %dma_wait3A_286 = tpu.memref_squeeze %dma_wait3A_285 : memref<1x128xi32, #tpu.memory_space<vmem>> -> memref<128xi32, #tpu.memory_space<vmem>>
        %dma_wait3A_287 = tpu.memref_slice %arg3[%dma_wait3A_281, %mul3A_280] : memref<2x320000xi32, #tpu.memory_space<hbm>> -> memref<1x128xi32, #tpu.memory_space<hbm>>
        %dma_wait3A_288 = tpu.memref_squeeze %dma_wait3A_287 : memref<1x128xi32, #tpu.memory_space<hbm>> -> memref<128xi32, #tpu.memory_space<hbm>>
        %dma_wait3A_289 = tpu.memref_slice %arg11[%dma_wait3A_283] : memref<4x!tpu.dma_semaphore, #tpu.memory_space<semaphore_mem>> -> memref<1x!tpu.dma_semaphore, #tpu.memory_space<semaphore_mem>>
        %dma_wait3A_290 = tpu.memref_squeeze %dma_wait3A_289 : memref<1x!tpu.dma_semaphore, #tpu.memory_space<semaphore_mem>> -> memref<!tpu.dma_semaphore, #tpu.memory_space<semaphore_mem>>
        %dma_wait3A_291 = arith.constant 0 : i32
        %dma_wait3A_292 = tpu.memref_slice %arg7[%dma_wait3A_282, %dma_wait3A_291] : memref<4x128xi32, #tpu.memory_space<vmem>> -> memref<1x128xi32, #tpu.memory_space<vmem>>
        %dma_wait3A_293 = tpu.memref_squeeze %dma_wait3A_292 : memref<1x128xi32, #tpu.memory_space<vmem>> -> memref<128xi32, #tpu.memory_space<vmem>>
        %dma_wait3A_294 = tpu.memref_slice %arg3[%dma_wait3A_281, %mul3A_280] : memref<2x320000xi32, #tpu.memory_space<hbm>> -> memref<1x128xi32, #tpu.memory_space<hbm>>
        %dma_wait3A_295 = tpu.memref_squeeze %dma_wait3A_294 : memref<1x128xi32, #tpu.memory_space<hbm>> -> memref<128xi32, #tpu.memory_space<hbm>>
        tpu.wait_dma2 semaphore(%dma_wait3A_290 : memref<!tpu.dma_semaphore, #tpu.memory_space<semaphore_mem>>) src(%dma_wait3A_295 : memref<128xi32, #tpu.memory_space<hbm>>) dst(%dma_wait3A_293 : memref<128xi32, #tpu.memory_space<vmem>>)
        %dma_start3A = arith.constant 2 : i32
        %dma_start3A_296 = arith.constant 2 : i32
        %dma_start3A_297 = arith.constant 2 : i32
        %dma_start3A_298 = arith.constant 0 : i32
        %dma_start3A_299 = arith.constant 0 : i32
        %dma_start3A_300 = tpu.memref_slice %arg8[%dma_start3A_296, %dma_start3A_298, %dma_start3A_299] : memref<4x128x16xf32, #tpu.memory_space<vmem>> -> memref<1x128x16xf32, #tpu.memory_space<vmem>>
        %dma_start3A_301 = tpu.memref_squeeze %dma_start3A_300 : memref<1x128x16xf32, #tpu.memory_space<vmem>> -> memref<128x16xf32, #tpu.memory_space<vmem>>
        %dma_start3A_302 = arith.constant 0 : i32
        %dma_start3A_303 = tpu.memref_slice %arg6[%dma_start3A, %dma_start3A_302] : memref<4x128xi32, #tpu.memory_space<vmem>> -> memref<1x128xi32, #tpu.memory_space<vmem>>
        %dma_start3A_304 = tpu.memref_squeeze %dma_start3A_303 : memref<1x128xi32, #tpu.memory_space<vmem>> -> memref<128xi32, #tpu.memory_space<vmem>>
        %dma_start3A_305 = arith.constant 0 : i32
        %dma_start3A_306 = arith.constant 0 : i32
        %dma_start3A_307 = tpu.memref_slice %arg10[%dma_start3A_305, %dma_start3A_306] : memref<10000x16xf32, #tpu.memory_space<vmem_shared>> -> memref<10000x16xf32, #tpu.memory_space<vmem_shared>>
        %dma_start3A_308 = tpu.memref_slice %arg12[%dma_start3A_297] : memref<4x!tpu.dma_semaphore, #tpu.memory_space<semaphore_mem>> -> memref<1x!tpu.dma_semaphore, #tpu.memory_space<semaphore_mem>>
        %dma_start3A_309 = tpu.memref_squeeze %dma_start3A_308 : memref<1x!tpu.dma_semaphore, #tpu.memory_space<semaphore_mem>> -> memref<!tpu.dma_semaphore, #tpu.memory_space<semaphore_mem>>
        tpu.enqueue_indirect_dma source(%dma_start3A_307 : memref<10000x16xf32, #tpu.memory_space<vmem_shared>>) target(%dma_start3A_301 : memref<128x16xf32, #tpu.memory_space<vmem>>) offsets(%dma_start3A_304 : memref<128xi32, #tpu.memory_space<vmem>>) semaphore(%dma_start3A_309 : memref<!tpu.dma_semaphore, #tpu.memory_space<semaphore_mem>>)
      } else {
      }
      %sub3A_192 = arith.constant 1 : i32
      %sub3A_193 = arith.subi %add3A_154, %sub3A_192 : i32
      %ge3A_194 = arith.constant 0 : i32
      %ge3A_195 = arith.cmpi sge, %sub3A_193, %ge3A_194 : i32
      %mul3A_196 = arith.constant 32 : i32
      %mul3A_197 = arith.muli %sub3A_193, %mul3A_196 : i32
      %add3A_198 = arith.addi %add3A, %mul3A_197 : i32
      %lt3A_199 = arith.constant 2500 : i32
      %lt3A_200 = arith.cmpi slt, %add3A_198, %lt3A_199 : i32
      %and3A_201 = arith.andi %ge3A_195, %lt3A_200 : i1
      %convert_element_type3A_202 = arith.extui %and3A_201 : i1 to i32
      %cond3A_203 = arith.constant 0 : i32
      %cond3A_204 = arith.cmpi ne, %convert_element_type3A_202, %cond3A_203 : i32
      scf.if %cond3A_204 {
        %dma_wait3A = arith.constant 1 : i32
        %dma_wait3A_257 = arith.constant 1 : i32
        %dma_wait3A_258 = arith.constant 1 : i32
        %dma_wait3A_259 = arith.constant 0 : i32
        %dma_wait3A_260 = arith.constant 0 : i32
        %dma_wait3A_261 = tpu.memref_slice %arg8[%dma_wait3A_257, %dma_wait3A_259, %dma_wait3A_260] : memref<4x128x16xf32, #tpu.memory_space<vmem>> -> memref<1x128x16xf32, #tpu.memory_space<vmem>>
        %dma_wait3A_262 = tpu.memref_squeeze %dma_wait3A_261 : memref<1x128x16xf32, #tpu.memory_space<vmem>> -> memref<128x16xf32, #tpu.memory_space<vmem>>
        %dma_wait3A_263 = arith.constant 0 : i32
        %dma_wait3A_264 = tpu.memref_slice %arg6[%dma_wait3A, %dma_wait3A_263] : memref<4x128xi32, #tpu.memory_space<vmem>> -> memref<1x128xi32, #tpu.memory_space<vmem>>
        %dma_wait3A_265 = tpu.memref_squeeze %dma_wait3A_264 : memref<1x128xi32, #tpu.memory_space<vmem>> -> memref<128xi32, #tpu.memory_space<vmem>>
        %dma_wait3A_266 = arith.constant 0 : i32
        %dma_wait3A_267 = arith.constant 0 : i32
        %dma_wait3A_268 = tpu.memref_slice %arg10[%dma_wait3A_266, %dma_wait3A_267] : memref<10000x16xf32, #tpu.memory_space<vmem_shared>> -> memref<10000x16xf32, #tpu.memory_space<vmem_shared>>
        %dma_wait3A_269 = tpu.memref_slice %arg12[%dma_wait3A_258] : memref<4x!tpu.dma_semaphore, #tpu.memory_space<semaphore_mem>> -> memref<1x!tpu.dma_semaphore, #tpu.memory_space<semaphore_mem>>
        %dma_wait3A_270 = tpu.memref_squeeze %dma_wait3A_269 : memref<1x!tpu.dma_semaphore, #tpu.memory_space<semaphore_mem>> -> memref<!tpu.dma_semaphore, #tpu.memory_space<semaphore_mem>>
        tpu.wait_indirect_dma semaphore(%dma_wait3A_270 : memref<!tpu.dma_semaphore, #tpu.memory_space<semaphore_mem>>) src(%dma_wait3A_268 : memref<10000x16xf32, #tpu.memory_space<vmem_shared>>) dst(%dma_wait3A_262 : memref<128x16xf32, #tpu.memory_space<vmem>>)
        %dma_start3A = arith.constant 1 : i32
        %dma_start3A_271 = arith.constant 1 : i32
        %dma_start3A_272 = arith.constant 1 : i32
        %dma_start3A_273 = arith.constant 0 : i32
        %dma_start3A_274 = arith.constant 0 : i32
        %dma_start3A_275 = tpu.memref_slice %arg8[%dma_start3A, %dma_start3A_273, %dma_start3A_274] : memref<4x128x16xf32, #tpu.memory_space<vmem>> -> memref<1x128x16xf32, #tpu.memory_space<vmem>>
        %dma_start3A_276 = tpu.memref_squeeze %dma_start3A_275 : memref<1x128x16xf32, #tpu.memory_space<vmem>> -> memref<128x16xf32, #tpu.memory_space<vmem>>
        %dma_start3A_277 = arith.constant 0 : i32
        %dma_start3A_278 = tpu.memref_slice %arg7[%dma_start3A_271, %dma_start3A_277] : memref<4x128xi32, #tpu.memory_space<vmem>> -> memref<1x128xi32, #tpu.memory_space<vmem>>
        %dma_start3A_279 = tpu.memref_squeeze %dma_start3A_278 : memref<1x128xi32, #tpu.memory_space<vmem>> -> memref<128xi32, #tpu.memory_space<vmem>>
        %dma_start3A_280 = arith.constant 0 : i32
        %dma_start3A_281 = arith.constant 0 : i32
        %dma_start3A_282 = tpu.memref_slice %arg9[%dma_start3A_280, %dma_start3A_281] : memref<10240x16xf32, #tpu.memory_space<vmem_shared>> -> memref<10240x16xf32, #tpu.memory_space<vmem_shared>>
        %dma_start3A_283 = tpu.memref_slice %arg13[%dma_start3A_272] : memref<4x!tpu.dma_semaphore, #tpu.memory_space<semaphore_mem>> -> memref<1x!tpu.dma_semaphore, #tpu.memory_space<semaphore_mem>>
        %dma_start3A_284 = tpu.memref_squeeze %dma_start3A_283 : memref<1x!tpu.dma_semaphore, #tpu.memory_space<semaphore_mem>> -> memref<!tpu.dma_semaphore, #tpu.memory_space<semaphore_mem>>
        tpu.enqueue_indirect_dma source(%dma_start3A_276 : memref<128x16xf32, #tpu.memory_space<vmem>>) target(%dma_start3A_282 : memref<10240x16xf32, #tpu.memory_space<vmem_shared>>) offsets(%dma_start3A_279 : memref<128xi32, #tpu.memory_space<vmem>>) semaphore(%dma_start3A_284 : memref<!tpu.dma_semaphore, #tpu.memory_space<semaphore_mem>>) {add = true}
      } else {
      }
      %add3A_205 = arith.constant 3 : i32
      %add3A_206 = arith.addi %mul3A_50, %add3A_205 : i32
      %sub3A_207 = arith.constant 2 : i32
      %sub3A_208 = arith.subi %add3A_206, %sub3A_207 : i32
      %ge3A_209 = arith.constant 0 : i32
      %ge3A_210 = arith.cmpi sge, %sub3A_208, %ge3A_209 : i32
      %mul3A_211 = arith.constant 32 : i32
      %mul3A_212 = arith.muli %sub3A_208, %mul3A_211 : i32
      %add3A_213 = arith.addi %add3A, %mul3A_212 : i32
      %lt3A_214 = arith.constant 2500 : i32
      %lt3A_215 = arith.cmpi slt, %add3A_213, %lt3A_214 : i32
      %and3A_216 = arith.andi %ge3A_210, %lt3A_215 : i1
      %convert_element_type3A_217 = arith.extui %and3A_216 : i1 to i32
      %cond3A_218 = arith.constant 0 : i32
      %cond3A_219 = arith.cmpi ne, %convert_element_type3A_217, %cond3A_218 : i32
      scf.if %cond3A_219 {
        %dma_wait3A = arith.constant 1 : i32
        %dma_wait3A_257 = arith.constant 1 : i32
        %dma_wait3A_258 = arith.constant 1 : i32
        %dma_wait3A_259 = arith.constant 0 : i32
        %dma_wait3A_260 = arith.constant 0 : i32
        %dma_wait3A_261 = tpu.memref_slice %arg8[%dma_wait3A, %dma_wait3A_259, %dma_wait3A_260] : memref<4x128x16xf32, #tpu.memory_space<vmem>> -> memref<1x128x16xf32, #tpu.memory_space<vmem>>
        %dma_wait3A_262 = tpu.memref_squeeze %dma_wait3A_261 : memref<1x128x16xf32, #tpu.memory_space<vmem>> -> memref<128x16xf32, #tpu.memory_space<vmem>>
        %dma_wait3A_263 = arith.constant 0 : i32
        %dma_wait3A_264 = tpu.memref_slice %arg7[%dma_wait3A_257, %dma_wait3A_263] : memref<4x128xi32, #tpu.memory_space<vmem>> -> memref<1x128xi32, #tpu.memory_space<vmem>>
        %dma_wait3A_265 = tpu.memref_squeeze %dma_wait3A_264 : memref<1x128xi32, #tpu.memory_space<vmem>> -> memref<128xi32, #tpu.memory_space<vmem>>
        %dma_wait3A_266 = arith.constant 0 : i32
        %dma_wait3A_267 = arith.constant 0 : i32
        %dma_wait3A_268 = tpu.memref_slice %arg9[%dma_wait3A_266, %dma_wait3A_267] : memref<10240x16xf32, #tpu.memory_space<vmem_shared>> -> memref<10240x16xf32, #tpu.memory_space<vmem_shared>>
        %dma_wait3A_269 = tpu.memref_slice %arg13[%dma_wait3A_258] : memref<4x!tpu.dma_semaphore, #tpu.memory_space<semaphore_mem>> -> memref<1x!tpu.dma_semaphore, #tpu.memory_space<semaphore_mem>>
        %dma_wait3A_270 = tpu.memref_squeeze %dma_wait3A_269 : memref<1x!tpu.dma_semaphore, #tpu.memory_space<semaphore_mem>> -> memref<!tpu.dma_semaphore, #tpu.memory_space<semaphore_mem>>
        tpu.wait_indirect_dma semaphore(%dma_wait3A_270 : memref<!tpu.dma_semaphore, #tpu.memory_space<semaphore_mem>>) src(%dma_wait3A_262 : memref<128x16xf32, #tpu.memory_space<vmem>>) dst(%dma_wait3A_268 : memref<10240x16xf32, #tpu.memory_space<vmem_shared>>)
      } else {
      }
      %add3A_220 = arith.constant 2 : i32
      %add3A_221 = arith.addi %add3A_206, %add3A_220 : i32
      %ge3A_222 = arith.constant 0 : i32
      %ge3A_223 = arith.cmpi sge, %add3A_221, %ge3A_222 : i32
      %mul3A_224 = arith.constant 32 : i32
      %mul3A_225 = arith.muli %add3A_221, %mul3A_224 : i32
      %add3A_226 = arith.addi %add3A, %mul3A_225 : i32
      %lt3A_227 = arith.constant 2500 : i32
      %lt3A_228 = arith.cmpi slt, %add3A_226, %lt3A_227 : i32
      %and3A_229 = arith.andi %ge3A_223, %lt3A_228 : i1
      %convert_element_type3A_230 = arith.extui %and3A_229 : i1 to i32
      %cond3A_231 = arith.constant 0 : i32
      %cond3A_232 = arith.cmpi ne, %convert_element_type3A_230, %cond3A_231 : i32
      scf.if %cond3A_232 {
        %mul3A_257 = arith.constant 32 : i32
        %mul3A_258 = arith.muli %add3A_221, %mul3A_257 : i32
        %add3A_259 = arith.addi %add3A, %mul3A_258 : i32
        %mul3A_260 = arith.constant 128 : i32
        %mul3A_261 = arith.muli %add3A_259, %mul3A_260 : i32
        %dma_start3A = arith.constant 0 : i32
        %dma_start3A_262 = arith.constant 1 : i32
        %dma_start3A_263 = arith.constant 1 : i32
        %dma_start3A_264 = arith.constant 0 : i32
        %dma_start3A_265 = tpu.memref_slice %arg6[%dma_start3A_262, %dma_start3A_264] : memref<4x128xi32, #tpu.memory_space<vmem>> -> memref<1x128xi32, #tpu.memory_space<vmem>>
        %dma_start3A_266 = tpu.memref_squeeze %dma_start3A_265 : memref<1x128xi32, #tpu.memory_space<vmem>> -> memref<128xi32, #tpu.memory_space<vmem>>
        %dma_start3A_267 = tpu.memref_slice %arg3[%dma_start3A, %mul3A_261] : memref<2x320000xi32, #tpu.memory_space<hbm>> -> memref<1x128xi32, #tpu.memory_space<hbm>>
        %dma_start3A_268 = tpu.memref_squeeze %dma_start3A_267 : memref<1x128xi32, #tpu.memory_space<hbm>> -> memref<128xi32, #tpu.memory_space<hbm>>
        %dma_start3A_269 = tpu.memref_slice %arg11[%dma_start3A_263] : memref<4x!tpu.dma_semaphore, #tpu.memory_space<semaphore_mem>> -> memref<1x!tpu.dma_semaphore, #tpu.memory_space<semaphore_mem>>
        %dma_start3A_270 = tpu.memref_squeeze %dma_start3A_269 : memref<1x!tpu.dma_semaphore, #tpu.memory_space<semaphore_mem>> -> memref<!tpu.dma_semaphore, #tpu.memory_space<semaphore_mem>>
        %dma_start3A_271 = arith.constant 0 : i32
        %dma_start3A_272 = tpu.memref_slice %arg6[%dma_start3A_262, %dma_start3A_271] : memref<4x128xi32, #tpu.memory_space<vmem>> -> memref<1x128xi32, #tpu.memory_space<vmem>>
        %dma_start3A_273 = tpu.memref_squeeze %dma_start3A_272 : memref<1x128xi32, #tpu.memory_space<vmem>> -> memref<128xi32, #tpu.memory_space<vmem>>
        %dma_start3A_274 = tpu.memref_slice %arg3[%dma_start3A, %mul3A_261] : memref<2x320000xi32, #tpu.memory_space<hbm>> -> memref<1x128xi32, #tpu.memory_space<hbm>>
        %dma_start3A_275 = tpu.memref_squeeze %dma_start3A_274 : memref<1x128xi32, #tpu.memory_space<hbm>> -> memref<128xi32, #tpu.memory_space<hbm>>
        tpu.enqueue_dma source(%dma_start3A_275 : memref<128xi32, #tpu.memory_space<hbm>>) target(%dma_start3A_273 : memref<128xi32, #tpu.memory_space<vmem>>) target_semaphore(%dma_start3A_270 : memref<!tpu.dma_semaphore, #tpu.memory_space<semaphore_mem>>)
        %mul3A_276 = arith.constant 32 : i32
        %mul3A_277 = arith.muli %add3A_221, %mul3A_276 : i32
        %add3A_278 = arith.addi %add3A, %mul3A_277 : i32
        %mul3A_279 = arith.constant 128 : i32
        %mul3A_280 = arith.muli %add3A_278, %mul3A_279 : i32
        %dma_start3A_281 = arith.constant 1 : i32
        %dma_start3A_282 = arith.constant 1 : i32
        %dma_start3A_283 = arith.constant 1 : i32
        %dma_start3A_284 = arith.constant 0 : i32
        %dma_start3A_285 = tpu.memref_slice %arg7[%dma_start3A_282, %dma_start3A_284] : memref<4x128xi32, #tpu.memory_space<vmem>> -> memref<1x128xi32, #tpu.memory_space<vmem>>
        %dma_start3A_286 = tpu.memref_squeeze %dma_start3A_285 : memref<1x128xi32, #tpu.memory_space<vmem>> -> memref<128xi32, #tpu.memory_space<vmem>>
        %dma_start3A_287 = tpu.memref_slice %arg3[%dma_start3A_281, %mul3A_280] : memref<2x320000xi32, #tpu.memory_space<hbm>> -> memref<1x128xi32, #tpu.memory_space<hbm>>
        %dma_start3A_288 = tpu.memref_squeeze %dma_start3A_287 : memref<1x128xi32, #tpu.memory_space<hbm>> -> memref<128xi32, #tpu.memory_space<hbm>>
        %dma_start3A_289 = tpu.memref_slice %arg11[%dma_start3A_283] : memref<4x!tpu.dma_semaphore, #tpu.memory_space<semaphore_mem>> -> memref<1x!tpu.dma_semaphore, #tpu.memory_space<semaphore_mem>>
        %dma_start3A_290 = tpu.memref_squeeze %dma_start3A_289 : memref<1x!tpu.dma_semaphore, #tpu.memory_space<semaphore_mem>> -> memref<!tpu.dma_semaphore, #tpu.memory_space<semaphore_mem>>
        %dma_start3A_291 = arith.constant 0 : i32
        %dma_start3A_292 = tpu.memref_slice %arg7[%dma_start3A_282, %dma_start3A_291] : memref<4x128xi32, #tpu.memory_space<vmem>> -> memref<1x128xi32, #tpu.memory_space<vmem>>
        %dma_start3A_293 = tpu.memref_squeeze %dma_start3A_292 : memref<1x128xi32, #tpu.memory_space<vmem>> -> memref<128xi32, #tpu.memory_space<vmem>>
        %dma_start3A_294 = tpu.memref_slice %arg3[%dma_start3A_281, %mul3A_280] : memref<2x320000xi32, #tpu.memory_space<hbm>> -> memref<1x128xi32, #tpu.memory_space<hbm>>
        %dma_start3A_295 = tpu.memref_squeeze %dma_start3A_294 : memref<1x128xi32, #tpu.memory_space<hbm>> -> memref<128xi32, #tpu.memory_space<hbm>>
        tpu.enqueue_dma source(%dma_start3A_295 : memref<128xi32, #tpu.memory_space<hbm>>) target(%dma_start3A_293 : memref<128xi32, #tpu.memory_space<vmem>>) target_semaphore(%dma_start3A_290 : memref<!tpu.dma_semaphore, #tpu.memory_space<semaphore_mem>>)
      } else {
      }
      %ge3A_233 = arith.constant 0 : i32
      %ge3A_234 = arith.cmpi sge, %add3A_206, %ge3A_233 : i32
      %mul3A_235 = arith.constant 32 : i32
      %mul3A_236 = arith.muli %add3A_206, %mul3A_235 : i32
      %add3A_237 = arith.addi %add3A, %mul3A_236 : i32
      %lt3A_238 = arith.constant 2500 : i32
      %lt3A_239 = arith.cmpi slt, %add3A_237, %lt3A_238 : i32
      %and3A_240 = arith.andi %ge3A_234, %lt3A_239 : i1
      %convert_element_type3A_241 = arith.extui %and3A_240 : i1 to i32
      %cond3A_242 = arith.constant 0 : i32
      %cond3A_243 = arith.cmpi ne, %convert_element_type3A_241, %cond3A_242 : i32
      scf.if %cond3A_243 {
        %mul3A_257 = arith.constant 32 : i32
        %mul3A_258 = arith.muli %add3A_206, %mul3A_257 : i32
        %add3A_259 = arith.addi %add3A, %mul3A_258 : i32
        %mul3A_260 = arith.constant 128 : i32
        %mul3A_261 = arith.muli %add3A_259, %mul3A_260 : i32
        %dma_wait3A = arith.constant 0 : i32
        %dma_wait3A_262 = arith.constant 3 : i32
        %dma_wait3A_263 = arith.constant 3 : i32
        %dma_wait3A_264 = arith.constant 0 : i32
        %dma_wait3A_265 = tpu.memref_slice %arg6[%dma_wait3A_262, %dma_wait3A_264] : memref<4x128xi32, #tpu.memory_space<vmem>> -> memref<1x128xi32, #tpu.memory_space<vmem>>
        %dma_wait3A_266 = tpu.memref_squeeze %dma_wait3A_265 : memref<1x128xi32, #tpu.memory_space<vmem>> -> memref<128xi32, #tpu.memory_space<vmem>>
        %dma_wait3A_267 = tpu.memref_slice %arg3[%dma_wait3A, %mul3A_261] : memref<2x320000xi32, #tpu.memory_space<hbm>> -> memref<1x128xi32, #tpu.memory_space<hbm>>
        %dma_wait3A_268 = tpu.memref_squeeze %dma_wait3A_267 : memref<1x128xi32, #tpu.memory_space<hbm>> -> memref<128xi32, #tpu.memory_space<hbm>>
        %dma_wait3A_269 = tpu.memref_slice %arg11[%dma_wait3A_263] : memref<4x!tpu.dma_semaphore, #tpu.memory_space<semaphore_mem>> -> memref<1x!tpu.dma_semaphore, #tpu.memory_space<semaphore_mem>>
        %dma_wait3A_270 = tpu.memref_squeeze %dma_wait3A_269 : memref<1x!tpu.dma_semaphore, #tpu.memory_space<semaphore_mem>> -> memref<!tpu.dma_semaphore, #tpu.memory_space<semaphore_mem>>
        %dma_wait3A_271 = arith.constant 0 : i32
        %dma_wait3A_272 = tpu.memref_slice %arg6[%dma_wait3A_262, %dma_wait3A_271] : memref<4x128xi32, #tpu.memory_space<vmem>> -> memref<1x128xi32, #tpu.memory_space<vmem>>
        %dma_wait3A_273 = tpu.memref_squeeze %dma_wait3A_272 : memref<1x128xi32, #tpu.memory_space<vmem>> -> memref<128xi32, #tpu.memory_space<vmem>>
        %dma_wait3A_274 = tpu.memref_slice %arg3[%dma_wait3A, %mul3A_261] : memref<2x320000xi32, #tpu.memory_space<hbm>> -> memref<1x128xi32, #tpu.memory_space<hbm>>
        %dma_wait3A_275 = tpu.memref_squeeze %dma_wait3A_274 : memref<1x128xi32, #tpu.memory_space<hbm>> -> memref<128xi32, #tpu.memory_space<hbm>>
        tpu.wait_dma2 semaphore(%dma_wait3A_270 : memref<!tpu.dma_semaphore, #tpu.memory_space<semaphore_mem>>) src(%dma_wait3A_275 : memref<128xi32, #tpu.memory_space<hbm>>) dst(%dma_wait3A_273 : memref<128xi32, #tpu.memory_space<vmem>>)
        %mul3A_276 = arith.constant 32 : i32
        %mul3A_277 = arith.muli %add3A_206, %mul3A_276 : i32
        %add3A_278 = arith.addi %add3A, %mul3A_277 : i32
        %mul3A_279 = arith.constant 128 : i32
        %mul3A_280 = arith.muli %add3A_278, %mul3A_279 : i32
        %dma_wait3A_281 = arith.constant 1 : i32
        %dma_wait3A_282 = arith.constant 3 : i32
        %dma_wait3A_283 = arith.constant 3 : i32
        %dma_wait3A_284 = arith.constant 0 : i32
        %dma_wait3A_285 = tpu.memref_slice %arg7[%dma_wait3A_282, %dma_wait3A_284] : memref<4x128xi32, #tpu.memory_space<vmem>> -> memref<1x128xi32, #tpu.memory_space<vmem>>
        %dma_wait3A_286 = tpu.memref_squeeze %dma_wait3A_285 : memref<1x128xi32, #tpu.memory_space<vmem>> -> memref<128xi32, #tpu.memory_space<vmem>>
        %dma_wait3A_287 = tpu.memref_slice %arg3[%dma_wait3A_281, %mul3A_280] : memref<2x320000xi32, #tpu.memory_space<hbm>> -> memref<1x128xi32, #tpu.memory_space<hbm>>
        %dma_wait3A_288 = tpu.memref_squeeze %dma_wait3A_287 : memref<1x128xi32, #tpu.memory_space<hbm>> -> memref<128xi32, #tpu.memory_space<hbm>>
        %dma_wait3A_289 = tpu.memref_slice %arg11[%dma_wait3A_283] : memref<4x!tpu.dma_semaphore, #tpu.memory_space<semaphore_mem>> -> memref<1x!tpu.dma_semaphore, #tpu.memory_space<semaphore_mem>>
        %dma_wait3A_290 = tpu.memref_squeeze %dma_wait3A_289 : memref<1x!tpu.dma_semaphore, #tpu.memory_space<semaphore_mem>> -> memref<!tpu.dma_semaphore, #tpu.memory_space<semaphore_mem>>
        %dma_wait3A_291 = arith.constant 0 : i32
        %dma_wait3A_292 = tpu.memref_slice %arg7[%dma_wait3A_282, %dma_wait3A_291] : memref<4x128xi32, #tpu.memory_space<vmem>> -> memref<1x128xi32, #tpu.memory_space<vmem>>
        %dma_wait3A_293 = tpu.memref_squeeze %dma_wait3A_292 : memref<1x128xi32, #tpu.memory_space<vmem>> -> memref<128xi32, #tpu.memory_space<vmem>>
        %dma_wait3A_294 = tpu.memref_slice %arg3[%dma_wait3A_281, %mul3A_280] : memref<2x320000xi32, #tpu.memory_space<hbm>> -> memref<1x128xi32, #tpu.memory_space<hbm>>
        %dma_wait3A_295 = tpu.memref_squeeze %dma_wait3A_294 : memref<1x128xi32, #tpu.memory_space<hbm>> -> memref<128xi32, #tpu.memory_space<hbm>>
        tpu.wait_dma2 semaphore(%dma_wait3A_290 : memref<!tpu.dma_semaphore, #tpu.memory_space<semaphore_mem>>) src(%dma_wait3A_295 : memref<128xi32, #tpu.memory_space<hbm>>) dst(%dma_wait3A_293 : memref<128xi32, #tpu.memory_space<vmem>>)
        %dma_start3A = arith.constant 3 : i32
        %dma_start3A_296 = arith.constant 3 : i32
        %dma_start3A_297 = arith.constant 3 : i32
        %dma_start3A_298 = arith.constant 0 : i32
        %dma_start3A_299 = arith.constant 0 : i32
        %dma_start3A_300 = tpu.memref_slice %arg8[%dma_start3A_296, %dma_start3A_298, %dma_start3A_299] : memref<4x128x16xf32, #tpu.memory_space<vmem>> -> memref<1x128x16xf32, #tpu.memory_space<vmem>>
        %dma_start3A_301 = tpu.memref_squeeze %dma_start3A_300 : memref<1x128x16xf32, #tpu.memory_space<vmem>> -> memref<128x16xf32, #tpu.memory_space<vmem>>
        %dma_start3A_302 = arith.constant 0 : i32
        %dma_start3A_303 = tpu.memref_slice %arg6[%dma_start3A, %dma_start3A_302] : memref<4x128xi32, #tpu.memory_space<vmem>> -> memref<1x128xi32, #tpu.memory_space<vmem>>
        %dma_start3A_304 = tpu.memref_squeeze %dma_start3A_303 : memref<1x128xi32, #tpu.memory_space<vmem>> -> memref<128xi32, #tpu.memory_space<vmem>>
        %dma_start3A_305 = arith.constant 0 : i32
        %dma_start3A_306 = arith.constant 0 : i32
        %dma_start3A_307 = tpu.memref_slice %arg10[%dma_start3A_305, %dma_start3A_306] : memref<10000x16xf32, #tpu.memory_space<vmem_shared>> -> memref<10000x16xf32, #tpu.memory_space<vmem_shared>>
        %dma_start3A_308 = tpu.memref_slice %arg12[%dma_start3A_297] : memref<4x!tpu.dma_semaphore, #tpu.memory_space<semaphore_mem>> -> memref<1x!tpu.dma_semaphore, #tpu.memory_space<semaphore_mem>>
        %dma_start3A_309 = tpu.memref_squeeze %dma_start3A_308 : memref<1x!tpu.dma_semaphore, #tpu.memory_space<semaphore_mem>> -> memref<!tpu.dma_semaphore, #tpu.memory_space<semaphore_mem>>
        tpu.enqueue_indirect_dma source(%dma_start3A_307 : memref<10000x16xf32, #tpu.memory_space<vmem_shared>>) target(%dma_start3A_301 : memref<128x16xf32, #tpu.memory_space<vmem>>) offsets(%dma_start3A_304 : memref<128xi32, #tpu.memory_space<vmem>>) semaphore(%dma_start3A_309 : memref<!tpu.dma_semaphore, #tpu.memory_space<semaphore_mem>>)
      } else {
      }
      %sub3A_244 = arith.constant 1 : i32
      %sub3A_245 = arith.subi %add3A_206, %sub3A_244 : i32
      %ge3A_246 = arith.constant 0 : i32
      %ge3A_247 = arith.cmpi sge, %sub3A_245, %ge3A_246 : i32
      %mul3A_248 = arith.constant 32 : i32
      %mul3A_249 = arith.muli %sub3A_245, %mul3A_248 : i32
      %add3A_250 = arith.addi %add3A, %mul3A_249 : i32
      %lt3A_251 = arith.constant 2500 : i32
      %lt3A_252 = arith.cmpi slt, %add3A_250, %lt3A_251 : i32
      %and3A_253 = arith.andi %ge3A_247, %lt3A_252 : i1
      %convert_element_type3A_254 = arith.extui %and3A_253 : i1 to i32
      %cond3A_255 = arith.constant 0 : i32
      %cond3A_256 = arith.cmpi ne, %convert_element_type3A_254, %cond3A_255 : i32
      scf.if %cond3A_256 {
        %dma_wait3A = arith.constant 2 : i32
        %dma_wait3A_257 = arith.constant 2 : i32
        %dma_wait3A_258 = arith.constant 2 : i32
        %dma_wait3A_259 = arith.constant 0 : i32
        %dma_wait3A_260 = arith.constant 0 : i32
        %dma_wait3A_261 = tpu.memref_slice %arg8[%dma_wait3A_257, %dma_wait3A_259, %dma_wait3A_260] : memref<4x128x16xf32, #tpu.memory_space<vmem>> -> memref<1x128x16xf32, #tpu.memory_space<vmem>>
        %dma_wait3A_262 = tpu.memref_squeeze %dma_wait3A_261 : memref<1x128x16xf32, #tpu.memory_space<vmem>> -> memref<128x16xf32, #tpu.memory_space<vmem>>
        %dma_wait3A_263 = arith.constant 0 : i32
        %dma_wait3A_264 = tpu.memref_slice %arg6[%dma_wait3A, %dma_wait3A_263] : memref<4x128xi32, #tpu.memory_space<vmem>> -> memref<1x128xi32, #tpu.memory_space<vmem>>
        %dma_wait3A_265 = tpu.memref_squeeze %dma_wait3A_264 : memref<1x128xi32, #tpu.memory_space<vmem>> -> memref<128xi32, #tpu.memory_space<vmem>>
        %dma_wait3A_266 = arith.constant 0 : i32
        %dma_wait3A_267 = arith.constant 0 : i32
        %dma_wait3A_268 = tpu.memref_slice %arg10[%dma_wait3A_266, %dma_wait3A_267] : memref<10000x16xf32, #tpu.memory_space<vmem_shared>> -> memref<10000x16xf32, #tpu.memory_space<vmem_shared>>
        %dma_wait3A_269 = tpu.memref_slice %arg12[%dma_wait3A_258] : memref<4x!tpu.dma_semaphore, #tpu.memory_space<semaphore_mem>> -> memref<1x!tpu.dma_semaphore, #tpu.memory_space<semaphore_mem>>
        %dma_wait3A_270 = tpu.memref_squeeze %dma_wait3A_269 : memref<1x!tpu.dma_semaphore, #tpu.memory_space<semaphore_mem>> -> memref<!tpu.dma_semaphore, #tpu.memory_space<semaphore_mem>>
        tpu.wait_indirect_dma semaphore(%dma_wait3A_270 : memref<!tpu.dma_semaphore, #tpu.memory_space<semaphore_mem>>) src(%dma_wait3A_268 : memref<10000x16xf32, #tpu.memory_space<vmem_shared>>) dst(%dma_wait3A_262 : memref<128x16xf32, #tpu.memory_space<vmem>>)
        %dma_start3A = arith.constant 2 : i32
        %dma_start3A_271 = arith.constant 2 : i32
        %dma_start3A_272 = arith.constant 2 : i32
        %dma_start3A_273 = arith.constant 0 : i32
        %dma_start3A_274 = arith.constant 0 : i32
        %dma_start3A_275 = tpu.memref_slice %arg8[%dma_start3A, %dma_start3A_273, %dma_start3A_274] : memref<4x128x16xf32, #tpu.memory_space<vmem>> -> memref<1x128x16xf32, #tpu.memory_space<vmem>>
        %dma_start3A_276 = tpu.memref_squeeze %dma_start3A_275 : memref<1x128x16xf32, #tpu.memory_space<vmem>> -> memref<128x16xf32, #tpu.memory_space<vmem>>
        %dma_start3A_277 = arith.constant 0 : i32
        %dma_start3A_278 = tpu.memref_slice %arg7[%dma_start3A_271, %dma_start3A_277] : memref<4x128xi32, #tpu.memory_space<vmem>> -> memref<1x128xi32, #tpu.memory_space<vmem>>
        %dma_start3A_279 = tpu.memref_squeeze %dma_start3A_278 : memref<1x128xi32, #tpu.memory_space<vmem>> -> memref<128xi32, #tpu.memory_space<vmem>>
        %dma_start3A_280 = arith.constant 0 : i32
        %dma_start3A_281 = arith.constant 0 : i32
        %dma_start3A_282 = tpu.memref_slice %arg9[%dma_start3A_280, %dma_start3A_281] : memref<10240x16xf32, #tpu.memory_space<vmem_shared>> -> memref<10240x16xf32, #tpu.memory_space<vmem_shared>>
        %dma_start3A_283 = tpu.memref_slice %arg13[%dma_start3A_272] : memref<4x!tpu.dma_semaphore, #tpu.memory_space<semaphore_mem>> -> memref<1x!tpu.dma_semaphore, #tpu.memory_space<semaphore_mem>>
        %dma_start3A_284 = tpu.memref_squeeze %dma_start3A_283 : memref<1x!tpu.dma_semaphore, #tpu.memory_space<semaphore_mem>> -> memref<!tpu.dma_semaphore, #tpu.memory_space<semaphore_mem>>
        tpu.enqueue_indirect_dma source(%dma_start3A_276 : memref<128x16xf32, #tpu.memory_space<vmem>>) target(%dma_start3A_282 : memref<10240x16xf32, #tpu.memory_space<vmem_shared>>) offsets(%dma_start3A_279 : memref<128xi32, #tpu.memory_space<vmem>>) semaphore(%dma_start3A_284 : memref<!tpu.dma_semaphore, #tpu.memory_space<semaphore_mem>>) {add = true}
      } else {
      }
    }
    %scan3A_30 = arith.constant 20 : i32
    %add3A_31 = arith.constant 2496 : i32
    %add3A_32 = arith.addi %add3A, %add3A_31 : i32
    %lt3A_33 = arith.constant 2500 : i32
    %lt3A_34 = arith.cmpi slt, %add3A_32, %lt3A_33 : i32
    %and3A_35 = arith.constant true
    %and3A_36 = arith.andi %and3A_35, %lt3A_34 : i1
    %convert_element_type3A_37 = arith.extui %and3A_36 : i1 to i32
    %cond3A_38 = arith.constant 0 : i32
    %cond3A_39 = arith.cmpi ne, %convert_element_type3A_37, %cond3A_38 : i32
    scf.if %cond3A_39 {
      %dma_wait3A = arith.constant 2 : i32
      %dma_wait3A_48 = arith.constant 2 : i32
      %dma_wait3A_49 = arith.constant 2 : i32
      %dma_wait3A_50 = arith.constant 0 : i32
      %dma_wait3A_51 = arith.constant 0 : i32
      %dma_wait3A_52 = tpu.memref_slice %arg8[%dma_wait3A, %dma_wait3A_50, %dma_wait3A_51] : memref<4x128x16xf32, #tpu.memory_space<vmem>> -> memref<1x128x16xf32, #tpu.memory_space<vmem>>
      %dma_wait3A_53 = tpu.memref_squeeze %dma_wait3A_52 : memref<1x128x16xf32, #tpu.memory_space<vmem>> -> memref<128x16xf32, #tpu.memory_space<vmem>>
      %dma_wait3A_54 = arith.constant 0 : i32
      %dma_wait3A_55 = tpu.memref_slice %arg7[%dma_wait3A_48, %dma_wait3A_54] : memref<4x128xi32, #tpu.memory_space<vmem>> -> memref<1x128xi32, #tpu.memory_space<vmem>>
      %dma_wait3A_56 = tpu.memref_squeeze %dma_wait3A_55 : memref<1x128xi32, #tpu.memory_space<vmem>> -> memref<128xi32, #tpu.memory_space<vmem>>
      %dma_wait3A_57 = arith.constant 0 : i32
      %dma_wait3A_58 = arith.constant 0 : i32
      %dma_wait3A_59 = tpu.memref_slice %arg9[%dma_wait3A_57, %dma_wait3A_58] : memref<10240x16xf32, #tpu.memory_space<vmem_shared>> -> memref<10240x16xf32, #tpu.memory_space<vmem_shared>>
      %dma_wait3A_60 = tpu.memref_slice %arg13[%dma_wait3A_49] : memref<4x!tpu.dma_semaphore, #tpu.memory_space<semaphore_mem>> -> memref<1x!tpu.dma_semaphore, #tpu.memory_space<semaphore_mem>>
      %dma_wait3A_61 = tpu.memref_squeeze %dma_wait3A_60 : memref<1x!tpu.dma_semaphore, #tpu.memory_space<semaphore_mem>> -> memref<!tpu.dma_semaphore, #tpu.memory_space<semaphore_mem>>
      tpu.wait_indirect_dma semaphore(%dma_wait3A_61 : memref<!tpu.dma_semaphore, #tpu.memory_space<semaphore_mem>>) src(%dma_wait3A_53 : memref<128x16xf32, #tpu.memory_space<vmem>>) dst(%dma_wait3A_59 : memref<10240x16xf32, #tpu.memory_space<vmem_shared>>)
    } else {
    }
    %barrier3A_40 = arith.constant 0 : index
    tpu.barrier barrier_id(%barrier3A_40)
    %mul3A_41 = arith.constant 640 : i32
    %mul3A_42 = arith.muli %arg1, %mul3A_41 : i32
    %mul3A_43 = arith.constant 10240 : i32
    %mul3A_44 = arith.muli %arg0, %mul3A_43 : i32
    %mul3A_45 = arith.constant 640 : i32
    %mul3A_46 = arith.muli %arg1, %mul3A_45 : i32
    %add3A_47 = arith.addi %mul3A_44, %mul3A_46 : i32
    "tpu.region"() ({
      %run_scoped3A = tpu.sem_alloc : memref<!tpu.dma_semaphore, #tpu.memory_space<semaphore_mem>>
      %dma_start3A = arith.constant 0 : i32
      %dma_start3A_48 = tpu.memref_slice %arg5[%add3A_47, %dma_start3A] : memref<20480x16xf32, #tpu.memory_space<hbm>> -> memref<640x16xf32, #tpu.memory_space<hbm>>
      %dma_start3A_49 = arith.constant 0 : i32
      %dma_start3A_50 = tpu.memref_slice %arg9[%mul3A_42, %dma_start3A_49] : memref<10240x16xf32, #tpu.memory_space<vmem_shared>> -> memref<640x16xf32, #tpu.memory_space<vmem_shared>>
      tpu.enqueue_dma source(%dma_start3A_50 : memref<640x16xf32, #tpu.memory_space<vmem_shared>>) target(%dma_start3A_48 : memref<640x16xf32, #tpu.memory_space<hbm>>) target_semaphore(%run_scoped3A : memref<!tpu.dma_semaphore, #tpu.memory_space<semaphore_mem>>)
      %dma_wait3A = arith.constant 0 : i32
      %dma_wait3A_51 = tpu.memref_slice %arg5[%add3A_47, %dma_wait3A] : memref<20480x16xf32, #tpu.memory_space<hbm>> -> memref<640x16xf32, #tpu.memory_space<hbm>>
      %dma_wait3A_52 = arith.constant 0 : i32
      %dma_wait3A_53 = tpu.memref_slice %arg9[%mul3A_42, %dma_wait3A_52] : memref<10240x16xf32, #tpu.memory_space<vmem_shared>> -> memref<640x16xf32, #tpu.memory_space<vmem_shared>>
      tpu.wait_dma2 semaphore(%run_scoped3A : memref<!tpu.dma_semaphore, #tpu.memory_space<semaphore_mem>>) src(%dma_wait3A_53 : memref<640x16xf32, #tpu.memory_space<vmem_shared>>) dst(%dma_wait3A_51 : memref<640x16xf32, #tpu.memory_space<hbm>>)
      tpu.yield
    }) : () -> ()
    return
  }
}

module attributes {stable_mosaic.version = 14 : i64} {
  func.func @body(%arg0: memref<10000x128xf32, #tpu.memory_space<vmem>>, %arg1: memref<128x16xf32, #tpu.memory_space<vmem>>, %arg2: memref<10000x16xf32, #tpu.memory_space<vmem>>) attributes {dimension_semantics = [], scalar_prefetch = 0 : i64, scratch_operands = 0 : i64, tpu.core_type = #tpu.core_type<tc>} {
    %get3A = arith.constant 0 : index
    %get3A_0 = arith.constant 0 : index
    %get3A_1 = vector.load %arg0[%get3A, %get3A_0] : memref<10000x128xf32, #tpu.memory_space<vmem>>, vector<10000x128xf32>
    %get3A_2 = arith.constant 0 : index
    %get3A_3 = arith.constant 0 : index
    %get3A_4 = vector.load %arg1[%get3A_2, %get3A_3] : memref<128x16xf32, #tpu.memory_space<vmem>>, vector<128x16xf32>
    %dot_general3A = arith.constant dense<0.000000e+00> : vector<10000x16xf32>
    %dot_general3A_5 = tpu.matmul %get3A_1, %get3A_4, %dot_general3A {dimension_numbers = #tpu.dot_dimension_numbers<[1], [0], [0], [1], [0, 0, 1, 1], [], []>, transpose_lhs_hint = false} : vector<10000x128xf32>, vector<128x16xf32>, vector<10000x16xf32> -> vector<10000x16xf32>
    %swap3A = arith.constant 0 : index
    %swap3A_6 = arith.constant 0 : index
    %swap3A_7 = vector.load %arg2[%swap3A, %swap3A_6] : memref<10000x16xf32, #tpu.memory_space<vmem>>, vector<10000x16xf32>
    tpu.vector_store %arg2[%swap3A, %swap3A_6], %dot_general3A_5 {strides = array<i32>} : memref<10000x16xf32, #tpu.memory_space<vmem>>, vector<10000x16xf32>,
    return
  }
}

module attributes {stable_mosaic.version = 14 : i64} {
  func.func @body(%arg0: memref<2560x128xf32, #tpu.memory_space<vmem>>, %arg1: memref<1250x128xf32, #tpu.memory_space<vmem>>, %arg2: memref<1250x128xf32, #tpu.memory_space<vmem>>, %arg3: memref<1250x128xf32, #tpu.memory_space<vmem>>) attributes {dimension_semantics = [], scalar_prefetch = 0 : i64, scratch_operands = 0 : i64, tpu.core_type = #tpu.core_type<tc>} {
    %get3A = arith.constant 0 : index
    %get3A_0 = arith.constant 0 : index
    %get3A_1 = vector.load %arg0[%get3A, %get3A_0] : memref<2560x128xf32, #tpu.memory_space<vmem>>, vector<1250x128xf32>
    %get3A_2 = arith.constant 1280 : index
    %get3A_3 = arith.constant 0 : index
    %get3A_4 = vector.load %arg0[%get3A_2, %get3A_3] : memref<2560x128xf32, #tpu.memory_space<vmem>>, vector<1250x128xf32>
    %add3A = arith.addf %get3A_1, %get3A_4 : vector<1250x128xf32>
    %add3A_5 = arith.constant 1.000000e+00 : f32
    %add3A_6 = vector.broadcast %add3A_5 : f32 to vector<1250x128xf32>
    %add3A_7 = arith.addf %add3A, %add3A_6 : vector<1250x128xf32>
    %rsqrt3A = math.rsqrt %add3A_7 : vector<1250x128xf32>
    %get3A_8 = arith.constant 0 : index
    %get3A_9 = arith.constant 0 : index
    %get3A_10 = vector.load %arg1[%get3A_8, %get3A_9] : memref<1250x128xf32, #tpu.memory_space<vmem>>, vector<1250x128xf32>
    %mul3A = arith.mulf %get3A_10, %rsqrt3A : vector<1250x128xf32>
    %swap3A = arith.constant 0 : index
    %swap3A_11 = arith.constant 0 : index
    %swap3A_12 = vector.load %arg2[%swap3A, %swap3A_11] : memref<1250x128xf32, #tpu.memory_space<vmem>>, vector<1250x128xf32>
    tpu.vector_store %arg2[%swap3A, %swap3A_11], %mul3A {strides = array<i32>} : memref<1250x128xf32, #tpu.memory_space<vmem>>, vector<1250x128xf32>,
    %swap3A_13 = arith.constant 0 : index
    %swap3A_14 = arith.constant 0 : index
    %swap3A_15 = vector.load %arg3[%swap3A_13, %swap3A_14] : memref<1250x128xf32, #tpu.memory_space<vmem>>, vector<1250x128xf32>
    tpu.vector_store %arg3[%swap3A_13, %swap3A_14], %rsqrt3A {strides = array<i32>} : memref<1250x128xf32, #tpu.memory_space<vmem>>, vector<1250x128xf32>,
    return
  }
}

module attributes {stable_mosaic.version = 14 : i64} {
  func.func @body(%arg0: memref<2560x128xf32, #tpu.memory_space<vmem>>, %arg1: memref<1250x128xf32, #tpu.memory_space<vmem>>, %arg2: memref<1250x128xf32, #tpu.memory_space<vmem>>, %arg3: memref<128x128xf32, #tpu.memory_space<vmem>>, %arg4: memref<1x128xf32, #tpu.memory_space<vmem>>, %arg5: memref<1250x128xf32, #tpu.memory_space<vmem>>) attributes {dimension_semantics = [], scalar_prefetch = 0 : i64, scratch_operands = 0 : i64, tpu.core_type = #tpu.core_type<tc>} {
    %get3A = arith.constant 0 : index
    %get3A_0 = arith.constant 0 : index
    %get3A_1 = vector.load %arg2[%get3A, %get3A_0] : memref<1250x128xf32, #tpu.memory_space<vmem>>, vector<1250x128xf32>
    %get3A_2 = arith.constant 0 : index
    %get3A_3 = arith.constant 0 : index
    %get3A_4 = vector.load %arg0[%get3A_2, %get3A_3] : memref<2560x128xf32, #tpu.memory_space<vmem>>, vector<1250x128xf32>
    %get3A_5 = arith.constant 1280 : index
    %get3A_6 = arith.constant 0 : index
    %get3A_7 = vector.load %arg0[%get3A_5, %get3A_6] : memref<2560x128xf32, #tpu.memory_space<vmem>>, vector<1250x128xf32>
    %add3A = arith.addf %get3A_4, %get3A_7 : vector<1250x128xf32>
    %get3A_8 = arith.constant 0 : index
    %get3A_9 = arith.constant 0 : index
    %get3A_10 = vector.load %arg1[%get3A_8, %get3A_9] : memref<1250x128xf32, #tpu.memory_space<vmem>>, vector<1250x128xf32>
    %add3A_11 = arith.addf %add3A, %get3A_10 : vector<1250x128xf32>
    %mul3A = arith.mulf %get3A_1, %add3A_11 : vector<1250x128xf32>
    %get3A_12 = arith.constant 0 : index
    %get3A_13 = arith.constant 0 : index
    %get3A_14 = vector.load %arg4[%get3A_12, %get3A_13] : memref<1x128xf32, #tpu.memory_space<vmem>>, vector<1x128xf32>
    %add3A_15 = vector.broadcast %get3A_14 : vector<1x128xf32> to vector<1250x128xf32>
    %add3A_16 = arith.addf %mul3A, %add3A_15 : vector<1250x128xf32>
    %max3A = arith.constant 0.000000e+00 : f32
    %max3A_17 = vector.broadcast %max3A : f32 to vector<1250x128xf32>
    %max3A_18 = arith.maximumf %add3A_16, %max3A_17 : vector<1250x128xf32>
    %get3A_19 = arith.constant 0 : index
    %get3A_20 = arith.constant 0 : index
    %get3A_21 = vector.load %arg3[%get3A_19, %get3A_20] : memref<128x128xf32, #tpu.memory_space<vmem>>, vector<128x128xf32>
    %dot_general3A = arith.constant dense<0.000000e+00> : vector<1250x128xf32>
    %dot_general3A_22 = tpu.matmul %max3A_18, %get3A_21, %dot_general3A {dimension_numbers = #tpu.dot_dimension_numbers<[1], [0], [0], [1], [0, 0, 1, 1], [], []>, transpose_lhs_hint = false} : vector<1250x128xf32>, vector<128x128xf32>, vector<1250x128xf32> -> vector<1250x128xf32>
    %get3A_23 = arith.constant 0 : index
    %get3A_24 = arith.constant 0 : index
    %get3A_25 = vector.load %arg2[%get3A_23, %get3A_24] : memref<1250x128xf32, #tpu.memory_space<vmem>>, vector<1250x128xf32>
    %mul3A_26 = arith.mulf %dot_general3A_22, %get3A_25 : vector<1250x128xf32>
    %swap3A = arith.constant 0 : index
    %swap3A_27 = arith.constant 0 : index
    %swap3A_28 = vector.load %arg5[%swap3A, %swap3A_27] : memref<1250x128xf32, #tpu.memory_space<vmem>>, vector<1250x128xf32>
    tpu.vector_store %arg5[%swap3A, %swap3A_27], %mul3A_26 {strides = array<i32>} : memref<1250x128xf32, #tpu.memory_space<vmem>>, vector<1250x128xf32>,
    return
  }
}

module attributes {stable_mosaic.version = 14 : i64} {
  func.func @body(%arg0: memref<2560x128xf32, #tpu.memory_space<vmem>>, %arg1: memref<1250x128xf32, #tpu.memory_space<vmem>>, %arg2: memref<1250x128xf32, #tpu.memory_space<vmem>>, %arg3: memref<1x128xf32, #tpu.memory_space<vmem>>, %arg4: memref<1250x128xf32, #tpu.memory_space<vmem>>) attributes {dimension_semantics = [], scalar_prefetch = 0 : i64, scratch_operands = 0 : i64, tpu.core_type = #tpu.core_type<tc>} {
    %get3A = arith.constant 0 : index
    %get3A_0 = arith.constant 0 : index
    %get3A_1 = vector.load %arg2[%get3A, %get3A_0] : memref<1250x128xf32, #tpu.memory_space<vmem>>, vector<1250x128xf32>
    %get3A_2 = arith.constant 0 : index
    %get3A_3 = arith.constant 0 : index
    %get3A_4 = vector.load %arg0[%get3A_2, %get3A_3] : memref<2560x128xf32, #tpu.memory_space<vmem>>, vector<1250x128xf32>
    %get3A_5 = arith.constant 1280 : index
    %get3A_6 = arith.constant 0 : index
    %get3A_7 = vector.load %arg0[%get3A_5, %get3A_6] : memref<2560x128xf32, #tpu.memory_space<vmem>>, vector<1250x128xf32>
    %add3A = arith.addf %get3A_4, %get3A_7 : vector<1250x128xf32>
    %get3A_8 = arith.constant 0 : index
    %get3A_9 = arith.constant 0 : index
    %get3A_10 = vector.load %arg1[%get3A_8, %get3A_9] : memref<1250x128xf32, #tpu.memory_space<vmem>>, vector<1250x128xf32>
    %add3A_11 = arith.addf %add3A, %get3A_10 : vector<1250x128xf32>
    %mul3A = arith.mulf %get3A_1, %add3A_11 : vector<1250x128xf32>
    %get3A_12 = arith.constant 0 : index
    %get3A_13 = arith.constant 0 : index
    %get3A_14 = vector.load %arg3[%get3A_12, %get3A_13] : memref<1x128xf32, #tpu.memory_space<vmem>>, vector<1x128xf32>
    %add3A_15 = vector.broadcast %get3A_14 : vector<1x128xf32> to vector<1250x128xf32>
    %add3A_16 = arith.addf %mul3A, %add3A_15 : vector<1250x128xf32>
    %swap3A = arith.constant 0 : index
    %swap3A_17 = arith.constant 0 : index
    %swap3A_18 = vector.load %arg4[%swap3A, %swap3A_17] : memref<1250x128xf32, #tpu.memory_space<vmem>>, vector<1250x128xf32>
    tpu.vector_store %arg4[%swap3A, %swap3A_17], %add3A_16 {strides = array<i32>} : memref<1250x128xf32, #tpu.memory_space<vmem>>, vector<1250x128xf32>,
    return
  }
}

module attributes {stable_mosaic.version = 14 : i64} {
  func.func @body(%arg0: memref<10000x16xf32, #tpu.memory_space<vmem>>, %arg1: memref<10000x7xf32, #tpu.memory_space<vmem>>) attributes {dimension_semantics = [], scalar_prefetch = 0 : i64, scratch_operands = 0 : i64, tpu.core_type = #tpu.core_type<tc>} {
    %get3A = arith.constant 0 : index
    %get3A_0 = arith.constant 0 : index
    %get3A_1 = vector.load %arg0[%get3A, %get3A_0] : memref<10000x16xf32, #tpu.memory_space<vmem>>, vector<10000x16xf32>
    %iota3A = tpu.iota {dimensions = array<i32: 1>} : vector<10000x16xi32>
    %lt3A = arith.constant 7 : i32
    %lt3A_2 = vector.broadcast %lt3A : i32 to vector<10000x16xi32>
    %lt3A_3 = arith.cmpi slt, %iota3A, %lt3A_2 : vector<10000x16xi32>
    %jit3A = arith.constant 0xFF800000 : f32
    %broadcast_in_dim3A = vector.broadcast %jit3A : f32 to vector<10000x16xf32>
    %select_n3A = arith.select %lt3A_3, %get3A_1, %broadcast_in_dim3A : vector<10000x16xi1>, vector<10000x16xf32>
    %reduce_max3A = arith.constant dense<0xFF800000> : vector<10000xf32>
    %reduce_max3A_4 = vector.multi_reduction <maximumf>, %select_n3A, %reduce_max3A [1] : vector<10000x16xf32> to vector<10000xf32>
    %broadcast_in_dim3A_5 = vector.shape_cast %reduce_max3A_4 : vector<10000xf32> to vector<10000x1xf32>
    %sub3A = vector.broadcast %broadcast_in_dim3A_5 : vector<10000x1xf32> to vector<10000x16xf32>
    %sub3A_6 = arith.subf %select_n3A, %sub3A : vector<10000x16xf32>
    %exp3A = math.exp %sub3A_6 : vector<10000x16xf32>
    %reduce_sum3A = arith.constant dense<0.000000e+00> : vector<10000xf32>
    %reduce_sum3A_7 = vector.multi_reduction <add>, %exp3A, %reduce_sum3A [1] : vector<10000x16xf32> to vector<10000xf32>
    %broadcast_in_dim3A_8 = vector.shape_cast %reduce_sum3A_7 : vector<10000xf32> to vector<10000x1xf32>
    %log3A = math.log %broadcast_in_dim3A_8 : vector<10000x1xf32>
    %add3A = arith.addf %log3A, %broadcast_in_dim3A_5 : vector<10000x1xf32>
    %sub3A_9 = vector.broadcast %add3A : vector<10000x1xf32> to vector<10000x16xf32>
    %sub3A_10 = arith.subf %get3A_1, %sub3A_9 : vector<10000x16xf32>
    %slice3A = vector.extract_strided_slice %sub3A_10 {offsets = [0, 0], sizes = [10000, 7], strides = [1, 1]} : vector<10000x16xf32> to vector<10000x7xf32>
    %swap3A = arith.constant 0 : index
    %swap3A_11 = arith.constant 0 : index
    %swap3A_12 = vector.load %arg1[%swap3A, %swap3A_11] : memref<10000x7xf32, #tpu.memory_space<vmem>>, vector<10000x7xf32>
    tpu.vector_store %arg1[%swap3A, %swap3A_11], %slice3A {strides = array<i32>} : memref<10000x7xf32, #tpu.memory_space<vmem>>, vector<10000x7xf32>,
    return
  }
}

</mosaic_0001>

<sc_bundles>
// kernel: kernel.10.cloned.1.call-start
scs
__scs_entry_jumppad:
0x0: {  	(pc) =	sbr.rel $0x88, $3  }
0x1: {  	(tag) =	ssettag $0x0;
	lr =	simm.s32 $0x1  }
0x2: {  	[smem:$0x3F9B] =	sst lr;
	_ =	strace $0xD0000000  }
0x3: {  	_ = 	snop  }
0x4: {  	_ = 	snop  }
0x5: {  	_ = 	snop  }
0x6: {  	_ = 	snop  }
0x7: {  	_ = 	snop  }
__scs_overlays_trampoline_lowered:
0x8: {  	[smem:$0x3FAA] =	sst s0  }
0x9: {  	[smem:$0x3FAB] =	sst s1  }
0xa: {  	[smem:$0x3FAC] =	sst s2  }
0xb: {  	[smem:$0x3FAD] =	sst s3  }
0xc: {  	[smem:$0x3FAE] =	sst s4  }
0xd: {  	[smem:$0x3FAF] =	sst s5  }
0xe: {  	[smem:$0x3FB0] =	sst s6  }
0xf: {  	[smem:$0x3FB1] =	sst s7  }
0x10: {  	[smem:$0x3FB2] =	sst s8  }
0x11: {  	[smem:$0x3FB3] =	sst s9;
	s0 =	simm.s32 @!p0 $0x0  }
0x12: {  	s1 =	sld [smem:$0x3F99];
	s0 =	simm.s32 @p0 $0x1  }
0x13: {  	[smem:$0x3FB4] =	sst s0;
	s0 =	simm.s32 @!p1 $0x0  }
0x14: {  	s2 =	sld [smem:$0x3F98];
	s0 =	simm.s32 @p1 $0x1  }
0x15: {  	[smem:$0x3FB5] =	sst s0;
	s0 =	simm.s32 @!p2 $0x0  }
0x16: {  	s3 =	sld [smem:$0x3FDB];
	s0 =	simm.s32 @p2 $0x1  }
0x17: {  	s4 =	simm.s32 $0x1BF5;
	[smem:$0x3FB7] =	sst s0  }
0x18: {  	s0 =	sld [smem:$0x3F9A];
	_ =	swait.ge [sflag:s4], $0x0  }
0x19: {  	s7 =	sld [smem:$0x3F9B]  }
0x1a: {  	s8 =	sadd.s32 $0xFFFFE003, lr  }
0x1b: {  	s9 =	sadd.s32 $0xFFFFFEF7, lr;
	s5 =	simm.s32 $0xFFFFFFFF;
	p2 =	slt.u32 s8, $0xFFFFF086  }
0x1c: {  	p1 =	slt.u32 s9, $0xF7A;
	s5 =	simm.s32 @!p2 $0x0  }
0x1d: {  	s5 =	simm.s32 @p1 $0x1;
	p0 =	seq.s32 s7, s2  }
0x1e: {  	s7 =	smul.u32 @!p0 $0xF7A, s2;
	p2 =	seq.s32 @!p0 s5, $0x0  }
0x1f: {  	s9 =	smul.u32 $0xF7A, s1;
	s8 =	simm.s32 @!p0 $0x1BF5;
	p2 =	por !p2, p0  }
0x20: {  	[sflag:s8] =	ssyncset.s32 @!p0 $0xFFFFF086;
	s6 =	sadd.s32 @!p0 s3, s7;
	s7 =	simm.s32 @!p0 $0x108  }
0x21: {  	s3 =	sadd.s32 s3, s9;
	s6 =	sadd.s32 @!p0 $0x88, s6;
	s7 =	simm.s32 @p2 $0x1082  }
0x22: {  	[simem:s7], [sflag:s8] =	dma.local @!p0 [hbm:s6], $0xF7A  }
0x23: {  	s9 =	sor.u32 $0xD0000000, s2;
	s6 =	simm.s32 $0x108;
	_ =	swait.ge @!p0 [sflag:s8], $0x0  }
0x24: {  	s3 =	sadd.s32 $0x88, s3;
	s6 =	simm.s32 @!p1 $0x1082;
	[sflag:s4] =	ssyncset.s32 $0xFFFFF086  }
0x25: {  	[simem:s6], [sflag:s4] =	dma.local [hbm:s3], $0xF7A  }
0x26: {  	[smem:$0x3F9B] =	sst s1;
	(tag) =	ssettag s2;
	_ =	strace s9  }
0x27: {  	s1 =	sld [smem:$0x3FAB]  }
0x28: {  	s2 =	sld [smem:$0x3FAC]  }
0x29: {  	s4 =	sld [smem:$0x3FAE]  }
0x2a: {  	p0 =	seq.s32 s5, $0x0;
	s5 =	sld [smem:$0x3FAF]  }
0x2b: {  	s6 =	sld [smem:$0x3FB0]  }
0x2c: {  	s7 =	sld [smem:$0x3FB1]  }
0x2d: {  	s3 =	simm.s32 $0x108;
	s8 =	sld [smem:$0x3FB2]  }
0x2e: {  	s3 =	simm.s32 @!p0 $0x1082;
	s9 =	sld [smem:$0x3FB3]  }
0x2f: {  	lr =	sadd.s32 s0, s3;
	s0 =	sld [smem:$0x3FAA]  }
0x30: {  	s3 =	sld [smem:$0x3FAD]  }
0x31: {  	[smem:$0x3FB6] =	sst s10  }
0x32: {  	s10 =	sld [smem:$0x3FB4];
	_ =	sdelay $0x3  }
0x33: {  	p0 =	seq.s32 s10, $0x1;
	s10 =	sld [smem:$0x3FB6];
	_ =	sdelay $0x3  }
0x34: {  	[smem:$0x3FB6] =	sst s10  }
0x35: {  	s10 =	sld [smem:$0x3FB5];
	_ =	sdelay $0x3  }
0x36: {  	p1 =	seq.s32 s10, $0x1;
	s10 =	sld [smem:$0x3FB6];
	_ =	sdelay $0x3  }
0x37: {  	[smem:$0x3FB6] =	sst s10  }
0x38: {  	s10 =	sld [smem:$0x3FB7]  }
0x39: {  	_ = 	snop;
	(pc) =	sbr.ind lr, $3  }
0x3a: {  	_ = 	snop  }
0x3b: {  	_ = 	snop  }
0x3c: {  	p2 =	seq.s32 s10, $0x1;
	s10 =	sld [smem:$0x3FB6]  }
0x3d: {  	_ =	shalt  }
0x3e: {  	_ =	shalt  }
0x3f: {  	_ =	shalt  }
0x40: {  	_ =	shalt  }
0x41: {  	_ =	shalt  }
0x42: {  	_ =	shalt  }
0x43: {  	_ =	shalt  }
0x44: {  	_ =	shalt  }
0x45: {  	_ =	shalt  }
0x46: {  	_ =	shalt  }
0x47: {  	_ =	shalt  }
0x48: {  	_ =	shalt  }
0x49: {  	_ =	shalt  }
0x4a: {  	_ =	shalt  }
0x4b: {  	_ =	shalt  }
0x4c: {  	_ =	shalt  }
0x4d: {  	_ =	shalt  }
0x4e: {  	_ =	shalt  }
0x4f: {  	_ =	shalt  }
0x50: {  	_ =	shalt  }
0x51: {  	_ =	shalt  }
0x52: {  	_ =	shalt  }
0x53: {  	_ =	shalt  }
0x54: {  	_ =	shalt  }
0x55: {  	_ =	shalt  }
0x56: {  	_ =	shalt  }
0x57: {  	_ =	shalt  }
0x58: {  	_ =	shalt  }
0x59: {  	_ =	shalt  }
0x5a: {  	_ =	shalt  }
0x5b: {  	_ =	shalt  }
0x5c: {  	_ =	shalt  }
0x5d: {  	_ =	shalt  }
0x5e: {  	_ =	shalt  }
0x5f: {  	_ =	shalt  }
0x60: {  	_ =	shalt  }
0x61: {  	_ =	shalt  }
0x62: {  	_ =	shalt  }
0x63: {  	_ =	shalt  }
0x64: {  	_ =	shalt  }
0x65: {  	_ =	shalt  }
0x66: {  	_ =	shalt  }
0x67: {  	_ =	shalt  }
0x68: {  	_ =	shalt  }
0x69: {  	_ =	shalt  }
0x6a: {  	_ =	shalt  }
0x6b: {  	_ =	shalt  }
0x6c: {  	_ =	shalt  }
0x6d: {  	_ =	shalt  }
0x6e: {  	_ =	shalt  }
0x6f: {  	_ =	shalt  }
0x70: {  	_ =	shalt  }
0x71: {  	_ =	shalt  }
0x72: {  	_ =	shalt  }
0x73: {  	_ =	shalt  }
0x74: {  	_ =	shalt  }
0x75: {  	_ =	shalt  }
0x76: {  	_ =	shalt  }
0x77: {  	_ =	shalt  }
0x78: {  	_ =	shalt  }
0x79: {  	_ =	shalt  }
0x7a: {  	_ =	shalt  }
0x7b: {  	_ =	shalt  }
0x7c: {  	_ =	shalt  }
0x7d: {  	_ =	shalt  }
0x7e: {  	_ =	shalt  }
0x7f: {  	_ =	shalt  }
0x80: {  	_ =	shalt  }
0x81: {  	_ =	shalt  }
0x82: {  	_ =	shalt  }
0x83: {  	_ =	shalt  }
0x84: {  	_ =	shalt  }
0x85: {  	_ =	shalt  }
0x86: {  	_ =	shalt  }
0x87: {  	_ =	shalt  }
.Lfunc_end0:
.L_simem_size_0:
called_computation_lowered:
.L_overlay_start_0:
0x88: {  	s2 =	sld [smem:$0x3FD9]  }
0x89: {  	s3 =	sld [smem:$0x3FFE];
	_ =	sdelay $0x1  }
0x8a: {  	s1 =	srdreg.scid  }
0x8b: {  	s0 =	sand.u32 $0x1, s1  }
0x8c: {  	s17 =	sshll.u32 s0, $0xA;
	s2 =	sadd.s32 s3, s2  }
0x8d: {  	s2 =	sadd.s32 s2, s17  }
0x8e: {  	[smem:$0x3FC2] =	sst s2  }
0x8f: {  	_ = 	snop  }
0x90: {  	s2 =	sld [smem:$0x3FD0];
	(tm) =	ssettm $0x1  }
0x91: {  	s18 =	sld [smem:$0x3FFB];
	_ =	sdelay $0x3  }
0x92: {  	_ =	strace s18  }
0x93: {  	s3 =	sld [smem:$0x3FFC];
	_ =	sdelay $0x3  }
0x94: {  	_ =	strace s3  }
0x95: {  	s3 =	sld [smem:$0x3FFD];
	_ =	sdelay $0x3  }
0x96: {  	_ =	strace s3  }
0x97: {  	_ =	strace $0x8FFFFFFF  }
0x98: {  	s19 =	sld [smem:$0x3FDB];
	_ =	sdelay $0x1  }
0x99: {  	s4 =	simm.s32 $_scs_section_size  }
0x9a: {  	s5 =	simm.s32 $_size__tile_overlayer_lowered;
	s6 =	simm.s32 $_tile_overlayer_lowered  }
0x9b: {  	s22 =	simm.s32 $0x1BFF;
	s21 =	sshll.u32 s6, $0x1;
	s3 =	sadd.s32 s4, s19  }
0x9c: {  	s7 =	simm.s32 $0x0;
	s20 =	sshll.u32 s5, $0x1;
	s5 =	sadd.s32 s21, s3  }
0x9d: {  	[timem:s7], [sflag:s22] =	dma.local [hbm:s5], s20  }
0x9e: {  	_ =	swait.ge [sflag:s22], s20  }
0x9f: {  	s4 =	ssub.s32 $0x0, s20;
	[sflag:s22] =	ssyncset.done $0x0  }
0xa0: {  	[sflag:s22] =	ssyncadd.s32 s4;
	_ =	sdelay $0x1  }
0xa1: {  	s23 =	simm.s32 $0x1B8B  }
0xa2: {  	_ =	swait.ge [sflag:s23], $0x1  }
0xa3: {  	[sflag:s23] =	ssyncset.done $0x0  }
0xa4: {  	s25 =	simm.s32 $0x1B8E;
	s24 =	sld [smem:$0x3FFE];
	[sflag:s23] =	ssyncadd.s32 $0xFFFFFFFF  }
0xa5: {  	s26 =	simm.s32 $execute0_lowered;
	[smem:$0x3FD2] =	sst s25  }
0xa6: {  	s5 =	sshll.u32 s26, $0x1;
	_ =	strace $0x80000046;
	[dreg:$0x1] =	wrdreg $0xFFFFFFFF  }
0xa7: {  	s28 =	simm.s32 $_size_execute0_lowered;
	s3 =	sadd.s32 s3, s5;
	[dreg:$0x0] =	wrdreg $0x0  }
0xa8: {  	s5 =	sshll.u32 s28, $0x1;
	[dreg:$0x2] =	wrdreg s3  }
0xa9: {  	[dreg:$0x3] =	wrdreg s5  }
0xaa: {  	[dreg:$0x4] =	wrdreg $0xC0  }
0xab: {  	_ =	task [dreg:s7], $0x5FFFF  }
0xac: {  	[dreg:$0x1] =	wrdreg $0xFFFFFFFF  }
0xad: {  	[dreg:$0x0] =	wrdreg $0x60  }
0xae: {  	[dreg:$0x2] =	wrdreg s24  }
0xaf: {  	[dreg:$0x3] =	wrdreg s2  }
0xb0: {  	[dreg:$0x4] =	wrdreg $0xA000  }
0xb1: {  	[dreg:$0x5] =	wrdreg $0x9  }
0xb2: {  	_ =	task.clear_ibuf [dreg:s7], $0x6FFFF;
	_ =	strace $0x90000046  }
0xb3: {  	s29 =	simm.s32 $0x9;
	_ =	strace $0x80000048  }
0xb4: {  	_ =	swait.ge [sflag:s29], $0x1  }
0xb5: {  	[sflag:s29] =	ssyncadd.s32 $0xFFFFFFFF  }
0xb6: {  	_ =	strace $0x90000048  }
0xb7: {  	_ =	sfence  }
0xb8: {  	s30 =	sld [smem:$0x0];
	_ =	sdelay $0x2  }
0xb9: {  	s31 =	sshll.u32 s1, $0xD;
	s1 =	sshrl.u32 s1, $0x2  }
0xba: {  	s3 =	sand.u32 $0x4000, s31;
	s1 =	sadd.s32 s1, s30  }
0xbb: {  	s0 =	sor.u32 s3, s0;
	s1 =	sshll.u32 s1, $0x11  }
0xbc: {  	s0 =	sor.u32 s1, s0  }
0xbd: {  	s0 =	sadd.s32 $0x8F2B, s0  }
0xbe: {  	[sflag:s0] =	ssyncadd.remote.s32 $0x1  }
0xbf: {  	_ =	sfence.sel $0xFFFF  }
0xc0: {  	[dreg:$0x0] =	wrdreg $0xFFFFFFFF;
	(pc) =	sbr.abs _section_cstart, $3  }
0xc1: {  	[dreg:$0x1] =	wrdreg $0xFFFFFFFF  }
0xc2: {  	_ =	task.clear_ibuf [dreg:s7], $0x2FFFF;
	_ =	strace $0x9FFFFFFF  }
0xc3: {  	(tm) =	ssettm $0x7FFFFFFF  }
tec
execute0_lowered:
.L_overlay_start_1:
0x0: {  	(tag) =	ssettag $0x1  }
0x1: {  	s6 =	rddreg [dreg:$0x0]  }
0x2: {  	s2 =	rddreg [dreg:$0x1]  }
0x3: {  	s3 =	rddreg [dreg:$0x2];
	s5 =	srdreg.scid  }
0x4: {  	s1 =	stileid.u32;
	s4 =	simm.s32 $0x0;
	s16 =	simm.s32 $0x80  }
0x5: {  	s17 =	simm.s32 $0x1;
	s18 =	simm.s32 $0x2;
	s19 =	simm.s32 $0x5  }
0x6: {  	s20 =	simm.s32 $0x6;
	s21 =	simm.s32 $0x0;
	s9 =	sand.u32 $0x1, s5  }
0x7: {  	s7 =	smul.u32 $0x500, s1;
	[smem:$0x7FF] =	sst s4;
	s10 =	sadd.s32 $0x2C00, s6  }
0x8: {  	s5 =	sadd.s32 $0x16600, s6;
	s22 =	sshll.u32 s1, $0x1;
	s11 =	smul.u32 $0xA000, s1  }
0x9: {  	s29 =	sshll.u32 s1, $0x5;
	s31 =	sshll.u32 s1, $0x6;
	p0 =	sgt.u32 s1, $0x1  }
0xa: {  	s8 =	smul.u32 $0x5000, s9;
	_ =	strace $0x80000047;
	s23 =	ssub.s32 $0x2, s9  }
0xb: {  	s13 =	sor.u32 s9, s22;
	s30 =	sshll.u32 s9, $0x4;
	s24 =	sshrl.u32 s23, $0x1  }
0xc: {  	s25 =	sshrl.u32 s11, $0x2;
	s26 =	sshll.u32 s13, $0x4;
	s11 =	sor.u32 $0x60, s13  }
0xd: {  	s13 =	simm.s32 $0x9;
	s7 =	sadd.s32 s7, s8;
	s14 =	ssub.s32 s23, s24  }
0xe: {  	s15 =	sadd.s32 s25, s3;
	s28 =	sadd.s32 s26, s10;
	s10 =	sadd.s32 s29, s10  }
0xf: {  	s12 =	sadd.s32 s7, s6;
	s6 =	sadd.s32 $0x9C40, s28;
	s7 =	sadd.s32 $0x9E40, s28  }
0x10: {  	s9 =	smax.u32 s14, $0x1;
	s10 =	sadd.s32 s30, s10;
	s14 =	sor.u32 $0x1C09, s31  }
0x11: {  	s15 =	sshrl.u32 s15, $0x3;
	s8 =	sadd.s32 $0x16800, s12;
	s12 =	simm.s32 $0x200  }
.LBB2_1:
0x12: {  	[tilespmem:s12], [sflag:$0x9] =	stream.linear.gather [hbm4b:s5+s4], $0x800, $0x38;
	[tilespmem:$0x3200] =	vst v63  }
0x13: {  	_ =	swait.ge [sflag:s13], $0x800  }
0x14: {  	[sflag:s13] =	ssyncset.done $0x0  }
0x15: {  	[sflag:s13] =	ssyncadd.s32 $0xFFFFF800  }
0x16: {  	[spmem:s15], [sflag:s14] =	dma.local [hbm:s2], $0x500  }
0x17: {  	_ =	swait.ge [sflag:s13], $0x500  }
0x18: {  	[sflag:s13] =	ssyncset.done $0x0  }
0x19: {  	p1 =	por $0x1, $0x1;
	[sflag:s13] =	ssyncadd.s32 $0xFFFFFB00  }
0x1a: {  	p3 =	por p1, p1;
	[bflag:$0x0] =	sbarrier.arrive $0xFFFF  }
0x1b: {  	[tilespmem:s4], [sflag:$0x1] =	stream.linear.gather [hbm4b:s6+s4], $0x80, $0x38;
	[tilespmem:$0x3200] =	vst v63  }
0x1c: {  	s22 =	sadd.s32 $0xFFFFFFE0, s11;
	s23 =	simm.s32 @!p3 $0x7  }
0x1d: {  	[tilespmem:s16], [sflag:$0x2] =	stream.linear.gather [hbm4b:s7+s4], $0x80, $0x38;
	[tilespmem:$0x3200] =	vst v63  }
0x1e: {  	p2 =	sgt.u32 s22, $0x9C3;
	_ =	swait.ge @!p3 [sflag:s23], $0x800  }
0x1f: {  	s22 =	sadd.s32 @!p2 $0x0, s10;
	s25 =	simm.s32 @!p2 $0x100;
	[sflag:s23] =	ssyncset.done @!p3 $0x0  }
0x20: {  	s22 =	sadd.s32 @!p2 $0xA040, s22;
	[sflag:s23] =	ssyncadd.s32 @!p3 $0xFFFFF800;
	s23 =	simm.s32 @!p2 $0x0  }
0x21: {  	[tilespmem:s25], [sflag:$0x3] =	stream.linear.gather @!p2 [hbm4b:s22+s23], $0x80, $0x38;
	[tilespmem:$0x3200] =	vst v63  }
0x22: {  	_ =	swait.ge [sflag:s17], $0x80  }
0x23: {  	[sflag:s17] =	ssyncset.done $0x0  }
0x24: {  	s22 =	simm.s32 @!p3 $0x8;
	[sflag:s17] =	ssyncadd.s32 $0xFFFFFF80  }
0x25: {  	[spmem:s3] =	stream.indirect.scatter.add.f32 [tilespmem:s12], [sflag:$0x5], $0x10, s4, s16, $0xb8;
	[tilespmem:$0x3200] =	vst v63  }
0x26: {  	p1 =	sgt.u32 s11, $0x9C3;
	_ =	swait.ge @!p3 [sflag:s22], $0x800  }
0x27: {  	s24 =	simm.s32 @!p1 $0x180;
	s23 =	sadd.s32 @!p1 $0x0, s10;
	[sflag:s22] =	ssyncset.done @!p3 $0x0  }
0x28: {  	[sflag:s22] =	ssyncadd.s32 @!p3 $0xFFFFF800;
	s22 =	sadd.s32 @!p1 $0xA240, s23;
	s23 =	simm.s32 @!p1 $0x0  }
0x29: {  	[tilespmem:s24], [sflag:$0x4] =	stream.linear.gather @!p1 [hbm4b:s22+s23], $0x80, $0x38;
	[tilespmem:$0x3200] =	vst v63  }
0x2a: {  	_ =	swait.ge [sflag:s18], $0x80  }
0x2b: {  	[sflag:s18] =	ssyncset.done $0x0  }
0x2c: {  	s26 =	sadd.s32 $0x20, s11;
	[sflag:s18] =	ssyncadd.s32 $0xFFFFFF80  }
0x2d: {  	[spmem:s3] =	stream.indirect.scatter.add.f32 [tilespmem:s12], [sflag:$0x6], $0x10, s16, s16, $0xb8;
	[tilespmem:$0x3200] =	vst v63  }
0x2e: {  	s0 =	sadd.s32 $0x40, s11;
	p3 =	sgt.u32 s26, $0x9C3;
	_ =	swait.ge [sflag:s19], $0x800  }
0x2f: {  	s26 =	simm.s32 @!p2 $0x3;
	s22 =	sadd.s32 @!p3 $0x0, s10;
	[sflag:s19] =	ssyncset.done $0x0  }
0x30: {  	s23 =	simm.s32 @!p3 $0x0;
	s22 =	sadd.s32 @!p3 $0xA440, s22;
	[sflag:s19] =	ssyncadd.s32 $0xFFFFF800  }
0x31: {  	[tilespmem:s23], [sflag:$0x1] =	stream.linear.gather @!p3 [hbm4b:s22+s23], $0x80, $0x38;
	[tilespmem:$0x3200] =	vst v63  }
0x32: {  	p6 =	por $0x0, $0x0;
	s28 =	simm.s32 @!p2 $0x200;
	_ =	swait.ge @!p2 [sflag:s26], $0x80  }
0x33: {  	s31 =	simm.s32 @!p1 $0x200;
	s22 =	simm.s32 $0x800;
	[sflag:s26] =	ssyncset.done @!p2 $0x0  }
0x34: {  	p3 =	sgt.u32 s0, $0x9C3;
	[sflag:s26] =	ssyncadd.s32 @!p2 $0xFFFFFF80;
	s26 =	simm.s32 @!p2 $0x80  }
0x35: {  	[spmem:s3] =	stream.indirect.scatter.add.f32 @!p2 [tilespmem:s28], [sflag:$0x7], $0x10, s25, s26, $0xb8;
	[tilespmem:$0x3200] =	vst v63  }
0x36: {  	s23 =	sadd.s32 @!p3 $0x0, s10;
	s30 =	simm.s32 @!p3 $0x80;
	_ =	swait.ge [sflag:s20], $0x800  }
0x37: {  	s29 =	sadd.s32 @!p3 $0xA640, s23;
	s23 =	sadd.s32 $0x80, s11;
	[sflag:s20] =	ssyncset.done $0x0  }
0x38: {  	s26 =	simm.s32 @!p3 $0x0;
	s28 =	simm.s32 @!p1 $0x4;
	[sflag:s20] =	ssyncadd.s32 $0xFFFFF800  }
0x39: {  	[tilespmem:s30], [sflag:$0x2] =	stream.linear.gather @!p3 [hbm4b:s29+s26], $0x80, $0x38;
	[tilespmem:$0x3200] =	vst v63  }
0x3a: {  	s25 =	simm.s32 $0x1000;
	p2 =	por p6, p6;
	_ =	swait.ge @!p1 [sflag:s28], $0x80  }
0x3b: {  	s29 =	sadd.s32 $0xFFFFFFE0, s23;
	s30 =	simm.s32 @!p1 $0x80;
	[sflag:s28] =	ssyncset.done @!p1 $0x0  }
.LBB2_2:
0x3c: {  	p5 =	seq.s32 s25, $0x0  }
0x3d: {  	s0 =	simm.s32 @!p2 $0x7;
	[sflag:s28] =	ssyncadd.s32 @!p1 $0xFFFFFF80;
	s26 =	smov.u32 s25  }
0x3e: {  	[spmem:s3] =	stream.indirect.scatter.add.f32 @!p1 [tilespmem:s31], [sflag:$0x8], $0x10, s24, s30, $0xb8;
	[tilespmem:$0x3200] =	vst v63  }
0x3f: {  	s25 =	sadd.s32 $0x800, s25;
	p4 =	sgt.u32 s29, $0x9C3;
	_ =	swait.ge @!p2 [sflag:s0], $0x800  }
0x40: {  	s24 =	sadd.s32 @!p4 s22, s10;
	s28 =	simm.s32 @!p4 $0x100;
	[sflag:s0] =	ssyncset.done @!p2 $0x0  }
0x41: {  	[sflag:s0] =	ssyncadd.s32 @!p2 $0xFFFFF800;
	s0 =	sadd.s32 @!p4 $0xA040, s24;
	s24 =	simm.s32 @!p4 $0x0  }
0x42: {  	[tilespmem:s28], [sflag:$0x3] =	stream.linear.gather @!p4 [hbm4b:s0+s24], $0x80, $0x38;
	[tilespmem:$0x3200] =	vst v63  }
0x43: {  	p3 =	sne.s32 s25, $0xA000;
	_ =	swait.ge [sflag:s17], $0x80  }
0x44: {  	[sflag:s17] =	ssyncset.done $0x0  }
0x45: {  	s0 =	simm.s32 @!p2 $0x8;
	[sflag:s17] =	ssyncadd.s32 $0xFFFFFF80  }
0x46: {  	[spmem:s3] =	stream.indirect.scatter.add.f32 [tilespmem:s12], [sflag:$0x5], $0x10, s4, s16, $0xb8;
	[tilespmem:$0x3200] =	vst v63  }
0x47: {  	p1 =	sgt.u32 s23, $0x9C3;
	_ =	swait.ge @!p2 [sflag:s0], $0x800  }
0x48: {  	s29 =	sadd.s32 @!p1 s22, s10;
	s24 =	simm.s32 @!p1 $0x180;
	[sflag:s0] =	ssyncset.done @!p2 $0x0  }
0x49: {  	[sflag:s0] =	ssyncadd.s32 @!p2 $0xFFFFF800;
	s0 =	sadd.s32 @!p1 $0xA240, s29;
	s29 =	simm.s32 @!p1 $0x0  }
0x4a: {  	[tilespmem:s24], [sflag:$0x4] =	stream.linear.gather @!p1 [hbm4b:s0+s29], $0x80, $0x38;
	[tilespmem:$0x3200] =	vst v63  }
0x4b: {  	p2 =	por p5, p5;
	_ =	swait.ge [sflag:s18], $0x80  }
0x4c: {  	[sflag:s18] =	ssyncset.done $0x0  }
0x4d: {  	s0 =	sadd.s32 $0x20, s23;
	[sflag:s18] =	ssyncadd.s32 $0xFFFFFF80  }
0x4e: {  	[spmem:s3] =	stream.indirect.scatter.add.f32 [tilespmem:s12], [sflag:$0x6], $0x10, s16, s16, $0xb8;
	[tilespmem:$0x3200] =	vst v63  }
0x4f: {  	p5 =	sgt.u32 s0, $0x9C3;
	_ =	swait.ge [sflag:s19], $0x800  }
0x50: {  	s0 =	sadd.s32 @!p5 s22, s10;
	s29 =	simm.s32 @!p5 $0x0;
	[sflag:s19] =	ssyncset.done $0x0  }
0x51: {  	s30 =	simm.s32 @!p4 $0x3;
	s0 =	sadd.s32 @!p5 $0xA440, s0;
	[sflag:s19] =	ssyncadd.s32 $0xFFFFF800  }
0x52: {  	[tilespmem:s29], [sflag:$0x1] =	stream.linear.gather @!p5 [hbm4b:s0+s29], $0x80, $0x38;
	[tilespmem:$0x3200] =	vst v63  }
0x53: {  	_ =	swait.ge @!p4 [sflag:s30], $0x80  }
0x54: {  	s0 =	sadd.s32 $0x40, s23;
	[sflag:s30] =	ssyncset.done @!p4 $0x0  }
0x55: {  	s29 =	simm.s32 @!p4 $0x80;
	[sflag:s30] =	ssyncadd.s32 @!p4 $0xFFFFFF80;
	s30 =	simm.s32 @!p4 $0x200  }
0x56: {  	[spmem:s3] =	stream.indirect.scatter.add.f32 @!p4 [tilespmem:s30], [sflag:$0x7], $0x10, s28, s29, $0xb8;
	[tilespmem:$0x3200] =	vst v63  }
0x57: {  	p4 =	sgt.u32 s0, $0x9C3;
	s28 =	simm.s32 @!p1 $0x4;
	_ =	swait.ge [sflag:s20], $0x800  }
0x58: {  	s0 =	sadd.s32 @!p4 s22, s10;
	s29 =	simm.s32 @!p4 $0x0;
	[sflag:s20] =	ssyncset.done $0x0  }
.Ltmp0:
0x59: {  	s0 =	sadd.s32 @!p4 $0xA640, s0;
	[sflag:s20] =	ssyncadd.s32 $0xFFFFF800;
	(pc) =	sbr.rel @p3 .LBB2_2-.Ltmp0, $4  }
0x5a: {  	s23 =	sadd.s32 $0x80, s23;
	s30 =	simm.s32 @!p4 $0x80;
	s22 =	smov.u32 s26  }
0x5b: {  	[tilespmem:s30], [sflag:$0x2] =	stream.linear.gather @!p4 [hbm4b:s0+s29], $0x80, $0x38;
	[tilespmem:$0x3200] =	vst v63  }
0x5c: {  	s29 =	sadd.s32 $0xFFFFFFE0, s23;
	_ =	swait.ge @!p1 [sflag:s28], $0x80  }
0x5d: {  	s31 =	simm.s32 @!p1 $0x200;
	s30 =	simm.s32 @!p1 $0x80;
	[sflag:s28] =	ssyncset.done @!p1 $0x0  }
0x5e: {  	s0 =	simm.s32 @!p2 $0x7;
	[sflag:s28] =	ssyncadd.s32 @!p1 $0xFFFFFF80  }
0x5f: {  	[spmem:s3] =	stream.indirect.scatter.add.f32 @!p1 [tilespmem:s31], [sflag:$0x8], $0x10, s24, s30, $0xb8;
	[tilespmem:$0x3200] =	vst v63  }
0x60: {  	p3 =	sgt.u32 s29, $0x9C3;
	_ =	swait.ge @!p2 [sflag:s0], $0x800  }
0x61: {  	s24 =	sadd.s32 @!p3 s22, s10;
	s25 =	simm.s32 @!p3 $0x100;
	[sflag:s0] =	ssyncset.done @!p2 $0x0  }
0x62: {  	[sflag:s0] =	ssyncadd.s32 @!p2 $0xFFFFF800;
	s0 =	sadd.s32 @!p3 $0xA040, s24;
	s24 =	simm.s32 @!p3 $0x0  }
0x63: {  	[tilespmem:s25], [sflag:$0x3] =	stream.linear.gather @!p3 [hbm4b:s0+s24], $0x80, $0x38;
	[tilespmem:$0x3200] =	vst v63  }
0x64: {  	_ =	swait.ge [sflag:s17], $0x80  }
0x65: {  	[sflag:s17] =	ssyncset.done $0x0  }
0x66: {  	s0 =	simm.s32 @!p2 $0x8;
	[sflag:s17] =	ssyncadd.s32 $0xFFFFFF80  }
0x67: {  	[spmem:s3] =	stream.indirect.scatter.add.f32 [tilespmem:s12], [sflag:$0x5], $0x10, s4, s16, $0xb8;
	[tilespmem:$0x3200] =	vst v63  }
0x68: {  	p1 =	sgt.u32 s23, $0x9C3;
	_ =	swait.ge @!p2 [sflag:s0], $0x800  }
0x69: {  	s26 =	simm.s32 @!p1 $0x180;
	s24 =	sadd.s32 @!p1 s22, s10;
	[sflag:s0] =	ssyncset.done @!p2 $0x0  }
0x6a: {  	[sflag:s0] =	ssyncadd.s32 @!p2 $0xFFFFF800;
	s0 =	sadd.s32 @!p1 $0xA240, s24;
	s24 =	simm.s32 @!p1 $0x0  }
0x6b: {  	[tilespmem:s26], [sflag:$0x4] =	stream.linear.gather @!p1 [hbm4b:s0+s24], $0x80, $0x38;
	[tilespmem:$0x3200] =	vst v63  }
0x6c: {  	_ =	swait.ge [sflag:s18], $0x80  }
0x6d: {  	[sflag:s18] =	ssyncset.done $0x0  }
0x6e: {  	s30 =	sadd.s32 $0x20, s23;
	[sflag:s18] =	ssyncadd.s32 $0xFFFFFF80  }
0x6f: {  	[spmem:s3] =	stream.indirect.scatter.add.f32 [tilespmem:s12], [sflag:$0x6], $0x10, s16, s16, $0xb8;
	[tilespmem:$0x3200] =	vst v63  }
0x70: {  	p2 =	sgt.u32 s30, $0x9C3;
	_ =	swait.ge [sflag:s19], $0x800  }
0x71: {  	s28 =	simm.s32 @!p3 $0x3;
	s0 =	sadd.s32 @!p2 s22, s10;
	[sflag:s19] =	ssyncset.done $0x0  }
0x72: {  	s24 =	simm.s32 @!p2 $0x0;
	s0 =	sadd.s32 @!p2 $0xA440, s0;
	[sflag:s19] =	ssyncadd.s32 $0xFFFFF800  }
0x73: {  	[tilespmem:s24], [sflag:$0x1] =	stream.linear.gather @!p2 [hbm4b:s0+s24], $0x80, $0x38;
	[tilespmem:$0x3200] =	vst v63  }
0x74: {  	_ =	swait.ge @!p3 [sflag:s28], $0x80  }
0x75: {  	s31 =	sadd.s32 $0x40, s23;
	[sflag:s28] =	ssyncset.done @!p3 $0x0  }
0x76: {  	s0 =	simm.s32 @!p3 $0x80;
	s24 =	simm.s32 @!p3 $0x200;
	[sflag:s28] =	ssyncadd.s32 @!p3 $0xFFFFFF80  }
0x77: {  	[spmem:s3] =	stream.indirect.scatter.add.f32 @!p3 [tilespmem:s24], [sflag:$0x7], $0x10, s25, s0, $0xb8;
	[tilespmem:$0x3200] =	vst v63  }
0x78: {  	s23 =	simm.s32 @!p1 $0x4;
	p2 =	sgt.u32 s31, $0x9C3;
	_ =	swait.ge [sflag:s20], $0x800  }
0x79: {  	s0 =	sadd.s32 @!p2 s22, s10;
	s22 =	simm.s32 @!p2 $0x0;
	[sflag:s20] =	ssyncset.done $0x0  }
0x7a: {  	s24 =	simm.s32 @!p2 $0x80;
	s0 =	sadd.s32 @!p2 $0xA640, s0;
	[sflag:s20] =	ssyncadd.s32 $0xFFFFF800  }
0x7b: {  	[tilespmem:s24], [sflag:$0x2] =	stream.linear.gather @!p2 [hbm4b:s0+s22], $0x80, $0x38;
	[tilespmem:$0x3200] =	vst v63  }
0x7c: {  	_ =	swait.ge @!p1 [sflag:s23], $0x80  }
0x7d: {  	[sflag:s23] =	ssyncset.done @!p1 $0x0  }
0x7e: {  	s0 =	simm.s32 @!p1 $0x80;
	s22 =	simm.s32 @!p1 $0x200;
	[sflag:s23] =	ssyncadd.s32 @!p1 $0xFFFFFF80  }
0x7f: {  	[spmem:s3] =	stream.indirect.scatter.add.f32 @!p1 [tilespmem:s22], [sflag:$0x8], $0x10, s26, s0, $0xb8;
	[tilespmem:$0x3200] =	vst v63  }
0x80: {  	s0 =	simm.s32 @!p0 $0x7  }
0x81: {  	_ =	swait.ge @!p0 [sflag:s0], $0x800  }
0x82: {  	s21 =	sadd.s32 $0x1, s21;
	[sflag:s0] =	ssyncset.done @!p0 $0x0  }
0x83: {  	p1 =	sne.s32 s21, s9;
	[sflag:s0] =	ssyncadd.s32 @!p0 $0xFFFFF800  }
.Ltmp1:
0x84: {  	[bflag:$0x0] =	sbarrier.arrive $0xFFFF;
	(pc) =	sbr.rel @p1 .LBB2_1-.Ltmp1, $4  }
0x85: {  	[hbm:s8], [sflag:s14] =	dma.local [spmem:s15], $0x500  }
0x86: {  	_ =	swait.ge [sflag:s13], $0x500  }
0x87: {  	[sflag:s13] =	ssyncset.done $0x0  }
0x88: {  	[sflag:s13] =	ssyncadd.s32 $0xFFFFFB00  }
0x89: {  	_ =	sfence.sel $0x180000  }
0x8a: {  	[bflag:$0x0] =	sbarrier.arrive $0xFFFF  }
0x8b: {  	_ =	strace $0x90000047  }
0x8c: {  	[bflag:$0x2] =	sbarrier.arrive $0xFFFF  }
0x8d: {  	p0 =	sne.s32 s1, $0x0;
	s0 =	rddreg [dreg:$0x3]  }
0x8e: {  	s0 =	sadd.s32 @!p0 $0x100000, s0  }
0x8f: {  	[sflag:s0] =	ssyncadd.tile.s32 @!p0 $0x1;
	_ =	shalt  }
.Lfunc_end2:
_tile_overlayer_lowered:
.L_overlay_start_2:
0x90: {  	(tag) =	ssettag $0x2  }
0x91: {  	s0 =	rddreg [dreg:$0x0];
	s2 =	stileid.u32  }
0x92: {  	s1 =	rddreg [dreg:$0x1];
	p0 =	sne.s32 s2, $0x0  }
0x93: {  	s3 =	rddreg [dreg:$0x2];
	[bflag:$0x3] =	sbarrier.arrive $0xFFFF;
	s2 =	simm.s32 @!p0 $0x1C09  }
0x94: {  	[timem:s3], [sflag:s2] =	dma.local @!p0 [hbm:s0], s1  }
0x95: {  	s0 =	simm.s32 @!p0 $0x9  }
0x96: {  	_ =	swait.ge @!p0 [sflag:s0], s1  }
0x97: {  	s1 =	ssub.s32 @!p0 $0x0, s1;
	[sflag:s0] =	ssyncset.done @!p0 $0x0  }
0x98: {  	[sflag:s0] =	ssyncadd.s32 @!p0 s1  }
0x99: {  	[bflag:$0x3] =	sbarrier.arrive $0xFFFF  }
0x9a: {  	_ =	shalt  }

// kernel: kernel.13.cloned.1.call-start
scs
__scs_entry_jumppad:
0x0: {  	(pc) =	sbr.rel $0x88, $3  }
0x1: {  	(tag) =	ssettag $0x0;
	lr =	simm.s32 $0x1  }
0x2: {  	[smem:$0x3F9B] =	sst lr;
	_ =	strace $0xD0000000  }
0x3: {  	_ = 	snop  }
0x4: {  	_ = 	snop  }
0x5: {  	_ = 	snop  }
0x6: {  	_ = 	snop  }
0x7: {  	_ = 	snop  }
__scs_overlays_trampoline_lowered:
0x8: {  	[smem:$0x3FAA] =	sst s0  }
0x9: {  	[smem:$0x3FAB] =	sst s1  }
0xa: {  	[smem:$0x3FAC] =	sst s2  }
0xb: {  	[smem:$0x3FAD] =	sst s3  }
0xc: {  	[smem:$0x3FAE] =	sst s4  }
0xd: {  	[smem:$0x3FAF] =	sst s5  }
0xe: {  	[smem:$0x3FB0] =	sst s6  }
0xf: {  	[smem:$0x3FB1] =	sst s7  }
0x10: {  	[smem:$0x3FB2] =	sst s8  }
0x11: {  	[smem:$0x3FB3] =	sst s9;
	s0 =	simm.s32 @!p0 $0x0  }
0x12: {  	s1 =	sld [smem:$0x3F99];
	s0 =	simm.s32 @p0 $0x1  }
0x13: {  	[smem:$0x3FB4] =	sst s0;
	s0 =	simm.s32 @!p1 $0x0  }
0x14: {  	s2 =	sld [smem:$0x3F98];
	s0 =	simm.s32 @p1 $0x1  }
0x15: {  	[smem:$0x3FB5] =	sst s0;
	s0 =	simm.s32 @!p2 $0x0  }
0x16: {  	s3 =	sld [smem:$0x3FDB];
	s0 =	simm.s32 @p2 $0x1  }
0x17: {  	s4 =	simm.s32 $0x1BF5;
	[smem:$0x3FB7] =	sst s0  }
0x18: {  	s0 =	sld [smem:$0x3F9A];
	_ =	swait.ge [sflag:s4], $0x0  }
0x19: {  	s7 =	sld [smem:$0x3F9B]  }
0x1a: {  	s8 =	sadd.s32 $0xFFFFE003, lr  }
0x1b: {  	s9 =	sadd.s32 $0xFFFFFEF7, lr;
	s5 =	simm.s32 $0xFFFFFFFF;
	p2 =	slt.u32 s8, $0xFFFFF086  }
0x1c: {  	p1 =	slt.u32 s9, $0xF7A;
	s5 =	simm.s32 @!p2 $0x0  }
0x1d: {  	s5 =	simm.s32 @p1 $0x1;
	p0 =	seq.s32 s7, s2  }
0x1e: {  	s7 =	smul.u32 @!p0 $0xF7A, s2;
	p2 =	seq.s32 @!p0 s5, $0x0  }
0x1f: {  	s9 =	smul.u32 $0xF7A, s1;
	s8 =	simm.s32 @!p0 $0x1BF5;
	p2 =	por !p2, p0  }
0x20: {  	[sflag:s8] =	ssyncset.s32 @!p0 $0xFFFFF086;
	s6 =	sadd.s32 @!p0 s3, s7;
	s7 =	simm.s32 @!p0 $0x108  }
0x21: {  	s3 =	sadd.s32 s3, s9;
	s6 =	sadd.s32 @!p0 $0x88, s6;
	s7 =	simm.s32 @p2 $0x1082  }
0x22: {  	[simem:s7], [sflag:s8] =	dma.local @!p0 [hbm:s6], $0xF7A  }
0x23: {  	s9 =	sor.u32 $0xD0000000, s2;
	s6 =	simm.s32 $0x108;
	_ =	swait.ge @!p0 [sflag:s8], $0x0  }
0x24: {  	s3 =	sadd.s32 $0x88, s3;
	s6 =	simm.s32 @!p1 $0x1082;
	[sflag:s4] =	ssyncset.s32 $0xFFFFF086  }
0x25: {  	[simem:s6], [sflag:s4] =	dma.local [hbm:s3], $0xF7A  }
0x26: {  	[smem:$0x3F9B] =	sst s1;
	(tag) =	ssettag s2;
	_ =	strace s9  }
0x27: {  	s1 =	sld [smem:$0x3FAB]  }
0x28: {  	s2 =	sld [smem:$0x3FAC]  }
0x29: {  	s4 =	sld [smem:$0x3FAE]  }
0x2a: {  	p0 =	seq.s32 s5, $0x0;
	s5 =	sld [smem:$0x3FAF]  }
0x2b: {  	s6 =	sld [smem:$0x3FB0]  }
0x2c: {  	s7 =	sld [smem:$0x3FB1]  }
0x2d: {  	s3 =	simm.s32 $0x108;
	s8 =	sld [smem:$0x3FB2]  }
0x2e: {  	s3 =	simm.s32 @!p0 $0x1082;
	s9 =	sld [smem:$0x3FB3]  }
0x2f: {  	lr =	sadd.s32 s0, s3;
	s0 =	sld [smem:$0x3FAA]  }
0x30: {  	s3 =	sld [smem:$0x3FAD]  }
0x31: {  	[smem:$0x3FB6] =	sst s10  }
0x32: {  	s10 =	sld [smem:$0x3FB4];
	_ =	sdelay $0x3  }
0x33: {  	p0 =	seq.s32 s10, $0x1;
	s10 =	sld [smem:$0x3FB6];
	_ =	sdelay $0x3  }
0x34: {  	[smem:$0x3FB6] =	sst s10  }
0x35: {  	s10 =	sld [smem:$0x3FB5];
	_ =	sdelay $0x3  }
0x36: {  	p1 =	seq.s32 s10, $0x1;
	s10 =	sld [smem:$0x3FB6];
	_ =	sdelay $0x3  }
0x37: {  	[smem:$0x3FB6] =	sst s10  }
0x38: {  	s10 =	sld [smem:$0x3FB7]  }
0x39: {  	_ = 	snop;
	(pc) =	sbr.ind lr, $3  }
0x3a: {  	_ = 	snop  }
0x3b: {  	_ = 	snop  }
0x3c: {  	p2 =	seq.s32 s10, $0x1;
	s10 =	sld [smem:$0x3FB6]  }
0x3d: {  	_ =	shalt  }
0x3e: {  	_ =	shalt  }
0x3f: {  	_ =	shalt  }
0x40: {  	_ =	shalt  }
0x41: {  	_ =	shalt  }
0x42: {  	_ =	shalt  }
0x43: {  	_ =	shalt  }
0x44: {  	_ =	shalt  }
0x45: {  	_ =	shalt  }
0x46: {  	_ =	shalt  }
0x47: {  	_ =	shalt  }
0x48: {  	_ =	shalt  }
0x49: {  	_ =	shalt  }
0x4a: {  	_ =	shalt  }
0x4b: {  	_ =	shalt  }
0x4c: {  	_ =	shalt  }
0x4d: {  	_ =	shalt  }
0x4e: {  	_ =	shalt  }
0x4f: {  	_ =	shalt  }
0x50: {  	_ =	shalt  }
0x51: {  	_ =	shalt  }
0x52: {  	_ =	shalt  }
0x53: {  	_ =	shalt  }
0x54: {  	_ =	shalt  }
0x55: {  	_ =	shalt  }
0x56: {  	_ =	shalt  }
0x57: {  	_ =	shalt  }
0x58: {  	_ =	shalt  }
0x59: {  	_ =	shalt  }
0x5a: {  	_ =	shalt  }
0x5b: {  	_ =	shalt  }
0x5c: {  	_ =	shalt  }
0x5d: {  	_ =	shalt  }
0x5e: {  	_ =	shalt  }
0x5f: {  	_ =	shalt  }
0x60: {  	_ =	shalt  }
0x61: {  	_ =	shalt  }
0x62: {  	_ =	shalt  }
0x63: {  	_ =	shalt  }
0x64: {  	_ =	shalt  }
0x65: {  	_ =	shalt  }
0x66: {  	_ =	shalt  }
0x67: {  	_ =	shalt  }
0x68: {  	_ =	shalt  }
0x69: {  	_ =	shalt  }
0x6a: {  	_ =	shalt  }
0x6b: {  	_ =	shalt  }
0x6c: {  	_ =	shalt  }
0x6d: {  	_ =	shalt  }
0x6e: {  	_ =	shalt  }
0x6f: {  	_ =	shalt  }
0x70: {  	_ =	shalt  }
0x71: {  	_ =	shalt  }
0x72: {  	_ =	shalt  }
0x73: {  	_ =	shalt  }
0x74: {  	_ =	shalt  }
0x75: {  	_ =	shalt  }
0x76: {  	_ =	shalt  }
0x77: {  	_ =	shalt  }
0x78: {  	_ =	shalt  }
0x79: {  	_ =	shalt  }
0x7a: {  	_ =	shalt  }
0x7b: {  	_ =	shalt  }
0x7c: {  	_ =	shalt  }
0x7d: {  	_ =	shalt  }
0x7e: {  	_ =	shalt  }
0x7f: {  	_ =	shalt  }
0x80: {  	_ =	shalt  }
0x81: {  	_ =	shalt  }
0x82: {  	_ =	shalt  }
0x83: {  	_ =	shalt  }
0x84: {  	_ =	shalt  }
0x85: {  	_ =	shalt  }
0x86: {  	_ =	shalt  }
0x87: {  	_ =	shalt  }
.Lfunc_end0:
.L_simem_size_0:
called_computation.1_lowered:
.L_overlay_start_0:
0x88: {  	s2 =	sld [smem:$0x3FD9]  }
0x89: {  	s3 =	sld [smem:$0x3FFE];
	_ =	sdelay $0x1  }
0x8a: {  	s1 =	srdreg.scid  }
0x8b: {  	s0 =	sand.u32 $0x1, s1  }
0x8c: {  	s17 =	sshll.u32 s0, $0xA;
	s2 =	sadd.s32 s3, s2  }
0x8d: {  	s2 =	sadd.s32 s2, s17  }
0x8e: {  	[smem:$0x3FC2] =	sst s2  }
0x8f: {  	_ = 	snop  }
0x90: {  	s2 =	sld [smem:$0x3FD0];
	(tm) =	ssettm $0x1  }
0x91: {  	s18 =	sld [smem:$0x3FFB];
	_ =	sdelay $0x3  }
0x92: {  	_ =	strace s18  }
0x93: {  	s3 =	sld [smem:$0x3FFC];
	_ =	sdelay $0x3  }
0x94: {  	_ =	strace s3  }
0x95: {  	s3 =	sld [smem:$0x3FFD];
	_ =	sdelay $0x3  }
0x96: {  	_ =	strace s3  }
0x97: {  	_ =	strace $0x8FFFFFFF  }
0x98: {  	s19 =	sld [smem:$0x3FDB];
	_ =	sdelay $0x1  }
0x99: {  	s4 =	simm.s32 $_scs_section_size  }
0x9a: {  	s5 =	simm.s32 $_size__tile_overlayer_lowered;
	s6 =	simm.s32 $_tile_overlayer_lowered  }
0x9b: {  	s22 =	simm.s32 $0x1BFF;
	s21 =	sshll.u32 s6, $0x1;
	s3 =	sadd.s32 s4, s19  }
0x9c: {  	s7 =	simm.s32 $0x0;
	s20 =	sshll.u32 s5, $0x1;
	s5 =	sadd.s32 s21, s3  }
0x9d: {  	[timem:s7], [sflag:s22] =	dma.local [hbm:s5], s20  }
0x9e: {  	_ =	swait.ge [sflag:s22], s20  }
0x9f: {  	s4 =	ssub.s32 $0x0, s20;
	[sflag:s22] =	ssyncset.done $0x0  }
0xa0: {  	[sflag:s22] =	ssyncadd.s32 s4;
	_ =	sdelay $0x1  }
0xa1: {  	s23 =	simm.s32 $0x1B8B  }
0xa2: {  	_ =	swait.ge [sflag:s23], $0x1  }
0xa3: {  	[sflag:s23] =	ssyncset.done $0x0  }
0xa4: {  	s25 =	simm.s32 $0x1B8E;
	s24 =	sld [smem:$0x3FFE];
	[sflag:s23] =	ssyncadd.s32 $0xFFFFFFFF  }
0xa5: {  	s26 =	simm.s32 $execute0_lowered;
	[smem:$0x3FD2] =	sst s25  }
0xa6: {  	s5 =	sshll.u32 s26, $0x1;
	_ =	strace $0x80000049;
	[dreg:$0x1] =	wrdreg $0xFFFFFFFF  }
0xa7: {  	s28 =	simm.s32 $_size_execute0_lowered;
	s3 =	sadd.s32 s3, s5;
	[dreg:$0x0] =	wrdreg $0x0  }
0xa8: {  	s5 =	sshll.u32 s28, $0x1;
	[dreg:$0x2] =	wrdreg s3  }
0xa9: {  	[dreg:$0x3] =	wrdreg s5  }
0xaa: {  	[dreg:$0x4] =	wrdreg $0xC0  }
0xab: {  	_ =	task [dreg:s7], $0x5FFFF  }
0xac: {  	[dreg:$0x1] =	wrdreg $0xFFFFFFFF  }
0xad: {  	[dreg:$0x0] =	wrdreg $0x60  }
0xae: {  	[dreg:$0x2] =	wrdreg s24  }
0xaf: {  	[dreg:$0x3] =	wrdreg s2  }
0xb0: {  	[dreg:$0x4] =	wrdreg $0x24000  }
0xb1: {  	[dreg:$0x5] =	wrdreg $0x4C000  }
0xb2: {  	[dreg:$0x6] =	wrdreg $0x9  }
0xb3: {  	_ =	task.clear_ibuf [dreg:s7], $0x7FFFF;
	_ =	strace $0x90000049  }
0xb4: {  	s29 =	simm.s32 $0x9;
	_ =	strace $0x8000004B  }
0xb5: {  	_ =	swait.ge [sflag:s29], $0x1  }
0xb6: {  	[sflag:s29] =	ssyncadd.s32 $0xFFFFFFFF  }
0xb7: {  	_ =	strace $0x9000004B  }
0xb8: {  	_ =	sfence  }
0xb9: {  	s30 =	sld [smem:$0x0];
	_ =	sdelay $0x2  }
0xba: {  	s31 =	sshll.u32 s1, $0xD;
	s1 =	sshrl.u32 s1, $0x2  }
0xbb: {  	s3 =	sand.u32 $0x4000, s31;
	s1 =	sadd.s32 s1, s30  }
0xbc: {  	s0 =	sor.u32 s3, s0;
	s1 =	sshll.u32 s1, $0x11  }
0xbd: {  	s0 =	sor.u32 s1, s0  }
0xbe: {  	s0 =	sadd.s32 $0x8F2B, s0  }
0xbf: {  	[sflag:s0] =	ssyncadd.remote.s32 $0x1  }
0xc0: {  	_ =	sfence.sel $0xFFFF  }
0xc1: {  	[dreg:$0x0] =	wrdreg $0xFFFFFFFF;
	(pc) =	sbr.abs _section_cstart, $3  }
0xc2: {  	[dreg:$0x1] =	wrdreg $0xFFFFFFFF  }
0xc3: {  	_ =	task.clear_ibuf [dreg:s7], $0x2FFFF;
	_ =	strace $0x9FFFFFFF  }
0xc4: {  	(tm) =	ssettm $0x7FFFFFFF  }
0xc5: {  	_ =	shalt  }
tec
execute0_lowered:
.L_overlay_start_1:
0x0: {  	(tag) =	ssettag $0x1  }
0x1: {  	s0 =	rddreg [dreg:$0x0]  }
0x2: {  	s3 =	rddreg [dreg:$0x2]  }
0x3: {  	s4 =	rddreg [dreg:$0x3];
	s14 =	stileid.u32;
	s5 =	simm.s32 $0x0  }
0x4: {  	s2 =	srdreg.scid;
	s28 =	simm.s32 $0xC00;
	s29 =	simm.s32 $0x5  }
0x5: {  	s30 =	simm.s32 $0x9;
	s31 =	simm.s32 $0x6;
	s1 =	smul.u32 $0x2700, s14  }
0x6: {  	[smem:$0x7FF] =	sst s5;
	s2 =	sand.u32 $0x1, s2;
	s6 =	smul.u32 $0x500, s14  }
0x7: {  	s9 =	sadd.s32 $0x2C00, s0;
	s11 =	smul.u32 $0xA000, s14;
	s17 =	sshll.u32 s14, $0x1  }
0x8: {  	s19 =	sshll.u32 s14, $0x6;
	s24 =	sshll.u32 s14, $0x5;
	p0 =	seq.s32 s14, $0xF  }
0x9: {  	p1 =	sgt.u32 s14, $0x1;
	_ =	strace $0x8000004A;
	s8 =	smul.u32 $0x5000, s2  }
0xa: {  	s10 =	ssub.s32 $0x2, s2;
	s13 =	sor.u32 s2, s17;
	s2 =	sshll.u32 s2, $0x4  }
0xb: {  	s7 =	sshrl.u32 s1, $0x3;
	s16 =	sshrl.u32 s10, $0x1;
	s18 =	sshrl.u32 s11, $0x2  }
0xc: {  	s20 =	sshll.u32 s13, $0x4;
	s1 =	sadd.s32 s1, s4;
	s7 =	sadd.s32 s7, s0  }
0xd: {  	s6 =	sadd.s32 s6, s8;
	s10 =	ssub.s32 s10, s16;
	s11 =	sadd.s32 s18, s3  }
0xe: {  	s8 =	sadd.s32 s9, s20;
	s16 =	sor.u32 $0x60, s13;
	s18 =	simm.s32 $0xD  }
0xf: {  	s12 =	sadd.s32 s6, s0;
	s7 =	sadd.s32 $0x16600, s7;
	[dreg:$0x6] =	wrdreg s8  }
0x10: {  	s6 =	sor.u32 $0x1C0D, s19;
	s0 =	sadd.s32 $0x1AF20, s0;
	[dreg:$0x5] =	wrdreg s7  }
0x11: {  	s21 =	sadd.s32 $0x9C40, s8;
	s22 =	sadd.s32 $0x200, s8;
	[dreg:$0x7] =	wrdreg s0  }
0x12: {  	s23 =	sadd.s32 $0x9E40, s8;
	s26 =	smax.u32 s10, $0x1;
	[dreg:$0x8] =	wrdreg s21  }
0x13: {  	s17 =	sshrl.u32 s11, $0x3;
	s7 =	sadd.s32 $0x24900, s4;
	[dreg:$0x9] =	wrdreg s22  }
0x14: {  	[dreg:$0xa] =	wrdreg s23;
	s25 =	sadd.s32 $0x1B600, s12;
	s0 =	sadd.s32 s24, s9  }
0x15: {  	[dreg:$0xc] =	wrdreg s26;
	s21 =	simm.s32 $0x200;
	s22 =	simm.s32 $0x80  }
0x16: {  	s23 =	simm.s32 $0x280;
	s24 =	simm.s32 $0x1;
	s26 =	simm.s32 $0x2  }
0x17: {  	[dreg:$0xb] =	wrdreg s25;
	s15 =	sadd.s32 s2, s0;
	s0 =	sshrl.u32 @p0 s7, $0x3  }
0x18: {  	s25 =	simm.s32 $0x400;
	[dreg:$0xd] =	wrdreg s0;
	s0 =	sshrl.u32 @!p0 s1, $0x3  }
0x19: {  	s1 =	simm.s32 $0x0;
	[dreg:$0xe] =	wrdreg s0;
	s0 =	simm.s32 $0xA  }
.LBB2_1:
0x1a: {  	s2 =	rddreg [dreg:$0x1]  }
0x1b: {  	[spmem:s17], [sflag:s6] =	dma.local [hbm:s2], $0x500  }
0x1c: {  	_ =	swait.ge [sflag:s18], $0x500  }
0x1d: {  	[sflag:s18] =	ssyncset.done $0x0;
	s2 =	rddreg [dreg:$0x7]  }
0x1e: {  	s7 =	rddreg [dreg:$0xd];
	[sflag:s18] =	ssyncadd.s32 $0xFFFFFB00  }
0x1f: {  	[spmem:s7], [sflag:s6] =	dma.local @p0 [hbm:s2], $0x500  }
0x20: {  	s2 =	simm.s32 @p0 $0xD  }
0x21: {  	_ =	swait.ge @p0 [sflag:s2], $0x500  }
0x22: {  	[sflag:s2] =	ssyncset.done @p0 $0x0;
	s7 =	rddreg [dreg:$0xe]  }
0x23: {  	[sflag:s2] =	ssyncadd.s32 @p0 $0xFFFFFB00;
	s2 =	rddreg [dreg:$0x5]  }
0x24: {  	[spmem:s7], [sflag:s6] =	dma.local @!p0 [hbm:s2], $0x4E0  }
0x25: {  	s2 =	simm.s32 @!p0 $0xD  }
0x26: {  	_ =	swait.ge @!p0 [sflag:s2], $0x4E0  }
0x27: {  	[sflag:s2] =	ssyncset.done @!p0 $0x0  }
0x28: {  	[sflag:s2] =	ssyncadd.s32 @!p0 $0xFFFFFB20  }
0x29: {  	[bflag:$0x0] =	sbarrier.arrive $0xFFFF  }
0x2a: {  	s10 =	rddreg [dreg:$0x6]  }
0x2b: {  	[tilespmem:s5], [sflag:$0x1] =	stream.linear.gather [hbm4b:s10+s5], $0x80, $0x38;
	[tilespmem:$0x7310] =	vst v63  }
0x2c: {  	s11 =	rddreg [dreg:$0x8]  }
0x2d: {  	[tilespmem:s21], [sflag:$0x1] =	stream.linear.gather [hbm4b:s11+s5], $0x80, $0x38;
	[tilespmem:$0x7310] =	vst v63  }
0x2e: {  	p4 =	por $0x1, $0x1;
	s12 =	rddreg [dreg:$0x9]  }
0x2f: {  	[tilespmem:s22], [sflag:$0x2] =	stream.linear.gather [hbm4b:s12+s5], $0x80, $0x38;
	[tilespmem:$0x7310] =	vst v63  }
0x30: {  	s14 =	sadd.s32 $0xFFFFFFE0, s16;
	s2 =	simm.s32 @!p4 $0xB;
	s13 =	rddreg [dreg:$0xa]  }
0x31: {  	[tilespmem:s23], [sflag:$0x2] =	stream.linear.gather [hbm4b:s13+s5], $0x80, $0x38;
	[tilespmem:$0x7310] =	vst v63  }
0x32: {  	p2 =	sgt.u32 s14, $0x9C3;
	_ =	swait.ge @!p4 [sflag:s2], $0x800  }
0x33: {  	s9 =	sadd.s32 @!p2 $0x0, s15;
	s7 =	simm.s32 @!p2 $0x100;
	[sflag:s2] =	ssyncset.done @!p4 $0x0  }
0x34: {  	s10 =	simm.s32 @!p2 $0x0;
	[sflag:s2] =	ssyncadd.s32 @!p4 $0xFFFFF800;
	s2 =	sadd.s32 @!p2 $0x400, s9  }
0x35: {  	[tilespmem:s7], [sflag:$0x3] =	stream.linear.gather @!p2 [hbm4b:s2+s10], $0x80, $0x38;
	[tilespmem:$0x7310] =	vst v63  }
0x36: {  	s9 =	sadd.s32 @!p2 $0xA040, s9;
	s2 =	simm.s32 @!p2 $0x300  }
0x37: {  	[tilespmem:s2], [sflag:$0x3] =	stream.linear.gather @!p2 [hbm4b:s9+s10], $0x80, $0x38;
	[tilespmem:$0x7310] =	vst v63  }
0x38: {  	_ =	swait.ge [sflag:s24], $0x80  }
0x39: {  	[sflag:s24] =	ssyncset.done $0x0  }
0x3a: {  	[sflag:s24] =	ssyncadd.s32 $0xFFFFFF80  }
0x3b: {  	_ =	swait.ge [sflag:s24], $0x80  }
0x3c: {  	[sflag:s24] =	ssyncset.done $0x0  }
0x3d: {  	s9 =	simm.s32 @!p4 $0x8;
	[sflag:s24] =	ssyncadd.s32 $0xFFFFFF80  }
0x3e: {  	[tilespmem:s25], [sflag:$0x5] =	stream.indirect.gather [spmem:s4], $0x10, s5, s22, $0xb8;
	[tilespmem:$0x7310] =	vst v63  }
0x3f: {  	_ =	swait.ge @!p4 [sflag:s9], $0x800  }
0x40: {  	s11 =	simm.s32 @!p4 $0xC;
	s12 =	simm.s32 @!p4 $0x380;
	[sflag:s9] =	ssyncset.done @!p4 $0x0  }
0x41: {  	s10 =	simm.s32 @!p4 $0x1C00;
	[sflag:s9] =	ssyncadd.s32 @!p4 $0xFFFFF800;
	s9 =	simm.s32 @!p4 $0x80  }
0x42: {  	[spmem:s3] =	stream.indirect.scatter.add.f32 @!p4 [tilespmem:s10], [sflag:$0xC], $0x10, s12, s9, $0xb8;
	[tilespmem:$0x7310] =	vst v63  }
0x43: {  	p3 =	sgt.u32 s16, $0x9C3;
	_ =	swait.ge @!p4 [sflag:s11], $0x800  }
0x44: {  	s10 =	sadd.s32 @!p3 $0x0, s15;
	s12 =	simm.s32 @!p3 $0x0;
	[sflag:s11] =	ssyncset.done @!p4 $0x0  }
0x45: {  	s9 =	simm.s32 @!p3 $0x180;
	[sflag:s11] =	ssyncadd.s32 @!p4 $0xFFFFF800;
	s11 =	sadd.s32 @!p3 $0x600, s10  }
0x46: {  	[tilespmem:s9], [sflag:$0x4] =	stream.linear.gather @!p3 [hbm4b:s11+s12], $0x80, $0x38;
	[tilespmem:$0x7310] =	vst v63  }
0x47: {  	s10 =	sadd.s32 @!p3 $0xA240, s10;
	s11 =	simm.s32 @!p3 $0x380  }
0x48: {  	[tilespmem:s11], [sflag:$0x4] =	stream.linear.gather @!p3 [hbm4b:s10+s12], $0x80, $0x38;
	[tilespmem:$0x7310] =	vst v63  }
0x49: {  	_ =	swait.ge [sflag:s26], $0x80  }
0x4a: {  	[sflag:s26] =	ssyncset.done $0x0  }
0x4b: {  	[sflag:s26] =	ssyncadd.s32 $0xFFFFFF80  }
0x4c: {  	_ =	swait.ge [sflag:s26], $0x80  }
0x4d: {  	[sflag:s26] =	ssyncset.done $0x0  }
0x4e: {  	[sflag:s26] =	ssyncadd.s32 $0xFFFFFF80  }
0x4f: {  	[tilespmem:s28], [sflag:$0x6] =	stream.indirect.gather [spmem:s4], $0x10, s22, s22, $0xb8;
	[tilespmem:$0x7310] =	vst v63  }
0x50: {  	_ =	swait.ge [sflag:s29], $0x800  }
0x51: {  	[sflag:s29] =	ssyncset.done $0x0  }
0x52: {  	s19 =	sadd.s32 $0x20, s16;
	[sflag:s29] =	ssyncadd.s32 $0xFFFFF800  }
0x53: {  	[spmem:s3] =	stream.indirect.scatter.add.f32 [tilespmem:s25], [sflag:$0x9], $0x10, s21, s22, $0xb8;
	[tilespmem:$0x7310] =	vst v63  }
0x54: {  	p4 =	sgt.u32 s19, $0x9C3;
	_ =	swait.ge [sflag:s30], $0x800  }
0x55: {  	s10 =	sadd.s32 @!p4 $0x0, s15;
	[sflag:s30] =	ssyncset.done $0x0  }
0x56: {  	s12 =	simm.s32 @!p4 $0x0;
	s11 =	sadd.s32 @!p4 $0x800, s10;
	[sflag:s30] =	ssyncadd.s32 $0xFFFFF800  }
0x57: {  	[tilespmem:s12], [sflag:$0x1] =	stream.linear.gather @!p4 [hbm4b:s11+s12], $0x80, $0x38;
	[tilespmem:$0x7310] =	vst v63  }
0x58: {  	s13 =	simm.s32 @!p2 $0x3;
	s10 =	sadd.s32 @!p4 $0xA440, s10;
	s11 =	simm.s32 @!p4 $0x200  }
0x59: {  	[tilespmem:s11], [sflag:$0x1] =	stream.linear.gather @!p4 [hbm4b:s10+s12], $0x80, $0x38;
	[tilespmem:$0x7310] =	vst v63  }
0x5a: {  	_ =	swait.ge @!p2 [sflag:s13], $0x80  }
0x5b: {  	[sflag:s13] =	ssyncset.done @!p2 $0x0  }
0x5c: {  	[sflag:s13] =	ssyncadd.s32 @!p2 $0xFFFFFF80  }
0x5d: {  	_ =	swait.ge @!p2 [sflag:s13], $0x80  }
0x5e: {  	[sflag:s13] =	ssyncset.done @!p2 $0x0  }
0x5f: {  	s14 =	simm.s32 @!p2 $0x80;
	s19 =	simm.s32 @!p2 $0x1400;
	[sflag:s13] =	ssyncadd.s32 @!p2 $0xFFFFFF80  }
0x60: {  	[tilespmem:s19], [sflag:$0x7] =	stream.indirect.gather @!p2 [spmem:s4], $0x10, s7, s14, $0xb8;
	[tilespmem:$0x7310] =	vst v63  }
0x61: {  	_ =	swait.ge [sflag:s31], $0x800  }
0x62: {  	[sflag:s31] =	ssyncset.done $0x0  }
0x63: {  	s20 =	sadd.s32 $0x40, s16;
	[sflag:s31] =	ssyncadd.s32 $0xFFFFF800  }
0x64: {  	[spmem:s3] =	stream.indirect.scatter.add.f32 [tilespmem:s28], [sflag:$0xA], $0x10, s23, s22, $0xb8;
	[tilespmem:$0x7310] =	vst v63  }
0x65: {  	p4 =	sgt.u32 s20, $0x9C3;
	_ =	swait.ge [sflag:s0], $0x800  }
0x66: {  	s10 =	simm.s32 @!p4 $0x80;
	s7 =	sadd.s32 @!p4 $0x0, s15;
	[sflag:s0] =	ssyncset.done $0x0  }
0x67: {  	s12 =	simm.s32 @!p4 $0x0;
	s11 =	sadd.s32 @!p4 $0xA00, s7;
	[sflag:s0] =	ssyncadd.s32 $0xFFFFF800  }
0x68: {  	[tilespmem:s10], [sflag:$0x2] =	stream.linear.gather @!p4 [hbm4b:s11+s12], $0x80, $0x38;
	[tilespmem:$0x7310] =	vst v63  }
0x69: {  	s7 =	sadd.s32 @!p4 $0xA640, s7;
	s10 =	simm.s32 @!p4 $0x280  }
0x6a: {  	[tilespmem:s10], [sflag:$0x2] =	stream.linear.gather @!p4 [hbm4b:s7+s12], $0x80, $0x38;
	[tilespmem:$0x7310] =	vst v63  }
0x6b: {  	s7 =	simm.s32 @!p3 $0x4  }
0x6c: {  	_ =	swait.ge @!p3 [sflag:s7], $0x80  }
0x6d: {  	[sflag:s7] =	ssyncset.done @!p3 $0x0  }
0x6e: {  	[sflag:s7] =	ssyncadd.s32 @!p3 $0xFFFFFF80  }
0x6f: {  	_ =	swait.ge @!p3 [sflag:s7], $0x80  }
0x70: {  	s11 =	simm.s32 @!p2 $0x7;
	[sflag:s7] =	ssyncset.done @!p3 $0x0  }
0x71: {  	s10 =	simm.s32 @!p3 $0x1C00;
	[sflag:s7] =	ssyncadd.s32 @!p3 $0xFFFFFF80;
	s7 =	simm.s32 @!p3 $0x80  }
0x72: {  	[tilespmem:s10], [sflag:$0x8] =	stream.indirect.gather @!p3 [spmem:s4], $0x10, s9, s7, $0xb8;
	[tilespmem:$0x7310] =	vst v63  }
0x73: {  	p5 =	por $0x0, $0x0;
	s9 =	simm.s32 $0x800;
	_ =	swait.ge @!p2 [sflag:s11], $0x800  }
0x74: {  	s10 =	simm.s32 $0x1000;
	s7 =	sadd.s32 $0x80, s16;
	[sflag:s11] =	ssyncset.done @!p2 $0x0  }
.LBB2_2:
0x75: {  	s13 =	simm.s32 @!p5 $0xB  }
0x76: {  	s12 =	sadd.s32 $0xFFFFFFE0, s7;
	[sflag:s11] =	ssyncadd.s32 @!p2 $0xFFFFF800;
	s11 =	smov.u32 s10  }
0x77: {  	[spmem:s3] =	stream.indirect.scatter.add.f32 @!p2 [tilespmem:s19], [sflag:$0xB], $0x10, s2, s14, $0xb8;
	[tilespmem:$0x7310] =	vst v63  }
0x78: {  	s10 =	sadd.s32 $0x800, s10;
	p2 =	sgt.u32 s12, $0x9C3;
	_ =	swait.ge @!p5 [sflag:s13], $0x800  }
0x79: {  	s2 =	sadd.s32 @!p2 s9, s15;
	s12 =	simm.s32 @!p2 $0x100;
	[sflag:s13] =	ssyncset.done @!p5 $0x0  }
0x7a: {  	s14 =	simm.s32 @!p2 $0x0;
	[sflag:s13] =	ssyncadd.s32 @!p5 $0xFFFFF800;
	s13 =	sadd.s32 @!p2 $0x400, s2  }
0x7b: {  	[tilespmem:s12], [sflag:$0x3] =	stream.linear.gather @!p2 [hbm4b:s13+s14], $0x80, $0x38;
	[tilespmem:$0x7310] =	vst v63  }
0x7c: {  	p3 =	sne.s32 s10, $0xA000;
	s13 =	sadd.s32 @!p2 $0xA040, s2;
	s2 =	simm.s32 @!p2 $0x300  }
0x7d: {  	[tilespmem:s2], [sflag:$0x3] =	stream.linear.gather @!p2 [hbm4b:s13+s14], $0x80, $0x38;
	[tilespmem:$0x7310] =	vst v63  }
0x7e: {  	_ =	swait.ge [sflag:s24], $0x80  }
0x7f: {  	[sflag:s24] =	ssyncset.done $0x0  }
0x80: {  	[sflag:s24] =	ssyncadd.s32 $0xFFFFFF80  }
0x81: {  	_ =	swait.ge [sflag:s24], $0x80  }
0x82: {  	[sflag:s24] =	ssyncset.done $0x0  }
0x83: {  	s13 =	simm.s32 @!p5 $0x8;
	[sflag:s24] =	ssyncadd.s32 $0xFFFFFF80  }
0x84: {  	[tilespmem:s25], [sflag:$0x5] =	stream.indirect.gather [spmem:s4], $0x10, s5, s22, $0xb8;
	[tilespmem:$0x7310] =	vst v63  }
0x85: {  	_ =	swait.ge @!p5 [sflag:s13], $0x800  }
0x86: {  	s19 =	simm.s32 @!p5 $0xC;
	s14 =	simm.s32 @!p5 $0x1C00;
	[sflag:s13] =	ssyncset.done @!p5 $0x0  }
0x87: {  	s20 =	simm.s32 @!p5 $0x380;
	[sflag:s13] =	ssyncadd.s32 @!p5 $0xFFFFF800;
	s13 =	simm.s32 @!p5 $0x80  }
0x88: {  	[spmem:s3] =	stream.indirect.scatter.add.f32 @!p5 [tilespmem:s14], [sflag:$0xC], $0x10, s20, s13, $0xb8;
	[tilespmem:$0x7310] =	vst v63  }
0x89: {  	p4 =	sgt.u32 s7, $0x9C3;
	_ =	swait.ge @!p5 [sflag:s19], $0x800  }
0x8a: {  	s14 =	sadd.s32 @!p4 s9, s15;
	s20 =	simm.s32 @!p4 $0x0;
	[sflag:s19] =	ssyncset.done @!p5 $0x0  }
0x8b: {  	s13 =	simm.s32 @!p4 $0x180;
	[sflag:s19] =	ssyncadd.s32 @!p5 $0xFFFFF800;
	s19 =	sadd.s32 @!p4 $0x600, s14  }
0x8c: {  	[tilespmem:s13], [sflag:$0x4] =	stream.linear.gather @!p4 [hbm4b:s19+s20], $0x80, $0x38;
	[tilespmem:$0x7310] =	vst v63  }
0x8d: {  	s14 =	sadd.s32 @!p4 $0xA240, s14;
	s19 =	simm.s32 @!p4 $0x380  }
0x8e: {  	[tilespmem:s19], [sflag:$0x4] =	stream.linear.gather @!p4 [hbm4b:s14+s20], $0x80, $0x38;
	[tilespmem:$0x7310] =	vst v63  }
0x8f: {  	_ =	swait.ge [sflag:s26], $0x80  }
0x90: {  	[sflag:s26] =	ssyncset.done $0x0  }
0x91: {  	[sflag:s26] =	ssyncadd.s32 $0xFFFFFF80  }
0x92: {  	_ =	swait.ge [sflag:s26], $0x80  }
0x93: {  	[sflag:s26] =	ssyncset.done $0x0  }
0x94: {  	[sflag:s26] =	ssyncadd.s32 $0xFFFFFF80  }
0x95: {  	[tilespmem:s28], [sflag:$0x6] =	stream.indirect.gather [spmem:s4], $0x10, s22, s22, $0xb8;
	[tilespmem:$0x7310] =	vst v63  }
0x96: {  	_ =	swait.ge [sflag:s29], $0x800  }
0x97: {  	[sflag:s29] =	ssyncset.done $0x0  }
0x98: {  	s14 =	sadd.s32 $0x20, s7;
	[sflag:s29] =	ssyncadd.s32 $0xFFFFF800  }
0x99: {  	[spmem:s3] =	stream.indirect.scatter.add.f32 [tilespmem:s25], [sflag:$0x9], $0x10, s21, s22, $0xb8;
	[tilespmem:$0x7310] =	vst v63  }
0x9a: {  	p5 =	sgt.u32 s14, $0x9C3;
	_ =	swait.ge [sflag:s30], $0x800  }
0x9b: {  	s14 =	sadd.s32 @!p5 s9, s15;
	[sflag:s30] =	ssyncset.done $0x0  }
0x9c: {  	s20 =	simm.s32 @!p5 $0x0;
	s19 =	sadd.s32 @!p5 $0x800, s14;
	[sflag:s30] =	ssyncadd.s32 $0xFFFFF800  }
0x9d: {  	[tilespmem:s20], [sflag:$0x1] =	stream.linear.gather @!p5 [hbm4b:s19+s20], $0x80, $0x38;
	[tilespmem:$0x7310] =	vst v63  }
0x9e: {  	s8 =	simm.s32 @!p2 $0x3;
	s14 =	sadd.s32 @!p5 $0xA440, s14;
	s19 =	simm.s32 @!p5 $0x200  }
0x9f: {  	[tilespmem:s19], [sflag:$0x1] =	stream.linear.gather @!p5 [hbm4b:s14+s20], $0x80, $0x38;
	[tilespmem:$0x7310] =	vst v63  }
0xa0: {  	_ =	swait.ge @!p2 [sflag:s8], $0x80  }
0xa1: {  	[sflag:s8] =	ssyncset.done @!p2 $0x0  }
0xa2: {  	[sflag:s8] =	ssyncadd.s32 @!p2 $0xFFFFFF80  }
0xa3: {  	_ =	swait.ge @!p2 [sflag:s8], $0x80  }
0xa4: {  	[sflag:s8] =	ssyncset.done @!p2 $0x0  }
0xa5: {  	s14 =	simm.s32 @!p2 $0x80;
	s19 =	simm.s32 @!p2 $0x1400;
	[sflag:s8] =	ssyncadd.s32 @!p2 $0xFFFFFF80  }
0xa6: {  	[tilespmem:s19], [sflag:$0x7] =	stream.indirect.gather @!p2 [spmem:s4], $0x10, s12, s14, $0xb8;
	[tilespmem:$0x7310] =	vst v63  }
0xa7: {  	_ =	swait.ge [sflag:s31], $0x800  }
0xa8: {  	[sflag:s31] =	ssyncset.done $0x0  }
0xa9: {  	s8 =	sadd.s32 $0x40, s7;
	[sflag:s31] =	ssyncadd.s32 $0xFFFFF800  }
0xaa: {  	[spmem:s3] =	stream.indirect.scatter.add.f32 [tilespmem:s28], [sflag:$0xA], $0x10, s23, s22, $0xb8;
	[tilespmem:$0x7310] =	vst v63  }
0xab: {  	p5 =	sgt.u32 s8, $0x9C3;
	_ =	swait.ge [sflag:s0], $0x800  }
0xac: {  	s8 =	sadd.s32 @!p5 s9, s15;
	s9 =	simm.s32 @!p5 $0x80;
	[sflag:s0] =	ssyncset.done $0x0  }
0xad: {  	s20 =	simm.s32 @!p5 $0x0;
	s12 =	sadd.s32 @!p5 $0xA00, s8;
	[sflag:s0] =	ssyncadd.s32 $0xFFFFF800  }
0xae: {  	[tilespmem:s9], [sflag:$0x2] =	stream.linear.gather @!p5 [hbm4b:s12+s20], $0x80, $0x38;
	[tilespmem:$0x7310] =	vst v63  }
0xaf: {  	s8 =	sadd.s32 @!p5 $0xA640, s8;
	s9 =	simm.s32 @!p5 $0x280;
	s12 =	simm.s32 @!p4 $0x4  }
0xb0: {  	[tilespmem:s9], [sflag:$0x2] =	stream.linear.gather @!p5 [hbm4b:s8+s20], $0x80, $0x38;
	[tilespmem:$0x7310] =	vst v63  }
0xb1: {  	s9 =	smov.u32 s11;
	_ =	swait.ge @!p4 [sflag:s12], $0x80  }
0xb2: {  	[sflag:s12] =	ssyncset.done @!p4 $0x0  }
0xb3: {  	[sflag:s12] =	ssyncadd.s32 @!p4 $0xFFFFFF80  }
0xb4: {  	_ =	swait.ge @!p4 [sflag:s12], $0x80  }
.Ltmp0:
0xb5: {  	s11 =	simm.s32 @!p2 $0x7;
	[sflag:s12] =	ssyncset.done @!p4 $0x0;
	(pc) =	sbr.rel @p3 .LBB2_2-.Ltmp0, $4  }
0xb6: {  	s8 =	simm.s32 @!p4 $0x80;
	[sflag:s12] =	ssyncadd.s32 @!p4 $0xFFFFFF80;
	s12 =	simm.s32 @!p4 $0x1C00  }
0xb7: {  	[tilespmem:s12], [sflag:$0x8] =	stream.indirect.gather @!p4 [spmem:s4], $0x10, s13, s8, $0xb8;
	[tilespmem:$0x7310] =	vst v63  }
0xb8: {  	_ =	swait.ge @!p2 [sflag:s11], $0x800  }
0xb9: {  	s7 =	sadd.s32 $0x80, s7;
	p5 =	seq.s32 s9, $0x0;
	[sflag:s11] =	ssyncset.done @!p2 $0x0  }
0xba: {  	s8 =	simm.s32 @!p5 $0xB;
	s10 =	sadd.s32 $0xFFFFFFE0, s7;
	[sflag:s11] =	ssyncadd.s32 @!p2 $0xFFFFF800  }
0xbb: {  	[spmem:s3] =	stream.indirect.scatter.add.f32 @!p2 [tilespmem:s19], [sflag:$0xB], $0x10, s2, s14, $0xb8;
	[tilespmem:$0x7310] =	vst v63  }
0xbc: {  	p2 =	sgt.u32 s10, $0x9C3;
	_ =	swait.ge @!p5 [sflag:s8], $0x800  }
0xbd: {  	s2 =	sadd.s32 @!p2 s9, s15;
	s10 =	simm.s32 @!p2 $0x100;
	[sflag:s8] =	ssyncset.done @!p5 $0x0  }
0xbe: {  	s11 =	simm.s32 @!p2 $0x0;
	[sflag:s8] =	ssyncadd.s32 @!p5 $0xFFFFF800;
	s8 =	sadd.s32 @!p2 $0x400, s2  }
0xbf: {  	[tilespmem:s10], [sflag:$0x3] =	stream.linear.gather @!p2 [hbm4b:s8+s11], $0x80, $0x38;
	[tilespmem:$0x7310] =	vst v63  }
0xc0: {  	s8 =	sadd.s32 @!p2 $0xA040, s2;
	s2 =	simm.s32 @!p2 $0x300  }
0xc1: {  	[tilespmem:s2], [sflag:$0x3] =	stream.linear.gather @!p2 [hbm4b:s8+s11], $0x80, $0x38;
	[tilespmem:$0x7310] =	vst v63  }
0xc2: {  	_ =	swait.ge [sflag:s24], $0x80  }
0xc3: {  	[sflag:s24] =	ssyncset.done $0x0  }
0xc4: {  	[sflag:s24] =	ssyncadd.s32 $0xFFFFFF80  }
0xc5: {  	_ =	swait.ge [sflag:s24], $0x80  }
0xc6: {  	[sflag:s24] =	ssyncset.done $0x0  }
0xc7: {  	s8 =	simm.s32 @!p5 $0x8;
	[sflag:s24] =	ssyncadd.s32 $0xFFFFFF80  }
0xc8: {  	[tilespmem:s25], [sflag:$0x5] =	stream.indirect.gather [spmem:s4], $0x10, s5, s22, $0xb8;
	[tilespmem:$0x7310] =	vst v63  }
0xc9: {  	_ =	swait.ge @!p5 [sflag:s8], $0x800  }
0xca: {  	s12 =	simm.s32 @!p5 $0xC;
	s13 =	simm.s32 @!p5 $0x380;
	[sflag:s8] =	ssyncset.done @!p5 $0x0  }
0xcb: {  	s11 =	simm.s32 @!p5 $0x1C00;
	[sflag:s8] =	ssyncadd.s32 @!p5 $0xFFFFF800;
	s8 =	simm.s32 @!p5 $0x80  }
0xcc: {  	[spmem:s3] =	stream.indirect.scatter.add.f32 @!p5 [tilespmem:s11], [sflag:$0xC], $0x10, s13, s8, $0xb8;
	[tilespmem:$0x7310] =	vst v63  }
0xcd: {  	p3 =	sgt.u32 s7, $0x9C3;
	_ =	swait.ge @!p5 [sflag:s12], $0x800  }
0xce: {  	s8 =	sadd.s32 @!p3 s9, s15;
	s13 =	simm.s32 @!p3 $0x0;
	[sflag:s12] =	ssyncset.done @!p5 $0x0  }
0xcf: {  	s11 =	simm.s32 @!p3 $0x180;
	[sflag:s12] =	ssyncadd.s32 @!p5 $0xFFFFF800;
	s12 =	sadd.s32 @!p3 $0x600, s8  }
0xd0: {  	[tilespmem:s11], [sflag:$0x4] =	stream.linear.gather @!p3 [hbm4b:s12+s13], $0x80, $0x38;
	[tilespmem:$0x7310] =	vst v63  }
0xd1: {  	s8 =	sadd.s32 @!p3 $0xA240, s8;
	s12 =	simm.s32 @!p3 $0x380  }
0xd2: {  	[tilespmem:s12], [sflag:$0x4] =	stream.linear.gather @!p3 [hbm4b:s8+s13], $0x80, $0x38;
	[tilespmem:$0x7310] =	vst v63  }
0xd3: {  	_ =	swait.ge [sflag:s26], $0x80  }
0xd4: {  	[sflag:s26] =	ssyncset.done $0x0  }
0xd5: {  	[sflag:s26] =	ssyncadd.s32 $0xFFFFFF80  }
0xd6: {  	_ =	swait.ge [sflag:s26], $0x80  }
0xd7: {  	[sflag:s26] =	ssyncset.done $0x0  }
0xd8: {  	[sflag:s26] =	ssyncadd.s32 $0xFFFFFF80  }
0xd9: {  	[tilespmem:s28], [sflag:$0x6] =	stream.indirect.gather [spmem:s4], $0x10, s22, s22, $0xb8;
	[tilespmem:$0x7310] =	vst v63  }
0xda: {  	_ =	swait.ge [sflag:s29], $0x800  }
0xdb: {  	[sflag:s29] =	ssyncset.done $0x0  }
0xdc: {  	s13 =	sadd.s32 $0x20, s7;
	[sflag:s29] =	ssyncadd.s32 $0xFFFFF800  }
0xdd: {  	[spmem:s3] =	stream.indirect.scatter.add.f32 [tilespmem:s25], [sflag:$0x9], $0x10, s21, s22, $0xb8;
	[tilespmem:$0x7310] =	vst v63  }
0xde: {  	p4 =	sgt.u32 s13, $0x9C3;
	_ =	swait.ge [sflag:s30], $0x800  }
0xdf: {  	s8 =	sadd.s32 @!p4 s9, s15;
	[sflag:s30] =	ssyncset.done $0x0  }
0xe0: {  	s13 =	simm.s32 @!p4 $0x0;
	s12 =	sadd.s32 @!p4 $0x800, s8;
	[sflag:s30] =	ssyncadd.s32 $0xFFFFF800  }
0xe1: {  	[tilespmem:s13], [sflag:$0x1] =	stream.linear.gather @!p4 [hbm4b:s12+s13], $0x80, $0x38;
	[tilespmem:$0x7310] =	vst v63  }
0xe2: {  	s8 =	sadd.s32 @!p4 $0xA440, s8;
	s12 =	simm.s32 @!p4 $0x200  }
0xe3: {  	[tilespmem:s12], [sflag:$0x1] =	stream.linear.gather @!p4 [hbm4b:s8+s13], $0x80, $0x38;
	[tilespmem:$0x7310] =	vst v63  }
0xe4: {  	s8 =	simm.s32 @!p2 $0x3  }
0xe5: {  	_ =	swait.ge @!p2 [sflag:s8], $0x80  }
0xe6: {  	[sflag:s8] =	ssyncset.done @!p2 $0x0  }
0xe7: {  	[sflag:s8] =	ssyncadd.s32 @!p2 $0xFFFFFF80  }
0xe8: {  	_ =	swait.ge @!p2 [sflag:s8], $0x80  }
0xe9: {  	[sflag:s8] =	ssyncset.done @!p2 $0x0  }
0xea: {  	s12 =	simm.s32 @!p2 $0x1400;
	[sflag:s8] =	ssyncadd.s32 @!p2 $0xFFFFFF80;
	s8 =	simm.s32 @!p2 $0x80  }
0xeb: {  	[tilespmem:s12], [sflag:$0x7] =	stream.indirect.gather @!p2 [spmem:s4], $0x10, s10, s8, $0xb8;
	[tilespmem:$0x7310] =	vst v63  }
0xec: {  	_ =	swait.ge [sflag:s31], $0x800  }
0xed: {  	[sflag:s31] =	ssyncset.done $0x0  }
0xee: {  	s14 =	sadd.s32 $0x40, s7;
	[sflag:s31] =	ssyncadd.s32 $0xFFFFF800  }
0xef: {  	[spmem:s3] =	stream.indirect.scatter.add.f32 [tilespmem:s28], [sflag:$0xA], $0x10, s23, s22, $0xb8;
	[tilespmem:$0x7310] =	vst v63  }
0xf0: {  	p4 =	sgt.u32 s14, $0x9C3;
	_ =	swait.ge [sflag:s0], $0x800  }
0xf1: {  	s7 =	sadd.s32 @!p4 s9, s15;
	s9 =	simm.s32 @!p4 $0x80;
	[sflag:s0] =	ssyncset.done $0x0  }
0xf2: {  	s13 =	simm.s32 @!p4 $0x0;
	s10 =	sadd.s32 @!p4 $0xA00, s7;
	[sflag:s0] =	ssyncadd.s32 $0xFFFFF800  }
0xf3: {  	[tilespmem:s9], [sflag:$0x2] =	stream.linear.gather @!p4 [hbm4b:s10+s13], $0x80, $0x38;
	[tilespmem:$0x7310] =	vst v63  }
0xf4: {  	s7 =	sadd.s32 @!p4 $0xA640, s7;
	s9 =	simm.s32 @!p4 $0x280  }
0xf5: {  	[tilespmem:s9], [sflag:$0x2] =	stream.linear.gather @!p4 [hbm4b:s7+s13], $0x80, $0x38;
	[tilespmem:$0x7310] =	vst v63  }
0xf6: {  	s7 =	simm.s32 @!p3 $0x4  }
0xf7: {  	_ =	swait.ge @!p3 [sflag:s7], $0x80  }
0xf8: {  	[sflag:s7] =	ssyncset.done @!p3 $0x0  }
0xf9: {  	[sflag:s7] =	ssyncadd.s32 @!p3 $0xFFFFFF80  }
0xfa: {  	_ =	swait.ge @!p3 [sflag:s7], $0x80  }
0xfb: {  	[sflag:s7] =	ssyncset.done @!p3 $0x0  }
0xfc: {  	s9 =	simm.s32 @!p3 $0x1C00;
	[sflag:s7] =	ssyncadd.s32 @!p3 $0xFFFFFF80;
	s7 =	simm.s32 @!p3 $0x80  }
0xfd: {  	[tilespmem:s9], [sflag:$0x8] =	stream.indirect.gather @!p3 [spmem:s4], $0x10, s11, s7, $0xb8;
	[tilespmem:$0x7310] =	vst v63  }
0xfe: {  	s7 =	simm.s32 @!p2 $0x7  }
0xff: {  	_ =	swait.ge @!p2 [sflag:s7], $0x800  }
0x100: {  	[sflag:s7] =	ssyncset.done @!p2 $0x0  }
0x101: {  	[sflag:s7] =	ssyncadd.s32 @!p2 $0xFFFFF800  }
0x102: {  	[spmem:s3] =	stream.indirect.scatter.add.f32 @!p2 [tilespmem:s12], [sflag:$0xB], $0x10, s2, s8, $0xb8;
	[tilespmem:$0x7310] =	vst v63  }
0x103: {  	s2 =	simm.s32 @!p1 $0xB  }
0x104: {  	_ =	swait.ge @!p1 [sflag:s2], $0x800  }
0x105: {  	[sflag:s2] =	ssyncset.done @!p1 $0x0  }
0x106: {  	[sflag:s2] =	ssyncadd.s32 @!p1 $0xFFFFF800  }
0x107: {  	[bflag:$0x0] =	sbarrier.arrive $0xFFFF  }
0x108: {  	s19 =	rddreg [dreg:$0xb]  }
0x109: {  	[hbm:s19], [sflag:s6] =	dma.local [spmem:s17], $0x500  }
0x10a: {  	_ =	swait.ge [sflag:s18], $0x500  }
0x10b: {  	s1 =	sadd.s32 $0x1, s1;
	s20 =	rddreg [dreg:$0xc]  }
0x10c: {  	p2 =	sne.s32 s1, s20  }
.Ltmp1:
0x10d: {  	_ = 	snop;
	(pc) =	sbr.rel @p2 .LBB2_1-.Ltmp1, $3  }
0x10e: {  	_ =	sdelay $0x1  }
0x10f: {  	[sflag:s18] =	ssyncset.done $0x0  }
0x110: {  	[sflag:s18] =	ssyncadd.s32 $0xFFFFFB00  }
0x111: {  	_ =	sfence.sel $0x180000  }
0x112: {  	[bflag:$0x0] =	sbarrier.arrive $0xFFFF  }
0x113: {  	_ =	strace $0x9000004A  }
0x114: {  	s0 =	stileid.u32;
	[bflag:$0x2] =	sbarrier.arrive $0xFFFF  }
0x115: {  	p0 =	sne.s32 s0, $0x0;
	s0 =	rddreg [dreg:$0x4]  }
0x116: {  	s0 =	sadd.s32 @!p0 $0x100000, s0  }
0x117: {  	[sflag:s0] =	ssyncadd.tile.s32 @!p0 $0x1;
	_ =	shalt  }
.Lfunc_end2:
_tile_overlayer_lowered:
.L_overlay_start_2:
0x118: {  	(tag) =	ssettag $0x2  }
0x119: {  	s0 =	rddreg [dreg:$0x0];
	s2 =	stileid.u32  }
0x11a: {  	s1 =	rddreg [dreg:$0x1];
	p0 =	sne.s32 s2, $0x0  }
0x11b: {  	s3 =	rddreg [dreg:$0x2];
	[bflag:$0x3] =	sbarrier.arrive $0xFFFF;
	s2 =	simm.s32 @!p0 $0x1C0D  }
0x11c: {  	[timem:s3], [sflag:s2] =	dma.local @!p0 [hbm:s0], s1  }
0x11d: {  	s0 =	simm.s32 @!p0 $0xD  }
0x11e: {  	_ =	swait.ge @!p0 [sflag:s0], s1  }
0x11f: {  	s1 =	ssub.s32 @!p0 $0x0, s1;
	[sflag:s0] =	ssyncset.done @!p0 $0x0  }
0x120: {  	[sflag:s0] =	ssyncadd.s32 @!p0 s1  }
0x121: {  	[bflag:$0x3] =	sbarrier.arrive $0xFFFF  }
0x122: {  	_ =	shalt  }

// kernel: kernel.16.cloned.1.call-start
scs
__scs_entry_jumppad:
0x0: {  	(pc) =	sbr.rel $0x88, $3  }
0x1: {  	(tag) =	ssettag $0x0;
	lr =	simm.s32 $0x1  }
0x2: {  	[smem:$0x3F9B] =	sst lr;
	_ =	strace $0xD0000000  }
0x3: {  	_ = 	snop  }
0x4: {  	_ = 	snop  }
0x5: {  	_ = 	snop  }
0x6: {  	_ = 	snop  }
0x7: {  	_ = 	snop  }
__scs_overlays_trampoline_lowered:
0x8: {  	[smem:$0x3FAA] =	sst s0  }
0x9: {  	[smem:$0x3FAB] =	sst s1  }
0xa: {  	[smem:$0x3FAC] =	sst s2  }
0xb: {  	[smem:$0x3FAD] =	sst s3  }
0xc: {  	[smem:$0x3FAE] =	sst s4  }
0xd: {  	[smem:$0x3FAF] =	sst s5  }
0xe: {  	[smem:$0x3FB0] =	sst s6  }
0xf: {  	[smem:$0x3FB1] =	sst s7  }
0x10: {  	[smem:$0x3FB2] =	sst s8  }
0x11: {  	[smem:$0x3FB3] =	sst s9;
	s0 =	simm.s32 @!p0 $0x0  }
0x12: {  	s1 =	sld [smem:$0x3F99];
	s0 =	simm.s32 @p0 $0x1  }
0x13: {  	[smem:$0x3FB4] =	sst s0;
	s0 =	simm.s32 @!p1 $0x0  }
0x14: {  	s2 =	sld [smem:$0x3F98];
	s0 =	simm.s32 @p1 $0x1  }
0x15: {  	[smem:$0x3FB5] =	sst s0;
	s0 =	simm.s32 @!p2 $0x0  }
0x16: {  	s3 =	sld [smem:$0x3FDB];
	s0 =	simm.s32 @p2 $0x1  }
0x17: {  	s4 =	simm.s32 $0x1BF5;
	[smem:$0x3FB7] =	sst s0  }
0x18: {  	s0 =	sld [smem:$0x3F9A];
	_ =	swait.ge [sflag:s4], $0x0  }
0x19: {  	s7 =	sld [smem:$0x3F9B]  }
0x1a: {  	s8 =	sadd.s32 $0xFFFFE003, lr  }
0x1b: {  	s9 =	sadd.s32 $0xFFFFFEF7, lr;
	s5 =	simm.s32 $0xFFFFFFFF;
	p2 =	slt.u32 s8, $0xFFFFF086  }
0x1c: {  	p1 =	slt.u32 s9, $0xF7A;
	s5 =	simm.s32 @!p2 $0x0  }
0x1d: {  	s5 =	simm.s32 @p1 $0x1;
	p0 =	seq.s32 s7, s2  }
0x1e: {  	s7 =	smul.u32 @!p0 $0xF7A, s2;
	p2 =	seq.s32 @!p0 s5, $0x0  }
0x1f: {  	s9 =	smul.u32 $0xF7A, s1;
	s8 =	simm.s32 @!p0 $0x1BF5;
	p2 =	por !p2, p0  }
0x20: {  	[sflag:s8] =	ssyncset.s32 @!p0 $0xFFFFF086;
	s6 =	sadd.s32 @!p0 s3, s7;
	s7 =	simm.s32 @!p0 $0x108  }
0x21: {  	s3 =	sadd.s32 s3, s9;
	s6 =	sadd.s32 @!p0 $0x88, s6;
	s7 =	simm.s32 @p2 $0x1082  }
0x22: {  	[simem:s7], [sflag:s8] =	dma.local @!p0 [hbm:s6], $0xF7A  }
0x23: {  	s9 =	sor.u32 $0xD0000000, s2;
	s6 =	simm.s32 $0x108;
	_ =	swait.ge @!p0 [sflag:s8], $0x0  }
0x24: {  	s3 =	sadd.s32 $0x88, s3;
	s6 =	simm.s32 @!p1 $0x1082;
	[sflag:s4] =	ssyncset.s32 $0xFFFFF086  }
0x25: {  	[simem:s6], [sflag:s4] =	dma.local [hbm:s3], $0xF7A  }
0x26: {  	[smem:$0x3F9B] =	sst s1;
	(tag) =	ssettag s2;
	_ =	strace s9  }
0x27: {  	s1 =	sld [smem:$0x3FAB]  }
0x28: {  	s2 =	sld [smem:$0x3FAC]  }
0x29: {  	s4 =	sld [smem:$0x3FAE]  }
0x2a: {  	p0 =	seq.s32 s5, $0x0;
	s5 =	sld [smem:$0x3FAF]  }
0x2b: {  	s6 =	sld [smem:$0x3FB0]  }
0x2c: {  	s7 =	sld [smem:$0x3FB1]  }
0x2d: {  	s3 =	simm.s32 $0x108;
	s8 =	sld [smem:$0x3FB2]  }
0x2e: {  	s3 =	simm.s32 @!p0 $0x1082;
	s9 =	sld [smem:$0x3FB3]  }
0x2f: {  	lr =	sadd.s32 s0, s3;
	s0 =	sld [smem:$0x3FAA]  }
0x30: {  	s3 =	sld [smem:$0x3FAD]  }
0x31: {  	[smem:$0x3FB6] =	sst s10  }
0x32: {  	s10 =	sld [smem:$0x3FB4];
	_ =	sdelay $0x3  }
0x33: {  	p0 =	seq.s32 s10, $0x1;
	s10 =	sld [smem:$0x3FB6];
	_ =	sdelay $0x3  }
0x34: {  	[smem:$0x3FB6] =	sst s10  }
0x35: {  	s10 =	sld [smem:$0x3FB5];
	_ =	sdelay $0x3  }
0x36: {  	p1 =	seq.s32 s10, $0x1;
	s10 =	sld [smem:$0x3FB6];
	_ =	sdelay $0x3  }
0x37: {  	[smem:$0x3FB6] =	sst s10  }
0x38: {  	s10 =	sld [smem:$0x3FB7]  }
0x39: {  	_ = 	snop;
	(pc) =	sbr.ind lr, $3  }
0x3a: {  	_ = 	snop  }
0x3b: {  	_ = 	snop  }
0x3c: {  	p2 =	seq.s32 s10, $0x1;
	s10 =	sld [smem:$0x3FB6]  }
0x3d: {  	_ =	shalt  }
0x3e: {  	_ =	shalt  }
0x3f: {  	_ =	shalt  }
0x40: {  	_ =	shalt  }
0x41: {  	_ =	shalt  }
0x42: {  	_ =	shalt  }
0x43: {  	_ =	shalt  }
0x44: {  	_ =	shalt  }
0x45: {  	_ =	shalt  }
0x46: {  	_ =	shalt  }
0x47: {  	_ =	shalt  }
0x48: {  	_ =	shalt  }
0x49: {  	_ =	shalt  }
0x4a: {  	_ =	shalt  }
0x4b: {  	_ =	shalt  }
0x4c: {  	_ =	shalt  }
0x4d: {  	_ =	shalt  }
0x4e: {  	_ =	shalt  }
0x4f: {  	_ =	shalt  }
0x50: {  	_ =	shalt  }
0x51: {  	_ =	shalt  }
0x52: {  	_ =	shalt  }
0x53: {  	_ =	shalt  }
0x54: {  	_ =	shalt  }
0x55: {  	_ =	shalt  }
0x56: {  	_ =	shalt  }
0x57: {  	_ =	shalt  }
0x58: {  	_ =	shalt  }
0x59: {  	_ =	shalt  }
0x5a: {  	_ =	shalt  }
0x5b: {  	_ =	shalt  }
0x5c: {  	_ =	shalt  }
0x5d: {  	_ =	shalt  }
0x5e: {  	_ =	shalt  }
0x5f: {  	_ =	shalt  }
0x60: {  	_ =	shalt  }
0x61: {  	_ =	shalt  }
0x62: {  	_ =	shalt  }
0x63: {  	_ =	shalt  }
0x64: {  	_ =	shalt  }
0x65: {  	_ =	shalt  }
0x66: {  	_ =	shalt  }
0x67: {  	_ =	shalt  }
0x68: {  	_ =	shalt  }
0x69: {  	_ =	shalt  }
0x6a: {  	_ =	shalt  }
0x6b: {  	_ =	shalt  }
0x6c: {  	_ =	shalt  }
0x6d: {  	_ =	shalt  }
0x6e: {  	_ =	shalt  }
0x6f: {  	_ =	shalt  }
0x70: {  	_ =	shalt  }
0x71: {  	_ =	shalt  }
0x72: {  	_ =	shalt  }
0x73: {  	_ =	shalt  }
0x74: {  	_ =	shalt  }
0x75: {  	_ =	shalt  }
0x76: {  	_ =	shalt  }
0x77: {  	_ =	shalt  }
0x78: {  	_ =	shalt  }
0x79: {  	_ =	shalt  }
0x7a: {  	_ =	shalt  }
0x7b: {  	_ =	shalt  }
0x7c: {  	_ =	shalt  }
0x7d: {  	_ =	shalt  }
0x7e: {  	_ =	shalt  }
0x7f: {  	_ =	shalt  }
0x80: {  	_ =	shalt  }
0x81: {  	_ =	shalt  }
0x82: {  	_ =	shalt  }
0x83: {  	_ =	shalt  }
0x84: {  	_ =	shalt  }
0x85: {  	_ =	shalt  }
0x86: {  	_ =	shalt  }
0x87: {  	_ =	shalt  }
.Lfunc_end0:
.L_simem_size_0:
called_computation.2_lowered:
.L_overlay_start_0:
0x88: {  	s2 =	sld [smem:$0x3FD9]  }
0x89: {  	s3 =	sld [smem:$0x3FFE];
	_ =	sdelay $0x1  }
0x8a: {  	s1 =	srdreg.scid  }
0x8b: {  	s0 =	sand.u32 $0x1, s1  }
0x8c: {  	s17 =	sshll.u32 s0, $0xA;
	s2 =	sadd.s32 s3, s2  }
0x8d: {  	s2 =	sadd.s32 s2, s17  }
0x8e: {  	[smem:$0x3FC2] =	sst s2  }
0x8f: {  	_ = 	snop  }
0x90: {  	s2 =	sld [smem:$0x3FD0];
	(tm) =	ssettm $0x1  }
0x91: {  	s18 =	sld [smem:$0x3FFB];
	_ =	sdelay $0x3  }
0x92: {  	_ =	strace s18  }
0x93: {  	s3 =	sld [smem:$0x3FFC];
	_ =	sdelay $0x3  }
0x94: {  	_ =	strace s3  }
0x95: {  	s3 =	sld [smem:$0x3FFD];
	_ =	sdelay $0x3  }
0x96: {  	_ =	strace s3  }
0x97: {  	_ =	strace $0x8FFFFFFF  }
0x98: {  	s19 =	sld [smem:$0x3FDB];
	_ =	sdelay $0x1  }
0x99: {  	s4 =	simm.s32 $_scs_section_size  }
0x9a: {  	s5 =	simm.s32 $_size__tile_overlayer_lowered;
	s6 =	simm.s32 $_tile_overlayer_lowered  }
0x9b: {  	s22 =	simm.s32 $0x1BFF;
	s21 =	sshll.u32 s6, $0x1;
	s3 =	sadd.s32 s4, s19  }
0x9c: {  	s7 =	simm.s32 $0x0;
	s20 =	sshll.u32 s5, $0x1;
	s5 =	sadd.s32 s21, s3  }
0x9d: {  	[timem:s7], [sflag:s22] =	dma.local [hbm:s5], s20  }
0x9e: {  	_ =	swait.ge [sflag:s22], s20  }
0x9f: {  	s4 =	ssub.s32 $0x0, s20;
	[sflag:s22] =	ssyncset.done $0x0  }
0xa0: {  	[sflag:s22] =	ssyncadd.s32 s4;
	_ =	sdelay $0x1  }
0xa1: {  	s23 =	simm.s32 $0x1B8B  }
0xa2: {  	_ =	swait.ge [sflag:s23], $0x1  }
0xa3: {  	[sflag:s23] =	ssyncset.done $0x0  }
0xa4: {  	s25 =	simm.s32 $0x1B8E;
	s24 =	sld [smem:$0x3FFE];
	[sflag:s23] =	ssyncadd.s32 $0xFFFFFFFF  }
0xa5: {  	s26 =	simm.s32 $execute0_lowered;
	[smem:$0x3FD2] =	sst s25  }
0xa6: {  	s5 =	sshll.u32 s26, $0x1;
	_ =	strace $0x8000004C;
	[dreg:$0x1] =	wrdreg $0xFFFFFFFF  }
0xa7: {  	s28 =	simm.s32 $_size_execute0_lowered;
	s3 =	sadd.s32 s3, s5;
	[dreg:$0x0] =	wrdreg $0x0  }
0xa8: {  	s5 =	sshll.u32 s28, $0x1;
	[dreg:$0x2] =	wrdreg s3  }
0xa9: {  	[dreg:$0x3] =	wrdreg s5  }
0xaa: {  	[dreg:$0x4] =	wrdreg $0xC0  }
0xab: {  	_ =	task [dreg:s7], $0x5FFFF  }
0xac: {  	[dreg:$0x1] =	wrdreg $0xFFFFFFFF  }
0xad: {  	[dreg:$0x0] =	wrdreg $0x60  }
0xae: {  	[dreg:$0x2] =	wrdreg s24  }
0xaf: {  	[dreg:$0x3] =	wrdreg s2  }
0xb0: {  	[dreg:$0x4] =	wrdreg $0x24000  }
0xb1: {  	[dreg:$0x5] =	wrdreg $0x4C000  }
0xb2: {  	[dreg:$0x6] =	wrdreg $0x9  }
0xb3: {  	_ =	task.clear_ibuf [dreg:s7], $0x7FFFF;
	_ =	strace $0x9000004C  }
0xb4: {  	s29 =	simm.s32 $0x9;
	_ =	strace $0x8000004E  }
0xb5: {  	_ =	swait.ge [sflag:s29], $0x1  }
0xb6: {  	[sflag:s29] =	ssyncadd.s32 $0xFFFFFFFF  }
0xb7: {  	_ =	strace $0x9000004E  }
0xb8: {  	_ =	sfence  }
0xb9: {  	s30 =	sld [smem:$0x0];
	_ =	sdelay $0x2  }
0xba: {  	s31 =	sshll.u32 s1, $0xD;
	s1 =	sshrl.u32 s1, $0x2  }
0xbb: {  	s3 =	sand.u32 $0x4000, s31;
	s1 =	sadd.s32 s1, s30  }
0xbc: {  	s0 =	sor.u32 s3, s0;
	s1 =	sshll.u32 s1, $0x11  }
0xbd: {  	s0 =	sor.u32 s1, s0  }
0xbe: {  	s0 =	sadd.s32 $0x8F2B, s0  }
0xbf: {  	[sflag:s0] =	ssyncadd.remote.s32 $0x1  }
0xc0: {  	_ =	sfence.sel $0xFFFF  }
0xc1: {  	[dreg:$0x0] =	wrdreg $0xFFFFFFFF;
	(pc) =	sbr.abs _section_cstart, $3  }
0xc2: {  	[dreg:$0x1] =	wrdreg $0xFFFFFFFF  }
0xc3: {  	_ =	task.clear_ibuf [dreg:s7], $0x2FFFF;
	_ =	strace $0x9FFFFFFF  }
0xc4: {  	(tm) =	ssettm $0x7FFFFFFF  }
0xc5: {  	_ =	shalt  }
tec
execute0_lowered:
.L_overlay_start_1:
0x0: {  	(tag) =	ssettag $0x1  }
0x1: {  	s0 =	rddreg [dreg:$0x0]  }
0x2: {  	s3 =	rddreg [dreg:$0x2]  }
0x3: {  	s4 =	rddreg [dreg:$0x3];
	s14 =	stileid.u32;
	s5 =	simm.s32 $0x0  }
0x4: {  	s2 =	srdreg.scid;
	s28 =	simm.s32 $0xC00;
	s29 =	simm.s32 $0x5  }
0x5: {  	s30 =	simm.s32 $0x9;
	s31 =	simm.s32 $0x6;
	s1 =	smul.u32 $0x2700, s14  }
0x6: {  	[smem:$0x7FF] =	sst s5;
	s2 =	sand.u32 $0x1, s2;
	s6 =	smul.u32 $0x500, s14  }
0x7: {  	s9 =	sadd.s32 $0x2C00, s0;
	s11 =	smul.u32 $0xA000, s14;
	s17 =	sshll.u32 s14, $0x1  }
0x8: {  	s19 =	sshll.u32 s14, $0x6;
	s24 =	sshll.u32 s14, $0x5;
	p0 =	seq.s32 s14, $0xF  }
0x9: {  	p1 =	sgt.u32 s14, $0x1;
	_ =	strace $0x8000004D;
	s8 =	smul.u32 $0x5000, s2  }
0xa: {  	s10 =	ssub.s32 $0x2, s2;
	s13 =	sor.u32 s2, s17;
	s2 =	sshll.u32 s2, $0x4  }
0xb: {  	s7 =	sshrl.u32 s1, $0x3;
	s16 =	sshrl.u32 s10, $0x1;
	s18 =	sshrl.u32 s11, $0x2  }
0xc: {  	s20 =	sshll.u32 s13, $0x4;
	s1 =	sadd.s32 s1, s4;
	s7 =	sadd.s32 s7, s0  }
0xd: {  	s6 =	sadd.s32 s6, s8;
	s10 =	ssub.s32 s10, s16;
	s11 =	sadd.s32 s18, s3  }
0xe: {  	s8 =	sadd.s32 s9, s20;
	s16 =	sor.u32 $0x60, s13;
	s18 =	simm.s32 $0xD  }
0xf: {  	s12 =	sadd.s32 s6, s0;
	s7 =	sadd.s32 $0x16600, s7;
	[dreg:$0x6] =	wrdreg s8  }
0x10: {  	s6 =	sor.u32 $0x1C0D, s19;
	s0 =	sadd.s32 $0x1AF20, s0;
	[dreg:$0x5] =	wrdreg s7  }
0x11: {  	s21 =	sadd.s32 $0x9C40, s8;
	s22 =	sadd.s32 $0x200, s8;
	[dreg:$0x7] =	wrdreg s0  }
0x12: {  	s23 =	sadd.s32 $0x9E40, s8;
	s26 =	smax.u32 s10, $0x1;
	[dreg:$0x8] =	wrdreg s21  }
0x13: {  	s17 =	sshrl.u32 s11, $0x3;
	s7 =	sadd.s32 $0x24900, s4;
	[dreg:$0x9] =	wrdreg s22  }
0x14: {  	[dreg:$0xa] =	wrdreg s23;
	s25 =	sadd.s32 $0x1B600, s12;
	s0 =	sadd.s32 s24, s9  }
0x15: {  	[dreg:$0xc] =	wrdreg s26;
	s21 =	simm.s32 $0x200;
	s22 =	simm.s32 $0x80  }
0x16: {  	s23 =	simm.s32 $0x280;
	s24 =	simm.s32 $0x1;
	s26 =	simm.s32 $0x2  }
0x17: {  	[dreg:$0xb] =	wrdreg s25;
	s15 =	sadd.s32 s2, s0;
	s0 =	sshrl.u32 @p0 s7, $0x3  }
0x18: {  	s25 =	simm.s32 $0x400;
	[dreg:$0xd] =	wrdreg s0;
	s0 =	sshrl.u32 @!p0 s1, $0x3  }
0x19: {  	s1 =	simm.s32 $0x0;
	[dreg:$0xe] =	wrdreg s0;
	s0 =	simm.s32 $0xA  }
.LBB2_1:
0x1a: {  	s2 =	rddreg [dreg:$0x1]  }
0x1b: {  	[spmem:s17], [sflag:s6] =	dma.local [hbm:s2], $0x500  }
0x1c: {  	_ =	swait.ge [sflag:s18], $0x500  }
0x1d: {  	[sflag:s18] =	ssyncset.done $0x0;
	s2 =	rddreg [dreg:$0x7]  }
0x1e: {  	s7 =	rddreg [dreg:$0xd];
	[sflag:s18] =	ssyncadd.s32 $0xFFFFFB00  }
0x1f: {  	[spmem:s7], [sflag:s6] =	dma.local @p0 [hbm:s2], $0x500  }
0x20: {  	s2 =	simm.s32 @p0 $0xD  }
0x21: {  	_ =	swait.ge @p0 [sflag:s2], $0x500  }
0x22: {  	[sflag:s2] =	ssyncset.done @p0 $0x0;
	s7 =	rddreg [dreg:$0xe]  }
0x23: {  	[sflag:s2] =	ssyncadd.s32 @p0 $0xFFFFFB00;
	s2 =	rddreg [dreg:$0x5]  }
0x24: {  	[spmem:s7], [sflag:s6] =	dma.local @!p0 [hbm:s2], $0x4E0  }
0x25: {  	s2 =	simm.s32 @!p0 $0xD  }
0x26: {  	_ =	swait.ge @!p0 [sflag:s2], $0x4E0  }
0x27: {  	[sflag:s2] =	ssyncset.done @!p0 $0x0  }
0x28: {  	[sflag:s2] =	ssyncadd.s32 @!p0 $0xFFFFFB20  }
0x29: {  	[bflag:$0x0] =	sbarrier.arrive $0xFFFF  }
0x2a: {  	s10 =	rddreg [dreg:$0x6]  }
0x2b: {  	[tilespmem:s5], [sflag:$0x1] =	stream.linear.gather [hbm4b:s10+s5], $0x80, $0x38;
	[tilespmem:$0x7310] =	vst v63  }
0x2c: {  	s11 =	rddreg [dreg:$0x8]  }
0x2d: {  	[tilespmem:s21], [sflag:$0x1] =	stream.linear.gather [hbm4b:s11+s5], $0x80, $0x38;
	[tilespmem:$0x7310] =	vst v63  }
0x2e: {  	p4 =	por $0x1, $0x1;
	s12 =	rddreg [dreg:$0x9]  }
0x2f: {  	[tilespmem:s22], [sflag:$0x2] =	stream.linear.gather [hbm4b:s12+s5], $0x80, $0x38;
	[tilespmem:$0x7310] =	vst v63  }
0x30: {  	s14 =	sadd.s32 $0xFFFFFFE0, s16;
	s2 =	simm.s32 @!p4 $0xB;
	s13 =	rddreg [dreg:$0xa]  }
0x31: {  	[tilespmem:s23], [sflag:$0x2] =	stream.linear.gather [hbm4b:s13+s5], $0x80, $0x38;
	[tilespmem:$0x7310] =	vst v63  }
0x32: {  	p2 =	sgt.u32 s14, $0x9C3;
	_ =	swait.ge @!p4 [sflag:s2], $0x800  }
0x33: {  	s9 =	sadd.s32 @!p2 $0x0, s15;
	s7 =	simm.s32 @!p2 $0x100;
	[sflag:s2] =	ssyncset.done @!p4 $0x0  }
0x34: {  	s10 =	simm.s32 @!p2 $0x0;
	[sflag:s2] =	ssyncadd.s32 @!p4 $0xFFFFF800;
	s2 =	sadd.s32 @!p2 $0x400, s9  }
0x35: {  	[tilespmem:s7], [sflag:$0x3] =	stream.linear.gather @!p2 [hbm4b:s2+s10], $0x80, $0x38;
	[tilespmem:$0x7310] =	vst v63  }
0x36: {  	s9 =	sadd.s32 @!p2 $0xA040, s9;
	s2 =	simm.s32 @!p2 $0x300  }
0x37: {  	[tilespmem:s2], [sflag:$0x3] =	stream.linear.gather @!p2 [hbm4b:s9+s10], $0x80, $0x38;
	[tilespmem:$0x7310] =	vst v63  }
0x38: {  	_ =	swait.ge [sflag:s24], $0x80  }
0x39: {  	[sflag:s24] =	ssyncset.done $0x0  }
0x3a: {  	[sflag:s24] =	ssyncadd.s32 $0xFFFFFF80  }
0x3b: {  	_ =	swait.ge [sflag:s24], $0x80  }
0x3c: {  	[sflag:s24] =	ssyncset.done $0x0  }
0x3d: {  	s9 =	simm.s32 @!p4 $0x8;
	[sflag:s24] =	ssyncadd.s32 $0xFFFFFF80  }
0x3e: {  	[tilespmem:s25], [sflag:$0x5] =	stream.indirect.gather [spmem:s4], $0x10, s5, s22, $0xb8;
	[tilespmem:$0x7310] =	vst v63  }
0x3f: {  	_ =	swait.ge @!p4 [sflag:s9], $0x800  }
0x40: {  	s11 =	simm.s32 @!p4 $0xC;
	s12 =	simm.s32 @!p4 $0x380;
	[sflag:s9] =	ssyncset.done @!p4 $0x0  }
0x41: {  	s10 =	simm.s32 @!p4 $0x1C00;
	[sflag:s9] =	ssyncadd.s32 @!p4 $0xFFFFF800;
	s9 =	simm.s32 @!p4 $0x80  }
0x42: {  	[spmem:s3] =	stream.indirect.scatter.add.f32 @!p4 [tilespmem:s10], [sflag:$0xC], $0x10, s12, s9, $0xb8;
	[tilespmem:$0x7310] =	vst v63  }
0x43: {  	p3 =	sgt.u32 s16, $0x9C3;
	_ =	swait.ge @!p4 [sflag:s11], $0x800  }
0x44: {  	s10 =	sadd.s32 @!p3 $0x0, s15;
	s12 =	simm.s32 @!p3 $0x0;
	[sflag:s11] =	ssyncset.done @!p4 $0x0  }
0x45: {  	s9 =	simm.s32 @!p3 $0x180;
	[sflag:s11] =	ssyncadd.s32 @!p4 $0xFFFFF800;
	s11 =	sadd.s32 @!p3 $0x600, s10  }
0x46: {  	[tilespmem:s9], [sflag:$0x4] =	stream.linear.gather @!p3 [hbm4b:s11+s12], $0x80, $0x38;
	[tilespmem:$0x7310] =	vst v63  }
0x47: {  	s10 =	sadd.s32 @!p3 $0xA240, s10;
	s11 =	simm.s32 @!p3 $0x380  }
0x48: {  	[tilespmem:s11], [sflag:$0x4] =	stream.linear.gather @!p3 [hbm4b:s10+s12], $0x80, $0x38;
	[tilespmem:$0x7310] =	vst v63  }
0x49: {  	_ =	swait.ge [sflag:s26], $0x80  }
0x4a: {  	[sflag:s26] =	ssyncset.done $0x0  }
0x4b: {  	[sflag:s26] =	ssyncadd.s32 $0xFFFFFF80  }
0x4c: {  	_ =	swait.ge [sflag:s26], $0x80  }
0x4d: {  	[sflag:s26] =	ssyncset.done $0x0  }
0x4e: {  	[sflag:s26] =	ssyncadd.s32 $0xFFFFFF80  }
0x4f: {  	[tilespmem:s28], [sflag:$0x6] =	stream.indirect.gather [spmem:s4], $0x10, s22, s22, $0xb8;
	[tilespmem:$0x7310] =	vst v63  }
0x50: {  	_ =	swait.ge [sflag:s29], $0x800  }
0x51: {  	[sflag:s29] =	ssyncset.done $0x0  }
0x52: {  	s19 =	sadd.s32 $0x20, s16;
	[sflag:s29] =	ssyncadd.s32 $0xFFFFF800  }
0x53: {  	[spmem:s3] =	stream.indirect.scatter.add.f32 [tilespmem:s25], [sflag:$0x9], $0x10, s21, s22, $0xb8;
	[tilespmem:$0x7310] =	vst v63  }
0x54: {  	p4 =	sgt.u32 s19, $0x9C3;
	_ =	swait.ge [sflag:s30], $0x800  }
0x55: {  	s10 =	sadd.s32 @!p4 $0x0, s15;
	[sflag:s30] =	ssyncset.done $0x0  }
0x56: {  	s12 =	simm.s32 @!p4 $0x0;
	s11 =	sadd.s32 @!p4 $0x800, s10;
	[sflag:s30] =	ssyncadd.s32 $0xFFFFF800  }
0x57: {  	[tilespmem:s12], [sflag:$0x1] =	stream.linear.gather @!p4 [hbm4b:s11+s12], $0x80, $0x38;
	[tilespmem:$0x7310] =	vst v63  }
0x58: {  	s13 =	simm.s32 @!p2 $0x3;
	s10 =	sadd.s32 @!p4 $0xA440, s10;
	s11 =	simm.s32 @!p4 $0x200  }
0x59: {  	[tilespmem:s11], [sflag:$0x1] =	stream.linear.gather @!p4 [hbm4b:s10+s12], $0x80, $0x38;
	[tilespmem:$0x7310] =	vst v63  }
0x5a: {  	_ =	swait.ge @!p2 [sflag:s13], $0x80  }
0x5b: {  	[sflag:s13] =	ssyncset.done @!p2 $0x0  }
0x5c: {  	[sflag:s13] =	ssyncadd.s32 @!p2 $0xFFFFFF80  }
0x5d: {  	_ =	swait.ge @!p2 [sflag:s13], $0x80  }
0x5e: {  	[sflag:s13] =	ssyncset.done @!p2 $0x0  }
0x5f: {  	s14 =	simm.s32 @!p2 $0x80;
	s19 =	simm.s32 @!p2 $0x1400;
	[sflag:s13] =	ssyncadd.s32 @!p2 $0xFFFFFF80  }
0x60: {  	[tilespmem:s19], [sflag:$0x7] =	stream.indirect.gather @!p2 [spmem:s4], $0x10, s7, s14, $0xb8;
	[tilespmem:$0x7310] =	vst v63  }
0x61: {  	_ =	swait.ge [sflag:s31], $0x800  }
0x62: {  	[sflag:s31] =	ssyncset.done $0x0  }
0x63: {  	s20 =	sadd.s32 $0x40, s16;
	[sflag:s31] =	ssyncadd.s32 $0xFFFFF800  }
0x64: {  	[spmem:s3] =	stream.indirect.scatter.add.f32 [tilespmem:s28], [sflag:$0xA], $0x10, s23, s22, $0xb8;
	[tilespmem:$0x7310] =	vst v63  }
0x65: {  	p4 =	sgt.u32 s20, $0x9C3;
	_ =	swait.ge [sflag:s0], $0x800  }
0x66: {  	s10 =	simm.s32 @!p4 $0x80;
	s7 =	sadd.s32 @!p4 $0x0, s15;
	[sflag:s0] =	ssyncset.done $0x0  }
0x67: {  	s12 =	simm.s32 @!p4 $0x0;
	s11 =	sadd.s32 @!p4 $0xA00, s7;
	[sflag:s0] =	ssyncadd.s32 $0xFFFFF800  }
0x68: {  	[tilespmem:s10], [sflag:$0x2] =	stream.linear.gather @!p4 [hbm4b:s11+s12], $0x80, $0x38;
	[tilespmem:$0x7310] =	vst v63  }
0x69: {  	s7 =	sadd.s32 @!p4 $0xA640, s7;
	s10 =	simm.s32 @!p4 $0x280  }
0x6a: {  	[tilespmem:s10], [sflag:$0x2] =	stream.linear.gather @!p4 [hbm4b:s7+s12], $0x80, $0x38;
	[tilespmem:$0x7310] =	vst v63  }
0x6b: {  	s7 =	simm.s32 @!p3 $0x4  }
0x6c: {  	_ =	swait.ge @!p3 [sflag:s7], $0x80  }
0x6d: {  	[sflag:s7] =	ssyncset.done @!p3 $0x0  }
0x6e: {  	[sflag:s7] =	ssyncadd.s32 @!p3 $0xFFFFFF80  }
0x6f: {  	_ =	swait.ge @!p3 [sflag:s7], $0x80  }
0x70: {  	s11 =	simm.s32 @!p2 $0x7;
	[sflag:s7] =	ssyncset.done @!p3 $0x0  }
0x71: {  	s10 =	simm.s32 @!p3 $0x1C00;
	[sflag:s7] =	ssyncadd.s32 @!p3 $0xFFFFFF80;
	s7 =	simm.s32 @!p3 $0x80  }
0x72: {  	[tilespmem:s10], [sflag:$0x8] =	stream.indirect.gather @!p3 [spmem:s4], $0x10, s9, s7, $0xb8;
	[tilespmem:$0x7310] =	vst v63  }
0x73: {  	p5 =	por $0x0, $0x0;
	s9 =	simm.s32 $0x800;
	_ =	swait.ge @!p2 [sflag:s11], $0x800  }
0x74: {  	s10 =	simm.s32 $0x1000;
	s7 =	sadd.s32 $0x80, s16;
	[sflag:s11] =	ssyncset.done @!p2 $0x0  }
.LBB2_2:
0x75: {  	s13 =	simm.s32 @!p5 $0xB  }
0x76: {  	s12 =	sadd.s32 $0xFFFFFFE0, s7;
	[sflag:s11] =	ssyncadd.s32 @!p2 $0xFFFFF800;
	s11 =	smov.u32 s10  }
0x77: {  	[spmem:s3] =	stream.indirect.scatter.add.f32 @!p2 [tilespmem:s19], [sflag:$0xB], $0x10, s2, s14, $0xb8;
	[tilespmem:$0x7310] =	vst v63  }
0x78: {  	s10 =	sadd.s32 $0x800, s10;
	p2 =	sgt.u32 s12, $0x9C3;
	_ =	swait.ge @!p5 [sflag:s13], $0x800  }
0x79: {  	s2 =	sadd.s32 @!p2 s9, s15;
	s12 =	simm.s32 @!p2 $0x100;
	[sflag:s13] =	ssyncset.done @!p5 $0x0  }
0x7a: {  	s14 =	simm.s32 @!p2 $0x0;
	[sflag:s13] =	ssyncadd.s32 @!p5 $0xFFFFF800;
	s13 =	sadd.s32 @!p2 $0x400, s2  }
0x7b: {  	[tilespmem:s12], [sflag:$0x3] =	stream.linear.gather @!p2 [hbm4b:s13+s14], $0x80, $0x38;
	[tilespmem:$0x7310] =	vst v63  }
0x7c: {  	p3 =	sne.s32 s10, $0xA000;
	s13 =	sadd.s32 @!p2 $0xA040, s2;
	s2 =	simm.s32 @!p2 $0x300  }
0x7d: {  	[tilespmem:s2], [sflag:$0x3] =	stream.linear.gather @!p2 [hbm4b:s13+s14], $0x80, $0x38;
	[tilespmem:$0x7310] =	vst v63  }
0x7e: {  	_ =	swait.ge [sflag:s24], $0x80  }
0x7f: {  	[sflag:s24] =	ssyncset.done $0x0  }
0x80: {  	[sflag:s24] =	ssyncadd.s32 $0xFFFFFF80  }
0x81: {  	_ =	swait.ge [sflag:s24], $0x80  }
0x82: {  	[sflag:s24] =	ssyncset.done $0x0  }
0x83: {  	s13 =	simm.s32 @!p5 $0x8;
	[sflag:s24] =	ssyncadd.s32 $0xFFFFFF80  }
0x84: {  	[tilespmem:s25], [sflag:$0x5] =	stream.indirect.gather [spmem:s4], $0x10, s5, s22, $0xb8;
	[tilespmem:$0x7310] =	vst v63  }
0x85: {  	_ =	swait.ge @!p5 [sflag:s13], $0x800  }
0x86: {  	s19 =	simm.s32 @!p5 $0xC;
	s14 =	simm.s32 @!p5 $0x1C00;
	[sflag:s13] =	ssyncset.done @!p5 $0x0  }
0x87: {  	s20 =	simm.s32 @!p5 $0x380;
	[sflag:s13] =	ssyncadd.s32 @!p5 $0xFFFFF800;
	s13 =	simm.s32 @!p5 $0x80  }
0x88: {  	[spmem:s3] =	stream.indirect.scatter.add.f32 @!p5 [tilespmem:s14], [sflag:$0xC], $0x10, s20, s13, $0xb8;
	[tilespmem:$0x7310] =	vst v63  }
0x89: {  	p4 =	sgt.u32 s7, $0x9C3;
	_ =	swait.ge @!p5 [sflag:s19], $0x800  }
0x8a: {  	s14 =	sadd.s32 @!p4 s9, s15;
	s20 =	simm.s32 @!p4 $0x0;
	[sflag:s19] =	ssyncset.done @!p5 $0x0  }
0x8b: {  	s13 =	simm.s32 @!p4 $0x180;
	[sflag:s19] =	ssyncadd.s32 @!p5 $0xFFFFF800;
	s19 =	sadd.s32 @!p4 $0x600, s14  }
0x8c: {  	[tilespmem:s13], [sflag:$0x4] =	stream.linear.gather @!p4 [hbm4b:s19+s20], $0x80, $0x38;
	[tilespmem:$0x7310] =	vst v63  }
0x8d: {  	s14 =	sadd.s32 @!p4 $0xA240, s14;
	s19 =	simm.s32 @!p4 $0x380  }
0x8e: {  	[tilespmem:s19], [sflag:$0x4] =	stream.linear.gather @!p4 [hbm4b:s14+s20], $0x80, $0x38;
	[tilespmem:$0x7310] =	vst v63  }
0x8f: {  	_ =	swait.ge [sflag:s26], $0x80  }
0x90: {  	[sflag:s26] =	ssyncset.done $0x0  }
0x91: {  	[sflag:s26] =	ssyncadd.s32 $0xFFFFFF80  }
0x92: {  	_ =	swait.ge [sflag:s26], $0x80  }
0x93: {  	[sflag:s26] =	ssyncset.done $0x0  }
0x94: {  	[sflag:s26] =	ssyncadd.s32 $0xFFFFFF80  }
0x95: {  	[tilespmem:s28], [sflag:$0x6] =	stream.indirect.gather [spmem:s4], $0x10, s22, s22, $0xb8;
	[tilespmem:$0x7310] =	vst v63  }
0x96: {  	_ =	swait.ge [sflag:s29], $0x800  }
0x97: {  	[sflag:s29] =	ssyncset.done $0x0  }
0x98: {  	s14 =	sadd.s32 $0x20, s7;
	[sflag:s29] =	ssyncadd.s32 $0xFFFFF800  }
0x99: {  	[spmem:s3] =	stream.indirect.scatter.add.f32 [tilespmem:s25], [sflag:$0x9], $0x10, s21, s22, $0xb8;
	[tilespmem:$0x7310] =	vst v63  }
0x9a: {  	p5 =	sgt.u32 s14, $0x9C3;
	_ =	swait.ge [sflag:s30], $0x800  }
0x9b: {  	s14 =	sadd.s32 @!p5 s9, s15;
	[sflag:s30] =	ssyncset.done $0x0  }
0x9c: {  	s20 =	simm.s32 @!p5 $0x0;
	s19 =	sadd.s32 @!p5 $0x800, s14;
	[sflag:s30] =	ssyncadd.s32 $0xFFFFF800  }
0x9d: {  	[tilespmem:s20], [sflag:$0x1] =	stream.linear.gather @!p5 [hbm4b:s19+s20], $0x80, $0x38;
	[tilespmem:$0x7310] =	vst v63  }
0x9e: {  	s8 =	simm.s32 @!p2 $0x3;
	s14 =	sadd.s32 @!p5 $0xA440, s14;
	s19 =	simm.s32 @!p5 $0x200  }
0x9f: {  	[tilespmem:s19], [sflag:$0x1] =	stream.linear.gather @!p5 [hbm4b:s14+s20], $0x80, $0x38;
	[tilespmem:$0x7310] =	vst v63  }
0xa0: {  	_ =	swait.ge @!p2 [sflag:s8], $0x80  }
0xa1: {  	[sflag:s8] =	ssyncset.done @!p2 $0x0  }
0xa2: {  	[sflag:s8] =	ssyncadd.s32 @!p2 $0xFFFFFF80  }
0xa3: {  	_ =	swait.ge @!p2 [sflag:s8], $0x80  }
0xa4: {  	[sflag:s8] =	ssyncset.done @!p2 $0x0  }
0xa5: {  	s14 =	simm.s32 @!p2 $0x80;
	s19 =	simm.s32 @!p2 $0x1400;
	[sflag:s8] =	ssyncadd.s32 @!p2 $0xFFFFFF80  }
0xa6: {  	[tilespmem:s19], [sflag:$0x7] =	stream.indirect.gather @!p2 [spmem:s4], $0x10, s12, s14, $0xb8;
	[tilespmem:$0x7310] =	vst v63  }
0xa7: {  	_ =	swait.ge [sflag:s31], $0x800  }
0xa8: {  	[sflag:s31] =	ssyncset.done $0x0  }
0xa9: {  	s8 =	sadd.s32 $0x40, s7;
	[sflag:s31] =	ssyncadd.s32 $0xFFFFF800  }
0xaa: {  	[spmem:s3] =	stream.indirect.scatter.add.f32 [tilespmem:s28], [sflag:$0xA], $0x10, s23, s22, $0xb8;
	[tilespmem:$0x7310] =	vst v63  }
0xab: {  	p5 =	sgt.u32 s8, $0x9C3;
	_ =	swait.ge [sflag:s0], $0x800  }
0xac: {  	s8 =	sadd.s32 @!p5 s9, s15;
	s9 =	simm.s32 @!p5 $0x80;
	[sflag:s0] =	ssyncset.done $0x0  }
0xad: {  	s20 =	simm.s32 @!p5 $0x0;
	s12 =	sadd.s32 @!p5 $0xA00, s8;
	[sflag:s0] =	ssyncadd.s32 $0xFFFFF800  }
0xae: {  	[tilespmem:s9], [sflag:$0x2] =	stream.linear.gather @!p5 [hbm4b:s12+s20], $0x80, $0x38;
	[tilespmem:$0x7310] =	vst v63  }
0xaf: {  	s8 =	sadd.s32 @!p5 $0xA640, s8;
	s9 =	simm.s32 @!p5 $0x280;
	s12 =	simm.s32 @!p4 $0x4  }
0xb0: {  	[tilespmem:s9], [sflag:$0x2] =	stream.linear.gather @!p5 [hbm4b:s8+s20], $0x80, $0x38;
	[tilespmem:$0x7310] =	vst v63  }
0xb1: {  	s9 =	smov.u32 s11;
	_ =	swait.ge @!p4 [sflag:s12], $0x80  }
0xb2: {  	[sflag:s12] =	ssyncset.done @!p4 $0x0  }
0xb3: {  	[sflag:s12] =	ssyncadd.s32 @!p4 $0xFFFFFF80  }
0xb4: {  	_ =	swait.ge @!p4 [sflag:s12], $0x80  }
.Ltmp0:
0xb5: {  	s11 =	simm.s32 @!p2 $0x7;
	[sflag:s12] =	ssyncset.done @!p4 $0x0;
	(pc) =	sbr.rel @p3 .LBB2_2-.Ltmp0, $4  }
0xb6: {  	s8 =	simm.s32 @!p4 $0x80;
	[sflag:s12] =	ssyncadd.s32 @!p4 $0xFFFFFF80;
	s12 =	simm.s32 @!p4 $0x1C00  }
0xb7: {  	[tilespmem:s12], [sflag:$0x8] =	stream.indirect.gather @!p4 [spmem:s4], $0x10, s13, s8, $0xb8;
	[tilespmem:$0x7310] =	vst v63  }
0xb8: {  	_ =	swait.ge @!p2 [sflag:s11], $0x800  }
0xb9: {  	s7 =	sadd.s32 $0x80, s7;
	p5 =	seq.s32 s9, $0x0;
	[sflag:s11] =	ssyncset.done @!p2 $0x0  }
0xba: {  	s8 =	simm.s32 @!p5 $0xB;
	s10 =	sadd.s32 $0xFFFFFFE0, s7;
	[sflag:s11] =	ssyncadd.s32 @!p2 $0xFFFFF800  }
0xbb: {  	[spmem:s3] =	stream.indirect.scatter.add.f32 @!p2 [tilespmem:s19], [sflag:$0xB], $0x10, s2, s14, $0xb8;
	[tilespmem:$0x7310] =	vst v63  }
0xbc: {  	p2 =	sgt.u32 s10, $0x9C3;
	_ =	swait.ge @!p5 [sflag:s8], $0x800  }
0xbd: {  	s2 =	sadd.s32 @!p2 s9, s15;
	s10 =	simm.s32 @!p2 $0x100;
	[sflag:s8] =	ssyncset.done @!p5 $0x0  }
0xbe: {  	s11 =	simm.s32 @!p2 $0x0;
	[sflag:s8] =	ssyncadd.s32 @!p5 $0xFFFFF800;
	s8 =	sadd.s32 @!p2 $0x400, s2  }
0xbf: {  	[tilespmem:s10], [sflag:$0x3] =	stream.linear.gather @!p2 [hbm4b:s8+s11], $0x80, $0x38;
	[tilespmem:$0x7310] =	vst v63  }
0xc0: {  	s8 =	sadd.s32 @!p2 $0xA040, s2;
	s2 =	simm.s32 @!p2 $0x300  }
0xc1: {  	[tilespmem:s2], [sflag:$0x3] =	stream.linear.gather @!p2 [hbm4b:s8+s11], $0x80, $0x38;
	[tilespmem:$0x7310] =	vst v63  }
0xc2: {  	_ =	swait.ge [sflag:s24], $0x80  }
0xc3: {  	[sflag:s24] =	ssyncset.done $0x0  }
0xc4: {  	[sflag:s24] =	ssyncadd.s32 $0xFFFFFF80  }
0xc5: {  	_ =	swait.ge [sflag:s24], $0x80  }
0xc6: {  	[sflag:s24] =	ssyncset.done $0x0  }
0xc7: {  	s8 =	simm.s32 @!p5 $0x8;
	[sflag:s24] =	ssyncadd.s32 $0xFFFFFF80  }
0xc8: {  	[tilespmem:s25], [sflag:$0x5] =	stream.indirect.gather [spmem:s4], $0x10, s5, s22, $0xb8;
	[tilespmem:$0x7310] =	vst v63  }
0xc9: {  	_ =	swait.ge @!p5 [sflag:s8], $0x800  }
0xca: {  	s12 =	simm.s32 @!p5 $0xC;
	s13 =	simm.s32 @!p5 $0x380;
	[sflag:s8] =	ssyncset.done @!p5 $0x0  }
0xcb: {  	s11 =	simm.s32 @!p5 $0x1C00;
	[sflag:s8] =	ssyncadd.s32 @!p5 $0xFFFFF800;
	s8 =	simm.s32 @!p5 $0x80  }
0xcc: {  	[spmem:s3] =	stream.indirect.scatter.add.f32 @!p5 [tilespmem:s11], [sflag:$0xC], $0x10, s13, s8, $0xb8;
	[tilespmem:$0x7310] =	vst v63  }
0xcd: {  	p3 =	sgt.u32 s7, $0x9C3;
	_ =	swait.ge @!p5 [sflag:s12], $0x800  }
0xce: {  	s8 =	sadd.s32 @!p3 s9, s15;
	s13 =	simm.s32 @!p3 $0x0;
	[sflag:s12] =	ssyncset.done @!p5 $0x0  }
0xcf: {  	s11 =	simm.s32 @!p3 $0x180;
	[sflag:s12] =	ssyncadd.s32 @!p5 $0xFFFFF800;
	s12 =	sadd.s32 @!p3 $0x600, s8  }
0xd0: {  	[tilespmem:s11], [sflag:$0x4] =	stream.linear.gather @!p3 [hbm4b:s12+s13], $0x80, $0x38;
	[tilespmem:$0x7310] =	vst v63  }
0xd1: {  	s8 =	sadd.s32 @!p3 $0xA240, s8;
	s12 =	simm.s32 @!p3 $0x380  }
0xd2: {  	[tilespmem:s12], [sflag:$0x4] =	stream.linear.gather @!p3 [hbm4b:s8+s13], $0x80, $0x38;
	[tilespmem:$0x7310] =	vst v63  }
0xd3: {  	_ =	swait.ge [sflag:s26], $0x80  }
0xd4: {  	[sflag:s26] =	ssyncset.done $0x0  }
0xd5: {  	[sflag:s26] =	ssyncadd.s32 $0xFFFFFF80  }
0xd6: {  	_ =	swait.ge [sflag:s26], $0x80  }
0xd7: {  	[sflag:s26] =	ssyncset.done $0x0  }
0xd8: {  	[sflag:s26] =	ssyncadd.s32 $0xFFFFFF80  }
0xd9: {  	[tilespmem:s28], [sflag:$0x6] =	stream.indirect.gather [spmem:s4], $0x10, s22, s22, $0xb8;
	[tilespmem:$0x7310] =	vst v63  }
0xda: {  	_ =	swait.ge [sflag:s29], $0x800  }
0xdb: {  	[sflag:s29] =	ssyncset.done $0x0  }
0xdc: {  	s13 =	sadd.s32 $0x20, s7;
	[sflag:s29] =	ssyncadd.s32 $0xFFFFF800  }
0xdd: {  	[spmem:s3] =	stream.indirect.scatter.add.f32 [tilespmem:s25], [sflag:$0x9], $0x10, s21, s22, $0xb8;
	[tilespmem:$0x7310] =	vst v63  }
0xde: {  	p4 =	sgt.u32 s13, $0x9C3;
	_ =	swait.ge [sflag:s30], $0x800  }
0xdf: {  	s8 =	sadd.s32 @!p4 s9, s15;
	[sflag:s30] =	ssyncset.done $0x0  }
0xe0: {  	s13 =	simm.s32 @!p4 $0x0;
	s12 =	sadd.s32 @!p4 $0x800, s8;
	[sflag:s30] =	ssyncadd.s32 $0xFFFFF800  }
0xe1: {  	[tilespmem:s13], [sflag:$0x1] =	stream.linear.gather @!p4 [hbm4b:s12+s13], $0x80, $0x38;
	[tilespmem:$0x7310] =	vst v63  }
0xe2: {  	s8 =	sadd.s32 @!p4 $0xA440, s8;
	s12 =	simm.s32 @!p4 $0x200  }
0xe3: {  	[tilespmem:s12], [sflag:$0x1] =	stream.linear.gather @!p4 [hbm4b:s8+s13], $0x80, $0x38;
	[tilespmem:$0x7310] =	vst v63  }
0xe4: {  	s8 =	simm.s32 @!p2 $0x3  }
0xe5: {  	_ =	swait.ge @!p2 [sflag:s8], $0x80  }
0xe6: {  	[sflag:s8] =	ssyncset.done @!p2 $0x0  }
0xe7: {  	[sflag:s8] =	ssyncadd.s32 @!p2 $0xFFFFFF80  }
0xe8: {  	_ =	swait.ge @!p2 [sflag:s8], $0x80  }
0xe9: {  	[sflag:s8] =	ssyncset.done @!p2 $0x0  }
0xea: {  	s12 =	simm.s32 @!p2 $0x1400;
	[sflag:s8] =	ssyncadd.s32 @!p2 $0xFFFFFF80;
	s8 =	simm.s32 @!p2 $0x80  }
0xeb: {  	[tilespmem:s12], [sflag:$0x7] =	stream.indirect.gather @!p2 [spmem:s4], $0x10, s10, s8, $0xb8;
	[tilespmem:$0x7310] =	vst v63  }
0xec: {  	_ =	swait.ge [sflag:s31], $0x800  }
0xed: {  	[sflag:s31] =	ssyncset.done $0x0  }
0xee: {  	s14 =	sadd.s32 $0x40, s7;
	[sflag:s31] =	ssyncadd.s32 $0xFFFFF800  }
0xef: {  	[spmem:s3] =	stream.indirect.scatter.add.f32 [tilespmem:s28], [sflag:$0xA], $0x10, s23, s22, $0xb8;
	[tilespmem:$0x7310] =	vst v63  }
0xf0: {  	p4 =	sgt.u32 s14, $0x9C3;
	_ =	swait.ge [sflag:s0], $0x800  }
0xf1: {  	s7 =	sadd.s32 @!p4 s9, s15;
	s9 =	simm.s32 @!p4 $0x80;
	[sflag:s0] =	ssyncset.done $0x0  }
0xf2: {  	s13 =	simm.s32 @!p4 $0x0;
	s10 =	sadd.s32 @!p4 $0xA00, s7;
	[sflag:s0] =	ssyncadd.s32 $0xFFFFF800  }
0xf3: {  	[tilespmem:s9], [sflag:$0x2] =	stream.linear.gather @!p4 [hbm4b:s10+s13], $0x80, $0x38;
	[tilespmem:$0x7310] =	vst v63  }
0xf4: {  	s7 =	sadd.s32 @!p4 $0xA640, s7;
	s9 =	simm.s32 @!p4 $0x280  }
0xf5: {  	[tilespmem:s9], [sflag:$0x2] =	stream.linear.gather @!p4 [hbm4b:s7+s13], $0x80, $0x38;
	[tilespmem:$0x7310] =	vst v63  }
0xf6: {  	s7 =	simm.s32 @!p3 $0x4  }
0xf7: {  	_ =	swait.ge @!p3 [sflag:s7], $0x80  }
0xf8: {  	[sflag:s7] =	ssyncset.done @!p3 $0x0  }
0xf9: {  	[sflag:s7] =	ssyncadd.s32 @!p3 $0xFFFFFF80  }
0xfa: {  	_ =	swait.ge @!p3 [sflag:s7], $0x80  }
0xfb: {  	[sflag:s7] =	ssyncset.done @!p3 $0x0  }
0xfc: {  	s9 =	simm.s32 @!p3 $0x1C00;
	[sflag:s7] =	ssyncadd.s32 @!p3 $0xFFFFFF80;
	s7 =	simm.s32 @!p3 $0x80  }
0xfd: {  	[tilespmem:s9], [sflag:$0x8] =	stream.indirect.gather @!p3 [spmem:s4], $0x10, s11, s7, $0xb8;
	[tilespmem:$0x7310] =	vst v63  }
0xfe: {  	s7 =	simm.s32 @!p2 $0x7  }
0xff: {  	_ =	swait.ge @!p2 [sflag:s7], $0x800  }
0x100: {  	[sflag:s7] =	ssyncset.done @!p2 $0x0  }
0x101: {  	[sflag:s7] =	ssyncadd.s32 @!p2 $0xFFFFF800  }
0x102: {  	[spmem:s3] =	stream.indirect.scatter.add.f32 @!p2 [tilespmem:s12], [sflag:$0xB], $0x10, s2, s8, $0xb8;
	[tilespmem:$0x7310] =	vst v63  }
0x103: {  	s2 =	simm.s32 @!p1 $0xB  }
0x104: {  	_ =	swait.ge @!p1 [sflag:s2], $0x800  }
0x105: {  	[sflag:s2] =	ssyncset.done @!p1 $0x0  }
0x106: {  	[sflag:s2] =	ssyncadd.s32 @!p1 $0xFFFFF800  }
0x107: {  	[bflag:$0x0] =	sbarrier.arrive $0xFFFF  }
0x108: {  	s19 =	rddreg [dreg:$0xb]  }
0x109: {  	[hbm:s19], [sflag:s6] =	dma.local [spmem:s17], $0x500  }
0x10a: {  	_ =	swait.ge [sflag:s18], $0x500  }
0x10b: {  	s1 =	sadd.s32 $0x1, s1;
	s20 =	rddreg [dreg:$0xc]  }
0x10c: {  	p2 =	sne.s32 s1, s20  }
.Ltmp1:
0x10d: {  	_ = 	snop;
	(pc) =	sbr.rel @p2 .LBB2_1-.Ltmp1, $3  }
0x10e: {  	_ =	sdelay $0x1  }
0x10f: {  	[sflag:s18] =	ssyncset.done $0x0  }
0x110: {  	[sflag:s18] =	ssyncadd.s32 $0xFFFFFB00  }
0x111: {  	_ =	sfence.sel $0x180000  }
0x112: {  	[bflag:$0x0] =	sbarrier.arrive $0xFFFF  }
0x113: {  	_ =	strace $0x9000004D  }
0x114: {  	s0 =	stileid.u32;
	[bflag:$0x2] =	sbarrier.arrive $0xFFFF  }
0x115: {  	p0 =	sne.s32 s0, $0x0;
	s0 =	rddreg [dreg:$0x4]  }
0x116: {  	s0 =	sadd.s32 @!p0 $0x100000, s0  }
0x117: {  	[sflag:s0] =	ssyncadd.tile.s32 @!p0 $0x1;
	_ =	shalt  }
.Lfunc_end2:
_tile_overlayer_lowered:
.L_overlay_start_2:
0x118: {  	(tag) =	ssettag $0x2  }
0x119: {  	s0 =	rddreg [dreg:$0x0];
	s2 =	stileid.u32  }
0x11a: {  	s1 =	rddreg [dreg:$0x1];
	p0 =	sne.s32 s2, $0x0  }
0x11b: {  	s3 =	rddreg [dreg:$0x2];
	[bflag:$0x3] =	sbarrier.arrive $0xFFFF;
	s2 =	simm.s32 @!p0 $0x1C0D  }
0x11c: {  	[timem:s3], [sflag:s2] =	dma.local @!p0 [hbm:s0], s1  }
0x11d: {  	s0 =	simm.s32 @!p0 $0xD  }
0x11e: {  	_ =	swait.ge @!p0 [sflag:s0], s1  }
0x11f: {  	s1 =	ssub.s32 @!p0 $0x0, s1;
	[sflag:s0] =	ssyncset.done @!p0 $0x0  }
0x120: {  	[sflag:s0] =	ssyncadd.s32 @!p0 s1  }
0x121: {  	[bflag:$0x3] =	sbarrier.arrive $0xFFFF  }
0x122: {  	_ =	shalt  }

</sc_bundles>
